<compile_context>
chip_gen: v7x
topology: tpu7x:2x2x1
jax: 0.10.2.dev20260603
libtpu: 0.0.44.dev20260713+nightly
codegen_flags: <defaults>
</compile_context>

<pallas_src>
import jax
import jax.numpy as jnp
from jax import lax
from jax.experimental import pallas as pl
from jax.experimental.pallas import tpu as pltpu
from jax.experimental.pallas import tpu_sc as plsc

N = 10000
E = 320000
D = 128
NUM_LAYERS = 3

NC = 2
NS = 16
DH = D // NC

EPT = E // NS
CHUNK = 80
GRP = 4
PAD = 800
EPTP = EPT + PAD
NCH = EPTP // CHUNK
NGRP = NCH // GRP

RPT = N // NS
RC = 125
NRC = RPT // RC


def _zeros16():
    return jnp.zeros((16,), dtype=jnp.float32)


def _full16(v):
    return jnp.full((16,), v, dtype=jnp.int32)


def _body(x_hbm, dst_hbm, src_hbm, w_hbm, out_hbm,
          A, B, dstb, srcb, wb, msgs, bufT, bufB, bufX, semG, semS, semL,
          semD):
    core = lax.axis_index("c")
    sub = lax.axis_index("s")
    msg0, msg1, msg2, msg3 = msgs
    msg = [msg0, msg1, msg2, msg3]

    def load_block_start(b, p):
        rows = pl.ds(b * GRP, GRP)
        pltpu.async_copy(dst_hbm.at[sub, rows], dstb.at[p], semL.at[p])
        pltpu.async_copy(src_hbm.at[sub, rows], srcb.at[p], semL.at[p])
        pltpu.async_copy(w_hbm.at[sub, rows], wb.at[p], semL.at[p])

    def load_block_wait(b, p):
        rows = pl.ds(b * GRP, GRP)
        pltpu.make_async_copy(dst_hbm.at[sub, rows], dstb.at[p], semL.at[p]).wait()
        pltpu.make_async_copy(src_hbm.at[sub, rows], srcb.at[p], semL.at[p]).wait()
        pltpu.make_async_copy(w_hbm.at[sub, rows], wb.at[p], semL.at[p]).wait()

    def gather_start(p, row, k):
        pltpu.async_copy(A.at[srcb.at[p, row]], msg[k], semG.at[k])

    def gather_drain(k):
        pltpu.make_async_copy(A.at[pl.ds(0, CHUNK)], msg[k], semG.at[k]).wait()

    def scatter_start(p, row, k):
        pltpu.async_copy(msg[k], B.at[dstb.at[p, row]], semS.at[k], add=True)

    def scatter_drain(k):
        pltpu.make_async_copy(msg[k], B.at[pl.ds(0, CHUNK)], semS.at[k]).wait()

    def compute(p, row, k):
        row_i = _full16(row)
        p_i = _full16(p)

        @plsc.parallel_loop(0, CHUNK, 1, unroll=8)
        def _edge(e):
            wbc = plsc.load_gather(
                wb, [p_i, row_i, jnp.full((16,), e, jnp.int32)])
            for cc in range(DH // 16):
                sl = (e, pl.ds(cc * 16, 16))
                msg[k][sl] = msg[k][sl] * wbc

    @plsc.parallel_loop(0, RC, 1, unroll=2)
    def _zb(r):
        for cc in range(DH // 16):
            bufB[r, pl.ds(cc * 16, 16)] = _zeros16()

    for k in range(NRC):
        r0 = sub * RPT + k * RC
        pltpu.sync_copy(x_hbm.at[core, pl.ds(r0, RC)], bufT)
        pltpu.sync_copy(bufT, A.at[pl.ds(r0, RC)])
        pltpu.sync_copy(bufB, B.at[pl.ds(r0, RC)])
    plsc.subcore_barrier()

    def layer_body(layer, _):
        load_block_start(0, 0)
        load_block_wait(0, 0)
        gather_start(0, 0, 0)
        gather_start(0, 1, 1)

        def group(g, _):
            p = lax.rem(g, 2)
            pn = 1 - p
            not_last = g < NGRP - 1

            @pl.when(not_last)
            def _():
                load_block_start(g + 1, pn)

            @pl.when(g > 0)
            def _():
                scatter_drain(2)
            gather_start(p, 2, 2)
            gather_drain(0)
            compute(p, 0, 0)
            scatter_start(p, 0, 0)

            @pl.when(g > 0)
            def _():
                scatter_drain(3)
            gather_start(p, 3, 3)
            gather_drain(1)
            compute(p, 1, 1)
            scatter_start(p, 1, 1)

            @pl.when(not_last)
            def _():
                scatter_drain(0)
                load_block_wait(g + 1, pn)
                gather_start(pn, 0, 0)
            gather_drain(2)
            compute(p, 2, 2)
            scatter_start(p, 2, 2)

            @pl.when(not_last)
            def _():
                scatter_drain(1)
                gather_start(pn, 1, 1)
            gather_drain(3)
            compute(p, 3, 3)
            scatter_start(p, 3, 3)
            return _
        lax.fori_loop(0, NGRP, group, None)
        for k in range(GRP):
            scatter_drain(k)
        plsc.subcore_barrier()

        last = layer == NUM_LAYERS - 1
        for k in range(NRC):
            r0 = sub * RPT + k * RC
            rows = pl.ds(r0, RC)
            if k > 0:
                rp = pl.ds(sub * RPT + (k - 1) * RC, RC)
                pltpu.make_async_copy(bufT, A.at[rp], semD.at[0]).wait()
                pltpu.make_async_copy(bufB, B.at[rp], semD.at[1]).wait()
            pltpu.async_copy(x_hbm.at[core, rows], bufX, semD.at[0])
            pltpu.async_copy(A.at[rows], bufT, semD.at[1])
            pltpu.async_copy(B.at[rows], bufB, semD.at[2])
            pltpu.make_async_copy(x_hbm.at[core, rows], bufX, semD.at[0]).wait()
            pltpu.make_async_copy(A.at[rows], bufT, semD.at[1]).wait()
            pltpu.make_async_copy(B.at[rows], bufB, semD.at[2]).wait()

            @pl.when(jnp.logical_not(last))
            def _():
                @plsc.parallel_loop(0, RC, 1, unroll=2)
                def _dense_row(r):
                    for cc in range(DH // 16):
                        sl = (r, pl.ds(cc * 16, 16))
                        bufT[sl] = bufX[sl] + bufT[sl] + bufB[sl]
                        bufB[sl] = _zeros16()
                pltpu.async_copy(bufT, A.at[rows], semD.at[0])
                pltpu.async_copy(bufB, B.at[rows], semD.at[1])

            @pl.when(last)
            def _():
                @plsc.parallel_loop(0, RC, 1, unroll=2)
                def _final_row(r):
                    for cc in range(DH // 16):
                        sl = (r, pl.ds(cc * 16, 16))
                        bufT[sl] = (bufX[sl] + bufT[sl] + bufB[sl]) * 0.25
                pltpu.async_copy(bufT, A.at[rows], semD.at[0])
                pltpu.async_copy(bufT, out_hbm.at[core, rows], semD.at[1])
        rl = pl.ds(sub * RPT + (NRC - 1) * RC, RC)
        pltpu.make_async_copy(bufT, A.at[rl], semD.at[0]).wait()

        @pl.when(jnp.logical_not(last))
        def _():
            pltpu.make_async_copy(bufB, B.at[rl], semD.at[1]).wait()

        @pl.when(last)
        def _():
            pltpu.make_async_copy(bufT, out_hbm.at[core, rl], semD.at[1]).wait()
        plsc.subcore_barrier()
        return _
    lax.fori_loop(0, NUM_LAYERS, layer_body, None)


@jax.jit
def kernel(question_embs, edge_index, edge_values):
    xr = question_embs.reshape(N, NC, DH).transpose(1, 0, 2)

    pad_idx = (jnp.arange(NS * PAD, dtype=jnp.int32) % N).reshape(NS, PAD)
    dst_r = jnp.concatenate(
        [edge_index[0].reshape(NS, EPT), pad_idx], axis=1
    ).reshape(NS, NCH, CHUNK)
    src_r = jnp.concatenate(
        [edge_index[1].reshape(NS, EPT), pad_idx], axis=1
    ).reshape(NS, NCH, CHUNK)
    w_r = jnp.concatenate(
        [edge_values.reshape(NS, EPT),
         jnp.zeros((NS, PAD), dtype=jnp.float32)], axis=1
    ).reshape(NS, NCH, CHUNK)

    mesh = plsc.VectorSubcoreMesh(core_axis_name="c", subcore_axis_name="s")
    f = pl.kernel(
        _body,
        out_type=jax.ShapeDtypeStruct((NC, N, DH), jnp.float32),
        mesh=mesh,
        compiler_params=pltpu.CompilerParams(
            use_tc_tiling_on_sc=False, needs_layout_passes=False),
        scratch_types=[
            pltpu.VMEM_SHARED((N, DH), jnp.float32),
            pltpu.VMEM_SHARED((N, DH), jnp.float32),
            pltpu.VMEM((2, GRP, CHUNK), jnp.int32),
            pltpu.VMEM((2, GRP, CHUNK), jnp.int32),
            pltpu.VMEM((2, GRP, CHUNK), jnp.float32),
            [pltpu.VMEM((CHUNK, DH), jnp.float32)] * GRP,
            pltpu.VMEM((RC, DH), jnp.float32),
            pltpu.VMEM((RC, DH), jnp.float32),
            pltpu.VMEM((RC, DH), jnp.float32),
            pltpu.SemaphoreType.DMA((GRP,)),
            pltpu.SemaphoreType.DMA((GRP,)),
            pltpu.SemaphoreType.DMA((2,)),
            pltpu.SemaphoreType.DMA((3,)),
        ],
    )
    out_r = f(xr, dst_r, src_r, w_r)
    return out_r.transpose(1, 0, 2).reshape(N, D)

# --- scband reference (transcript-rebuilt; emitter-appended) ---
"""Pipeline reference for scband-question-conv-network-85727547228593 (READ-ONLY COPY).

The authoritative reference and input builder live on the scoring server;
editing this copy changes nothing except your own understanding.
"""

import jax, jax.numpy as jnp
import numpy as np

N = 10000
E = 320000
D = 128
NUM_LAYERS = 3
DROPOUT = 0.0


def setup_inputs(seed: int = 0) -> dict:
    key = jax.random.key(seed)
    k1, k2, k3 = jax.random.split(key, 3)
    question_embs = jax.random.normal(k1, (N, D), dtype=jnp.float32)
    edge_index = jax.random.randint(k2, (2, E), 0, N, dtype=jnp.int32)
    edge_values = jax.random.uniform(k3, (E,), dtype=jnp.float32)
    return {
        "question_embs": question_embs,
        "edge_index": edge_index,
        "edge_values": edge_values,
    }


def reference(question_embs, edge_index, edge_values):
    # similar_graph is a sparse [N, N] COO matrix: rows=edge_index[0] (dst),
    # cols=edge_index[1] (src), values=edge_values.
    dst = edge_index[0]
    src = edge_index[1]

    def spmm(x):
        # torch.sparse.mm(similar_graph, x): out[dst] += w * x[src]
        msgs = jnp.take(x, src, axis=0) * edge_values[:, None]
        return jnp.zeros_like(x).at[dst].add(msgs)

    final_question_embs = [question_embs]
    x = question_embs
    for _ in range(NUM_LAYERS):
        x = spmm(x)
        x = x + final_question_embs[-1]
        # F.dropout with p=0.0 is the identity
        final_question_embs.append(x)
    output_question_embs = jnp.mean(jnp.stack(final_question_embs), axis=0)
    return output_question_embs

if __name__ == "__main__":
    import jax
    _d = setup_inputs()
    print(jax.jit(kernel)(*tuple(_d.values())))

</pallas_src>

<mosaic_0001>
#map = affine_map<(d0, d1) -> (0, 0, 0)>
module attributes {stable_mosaic.version = 14 : i64} {
  func.func @_body(%arg0: i32, %arg1: i32, %arg2: memref<2x10000x64xf32, #tpu.memory_space<hbm>>, %arg3: memref<16x260x80xi32, #tpu.memory_space<hbm>>, %arg4: memref<16x260x80xi32, #tpu.memory_space<hbm>>, %arg5: memref<16x260x80xf32, #tpu.memory_space<hbm>>, %arg6: memref<2x10000x64xf32, #tpu.memory_space<hbm>>, %arg7: memref<10000x64xf32, #tpu.memory_space<vmem_shared>>, %arg8: memref<10000x64xf32, #tpu.memory_space<vmem_shared>>, %arg9: memref<2x4x80xi32, #tpu.memory_space<vmem>>, %arg10: memref<2x4x80xi32, #tpu.memory_space<vmem>>, %arg11: memref<2x4x80xf32, #tpu.memory_space<vmem>>, %arg12: memref<80x64xf32, #tpu.memory_space<vmem>>, %arg13: memref<80x64xf32, #tpu.memory_space<vmem>>, %arg14: memref<80x64xf32, #tpu.memory_space<vmem>>, %arg15: memref<80x64xf32, #tpu.memory_space<vmem>>, %arg16: memref<125x64xf32, #tpu.memory_space<vmem>>, %arg17: memref<125x64xf32, #tpu.memory_space<vmem>>, %arg18: memref<125x64xf32, #tpu.memory_space<vmem>>, %arg19: memref<4x!tpu.dma_semaphore, #tpu.memory_space<semaphore_mem>>, %arg20: memref<4x!tpu.dma_semaphore, #tpu.memory_space<semaphore_mem>>, %arg21: memref<2x!tpu.dma_semaphore, #tpu.memory_space<semaphore_mem>>, %arg22: memref<3x!tpu.dma_semaphore, #tpu.memory_space<semaphore_mem>>) attributes {dimension_semantics = [#tpu.dimension_semantics<core_parallel>, #tpu.dimension_semantics<subcore_parallel>], iteration_bounds = array<i64: 2, 16>, scalar_prefetch = 0 : i64, scratch_operands = 16 : i64, tpu.core_type = #tpu.core_type<sc_vector_subcore>, window_params = [{transform_indices = #map}, {transform_indices = #map}, {transform_indices = #map}, {transform_indices = #map}, {transform_indices = #map}]} {
    %parallel_loop3A = arith.constant 0 : i32
    %parallel_loop3A_0 = arith.constant 125 : i32
    %parallel_loop3A_1 = arith.constant 1 : i32
    scf.for %parallel_loop3A_24 = %parallel_loop3A to %parallel_loop3A_0 step %parallel_loop3A_1  : i32 {
      %parallel_loop3A_25 = arith.constant 0.000000e+00 : f32
      %parallel_loop3A_26 = vector.broadcast %parallel_loop3A_25 : f32 to vector<16xf32>
      %parallel_loop3A_27 = arith.index_cast %parallel_loop3A_24 : i32 to index
      %parallel_loop3A_28 = arith.constant 0 : index
      %parallel_loop3A_29 = tpu.vector_load %arg17[%parallel_loop3A_27, %parallel_loop3A_28] {strides = array<i32>} : memref<125x64xf32, #tpu.memory_space<vmem>>, vector<16xf32>,
      tpu.vector_store %arg17[%parallel_loop3A_27, %parallel_loop3A_28], %parallel_loop3A_26 {strides = array<i32>} : memref<125x64xf32, #tpu.memory_space<vmem>>, vector<16xf32>,
      %parallel_loop3A_30 = arith.constant 0.000000e+00 : f32
      %parallel_loop3A_31 = vector.broadcast %parallel_loop3A_30 : f32 to vector<16xf32>
      %parallel_loop3A_32 = arith.index_cast %parallel_loop3A_24 : i32 to index
      %parallel_loop3A_33 = arith.constant 16 : index
      %parallel_loop3A_34 = tpu.vector_load %arg17[%parallel_loop3A_32, %parallel_loop3A_33] {strides = array<i32>} : memref<125x64xf32, #tpu.memory_space<vmem>>, vector<16xf32>,
      tpu.vector_store %arg17[%parallel_loop3A_32, %parallel_loop3A_33], %parallel_loop3A_31 {strides = array<i32>} : memref<125x64xf32, #tpu.memory_space<vmem>>, vector<16xf32>,
      %parallel_loop3A_35 = arith.constant 0.000000e+00 : f32
      %parallel_loop3A_36 = vector.broadcast %parallel_loop3A_35 : f32 to vector<16xf32>
      %parallel_loop3A_37 = arith.index_cast %parallel_loop3A_24 : i32 to index
      %parallel_loop3A_38 = arith.constant 32 : index
      %parallel_loop3A_39 = tpu.vector_load %arg17[%parallel_loop3A_37, %parallel_loop3A_38] {strides = array<i32>} : memref<125x64xf32, #tpu.memory_space<vmem>>, vector<16xf32>,
      tpu.vector_store %arg17[%parallel_loop3A_37, %parallel_loop3A_38], %parallel_loop3A_36 {strides = array<i32>} : memref<125x64xf32, #tpu.memory_space<vmem>>, vector<16xf32>,
      %parallel_loop3A_40 = arith.constant 0.000000e+00 : f32
      %parallel_loop3A_41 = vector.broadcast %parallel_loop3A_40 : f32 to vector<16xf32>
      %parallel_loop3A_42 = arith.index_cast %parallel_loop3A_24 : i32 to index
      %parallel_loop3A_43 = arith.constant 48 : index
      %parallel_loop3A_44 = tpu.vector_load %arg17[%parallel_loop3A_42, %parallel_loop3A_43] {strides = array<i32>} : memref<125x64xf32, #tpu.memory_space<vmem>>, vector<16xf32>,
      tpu.vector_store %arg17[%parallel_loop3A_42, %parallel_loop3A_43], %parallel_loop3A_41 {strides = array<i32>} : memref<125x64xf32, #tpu.memory_space<vmem>>, vector<16xf32>,
    } {sc.loop_unroll_factor = 2 : i64, sc.parallel_access}
    %mul3A = arith.constant 625 : i32
    %mul3A_2 = arith.muli %arg1, %mul3A : i32
    %add3A = arith.constant 0 : i32
    %add3A_3 = arith.addi %mul3A_2, %add3A : i32
    "tpu.region"() ({
      %run_scoped3A = tpu.sem_alloc : memref<!tpu.dma_semaphore, #tpu.memory_space<semaphore_mem>>
      %dma_start3A = arith.constant 0 : i32
      %dma_start3A_24 = tpu.memref_slice %arg2[%arg0, %add3A_3, %dma_start3A] : memref<2x10000x64xf32, #tpu.memory_space<hbm>> -> memref<1x125x64xf32, #tpu.memory_space<hbm>>
      %dma_start3A_25 = tpu.memref_squeeze %dma_start3A_24 : memref<1x125x64xf32, #tpu.memory_space<hbm>> -> memref<125x64xf32, #tpu.memory_space<hbm>>
      %dma_start3A_26 = arith.constant 0 : i32
      %dma_start3A_27 = tpu.memref_slice %arg2[%arg0, %add3A_3, %dma_start3A_26] : memref<2x10000x64xf32, #tpu.memory_space<hbm>> -> memref<1x125x64xf32, #tpu.memory_space<hbm>>
      %dma_start3A_28 = tpu.memref_squeeze %dma_start3A_27 : memref<1x125x64xf32, #tpu.memory_space<hbm>> -> memref<125x64xf32, #tpu.memory_space<hbm>>
      tpu.enqueue_dma source(%dma_start3A_28 : memref<125x64xf32, #tpu.memory_space<hbm>>) target(%arg16 : memref<125x64xf32, #tpu.memory_space<vmem>>) target_semaphore(%run_scoped3A : memref<!tpu.dma_semaphore, #tpu.memory_space<semaphore_mem>>)
      %dma_wait3A = arith.constant 0 : i32
      %dma_wait3A_29 = tpu.memref_slice %arg2[%arg0, %add3A_3, %dma_wait3A] : memref<2x10000x64xf32, #tpu.memory_space<hbm>> -> memref<1x125x64xf32, #tpu.memory_space<hbm>>
      %dma_wait3A_30 = tpu.memref_squeeze %dma_wait3A_29 : memref<1x125x64xf32, #tpu.memory_space<hbm>> -> memref<125x64xf32, #tpu.memory_space<hbm>>
      %dma_wait3A_31 = arith.constant 0 : i32
      %dma_wait3A_32 = tpu.memref_slice %arg2[%arg0, %add3A_3, %dma_wait3A_31] : memref<2x10000x64xf32, #tpu.memory_space<hbm>> -> memref<1x125x64xf32, #tpu.memory_space<hbm>>
      %dma_wait3A_33 = tpu.memref_squeeze %dma_wait3A_32 : memref<1x125x64xf32, #tpu.memory_space<hbm>> -> memref<125x64xf32, #tpu.memory_space<hbm>>
      tpu.wait_dma2 semaphore(%run_scoped3A : memref<!tpu.dma_semaphore, #tpu.memory_space<semaphore_mem>>) src(%dma_wait3A_33 : memref<125x64xf32, #tpu.memory_space<hbm>>) dst(%arg16 : memref<125x64xf32, #tpu.memory_space<vmem>>)
      tpu.yield
    }) : () -> ()
    "tpu.region"() ({
      %run_scoped3A = tpu.sem_alloc : memref<!tpu.dma_semaphore, #tpu.memory_space<semaphore_mem>>
      %dma_start3A = arith.constant 0 : i32
      %dma_start3A_24 = tpu.memref_slice %arg7[%add3A_3, %dma_start3A] : memref<10000x64xf32, #tpu.memory_space<vmem_shared>> -> memref<125x64xf32, #tpu.memory_space<vmem_shared>>
      %dma_start3A_25 = arith.constant 0 : i32
      %dma_start3A_26 = tpu.memref_slice %arg7[%add3A_3, %dma_start3A_25] : memref<10000x64xf32, #tpu.memory_space<vmem_shared>> -> memref<125x64xf32, #tpu.memory_space<vmem_shared>>
      tpu.enqueue_dma source(%arg16 : memref<125x64xf32, #tpu.memory_space<vmem>>) target(%dma_start3A_26 : memref<125x64xf32, #tpu.memory_space<vmem_shared>>) target_semaphore(%run_scoped3A : memref<!tpu.dma_semaphore, #tpu.memory_space<semaphore_mem>>)
      %dma_wait3A = arith.constant 0 : i32
      %dma_wait3A_27 = tpu.memref_slice %arg7[%add3A_3, %dma_wait3A] : memref<10000x64xf32, #tpu.memory_space<vmem_shared>> -> memref<125x64xf32, #tpu.memory_space<vmem_shared>>
      %dma_wait3A_28 = arith.constant 0 : i32
      %dma_wait3A_29 = tpu.memref_slice %arg7[%add3A_3, %dma_wait3A_28] : memref<10000x64xf32, #tpu.memory_space<vmem_shared>> -> memref<125x64xf32, #tpu.memory_space<vmem_shared>>
      tpu.wait_dma2 semaphore(%run_scoped3A : memref<!tpu.dma_semaphore, #tpu.memory_space<semaphore_mem>>) src(%arg16 : memref<125x64xf32, #tpu.memory_space<vmem>>) dst(%dma_wait3A_29 : memref<125x64xf32, #tpu.memory_space<vmem_shared>>)
      tpu.yield
    }) : () -> ()
    "tpu.region"() ({
      %run_scoped3A = tpu.sem_alloc : memref<!tpu.dma_semaphore, #tpu.memory_space<semaphore_mem>>
      %dma_start3A = arith.constant 0 : i32
      %dma_start3A_24 = tpu.memref_slice %arg8[%add3A_3, %dma_start3A] : memref<10000x64xf32, #tpu.memory_space<vmem_shared>> -> memref<125x64xf32, #tpu.memory_space<vmem_shared>>
      %dma_start3A_25 = arith.constant 0 : i32
      %dma_start3A_26 = tpu.memref_slice %arg8[%add3A_3, %dma_start3A_25] : memref<10000x64xf32, #tpu.memory_space<vmem_shared>> -> memref<125x64xf32, #tpu.memory_space<vmem_shared>>
      tpu.enqueue_dma source(%arg17 : memref<125x64xf32, #tpu.memory_space<vmem>>) target(%dma_start3A_26 : memref<125x64xf32, #tpu.memory_space<vmem_shared>>) target_semaphore(%run_scoped3A : memref<!tpu.dma_semaphore, #tpu.memory_space<semaphore_mem>>)
      %dma_wait3A = arith.constant 0 : i32
      %dma_wait3A_27 = tpu.memref_slice %arg8[%add3A_3, %dma_wait3A] : memref<10000x64xf32, #tpu.memory_space<vmem_shared>> -> memref<125x64xf32, #tpu.memory_space<vmem_shared>>
      %dma_wait3A_28 = arith.constant 0 : i32
      %dma_wait3A_29 = tpu.memref_slice %arg8[%add3A_3, %dma_wait3A_28] : memref<10000x64xf32, #tpu.memory_space<vmem_shared>> -> memref<125x64xf32, #tpu.memory_space<vmem_shared>>
      tpu.wait_dma2 semaphore(%run_scoped3A : memref<!tpu.dma_semaphore, #tpu.memory_space<semaphore_mem>>) src(%arg17 : memref<125x64xf32, #tpu.memory_space<vmem>>) dst(%dma_wait3A_29 : memref<125x64xf32, #tpu.memory_space<vmem_shared>>)
      tpu.yield
    }) : () -> ()
    %mul3A_4 = arith.constant 625 : i32
    %mul3A_5 = arith.muli %arg1, %mul3A_4 : i32
    %add3A_6 = arith.constant 125 : i32
    %add3A_7 = arith.addi %mul3A_5, %add3A_6 : i32
    "tpu.region"() ({
      %run_scoped3A = tpu.sem_alloc : memref<!tpu.dma_semaphore, #tpu.memory_space<semaphore_mem>>
      %dma_start3A = arith.constant 0 : i32
      %dma_start3A_24 = tpu.memref_slice %arg2[%arg0, %add3A_7, %dma_start3A] : memref<2x10000x64xf32, #tpu.memory_space<hbm>> -> memref<1x125x64xf32, #tpu.memory_space<hbm>>
      %dma_start3A_25 = tpu.memref_squeeze %dma_start3A_24 : memref<1x125x64xf32, #tpu.memory_space<hbm>> -> memref<125x64xf32, #tpu.memory_space<hbm>>
      %dma_start3A_26 = arith.constant 0 : i32
      %dma_start3A_27 = tpu.memref_slice %arg2[%arg0, %add3A_7, %dma_start3A_26] : memref<2x10000x64xf32, #tpu.memory_space<hbm>> -> memref<1x125x64xf32, #tpu.memory_space<hbm>>
      %dma_start3A_28 = tpu.memref_squeeze %dma_start3A_27 : memref<1x125x64xf32, #tpu.memory_space<hbm>> -> memref<125x64xf32, #tpu.memory_space<hbm>>
      tpu.enqueue_dma source(%dma_start3A_28 : memref<125x64xf32, #tpu.memory_space<hbm>>) target(%arg16 : memref<125x64xf32, #tpu.memory_space<vmem>>) target_semaphore(%run_scoped3A : memref<!tpu.dma_semaphore, #tpu.memory_space<semaphore_mem>>)
      %dma_wait3A = arith.constant 0 : i32
      %dma_wait3A_29 = tpu.memref_slice %arg2[%arg0, %add3A_7, %dma_wait3A] : memref<2x10000x64xf32, #tpu.memory_space<hbm>> -> memref<1x125x64xf32, #tpu.memory_space<hbm>>
      %dma_wait3A_30 = tpu.memref_squeeze %dma_wait3A_29 : memref<1x125x64xf32, #tpu.memory_space<hbm>> -> memref<125x64xf32, #tpu.memory_space<hbm>>
      %dma_wait3A_31 = arith.constant 0 : i32
      %dma_wait3A_32 = tpu.memref_slice %arg2[%arg0, %add3A_7, %dma_wait3A_31] : memref<2x10000x64xf32, #tpu.memory_space<hbm>> -> memref<1x125x64xf32, #tpu.memory_space<hbm>>
      %dma_wait3A_33 = tpu.memref_squeeze %dma_wait3A_32 : memref<1x125x64xf32, #tpu.memory_space<hbm>> -> memref<125x64xf32, #tpu.memory_space<hbm>>
      tpu.wait_dma2 semaphore(%run_scoped3A : memref<!tpu.dma_semaphore, #tpu.memory_space<semaphore_mem>>) src(%dma_wait3A_33 : memref<125x64xf32, #tpu.memory_space<hbm>>) dst(%arg16 : memref<125x64xf32, #tpu.memory_space<vmem>>)
      tpu.yield
    }) : () -> ()
    "tpu.region"() ({
      %run_scoped3A = tpu.sem_alloc : memref<!tpu.dma_semaphore, #tpu.memory_space<semaphore_mem>>
      %dma_start3A = arith.constant 0 : i32
      %dma_start3A_24 = tpu.memref_slice %arg7[%add3A_7, %dma_start3A] : memref<10000x64xf32, #tpu.memory_space<vmem_shared>> -> memref<125x64xf32, #tpu.memory_space<vmem_shared>>
      %dma_start3A_25 = arith.constant 0 : i32
      %dma_start3A_26 = tpu.memref_slice %arg7[%add3A_7, %dma_start3A_25] : memref<10000x64xf32, #tpu.memory_space<vmem_shared>> -> memref<125x64xf32, #tpu.memory_space<vmem_shared>>
      tpu.enqueue_dma source(%arg16 : memref<125x64xf32, #tpu.memory_space<vmem>>) target(%dma_start3A_26 : memref<125x64xf32, #tpu.memory_space<vmem_shared>>) target_semaphore(%run_scoped3A : memref<!tpu.dma_semaphore, #tpu.memory_space<semaphore_mem>>)
      %dma_wait3A = arith.constant 0 : i32
      %dma_wait3A_27 = tpu.memref_slice %arg7[%add3A_7, %dma_wait3A] : memref<10000x64xf32, #tpu.memory_space<vmem_shared>> -> memref<125x64xf32, #tpu.memory_space<vmem_shared>>
      %dma_wait3A_28 = arith.constant 0 : i32
      %dma_wait3A_29 = tpu.memref_slice %arg7[%add3A_7, %dma_wait3A_28] : memref<10000x64xf32, #tpu.memory_space<vmem_shared>> -> memref<125x64xf32, #tpu.memory_space<vmem_shared>>
      tpu.wait_dma2 semaphore(%run_scoped3A : memref<!tpu.dma_semaphore, #tpu.memory_space<semaphore_mem>>) src(%arg16 : memref<125x64xf32, #tpu.memory_space<vmem>>) dst(%dma_wait3A_29 : memref<125x64xf32, #tpu.memory_space<vmem_shared>>)
      tpu.yield
    }) : () -> ()
    "tpu.region"() ({
      %run_scoped3A = tpu.sem_alloc : memref<!tpu.dma_semaphore, #tpu.memory_space<semaphore_mem>>
      %dma_start3A = arith.constant 0 : i32
      %dma_start3A_24 = tpu.memref_slice %arg8[%add3A_7, %dma_start3A] : memref<10000x64xf32, #tpu.memory_space<vmem_shared>> -> memref<125x64xf32, #tpu.memory_space<vmem_shared>>
      %dma_start3A_25 = arith.constant 0 : i32
      %dma_start3A_26 = tpu.memref_slice %arg8[%add3A_7, %dma_start3A_25] : memref<10000x64xf32, #tpu.memory_space<vmem_shared>> -> memref<125x64xf32, #tpu.memory_space<vmem_shared>>
      tpu.enqueue_dma source(%arg17 : memref<125x64xf32, #tpu.memory_space<vmem>>) target(%dma_start3A_26 : memref<125x64xf32, #tpu.memory_space<vmem_shared>>) target_semaphore(%run_scoped3A : memref<!tpu.dma_semaphore, #tpu.memory_space<semaphore_mem>>)
      %dma_wait3A = arith.constant 0 : i32
      %dma_wait3A_27 = tpu.memref_slice %arg8[%add3A_7, %dma_wait3A] : memref<10000x64xf32, #tpu.memory_space<vmem_shared>> -> memref<125x64xf32, #tpu.memory_space<vmem_shared>>
      %dma_wait3A_28 = arith.constant 0 : i32
      %dma_wait3A_29 = tpu.memref_slice %arg8[%add3A_7, %dma_wait3A_28] : memref<10000x64xf32, #tpu.memory_space<vmem_shared>> -> memref<125x64xf32, #tpu.memory_space<vmem_shared>>
      tpu.wait_dma2 semaphore(%run_scoped3A : memref<!tpu.dma_semaphore, #tpu.memory_space<semaphore_mem>>) src(%arg17 : memref<125x64xf32, #tpu.memory_space<vmem>>) dst(%dma_wait3A_29 : memref<125x64xf32, #tpu.memory_space<vmem_shared>>)
      tpu.yield
    }) : () -> ()
    %mul3A_8 = arith.constant 625 : i32
    %mul3A_9 = arith.muli %arg1, %mul3A_8 : i32
    %add3A_10 = arith.constant 250 : i32
    %add3A_11 = arith.addi %mul3A_9, %add3A_10 : i32
    "tpu.region"() ({
      %run_scoped3A = tpu.sem_alloc : memref<!tpu.dma_semaphore, #tpu.memory_space<semaphore_mem>>
      %dma_start3A = arith.constant 0 : i32
      %dma_start3A_24 = tpu.memref_slice %arg2[%arg0, %add3A_11, %dma_start3A] : memref<2x10000x64xf32, #tpu.memory_space<hbm>> -> memref<1x125x64xf32, #tpu.memory_space<hbm>>
      %dma_start3A_25 = tpu.memref_squeeze %dma_start3A_24 : memref<1x125x64xf32, #tpu.memory_space<hbm>> -> memref<125x64xf32, #tpu.memory_space<hbm>>
      %dma_start3A_26 = arith.constant 0 : i32
      %dma_start3A_27 = tpu.memref_slice %arg2[%arg0, %add3A_11, %dma_start3A_26] : memref<2x10000x64xf32, #tpu.memory_space<hbm>> -> memref<1x125x64xf32, #tpu.memory_space<hbm>>
      %dma_start3A_28 = tpu.memref_squeeze %dma_start3A_27 : memref<1x125x64xf32, #tpu.memory_space<hbm>> -> memref<125x64xf32, #tpu.memory_space<hbm>>
      tpu.enqueue_dma source(%dma_start3A_28 : memref<125x64xf32, #tpu.memory_space<hbm>>) target(%arg16 : memref<125x64xf32, #tpu.memory_space<vmem>>) target_semaphore(%run_scoped3A : memref<!tpu.dma_semaphore, #tpu.memory_space<semaphore_mem>>)
      %dma_wait3A = arith.constant 0 : i32
      %dma_wait3A_29 = tpu.memref_slice %arg2[%arg0, %add3A_11, %dma_wait3A] : memref<2x10000x64xf32, #tpu.memory_space<hbm>> -> memref<1x125x64xf32, #tpu.memory_space<hbm>>
      %dma_wait3A_30 = tpu.memref_squeeze %dma_wait3A_29 : memref<1x125x64xf32, #tpu.memory_space<hbm>> -> memref<125x64xf32, #tpu.memory_space<hbm>>
      %dma_wait3A_31 = arith.constant 0 : i32
      %dma_wait3A_32 = tpu.memref_slice %arg2[%arg0, %add3A_11, %dma_wait3A_31] : memref<2x10000x64xf32, #tpu.memory_space<hbm>> -> memref<1x125x64xf32, #tpu.memory_space<hbm>>
      %dma_wait3A_33 = tpu.memref_squeeze %dma_wait3A_32 : memref<1x125x64xf32, #tpu.memory_space<hbm>> -> memref<125x64xf32, #tpu.memory_space<hbm>>
      tpu.wait_dma2 semaphore(%run_scoped3A : memref<!tpu.dma_semaphore, #tpu.memory_space<semaphore_mem>>) src(%dma_wait3A_33 : memref<125x64xf32, #tpu.memory_space<hbm>>) dst(%arg16 : memref<125x64xf32, #tpu.memory_space<vmem>>)
      tpu.yield
    }) : () -> ()
    "tpu.region"() ({
      %run_scoped3A = tpu.sem_alloc : memref<!tpu.dma_semaphore, #tpu.memory_space<semaphore_mem>>
      %dma_start3A = arith.constant 0 : i32
      %dma_start3A_24 = tpu.memref_slice %arg7[%add3A_11, %dma_start3A] : memref<10000x64xf32, #tpu.memory_space<vmem_shared>> -> memref<125x64xf32, #tpu.memory_space<vmem_shared>>
      %dma_start3A_25 = arith.constant 0 : i32
      %dma_start3A_26 = tpu.memref_slice %arg7[%add3A_11, %dma_start3A_25] : memref<10000x64xf32, #tpu.memory_space<vmem_shared>> -> memref<125x64xf32, #tpu.memory_space<vmem_shared>>
      tpu.enqueue_dma source(%arg16 : memref<125x64xf32, #tpu.memory_space<vmem>>) target(%dma_start3A_26 : memref<125x64xf32, #tpu.memory_space<vmem_shared>>) target_semaphore(%run_scoped3A : memref<!tpu.dma_semaphore, #tpu.memory_space<semaphore_mem>>)
      %dma_wait3A = arith.constant 0 : i32
      %dma_wait3A_27 = tpu.memref_slice %arg7[%add3A_11, %dma_wait3A] : memref<10000x64xf32, #tpu.memory_space<vmem_shared>> -> memref<125x64xf32, #tpu.memory_space<vmem_shared>>
      %dma_wait3A_28 = arith.constant 0 : i32
      %dma_wait3A_29 = tpu.memref_slice %arg7[%add3A_11, %dma_wait3A_28] : memref<10000x64xf32, #tpu.memory_space<vmem_shared>> -> memref<125x64xf32, #tpu.memory_space<vmem_shared>>
      tpu.wait_dma2 semaphore(%run_scoped3A : memref<!tpu.dma_semaphore, #tpu.memory_space<semaphore_mem>>) src(%arg16 : memref<125x64xf32, #tpu.memory_space<vmem>>) dst(%dma_wait3A_29 : memref<125x64xf32, #tpu.memory_space<vmem_shared>>)
      tpu.yield
    }) : () -> ()
    "tpu.region"() ({
      %run_scoped3A = tpu.sem_alloc : memref<!tpu.dma_semaphore, #tpu.memory_space<semaphore_mem>>
      %dma_start3A = arith.constant 0 : i32
      %dma_start3A_24 = tpu.memref_slice %arg8[%add3A_11, %dma_start3A] : memref<10000x64xf32, #tpu.memory_space<vmem_shared>> -> memref<125x64xf32, #tpu.memory_space<vmem_shared>>
      %dma_start3A_25 = arith.constant 0 : i32
      %dma_start3A_26 = tpu.memref_slice %arg8[%add3A_11, %dma_start3A_25] : memref<10000x64xf32, #tpu.memory_space<vmem_shared>> -> memref<125x64xf32, #tpu.memory_space<vmem_shared>>
      tpu.enqueue_dma source(%arg17 : memref<125x64xf32, #tpu.memory_space<vmem>>) target(%dma_start3A_26 : memref<125x64xf32, #tpu.memory_space<vmem_shared>>) target_semaphore(%run_scoped3A : memref<!tpu.dma_semaphore, #tpu.memory_space<semaphore_mem>>)
      %dma_wait3A = arith.constant 0 : i32
      %dma_wait3A_27 = tpu.memref_slice %arg8[%add3A_11, %dma_wait3A] : memref<10000x64xf32, #tpu.memory_space<vmem_shared>> -> memref<125x64xf32, #tpu.memory_space<vmem_shared>>
      %dma_wait3A_28 = arith.constant 0 : i32
      %dma_wait3A_29 = tpu.memref_slice %arg8[%add3A_11, %dma_wait3A_28] : memref<10000x64xf32, #tpu.memory_space<vmem_shared>> -> memref<125x64xf32, #tpu.memory_space<vmem_shared>>
      tpu.wait_dma2 semaphore(%run_scoped3A : memref<!tpu.dma_semaphore, #tpu.memory_space<semaphore_mem>>) src(%arg17 : memref<125x64xf32, #tpu.memory_space<vmem>>) dst(%dma_wait3A_29 : memref<125x64xf32, #tpu.memory_space<vmem_shared>>)
      tpu.yield
    }) : () -> ()
    %mul3A_12 = arith.constant 625 : i32
    %mul3A_13 = arith.muli %arg1, %mul3A_12 : i32
    %add3A_14 = arith.constant 375 : i32
    %add3A_15 = arith.addi %mul3A_13, %add3A_14 : i32
    "tpu.region"() ({
      %run_scoped3A = tpu.sem_alloc : memref<!tpu.dma_semaphore, #tpu.memory_space<semaphore_mem>>
      %dma_start3A = arith.constant 0 : i32
      %dma_start3A_24 = tpu.memref_slice %arg2[%arg0, %add3A_15, %dma_start3A] : memref<2x10000x64xf32, #tpu.memory_space<hbm>> -> memref<1x125x64xf32, #tpu.memory_space<hbm>>
      %dma_start3A_25 = tpu.memref_squeeze %dma_start3A_24 : memref<1x125x64xf32, #tpu.memory_space<hbm>> -> memref<125x64xf32, #tpu.memory_space<hbm>>
      %dma_start3A_26 = arith.constant 0 : i32
      %dma_start3A_27 = tpu.memref_slice %arg2[%arg0, %add3A_15, %dma_start3A_26] : memref<2x10000x64xf32, #tpu.memory_space<hbm>> -> memref<1x125x64xf32, #tpu.memory_space<hbm>>
      %dma_start3A_28 = tpu.memref_squeeze %dma_start3A_27 : memref<1x125x64xf32, #tpu.memory_space<hbm>> -> memref<125x64xf32, #tpu.memory_space<hbm>>
      tpu.enqueue_dma source(%dma_start3A_28 : memref<125x64xf32, #tpu.memory_space<hbm>>) target(%arg16 : memref<125x64xf32, #tpu.memory_space<vmem>>) target_semaphore(%run_scoped3A : memref<!tpu.dma_semaphore, #tpu.memory_space<semaphore_mem>>)
      %dma_wait3A = arith.constant 0 : i32
      %dma_wait3A_29 = tpu.memref_slice %arg2[%arg0, %add3A_15, %dma_wait3A] : memref<2x10000x64xf32, #tpu.memory_space<hbm>> -> memref<1x125x64xf32, #tpu.memory_space<hbm>>
      %dma_wait3A_30 = tpu.memref_squeeze %dma_wait3A_29 : memref<1x125x64xf32, #tpu.memory_space<hbm>> -> memref<125x64xf32, #tpu.memory_space<hbm>>
      %dma_wait3A_31 = arith.constant 0 : i32
      %dma_wait3A_32 = tpu.memref_slice %arg2[%arg0, %add3A_15, %dma_wait3A_31] : memref<2x10000x64xf32, #tpu.memory_space<hbm>> -> memref<1x125x64xf32, #tpu.memory_space<hbm>>
      %dma_wait3A_33 = tpu.memref_squeeze %dma_wait3A_32 : memref<1x125x64xf32, #tpu.memory_space<hbm>> -> memref<125x64xf32, #tpu.memory_space<hbm>>
      tpu.wait_dma2 semaphore(%run_scoped3A : memref<!tpu.dma_semaphore, #tpu.memory_space<semaphore_mem>>) src(%dma_wait3A_33 : memref<125x64xf32, #tpu.memory_space<hbm>>) dst(%arg16 : memref<125x64xf32, #tpu.memory_space<vmem>>)
      tpu.yield
    }) : () -> ()
    "tpu.region"() ({
      %run_scoped3A = tpu.sem_alloc : memref<!tpu.dma_semaphore, #tpu.memory_space<semaphore_mem>>
      %dma_start3A = arith.constant 0 : i32
      %dma_start3A_24 = tpu.memref_slice %arg7[%add3A_15, %dma_start3A] : memref<10000x64xf32, #tpu.memory_space<vmem_shared>> -> memref<125x64xf32, #tpu.memory_space<vmem_shared>>
      %dma_start3A_25 = arith.constant 0 : i32
      %dma_start3A_26 = tpu.memref_slice %arg7[%add3A_15, %dma_start3A_25] : memref<10000x64xf32, #tpu.memory_space<vmem_shared>> -> memref<125x64xf32, #tpu.memory_space<vmem_shared>>
      tpu.enqueue_dma source(%arg16 : memref<125x64xf32, #tpu.memory_space<vmem>>) target(%dma_start3A_26 : memref<125x64xf32, #tpu.memory_space<vmem_shared>>) target_semaphore(%run_scoped3A : memref<!tpu.dma_semaphore, #tpu.memory_space<semaphore_mem>>)
      %dma_wait3A = arith.constant 0 : i32
      %dma_wait3A_27 = tpu.memref_slice %arg7[%add3A_15, %dma_wait3A] : memref<10000x64xf32, #tpu.memory_space<vmem_shared>> -> memref<125x64xf32, #tpu.memory_space<vmem_shared>>
      %dma_wait3A_28 = arith.constant 0 : i32
      %dma_wait3A_29 = tpu.memref_slice %arg7[%add3A_15, %dma_wait3A_28] : memref<10000x64xf32, #tpu.memory_space<vmem_shared>> -> memref<125x64xf32, #tpu.memory_space<vmem_shared>>
      tpu.wait_dma2 semaphore(%run_scoped3A : memref<!tpu.dma_semaphore, #tpu.memory_space<semaphore_mem>>) src(%arg16 : memref<125x64xf32, #tpu.memory_space<vmem>>) dst(%dma_wait3A_29 : memref<125x64xf32, #tpu.memory_space<vmem_shared>>)
      tpu.yield
    }) : () -> ()
    "tpu.region"() ({
      %run_scoped3A = tpu.sem_alloc : memref<!tpu.dma_semaphore, #tpu.memory_space<semaphore_mem>>
      %dma_start3A = arith.constant 0 : i32
      %dma_start3A_24 = tpu.memref_slice %arg8[%add3A_15, %dma_start3A] : memref<10000x64xf32, #tpu.memory_space<vmem_shared>> -> memref<125x64xf32, #tpu.memory_space<vmem_shared>>
      %dma_start3A_25 = arith.constant 0 : i32
      %dma_start3A_26 = tpu.memref_slice %arg8[%add3A_15, %dma_start3A_25] : memref<10000x64xf32, #tpu.memory_space<vmem_shared>> -> memref<125x64xf32, #tpu.memory_space<vmem_shared>>
      tpu.enqueue_dma source(%arg17 : memref<125x64xf32, #tpu.memory_space<vmem>>) target(%dma_start3A_26 : memref<125x64xf32, #tpu.memory_space<vmem_shared>>) target_semaphore(%run_scoped3A : memref<!tpu.dma_semaphore, #tpu.memory_space<semaphore_mem>>)
      %dma_wait3A = arith.constant 0 : i32
      %dma_wait3A_27 = tpu.memref_slice %arg8[%add3A_15, %dma_wait3A] : memref<10000x64xf32, #tpu.memory_space<vmem_shared>> -> memref<125x64xf32, #tpu.memory_space<vmem_shared>>
      %dma_wait3A_28 = arith.constant 0 : i32
      %dma_wait3A_29 = tpu.memref_slice %arg8[%add3A_15, %dma_wait3A_28] : memref<10000x64xf32, #tpu.memory_space<vmem_shared>> -> memref<125x64xf32, #tpu.memory_space<vmem_shared>>
      tpu.wait_dma2 semaphore(%run_scoped3A : memref<!tpu.dma_semaphore, #tpu.memory_space<semaphore_mem>>) src(%arg17 : memref<125x64xf32, #tpu.memory_space<vmem>>) dst(%dma_wait3A_29 : memref<125x64xf32, #tpu.memory_space<vmem_shared>>)
      tpu.yield
    }) : () -> ()
    %mul3A_16 = arith.constant 625 : i32
    %mul3A_17 = arith.muli %arg1, %mul3A_16 : i32
    %add3A_18 = arith.constant 500 : i32
    %add3A_19 = arith.addi %mul3A_17, %add3A_18 : i32
    "tpu.region"() ({
      %run_scoped3A = tpu.sem_alloc : memref<!tpu.dma_semaphore, #tpu.memory_space<semaphore_mem>>
      %dma_start3A = arith.constant 0 : i32
      %dma_start3A_24 = tpu.memref_slice %arg2[%arg0, %add3A_19, %dma_start3A] : memref<2x10000x64xf32, #tpu.memory_space<hbm>> -> memref<1x125x64xf32, #tpu.memory_space<hbm>>
      %dma_start3A_25 = tpu.memref_squeeze %dma_start3A_24 : memref<1x125x64xf32, #tpu.memory_space<hbm>> -> memref<125x64xf32, #tpu.memory_space<hbm>>
      %dma_start3A_26 = arith.constant 0 : i32
      %dma_start3A_27 = tpu.memref_slice %arg2[%arg0, %add3A_19, %dma_start3A_26] : memref<2x10000x64xf32, #tpu.memory_space<hbm>> -> memref<1x125x64xf32, #tpu.memory_space<hbm>>
      %dma_start3A_28 = tpu.memref_squeeze %dma_start3A_27 : memref<1x125x64xf32, #tpu.memory_space<hbm>> -> memref<125x64xf32, #tpu.memory_space<hbm>>
      tpu.enqueue_dma source(%dma_start3A_28 : memref<125x64xf32, #tpu.memory_space<hbm>>) target(%arg16 : memref<125x64xf32, #tpu.memory_space<vmem>>) target_semaphore(%run_scoped3A : memref<!tpu.dma_semaphore, #tpu.memory_space<semaphore_mem>>)
      %dma_wait3A = arith.constant 0 : i32
      %dma_wait3A_29 = tpu.memref_slice %arg2[%arg0, %add3A_19, %dma_wait3A] : memref<2x10000x64xf32, #tpu.memory_space<hbm>> -> memref<1x125x64xf32, #tpu.memory_space<hbm>>
      %dma_wait3A_30 = tpu.memref_squeeze %dma_wait3A_29 : memref<1x125x64xf32, #tpu.memory_space<hbm>> -> memref<125x64xf32, #tpu.memory_space<hbm>>
      %dma_wait3A_31 = arith.constant 0 : i32
      %dma_wait3A_32 = tpu.memref_slice %arg2[%arg0, %add3A_19, %dma_wait3A_31] : memref<2x10000x64xf32, #tpu.memory_space<hbm>> -> memref<1x125x64xf32, #tpu.memory_space<hbm>>
      %dma_wait3A_33 = tpu.memref_squeeze %dma_wait3A_32 : memref<1x125x64xf32, #tpu.memory_space<hbm>> -> memref<125x64xf32, #tpu.memory_space<hbm>>
      tpu.wait_dma2 semaphore(%run_scoped3A : memref<!tpu.dma_semaphore, #tpu.memory_space<semaphore_mem>>) src(%dma_wait3A_33 : memref<125x64xf32, #tpu.memory_space<hbm>>) dst(%arg16 : memref<125x64xf32, #tpu.memory_space<vmem>>)
      tpu.yield
    }) : () -> ()
    "tpu.region"() ({
      %run_scoped3A = tpu.sem_alloc : memref<!tpu.dma_semaphore, #tpu.memory_space<semaphore_mem>>
      %dma_start3A = arith.constant 0 : i32
      %dma_start3A_24 = tpu.memref_slice %arg7[%add3A_19, %dma_start3A] : memref<10000x64xf32, #tpu.memory_space<vmem_shared>> -> memref<125x64xf32, #tpu.memory_space<vmem_shared>>
      %dma_start3A_25 = arith.constant 0 : i32
      %dma_start3A_26 = tpu.memref_slice %arg7[%add3A_19, %dma_start3A_25] : memref<10000x64xf32, #tpu.memory_space<vmem_shared>> -> memref<125x64xf32, #tpu.memory_space<vmem_shared>>
      tpu.enqueue_dma source(%arg16 : memref<125x64xf32, #tpu.memory_space<vmem>>) target(%dma_start3A_26 : memref<125x64xf32, #tpu.memory_space<vmem_shared>>) target_semaphore(%run_scoped3A : memref<!tpu.dma_semaphore, #tpu.memory_space<semaphore_mem>>)
      %dma_wait3A = arith.constant 0 : i32
      %dma_wait3A_27 = tpu.memref_slice %arg7[%add3A_19, %dma_wait3A] : memref<10000x64xf32, #tpu.memory_space<vmem_shared>> -> memref<125x64xf32, #tpu.memory_space<vmem_shared>>
      %dma_wait3A_28 = arith.constant 0 : i32
      %dma_wait3A_29 = tpu.memref_slice %arg7[%add3A_19, %dma_wait3A_28] : memref<10000x64xf32, #tpu.memory_space<vmem_shared>> -> memref<125x64xf32, #tpu.memory_space<vmem_shared>>
      tpu.wait_dma2 semaphore(%run_scoped3A : memref<!tpu.dma_semaphore, #tpu.memory_space<semaphore_mem>>) src(%arg16 : memref<125x64xf32, #tpu.memory_space<vmem>>) dst(%dma_wait3A_29 : memref<125x64xf32, #tpu.memory_space<vmem_shared>>)
      tpu.yield
    }) : () -> ()
    "tpu.region"() ({
      %run_scoped3A = tpu.sem_alloc : memref<!tpu.dma_semaphore, #tpu.memory_space<semaphore_mem>>
      %dma_start3A = arith.constant 0 : i32
      %dma_start3A_24 = tpu.memref_slice %arg8[%add3A_19, %dma_start3A] : memref<10000x64xf32, #tpu.memory_space<vmem_shared>> -> memref<125x64xf32, #tpu.memory_space<vmem_shared>>
      %dma_start3A_25 = arith.constant 0 : i32
      %dma_start3A_26 = tpu.memref_slice %arg8[%add3A_19, %dma_start3A_25] : memref<10000x64xf32, #tpu.memory_space<vmem_shared>> -> memref<125x64xf32, #tpu.memory_space<vmem_shared>>
      tpu.enqueue_dma source(%arg17 : memref<125x64xf32, #tpu.memory_space<vmem>>) target(%dma_start3A_26 : memref<125x64xf32, #tpu.memory_space<vmem_shared>>) target_semaphore(%run_scoped3A : memref<!tpu.dma_semaphore, #tpu.memory_space<semaphore_mem>>)
      %dma_wait3A = arith.constant 0 : i32
      %dma_wait3A_27 = tpu.memref_slice %arg8[%add3A_19, %dma_wait3A] : memref<10000x64xf32, #tpu.memory_space<vmem_shared>> -> memref<125x64xf32, #tpu.memory_space<vmem_shared>>
      %dma_wait3A_28 = arith.constant 0 : i32
      %dma_wait3A_29 = tpu.memref_slice %arg8[%add3A_19, %dma_wait3A_28] : memref<10000x64xf32, #tpu.memory_space<vmem_shared>> -> memref<125x64xf32, #tpu.memory_space<vmem_shared>>
      tpu.wait_dma2 semaphore(%run_scoped3A : memref<!tpu.dma_semaphore, #tpu.memory_space<semaphore_mem>>) src(%arg17 : memref<125x64xf32, #tpu.memory_space<vmem>>) dst(%dma_wait3A_29 : memref<125x64xf32, #tpu.memory_space<vmem_shared>>)
      tpu.yield
    }) : () -> ()
    %barrier3A = arith.constant 0 : index
    tpu.barrier barrier_id(%barrier3A)
    %scan3A = arith.constant 0 : i32
    %scan3A_20 = arith.constant 3 : i32
    %scan3A_21 = arith.addi %scan3A, %scan3A_20 : i32
    %scan3A_22 = arith.constant 1 : i32
    scf.for %scan3A_24 = %scan3A to %scan3A_21 step %scan3A_22  : i32 {
      %dma_start3A = arith.constant 0 : i32
      %dma_start3A_25 = arith.constant 0 : i32
      %dma_start3A_26 = arith.constant 0 : i32
      %dma_start3A_27 = arith.constant 0 : i32
      %dma_start3A_28 = tpu.memref_slice %arg9[%dma_start3A, %dma_start3A_26, %dma_start3A_27] : memref<2x4x80xi32, #tpu.memory_space<vmem>> -> memref<1x4x80xi32, #tpu.memory_space<vmem>>
      %dma_start3A_29 = tpu.memref_squeeze %dma_start3A_28 : memref<1x4x80xi32, #tpu.memory_space<vmem>> -> memref<4x80xi32, #tpu.memory_space<vmem>>
      %dma_start3A_30 = arith.constant 0 : i32
      %dma_start3A_31 = arith.constant 0 : i32
      %dma_start3A_32 = tpu.memref_slice %arg3[%arg1, %dma_start3A_30, %dma_start3A_31] : memref<16x260x80xi32, #tpu.memory_space<hbm>> -> memref<1x4x80xi32, #tpu.memory_space<hbm>>
      %dma_start3A_33 = tpu.memref_squeeze %dma_start3A_32 : memref<1x4x80xi32, #tpu.memory_space<hbm>> -> memref<4x80xi32, #tpu.memory_space<hbm>>
      %dma_start3A_34 = tpu.memref_slice %arg21[%dma_start3A_25] : memref<2x!tpu.dma_semaphore, #tpu.memory_space<semaphore_mem>> -> memref<1x!tpu.dma_semaphore, #tpu.memory_space<semaphore_mem>>
      %dma_start3A_35 = tpu.memref_squeeze %dma_start3A_34 : memref<1x!tpu.dma_semaphore, #tpu.memory_space<semaphore_mem>> -> memref<!tpu.dma_semaphore, #tpu.memory_space<semaphore_mem>>
      %dma_start3A_36 = arith.constant 0 : i32
      %dma_start3A_37 = arith.constant 0 : i32
      %dma_start3A_38 = tpu.memref_slice %arg9[%dma_start3A, %dma_start3A_36, %dma_start3A_37] : memref<2x4x80xi32, #tpu.memory_space<vmem>> -> memref<1x4x80xi32, #tpu.memory_space<vmem>>
      %dma_start3A_39 = tpu.memref_squeeze %dma_start3A_38 : memref<1x4x80xi32, #tpu.memory_space<vmem>> -> memref<4x80xi32, #tpu.memory_space<vmem>>
      %dma_start3A_40 = arith.constant 0 : i32
      %dma_start3A_41 = arith.constant 0 : i32
      %dma_start3A_42 = tpu.memref_slice %arg3[%arg1, %dma_start3A_40, %dma_start3A_41] : memref<16x260x80xi32, #tpu.memory_space<hbm>> -> memref<1x4x80xi32, #tpu.memory_space<hbm>>
      %dma_start3A_43 = tpu.memref_squeeze %dma_start3A_42 : memref<1x4x80xi32, #tpu.memory_space<hbm>> -> memref<4x80xi32, #tpu.memory_space<hbm>>
      tpu.enqueue_dma source(%dma_start3A_43 : memref<4x80xi32, #tpu.memory_space<hbm>>) target(%dma_start3A_39 : memref<4x80xi32, #tpu.memory_space<vmem>>) target_semaphore(%dma_start3A_35 : memref<!tpu.dma_semaphore, #tpu.memory_space<semaphore_mem>>)
      %dma_start3A_44 = arith.constant 0 : i32
      %dma_start3A_45 = arith.constant 0 : i32
      %dma_start3A_46 = arith.constant 0 : i32
      %dma_start3A_47 = arith.constant 0 : i32
      %dma_start3A_48 = tpu.memref_slice %arg10[%dma_start3A_44, %dma_start3A_46, %dma_start3A_47] : memref<2x4x80xi32, #tpu.memory_space<vmem>> -> memref<1x4x80xi32, #tpu.memory_space<vmem>>
      %dma_start3A_49 = tpu.memref_squeeze %dma_start3A_48 : memref<1x4x80xi32, #tpu.memory_space<vmem>> -> memref<4x80xi32, #tpu.memory_space<vmem>>
      %dma_start3A_50 = arith.constant 0 : i32
      %dma_start3A_51 = arith.constant 0 : i32
      %dma_start3A_52 = tpu.memref_slice %arg4[%arg1, %dma_start3A_50, %dma_start3A_51] : memref<16x260x80xi32, #tpu.memory_space<hbm>> -> memref<1x4x80xi32, #tpu.memory_space<hbm>>
      %dma_start3A_53 = tpu.memref_squeeze %dma_start3A_52 : memref<1x4x80xi32, #tpu.memory_space<hbm>> -> memref<4x80xi32, #tpu.memory_space<hbm>>
      %dma_start3A_54 = tpu.memref_slice %arg21[%dma_start3A_45] : memref<2x!tpu.dma_semaphore, #tpu.memory_space<semaphore_mem>> -> memref<1x!tpu.dma_semaphore, #tpu.memory_space<semaphore_mem>>
      %dma_start3A_55 = tpu.memref_squeeze %dma_start3A_54 : memref<1x!tpu.dma_semaphore, #tpu.memory_space<semaphore_mem>> -> memref<!tpu.dma_semaphore, #tpu.memory_space<semaphore_mem>>
      %dma_start3A_56 = arith.constant 0 : i32
      %dma_start3A_57 = arith.constant 0 : i32
      %dma_start3A_58 = tpu.memref_slice %arg10[%dma_start3A_44, %dma_start3A_56, %dma_start3A_57] : memref<2x4x80xi32, #tpu.memory_space<vmem>> -> memref<1x4x80xi32, #tpu.memory_space<vmem>>
      %dma_start3A_59 = tpu.memref_squeeze %dma_start3A_58 : memref<1x4x80xi32, #tpu.memory_space<vmem>> -> memref<4x80xi32, #tpu.memory_space<vmem>>
      %dma_start3A_60 = arith.constant 0 : i32
      %dma_start3A_61 = arith.constant 0 : i32
      %dma_start3A_62 = tpu.memref_slice %arg4[%arg1, %dma_start3A_60, %dma_start3A_61] : memref<16x260x80xi32, #tpu.memory_space<hbm>> -> memref<1x4x80xi32, #tpu.memory_space<hbm>>
      %dma_start3A_63 = tpu.memref_squeeze %dma_start3A_62 : memref<1x4x80xi32, #tpu.memory_space<hbm>> -> memref<4x80xi32, #tpu.memory_space<hbm>>
      tpu.enqueue_dma source(%dma_start3A_63 : memref<4x80xi32, #tpu.memory_space<hbm>>) target(%dma_start3A_59 : memref<4x80xi32, #tpu.memory_space<vmem>>) target_semaphore(%dma_start3A_55 : memref<!tpu.dma_semaphore, #tpu.memory_space<semaphore_mem>>)
      %dma_start3A_64 = arith.constant 0 : i32
      %dma_start3A_65 = arith.constant 0 : i32
      %dma_start3A_66 = arith.constant 0 : i32
      %dma_start3A_67 = arith.constant 0 : i32
      %dma_start3A_68 = tpu.memref_slice %arg11[%dma_start3A_64, %dma_start3A_66, %dma_start3A_67] : memref<2x4x80xf32, #tpu.memory_space<vmem>> -> memref<1x4x80xf32, #tpu.memory_space<vmem>>
      %dma_start3A_69 = tpu.memref_squeeze %dma_start3A_68 : memref<1x4x80xf32, #tpu.memory_space<vmem>> -> memref<4x80xf32, #tpu.memory_space<vmem>>
      %dma_start3A_70 = arith.constant 0 : i32
      %dma_start3A_71 = arith.constant 0 : i32
      %dma_start3A_72 = tpu.memref_slice %arg5[%arg1, %dma_start3A_70, %dma_start3A_71] : memref<16x260x80xf32, #tpu.memory_space<hbm>> -> memref<1x4x80xf32, #tpu.memory_space<hbm>>
      %dma_start3A_73 = tpu.memref_squeeze %dma_start3A_72 : memref<1x4x80xf32, #tpu.memory_space<hbm>> -> memref<4x80xf32, #tpu.memory_space<hbm>>
      %dma_start3A_74 = tpu.memref_slice %arg21[%dma_start3A_65] : memref<2x!tpu.dma_semaphore, #tpu.memory_space<semaphore_mem>> -> memref<1x!tpu.dma_semaphore, #tpu.memory_space<semaphore_mem>>
      %dma_start3A_75 = tpu.memref_squeeze %dma_start3A_74 : memref<1x!tpu.dma_semaphore, #tpu.memory_space<semaphore_mem>> -> memref<!tpu.dma_semaphore, #tpu.memory_space<semaphore_mem>>
      %dma_start3A_76 = arith.constant 0 : i32
      %dma_start3A_77 = arith.constant 0 : i32
      %dma_start3A_78 = tpu.memref_slice %arg11[%dma_start3A_64, %dma_start3A_76, %dma_start3A_77] : memref<2x4x80xf32, #tpu.memory_space<vmem>> -> memref<1x4x80xf32, #tpu.memory_space<vmem>>
      %dma_start3A_79 = tpu.memref_squeeze %dma_start3A_78 : memref<1x4x80xf32, #tpu.memory_space<vmem>> -> memref<4x80xf32, #tpu.memory_space<vmem>>
      %dma_start3A_80 = arith.constant 0 : i32
      %dma_start3A_81 = arith.constant 0 : i32
      %dma_start3A_82 = tpu.memref_slice %arg5[%arg1, %dma_start3A_80, %dma_start3A_81] : memref<16x260x80xf32, #tpu.memory_space<hbm>> -> memref<1x4x80xf32, #tpu.memory_space<hbm>>
      %dma_start3A_83 = tpu.memref_squeeze %dma_start3A_82 : memref<1x4x80xf32, #tpu.memory_space<hbm>> -> memref<4x80xf32, #tpu.memory_space<hbm>>
      tpu.enqueue_dma source(%dma_start3A_83 : memref<4x80xf32, #tpu.memory_space<hbm>>) target(%dma_start3A_79 : memref<4x80xf32, #tpu.memory_space<vmem>>) target_semaphore(%dma_start3A_75 : memref<!tpu.dma_semaphore, #tpu.memory_space<semaphore_mem>>)
      %dma_wait3A = arith.constant 0 : i32
      %dma_wait3A_84 = arith.constant 0 : i32
      %dma_wait3A_85 = arith.constant 0 : i32
      %dma_wait3A_86 = arith.constant 0 : i32
      %dma_wait3A_87 = tpu.memref_slice %arg9[%dma_wait3A, %dma_wait3A_85, %dma_wait3A_86] : memref<2x4x80xi32, #tpu.memory_space<vmem>> -> memref<1x4x80xi32, #tpu.memory_space<vmem>>
      %dma_wait3A_88 = tpu.memref_squeeze %dma_wait3A_87 : memref<1x4x80xi32, #tpu.memory_space<vmem>> -> memref<4x80xi32, #tpu.memory_space<vmem>>
      %dma_wait3A_89 = arith.constant 0 : i32
      %dma_wait3A_90 = arith.constant 0 : i32
      %dma_wait3A_91 = tpu.memref_slice %arg3[%arg1, %dma_wait3A_89, %dma_wait3A_90] : memref<16x260x80xi32, #tpu.memory_space<hbm>> -> memref<1x4x80xi32, #tpu.memory_space<hbm>>
      %dma_wait3A_92 = tpu.memref_squeeze %dma_wait3A_91 : memref<1x4x80xi32, #tpu.memory_space<hbm>> -> memref<4x80xi32, #tpu.memory_space<hbm>>
      %dma_wait3A_93 = tpu.memref_slice %arg21[%dma_wait3A_84] : memref<2x!tpu.dma_semaphore, #tpu.memory_space<semaphore_mem>> -> memref<1x!tpu.dma_semaphore, #tpu.memory_space<semaphore_mem>>
      %dma_wait3A_94 = tpu.memref_squeeze %dma_wait3A_93 : memref<1x!tpu.dma_semaphore, #tpu.memory_space<semaphore_mem>> -> memref<!tpu.dma_semaphore, #tpu.memory_space<semaphore_mem>>
      %dma_wait3A_95 = arith.constant 0 : i32
      %dma_wait3A_96 = arith.constant 0 : i32
      %dma_wait3A_97 = tpu.memref_slice %arg9[%dma_wait3A, %dma_wait3A_95, %dma_wait3A_96] : memref<2x4x80xi32, #tpu.memory_space<vmem>> -> memref<1x4x80xi32, #tpu.memory_space<vmem>>
      %dma_wait3A_98 = tpu.memref_squeeze %dma_wait3A_97 : memref<1x4x80xi32, #tpu.memory_space<vmem>> -> memref<4x80xi32, #tpu.memory_space<vmem>>
      %dma_wait3A_99 = arith.constant 0 : i32
      %dma_wait3A_100 = arith.constant 0 : i32
      %dma_wait3A_101 = tpu.memref_slice %arg3[%arg1, %dma_wait3A_99, %dma_wait3A_100] : memref<16x260x80xi32, #tpu.memory_space<hbm>> -> memref<1x4x80xi32, #tpu.memory_space<hbm>>
      %dma_wait3A_102 = tpu.memref_squeeze %dma_wait3A_101 : memref<1x4x80xi32, #tpu.memory_space<hbm>> -> memref<4x80xi32, #tpu.memory_space<hbm>>
      tpu.wait_dma2 semaphore(%dma_wait3A_94 : memref<!tpu.dma_semaphore, #tpu.memory_space<semaphore_mem>>) src(%dma_wait3A_102 : memref<4x80xi32, #tpu.memory_space<hbm>>) dst(%dma_wait3A_98 : memref<4x80xi32, #tpu.memory_space<vmem>>)
      %dma_wait3A_103 = arith.constant 0 : i32
      %dma_wait3A_104 = arith.constant 0 : i32
      %dma_wait3A_105 = arith.constant 0 : i32
      %dma_wait3A_106 = arith.constant 0 : i32
      %dma_wait3A_107 = tpu.memref_slice %arg10[%dma_wait3A_103, %dma_wait3A_105, %dma_wait3A_106] : memref<2x4x80xi32, #tpu.memory_space<vmem>> -> memref<1x4x80xi32, #tpu.memory_space<vmem>>
      %dma_wait3A_108 = tpu.memref_squeeze %dma_wait3A_107 : memref<1x4x80xi32, #tpu.memory_space<vmem>> -> memref<4x80xi32, #tpu.memory_space<vmem>>
      %dma_wait3A_109 = arith.constant 0 : i32
      %dma_wait3A_110 = arith.constant 0 : i32
      %dma_wait3A_111 = tpu.memref_slice %arg4[%arg1, %dma_wait3A_109, %dma_wait3A_110] : memref<16x260x80xi32, #tpu.memory_space<hbm>> -> memref<1x4x80xi32, #tpu.memory_space<hbm>>
      %dma_wait3A_112 = tpu.memref_squeeze %dma_wait3A_111 : memref<1x4x80xi32, #tpu.memory_space<hbm>> -> memref<4x80xi32, #tpu.memory_space<hbm>>
      %dma_wait3A_113 = tpu.memref_slice %arg21[%dma_wait3A_104] : memref<2x!tpu.dma_semaphore, #tpu.memory_space<semaphore_mem>> -> memref<1x!tpu.dma_semaphore, #tpu.memory_space<semaphore_mem>>
      %dma_wait3A_114 = tpu.memref_squeeze %dma_wait3A_113 : memref<1x!tpu.dma_semaphore, #tpu.memory_space<semaphore_mem>> -> memref<!tpu.dma_semaphore, #tpu.memory_space<semaphore_mem>>
      %dma_wait3A_115 = arith.constant 0 : i32
      %dma_wait3A_116 = arith.constant 0 : i32
      %dma_wait3A_117 = tpu.memref_slice %arg10[%dma_wait3A_103, %dma_wait3A_115, %dma_wait3A_116] : memref<2x4x80xi32, #tpu.memory_space<vmem>> -> memref<1x4x80xi32, #tpu.memory_space<vmem>>
      %dma_wait3A_118 = tpu.memref_squeeze %dma_wait3A_117 : memref<1x4x80xi32, #tpu.memory_space<vmem>> -> memref<4x80xi32, #tpu.memory_space<vmem>>
      %dma_wait3A_119 = arith.constant 0 : i32
      %dma_wait3A_120 = arith.constant 0 : i32
      %dma_wait3A_121 = tpu.memref_slice %arg4[%arg1, %dma_wait3A_119, %dma_wait3A_120] : memref<16x260x80xi32, #tpu.memory_space<hbm>> -> memref<1x4x80xi32, #tpu.memory_space<hbm>>
      %dma_wait3A_122 = tpu.memref_squeeze %dma_wait3A_121 : memref<1x4x80xi32, #tpu.memory_space<hbm>> -> memref<4x80xi32, #tpu.memory_space<hbm>>
      tpu.wait_dma2 semaphore(%dma_wait3A_114 : memref<!tpu.dma_semaphore, #tpu.memory_space<semaphore_mem>>) src(%dma_wait3A_122 : memref<4x80xi32, #tpu.memory_space<hbm>>) dst(%dma_wait3A_118 : memref<4x80xi32, #tpu.memory_space<vmem>>)
      %dma_wait3A_123 = arith.constant 0 : i32
      %dma_wait3A_124 = arith.constant 0 : i32
      %dma_wait3A_125 = arith.constant 0 : i32
      %dma_wait3A_126 = arith.constant 0 : i32
      %dma_wait3A_127 = tpu.memref_slice %arg11[%dma_wait3A_123, %dma_wait3A_125, %dma_wait3A_126] : memref<2x4x80xf32, #tpu.memory_space<vmem>> -> memref<1x4x80xf32, #tpu.memory_space<vmem>>
      %dma_wait3A_128 = tpu.memref_squeeze %dma_wait3A_127 : memref<1x4x80xf32, #tpu.memory_space<vmem>> -> memref<4x80xf32, #tpu.memory_space<vmem>>
      %dma_wait3A_129 = arith.constant 0 : i32
      %dma_wait3A_130 = arith.constant 0 : i32
      %dma_wait3A_131 = tpu.memref_slice %arg5[%arg1, %dma_wait3A_129, %dma_wait3A_130] : memref<16x260x80xf32, #tpu.memory_space<hbm>> -> memref<1x4x80xf32, #tpu.memory_space<hbm>>
      %dma_wait3A_132 = tpu.memref_squeeze %dma_wait3A_131 : memref<1x4x80xf32, #tpu.memory_space<hbm>> -> memref<4x80xf32, #tpu.memory_space<hbm>>
      %dma_wait3A_133 = tpu.memref_slice %arg21[%dma_wait3A_124] : memref<2x!tpu.dma_semaphore, #tpu.memory_space<semaphore_mem>> -> memref<1x!tpu.dma_semaphore, #tpu.memory_space<semaphore_mem>>
      %dma_wait3A_134 = tpu.memref_squeeze %dma_wait3A_133 : memref<1x!tpu.dma_semaphore, #tpu.memory_space<semaphore_mem>> -> memref<!tpu.dma_semaphore, #tpu.memory_space<semaphore_mem>>
      %dma_wait3A_135 = arith.constant 0 : i32
      %dma_wait3A_136 = arith.constant 0 : i32
      %dma_wait3A_137 = tpu.memref_slice %arg11[%dma_wait3A_123, %dma_wait3A_135, %dma_wait3A_136] : memref<2x4x80xf32, #tpu.memory_space<vmem>> -> memref<1x4x80xf32, #tpu.memory_space<vmem>>
      %dma_wait3A_138 = tpu.memref_squeeze %dma_wait3A_137 : memref<1x4x80xf32, #tpu.memory_space<vmem>> -> memref<4x80xf32, #tpu.memory_space<vmem>>
      %dma_wait3A_139 = arith.constant 0 : i32
      %dma_wait3A_140 = arith.constant 0 : i32
      %dma_wait3A_141 = tpu.memref_slice %arg5[%arg1, %dma_wait3A_139, %dma_wait3A_140] : memref<16x260x80xf32, #tpu.memory_space<hbm>> -> memref<1x4x80xf32, #tpu.memory_space<hbm>>
      %dma_wait3A_142 = tpu.memref_squeeze %dma_wait3A_141 : memref<1x4x80xf32, #tpu.memory_space<hbm>> -> memref<4x80xf32, #tpu.memory_space<hbm>>
      tpu.wait_dma2 semaphore(%dma_wait3A_134 : memref<!tpu.dma_semaphore, #tpu.memory_space<semaphore_mem>>) src(%dma_wait3A_142 : memref<4x80xf32, #tpu.memory_space<hbm>>) dst(%dma_wait3A_138 : memref<4x80xf32, #tpu.memory_space<vmem>>)
      %dma_start3A_143 = arith.constant 0 : i32
      %dma_start3A_144 = arith.constant 0 : i32
      %dma_start3A_145 = arith.constant 0 : i32
      %dma_start3A_146 = arith.constant 0 : i32
      %dma_start3A_147 = tpu.memref_slice %arg10[%dma_start3A_143, %dma_start3A_144, %dma_start3A_146] : memref<2x4x80xi32, #tpu.memory_space<vmem>> -> memref<1x1x80xi32, #tpu.memory_space<vmem>>
      %dma_start3A_148 = tpu.memref_squeeze %dma_start3A_147 : memref<1x1x80xi32, #tpu.memory_space<vmem>> -> memref<80xi32, #tpu.memory_space<vmem>>
      %dma_start3A_149 = arith.constant 0 : i32
      %dma_start3A_150 = arith.constant 0 : i32
      %dma_start3A_151 = tpu.memref_slice %arg7[%dma_start3A_149, %dma_start3A_150] : memref<10000x64xf32, #tpu.memory_space<vmem_shared>> -> memref<10000x64xf32, #tpu.memory_space<vmem_shared>>
      %dma_start3A_152 = tpu.memref_slice %arg19[%dma_start3A_145] : memref<4x!tpu.dma_semaphore, #tpu.memory_space<semaphore_mem>> -> memref<1x!tpu.dma_semaphore, #tpu.memory_space<semaphore_mem>>
      %dma_start3A_153 = tpu.memref_squeeze %dma_start3A_152 : memref<1x!tpu.dma_semaphore, #tpu.memory_space<semaphore_mem>> -> memref<!tpu.dma_semaphore, #tpu.memory_space<semaphore_mem>>
      tpu.enqueue_indirect_dma source(%dma_start3A_151 : memref<10000x64xf32, #tpu.memory_space<vmem_shared>>) target(%arg12 : memref<80x64xf32, #tpu.memory_space<vmem>>) offsets(%dma_start3A_148 : memref<80xi32, #tpu.memory_space<vmem>>) semaphore(%dma_start3A_153 : memref<!tpu.dma_semaphore, #tpu.memory_space<semaphore_mem>>)
      %dma_start3A_154 = arith.constant 0 : i32
      %dma_start3A_155 = arith.constant 1 : i32
      %dma_start3A_156 = arith.constant 1 : i32
      %dma_start3A_157 = arith.constant 0 : i32
      %dma_start3A_158 = tpu.memref_slice %arg10[%dma_start3A_154, %dma_start3A_155, %dma_start3A_157] : memref<2x4x80xi32, #tpu.memory_space<vmem>> -> memref<1x1x80xi32, #tpu.memory_space<vmem>>
      %dma_start3A_159 = tpu.memref_squeeze %dma_start3A_158 : memref<1x1x80xi32, #tpu.memory_space<vmem>> -> memref<80xi32, #tpu.memory_space<vmem>>
      %dma_start3A_160 = arith.constant 0 : i32
      %dma_start3A_161 = arith.constant 0 : i32
      %dma_start3A_162 = tpu.memref_slice %arg7[%dma_start3A_160, %dma_start3A_161] : memref<10000x64xf32, #tpu.memory_space<vmem_shared>> -> memref<10000x64xf32, #tpu.memory_space<vmem_shared>>
      %dma_start3A_163 = tpu.memref_slice %arg19[%dma_start3A_156] : memref<4x!tpu.dma_semaphore, #tpu.memory_space<semaphore_mem>> -> memref<1x!tpu.dma_semaphore, #tpu.memory_space<semaphore_mem>>
      %dma_start3A_164 = tpu.memref_squeeze %dma_start3A_163 : memref<1x!tpu.dma_semaphore, #tpu.memory_space<semaphore_mem>> -> memref<!tpu.dma_semaphore, #tpu.memory_space<semaphore_mem>>
      tpu.enqueue_indirect_dma source(%dma_start3A_162 : memref<10000x64xf32, #tpu.memory_space<vmem_shared>>) target(%arg13 : memref<80x64xf32, #tpu.memory_space<vmem>>) offsets(%dma_start3A_159 : memref<80xi32, #tpu.memory_space<vmem>>) semaphore(%dma_start3A_164 : memref<!tpu.dma_semaphore, #tpu.memory_space<semaphore_mem>>)
      %scan3A_165 = arith.constant 0 : i32
      %scan3A_166 = arith.constant 65 : i32
      %scan3A_167 = arith.addi %scan3A_165, %scan3A_166 : i32
      %scan3A_168 = arith.constant 1 : i32
      scf.for %scan3A_587 = %scan3A_165 to %scan3A_167 step %scan3A_168  : i32 {
        %rem3A = arith.constant 2 : i32
        %rem3A_588 = arith.remsi %scan3A_587, %rem3A : i32
        %sub3A = arith.constant 1 : i32
        %sub3A_589 = arith.subi %sub3A, %rem3A_588 : i32
        %lt3A = arith.constant 64 : i32
        %lt3A_590 = arith.cmpi slt, %scan3A_587, %lt3A : i32
        %convert_element_type3A_591 = arith.extui %lt3A_590 : i1 to i32
        %cond3A_592 = arith.constant 0 : i32
        %cond3A_593 = arith.cmpi ne, %convert_element_type3A_591, %cond3A_592 : i32
        scf.if %cond3A_593 {
          %add3A_728 = arith.constant 1 : i32
          %add3A_729 = arith.addi %scan3A_587, %add3A_728 : i32
          %mul3A_730 = arith.constant 4 : i32
          %mul3A_731 = arith.muli %add3A_729, %mul3A_730 : i32
          %dma_start3A_732 = arith.constant 0 : i32
          %dma_start3A_733 = arith.constant 0 : i32
          %dma_start3A_734 = tpu.memref_slice %arg9[%sub3A_589, %dma_start3A_732, %dma_start3A_733] : memref<2x4x80xi32, #tpu.memory_space<vmem>> -> memref<1x4x80xi32, #tpu.memory_space<vmem>>
          %dma_start3A_735 = tpu.memref_squeeze %dma_start3A_734 : memref<1x4x80xi32, #tpu.memory_space<vmem>> -> memref<4x80xi32, #tpu.memory_space<vmem>>
          %dma_start3A_736 = arith.constant 0 : i32
          %dma_start3A_737 = tpu.memref_slice %arg3[%arg1, %mul3A_731, %dma_start3A_736] : memref<16x260x80xi32, #tpu.memory_space<hbm>> -> memref<1x4x80xi32, #tpu.memory_space<hbm>>
          %dma_start3A_738 = tpu.memref_squeeze %dma_start3A_737 : memref<1x4x80xi32, #tpu.memory_space<hbm>> -> memref<4x80xi32, #tpu.memory_space<hbm>>
          %dma_start3A_739 = tpu.memref_slice %arg21[%sub3A_589] : memref<2x!tpu.dma_semaphore, #tpu.memory_space<semaphore_mem>> -> memref<1x!tpu.dma_semaphore, #tpu.memory_space<semaphore_mem>>
          %dma_start3A_740 = tpu.memref_squeeze %dma_start3A_739 : memref<1x!tpu.dma_semaphore, #tpu.memory_space<semaphore_mem>> -> memref<!tpu.dma_semaphore, #tpu.memory_space<semaphore_mem>>
          %dma_start3A_741 = arith.constant 0 : i32
          %dma_start3A_742 = arith.constant 0 : i32
          %dma_start3A_743 = tpu.memref_slice %arg9[%sub3A_589, %dma_start3A_741, %dma_start3A_742] : memref<2x4x80xi32, #tpu.memory_space<vmem>> -> memref<1x4x80xi32, #tpu.memory_space<vmem>>
          %dma_start3A_744 = tpu.memref_squeeze %dma_start3A_743 : memref<1x4x80xi32, #tpu.memory_space<vmem>> -> memref<4x80xi32, #tpu.memory_space<vmem>>
          %dma_start3A_745 = arith.constant 0 : i32
          %dma_start3A_746 = tpu.memref_slice %arg3[%arg1, %mul3A_731, %dma_start3A_745] : memref<16x260x80xi32, #tpu.memory_space<hbm>> -> memref<1x4x80xi32, #tpu.memory_space<hbm>>
          %dma_start3A_747 = tpu.memref_squeeze %dma_start3A_746 : memref<1x4x80xi32, #tpu.memory_space<hbm>> -> memref<4x80xi32, #tpu.memory_space<hbm>>
          tpu.enqueue_dma source(%dma_start3A_747 : memref<4x80xi32, #tpu.memory_space<hbm>>) target(%dma_start3A_744 : memref<4x80xi32, #tpu.memory_space<vmem>>) target_semaphore(%dma_start3A_740 : memref<!tpu.dma_semaphore, #tpu.memory_space<semaphore_mem>>)
          %dma_start3A_748 = arith.constant 0 : i32
          %dma_start3A_749 = arith.constant 0 : i32
          %dma_start3A_750 = tpu.memref_slice %arg10[%sub3A_589, %dma_start3A_748, %dma_start3A_749] : memref<2x4x80xi32, #tpu.memory_space<vmem>> -> memref<1x4x80xi32, #tpu.memory_space<vmem>>
          %dma_start3A_751 = tpu.memref_squeeze %dma_start3A_750 : memref<1x4x80xi32, #tpu.memory_space<vmem>> -> memref<4x80xi32, #tpu.memory_space<vmem>>
          %dma_start3A_752 = arith.constant 0 : i32
          %dma_start3A_753 = tpu.memref_slice %arg4[%arg1, %mul3A_731, %dma_start3A_752] : memref<16x260x80xi32, #tpu.memory_space<hbm>> -> memref<1x4x80xi32, #tpu.memory_space<hbm>>
          %dma_start3A_754 = tpu.memref_squeeze %dma_start3A_753 : memref<1x4x80xi32, #tpu.memory_space<hbm>> -> memref<4x80xi32, #tpu.memory_space<hbm>>
          %dma_start3A_755 = tpu.memref_slice %arg21[%sub3A_589] : memref<2x!tpu.dma_semaphore, #tpu.memory_space<semaphore_mem>> -> memref<1x!tpu.dma_semaphore, #tpu.memory_space<semaphore_mem>>
          %dma_start3A_756 = tpu.memref_squeeze %dma_start3A_755 : memref<1x!tpu.dma_semaphore, #tpu.memory_space<semaphore_mem>> -> memref<!tpu.dma_semaphore, #tpu.memory_space<semaphore_mem>>
          %dma_start3A_757 = arith.constant 0 : i32
          %dma_start3A_758 = arith.constant 0 : i32
          %dma_start3A_759 = tpu.memref_slice %arg10[%sub3A_589, %dma_start3A_757, %dma_start3A_758] : memref<2x4x80xi32, #tpu.memory_space<vmem>> -> memref<1x4x80xi32, #tpu.memory_space<vmem>>
          %dma_start3A_760 = tpu.memref_squeeze %dma_start3A_759 : memref<1x4x80xi32, #tpu.memory_space<vmem>> -> memref<4x80xi32, #tpu.memory_space<vmem>>
          %dma_start3A_761 = arith.constant 0 : i32
          %dma_start3A_762 = tpu.memref_slice %arg4[%arg1, %mul3A_731, %dma_start3A_761] : memref<16x260x80xi32, #tpu.memory_space<hbm>> -> memref<1x4x80xi32, #tpu.memory_space<hbm>>
          %dma_start3A_763 = tpu.memref_squeeze %dma_start3A_762 : memref<1x4x80xi32, #tpu.memory_space<hbm>> -> memref<4x80xi32, #tpu.memory_space<hbm>>
          tpu.enqueue_dma source(%dma_start3A_763 : memref<4x80xi32, #tpu.memory_space<hbm>>) target(%dma_start3A_760 : memref<4x80xi32, #tpu.memory_space<vmem>>) target_semaphore(%dma_start3A_756 : memref<!tpu.dma_semaphore, #tpu.memory_space<semaphore_mem>>)
          %dma_start3A_764 = arith.constant 0 : i32
          %dma_start3A_765 = arith.constant 0 : i32
          %dma_start3A_766 = tpu.memref_slice %arg11[%sub3A_589, %dma_start3A_764, %dma_start3A_765] : memref<2x4x80xf32, #tpu.memory_space<vmem>> -> memref<1x4x80xf32, #tpu.memory_space<vmem>>
          %dma_start3A_767 = tpu.memref_squeeze %dma_start3A_766 : memref<1x4x80xf32, #tpu.memory_space<vmem>> -> memref<4x80xf32, #tpu.memory_space<vmem>>
          %dma_start3A_768 = arith.constant 0 : i32
          %dma_start3A_769 = tpu.memref_slice %arg5[%arg1, %mul3A_731, %dma_start3A_768] : memref<16x260x80xf32, #tpu.memory_space<hbm>> -> memref<1x4x80xf32, #tpu.memory_space<hbm>>
          %dma_start3A_770 = tpu.memref_squeeze %dma_start3A_769 : memref<1x4x80xf32, #tpu.memory_space<hbm>> -> memref<4x80xf32, #tpu.memory_space<hbm>>
          %dma_start3A_771 = tpu.memref_slice %arg21[%sub3A_589] : memref<2x!tpu.dma_semaphore, #tpu.memory_space<semaphore_mem>> -> memref<1x!tpu.dma_semaphore, #tpu.memory_space<semaphore_mem>>
          %dma_start3A_772 = tpu.memref_squeeze %dma_start3A_771 : memref<1x!tpu.dma_semaphore, #tpu.memory_space<semaphore_mem>> -> memref<!tpu.dma_semaphore, #tpu.memory_space<semaphore_mem>>
          %dma_start3A_773 = arith.constant 0 : i32
          %dma_start3A_774 = arith.constant 0 : i32
          %dma_start3A_775 = tpu.memref_slice %arg11[%sub3A_589, %dma_start3A_773, %dma_start3A_774] : memref<2x4x80xf32, #tpu.memory_space<vmem>> -> memref<1x4x80xf32, #tpu.memory_space<vmem>>
          %dma_start3A_776 = tpu.memref_squeeze %dma_start3A_775 : memref<1x4x80xf32, #tpu.memory_space<vmem>> -> memref<4x80xf32, #tpu.memory_space<vmem>>
          %dma_start3A_777 = arith.constant 0 : i32
          %dma_start3A_778 = tpu.memref_slice %arg5[%arg1, %mul3A_731, %dma_start3A_777] : memref<16x260x80xf32, #tpu.memory_space<hbm>> -> memref<1x4x80xf32, #tpu.memory_space<hbm>>
          %dma_start3A_779 = tpu.memref_squeeze %dma_start3A_778 : memref<1x4x80xf32, #tpu.memory_space<hbm>> -> memref<4x80xf32, #tpu.memory_space<hbm>>
          tpu.enqueue_dma source(%dma_start3A_779 : memref<4x80xf32, #tpu.memory_space<hbm>>) target(%dma_start3A_776 : memref<4x80xf32, #tpu.memory_space<vmem>>) target_semaphore(%dma_start3A_772 : memref<!tpu.dma_semaphore, #tpu.memory_space<semaphore_mem>>)
        } else {
        }
        %gt3A = arith.constant 0 : i32
        %gt3A_594 = arith.cmpi sgt, %scan3A_587, %gt3A : i32
        %convert_element_type3A_595 = arith.extui %gt3A_594 : i1 to i32
        %cond3A_596 = arith.constant 0 : i32
        %cond3A_597 = arith.cmpi ne, %convert_element_type3A_595, %cond3A_596 : i32
        scf.if %cond3A_597 {
          %dma_wait3A_728 = arith.constant 2 : i32
          %dma_wait3A_729 = arith.constant 0 : i32
          %dma_wait3A_730 = arith.constant 0 : i32
          %dma_wait3A_731 = tpu.memref_slice %arg8[%dma_wait3A_729, %dma_wait3A_730] : memref<10000x64xf32, #tpu.memory_space<vmem_shared>> -> memref<80x64xf32, #tpu.memory_space<vmem_shared>>
          %dma_wait3A_732 = tpu.memref_slice %arg20[%dma_wait3A_728] : memref<4x!tpu.dma_semaphore, #tpu.memory_space<semaphore_mem>> -> memref<1x!tpu.dma_semaphore, #tpu.memory_space<semaphore_mem>>
          %dma_wait3A_733 = tpu.memref_squeeze %dma_wait3A_732 : memref<1x!tpu.dma_semaphore, #tpu.memory_space<semaphore_mem>> -> memref<!tpu.dma_semaphore, #tpu.memory_space<semaphore_mem>>
          %dma_wait3A_734 = arith.constant 0 : i32
          %dma_wait3A_735 = arith.constant 0 : i32
          %dma_wait3A_736 = tpu.memref_slice %arg8[%dma_wait3A_734, %dma_wait3A_735] : memref<10000x64xf32, #tpu.memory_space<vmem_shared>> -> memref<80x64xf32, #tpu.memory_space<vmem_shared>>
          tpu.wait_dma2 semaphore(%dma_wait3A_733 : memref<!tpu.dma_semaphore, #tpu.memory_space<semaphore_mem>>) src(%arg14 : memref<80x64xf32, #tpu.memory_space<vmem>>) dst(%dma_wait3A_736 : memref<80x64xf32, #tpu.memory_space<vmem_shared>>)
        } else {
        }
        %dma_start3A_598 = arith.constant 2 : i32
        %dma_start3A_599 = arith.constant 2 : i32
        %dma_start3A_600 = arith.constant 0 : i32
        %dma_start3A_601 = tpu.memref_slice %arg10[%rem3A_588, %dma_start3A_598, %dma_start3A_600] : memref<2x4x80xi32, #tpu.memory_space<vmem>> -> memref<1x1x80xi32, #tpu.memory_space<vmem>>
        %dma_start3A_602 = tpu.memref_squeeze %dma_start3A_601 : memref<1x1x80xi32, #tpu.memory_space<vmem>> -> memref<80xi32, #tpu.memory_space<vmem>>
        %dma_start3A_603 = arith.constant 0 : i32
        %dma_start3A_604 = arith.constant 0 : i32
        %dma_start3A_605 = tpu.memref_slice %arg7[%dma_start3A_603, %dma_start3A_604] : memref<10000x64xf32, #tpu.memory_space<vmem_shared>> -> memref<10000x64xf32, #tpu.memory_space<vmem_shared>>
        %dma_start3A_606 = tpu.memref_slice %arg19[%dma_start3A_599] : memref<4x!tpu.dma_semaphore, #tpu.memory_space<semaphore_mem>> -> memref<1x!tpu.dma_semaphore, #tpu.memory_space<semaphore_mem>>
        %dma_start3A_607 = tpu.memref_squeeze %dma_start3A_606 : memref<1x!tpu.dma_semaphore, #tpu.memory_space<semaphore_mem>> -> memref<!tpu.dma_semaphore, #tpu.memory_space<semaphore_mem>>
        tpu.enqueue_indirect_dma source(%dma_start3A_605 : memref<10000x64xf32, #tpu.memory_space<vmem_shared>>) target(%arg14 : memref<80x64xf32, #tpu.memory_space<vmem>>) offsets(%dma_start3A_602 : memref<80xi32, #tpu.memory_space<vmem>>) semaphore(%dma_start3A_607 : memref<!tpu.dma_semaphore, #tpu.memory_space<semaphore_mem>>)
        %dma_wait3A_608 = arith.constant 0 : i32
        %dma_wait3A_609 = arith.constant 0 : i32
        %dma_wait3A_610 = arith.constant 0 : i32
        %dma_wait3A_611 = tpu.memref_slice %arg7[%dma_wait3A_609, %dma_wait3A_610] : memref<10000x64xf32, #tpu.memory_space<vmem_shared>> -> memref<80x64xf32, #tpu.memory_space<vmem_shared>>
        %dma_wait3A_612 = tpu.memref_slice %arg19[%dma_wait3A_608] : memref<4x!tpu.dma_semaphore, #tpu.memory_space<semaphore_mem>> -> memref<1x!tpu.dma_semaphore, #tpu.memory_space<semaphore_mem>>
        %dma_wait3A_613 = tpu.memref_squeeze %dma_wait3A_612 : memref<1x!tpu.dma_semaphore, #tpu.memory_space<semaphore_mem>> -> memref<!tpu.dma_semaphore, #tpu.memory_space<semaphore_mem>>
        %dma_wait3A_614 = arith.constant 0 : i32
        %dma_wait3A_615 = arith.constant 0 : i32
        %dma_wait3A_616 = tpu.memref_slice %arg7[%dma_wait3A_614, %dma_wait3A_615] : memref<10000x64xf32, #tpu.memory_space<vmem_shared>> -> memref<80x64xf32, #tpu.memory_space<vmem_shared>>
        tpu.wait_dma2 semaphore(%dma_wait3A_613 : memref<!tpu.dma_semaphore, #tpu.memory_space<semaphore_mem>>) src(%dma_wait3A_616 : memref<80x64xf32, #tpu.memory_space<vmem_shared>>) dst(%arg12 : memref<80x64xf32, #tpu.memory_space<vmem>>)
        %broadcast_in_dim3A = arith.constant 0 : i32
        %broadcast_in_dim3A_617 = vector.broadcast %broadcast_in_dim3A : i32 to vector<16xi32>
        %broadcast_in_dim3A_618 = vector.broadcast %rem3A_588 : i32 to vector<16xi32>
        %parallel_loop3A_619 = arith.constant 0 : i32
        %parallel_loop3A_620 = arith.constant 80 : i32
        %parallel_loop3A_621 = arith.constant 1 : i32
        scf.for %parallel_loop3A_728 = %parallel_loop3A_619 to %parallel_loop3A_620 step %parallel_loop3A_621  : i32 {
          %parallel_loop3A_729 = vector.broadcast %parallel_loop3A_728 : i32 to vector<16xi32>
          %parallel_loop3A_730 = tpu.vector_load_idx %arg11[%broadcast_in_dim3A_618, %broadcast_in_dim3A_617, %parallel_loop3A_729] : memref<2x4x80xf32, #tpu.memory_space<vmem>>[vector<16xi32>, vector<16xi32>, vector<16xi32>], vector<16xf32>,
          %parallel_loop3A_731 = arith.index_cast %parallel_loop3A_728 : i32 to index
          %parallel_loop3A_732 = arith.constant 0 : index
          %parallel_loop3A_733 = tpu.vector_load %arg12[%parallel_loop3A_731, %parallel_loop3A_732] {strides = array<i32>} : memref<80x64xf32, #tpu.memory_space<vmem>>, vector<16xf32>,
          %parallel_loop3A_734 = arith.mulf %parallel_loop3A_733, %parallel_loop3A_730 : vector<16xf32>
          %parallel_loop3A_735 = arith.index_cast %parallel_loop3A_728 : i32 to index
          %parallel_loop3A_736 = arith.constant 0 : index
          %parallel_loop3A_737 = tpu.vector_load %arg12[%parallel_loop3A_735, %parallel_loop3A_736] {strides = array<i32>} : memref<80x64xf32, #tpu.memory_space<vmem>>, vector<16xf32>,
          tpu.vector_store %arg12[%parallel_loop3A_735, %parallel_loop3A_736], %parallel_loop3A_734 {strides = array<i32>} : memref<80x64xf32, #tpu.memory_space<vmem>>, vector<16xf32>,
          %parallel_loop3A_738 = arith.index_cast %parallel_loop3A_728 : i32 to index
          %parallel_loop3A_739 = arith.constant 16 : index
          %parallel_loop3A_740 = tpu.vector_load %arg12[%parallel_loop3A_738, %parallel_loop3A_739] {strides = array<i32>} : memref<80x64xf32, #tpu.memory_space<vmem>>, vector<16xf32>,
          %parallel_loop3A_741 = arith.mulf %parallel_loop3A_740, %parallel_loop3A_730 : vector<16xf32>
          %parallel_loop3A_742 = arith.index_cast %parallel_loop3A_728 : i32 to index
          %parallel_loop3A_743 = arith.constant 16 : index
          %parallel_loop3A_744 = tpu.vector_load %arg12[%parallel_loop3A_742, %parallel_loop3A_743] {strides = array<i32>} : memref<80x64xf32, #tpu.memory_space<vmem>>, vector<16xf32>,
          tpu.vector_store %arg12[%parallel_loop3A_742, %parallel_loop3A_743], %parallel_loop3A_741 {strides = array<i32>} : memref<80x64xf32, #tpu.memory_space<vmem>>, vector<16xf32>,
          %parallel_loop3A_745 = arith.index_cast %parallel_loop3A_728 : i32 to index
          %parallel_loop3A_746 = arith.constant 32 : index
          %parallel_loop3A_747 = tpu.vector_load %arg12[%parallel_loop3A_745, %parallel_loop3A_746] {strides = array<i32>} : memref<80x64xf32, #tpu.memory_space<vmem>>, vector<16xf32>,
          %parallel_loop3A_748 = arith.mulf %parallel_loop3A_747, %parallel_loop3A_730 : vector<16xf32>
          %parallel_loop3A_749 = arith.index_cast %parallel_loop3A_728 : i32 to index
          %parallel_loop3A_750 = arith.constant 32 : index
          %parallel_loop3A_751 = tpu.vector_load %arg12[%parallel_loop3A_749, %parallel_loop3A_750] {strides = array<i32>} : memref<80x64xf32, #tpu.memory_space<vmem>>, vector<16xf32>,
          tpu.vector_store %arg12[%parallel_loop3A_749, %parallel_loop3A_750], %parallel_loop3A_748 {strides = array<i32>} : memref<80x64xf32, #tpu.memory_space<vmem>>, vector<16xf32>,
          %parallel_loop3A_752 = arith.index_cast %parallel_loop3A_728 : i32 to index
          %parallel_loop3A_753 = arith.constant 48 : index
          %parallel_loop3A_754 = tpu.vector_load %arg12[%parallel_loop3A_752, %parallel_loop3A_753] {strides = array<i32>} : memref<80x64xf32, #tpu.memory_space<vmem>>, vector<16xf32>,
          %parallel_loop3A_755 = arith.mulf %parallel_loop3A_754, %parallel_loop3A_730 : vector<16xf32>
          %parallel_loop3A_756 = arith.index_cast %parallel_loop3A_728 : i32 to index
          %parallel_loop3A_757 = arith.constant 48 : index
          %parallel_loop3A_758 = tpu.vector_load %arg12[%parallel_loop3A_756, %parallel_loop3A_757] {strides = array<i32>} : memref<80x64xf32, #tpu.memory_space<vmem>>, vector<16xf32>,
          tpu.vector_store %arg12[%parallel_loop3A_756, %parallel_loop3A_757], %parallel_loop3A_755 {strides = array<i32>} : memref<80x64xf32, #tpu.memory_space<vmem>>, vector<16xf32>,
        } {sc.loop_unroll_factor = 8 : i64, sc.parallel_access}
        %dma_start3A_622 = arith.constant 0 : i32
        %dma_start3A_623 = arith.constant 0 : i32
        %dma_start3A_624 = arith.constant 0 : i32
        %dma_start3A_625 = tpu.memref_slice %arg9[%rem3A_588, %dma_start3A_622, %dma_start3A_624] : memref<2x4x80xi32, #tpu.memory_space<vmem>> -> memref<1x1x80xi32, #tpu.memory_space<vmem>>
        %dma_start3A_626 = tpu.memref_squeeze %dma_start3A_625 : memref<1x1x80xi32, #tpu.memory_space<vmem>> -> memref<80xi32, #tpu.memory_space<vmem>>
        %dma_start3A_627 = arith.constant 0 : i32
        %dma_start3A_628 = arith.constant 0 : i32
        %dma_start3A_629 = tpu.memref_slice %arg8[%dma_start3A_627, %dma_start3A_628] : memref<10000x64xf32, #tpu.memory_space<vmem_shared>> -> memref<10000x64xf32, #tpu.memory_space<vmem_shared>>
        %dma_start3A_630 = tpu.memref_slice %arg20[%dma_start3A_623] : memref<4x!tpu.dma_semaphore, #tpu.memory_space<semaphore_mem>> -> memref<1x!tpu.dma_semaphore, #tpu.memory_space<semaphore_mem>>
        %dma_start3A_631 = tpu.memref_squeeze %dma_start3A_630 : memref<1x!tpu.dma_semaphore, #tpu.memory_space<semaphore_mem>> -> memref<!tpu.dma_semaphore, #tpu.memory_space<semaphore_mem>>
        tpu.enqueue_indirect_dma source(%arg12 : memref<80x64xf32, #tpu.memory_space<vmem>>) target(%dma_start3A_629 : memref<10000x64xf32, #tpu.memory_space<vmem_shared>>) offsets(%dma_start3A_626 : memref<80xi32, #tpu.memory_space<vmem>>) semaphore(%dma_start3A_631 : memref<!tpu.dma_semaphore, #tpu.memory_space<semaphore_mem>>) {add = true}
        %gt3A_632 = arith.constant 0 : i32
        %gt3A_633 = arith.cmpi sgt, %scan3A_587, %gt3A_632 : i32
        %convert_element_type3A_634 = arith.extui %gt3A_633 : i1 to i32
        %cond3A_635 = arith.constant 0 : i32
        %cond3A_636 = arith.cmpi ne, %convert_element_type3A_634, %cond3A_635 : i32
        scf.if %cond3A_636 {
          %dma_wait3A_728 = arith.constant 3 : i32
          %dma_wait3A_729 = arith.constant 0 : i32
          %dma_wait3A_730 = arith.constant 0 : i32
          %dma_wait3A_731 = tpu.memref_slice %arg8[%dma_wait3A_729, %dma_wait3A_730] : memref<10000x64xf32, #tpu.memory_space<vmem_shared>> -> memref<80x64xf32, #tpu.memory_space<vmem_shared>>
          %dma_wait3A_732 = tpu.memref_slice %arg20[%dma_wait3A_728] : memref<4x!tpu.dma_semaphore, #tpu.memory_space<semaphore_mem>> -> memref<1x!tpu.dma_semaphore, #tpu.memory_space<semaphore_mem>>
          %dma_wait3A_733 = tpu.memref_squeeze %dma_wait3A_732 : memref<1x!tpu.dma_semaphore, #tpu.memory_space<semaphore_mem>> -> memref<!tpu.dma_semaphore, #tpu.memory_space<semaphore_mem>>
          %dma_wait3A_734 = arith.constant 0 : i32
          %dma_wait3A_735 = arith.constant 0 : i32
          %dma_wait3A_736 = tpu.memref_slice %arg8[%dma_wait3A_734, %dma_wait3A_735] : memref<10000x64xf32, #tpu.memory_space<vmem_shared>> -> memref<80x64xf32, #tpu.memory_space<vmem_shared>>
          tpu.wait_dma2 semaphore(%dma_wait3A_733 : memref<!tpu.dma_semaphore, #tpu.memory_space<semaphore_mem>>) src(%arg15 : memref<80x64xf32, #tpu.memory_space<vmem>>) dst(%dma_wait3A_736 : memref<80x64xf32, #tpu.memory_space<vmem_shared>>)
        } else {
        }
        %dma_start3A_637 = arith.constant 3 : i32
        %dma_start3A_638 = arith.constant 3 : i32
        %dma_start3A_639 = arith.constant 0 : i32
        %dma_start3A_640 = tpu.memref_slice %arg10[%rem3A_588, %dma_start3A_637, %dma_start3A_639] : memref<2x4x80xi32, #tpu.memory_space<vmem>> -> memref<1x1x80xi32, #tpu.memory_space<vmem>>
        %dma_start3A_641 = tpu.memref_squeeze %dma_start3A_640 : memref<1x1x80xi32, #tpu.memory_space<vmem>> -> memref<80xi32, #tpu.memory_space<vmem>>
        %dma_start3A_642 = arith.constant 0 : i32
        %dma_start3A_643 = arith.constant 0 : i32
        %dma_start3A_644 = tpu.memref_slice %arg7[%dma_start3A_642, %dma_start3A_643] : memref<10000x64xf32, #tpu.memory_space<vmem_shared>> -> memref<10000x64xf32, #tpu.memory_space<vmem_shared>>
        %dma_start3A_645 = tpu.memref_slice %arg19[%dma_start3A_638] : memref<4x!tpu.dma_semaphore, #tpu.memory_space<semaphore_mem>> -> memref<1x!tpu.dma_semaphore, #tpu.memory_space<semaphore_mem>>
        %dma_start3A_646 = tpu.memref_squeeze %dma_start3A_645 : memref<1x!tpu.dma_semaphore, #tpu.memory_space<semaphore_mem>> -> memref<!tpu.dma_semaphore, #tpu.memory_space<semaphore_mem>>
        tpu.enqueue_indirect_dma source(%dma_start3A_644 : memref<10000x64xf32, #tpu.memory_space<vmem_shared>>) target(%arg15 : memref<80x64xf32, #tpu.memory_space<vmem>>) offsets(%dma_start3A_641 : memref<80xi32, #tpu.memory_space<vmem>>) semaphore(%dma_start3A_646 : memref<!tpu.dma_semaphore, #tpu.memory_space<semaphore_mem>>)
        %dma_wait3A_647 = arith.constant 1 : i32
        %dma_wait3A_648 = arith.constant 0 : i32
        %dma_wait3A_649 = arith.constant 0 : i32
        %dma_wait3A_650 = tpu.memref_slice %arg7[%dma_wait3A_648, %dma_wait3A_649] : memref<10000x64xf32, #tpu.memory_space<vmem_shared>> -> memref<80x64xf32, #tpu.memory_space<vmem_shared>>
        %dma_wait3A_651 = tpu.memref_slice %arg19[%dma_wait3A_647] : memref<4x!tpu.dma_semaphore, #tpu.memory_space<semaphore_mem>> -> memref<1x!tpu.dma_semaphore, #tpu.memory_space<semaphore_mem>>
        %dma_wait3A_652 = tpu.memref_squeeze %dma_wait3A_651 : memref<1x!tpu.dma_semaphore, #tpu.memory_space<semaphore_mem>> -> memref<!tpu.dma_semaphore, #tpu.memory_space<semaphore_mem>>
        %dma_wait3A_653 = arith.constant 0 : i32
        %dma_wait3A_654 = arith.constant 0 : i32
        %dma_wait3A_655 = tpu.memref_slice %arg7[%dma_wait3A_653, %dma_wait3A_654] : memref<10000x64xf32, #tpu.memory_space<vmem_shared>> -> memref<80x64xf32, #tpu.memory_space<vmem_shared>>
        tpu.wait_dma2 semaphore(%dma_wait3A_652 : memref<!tpu.dma_semaphore, #tpu.memory_space<semaphore_mem>>) src(%dma_wait3A_655 : memref<80x64xf32, #tpu.memory_space<vmem_shared>>) dst(%arg13 : memref<80x64xf32, #tpu.memory_space<vmem>>)
        %broadcast_in_dim3A_656 = arith.constant 1 : i32
        %broadcast_in_dim3A_657 = vector.broadcast %broadcast_in_dim3A_656 : i32 to vector<16xi32>
        %broadcast_in_dim3A_658 = vector.broadcast %rem3A_588 : i32 to vector<16xi32>
        %parallel_loop3A_659 = arith.constant 0 : i32
        %parallel_loop3A_660 = arith.constant 80 : i32
        %parallel_loop3A_661 = arith.constant 1 : i32
        scf.for %parallel_loop3A_728 = %parallel_loop3A_659 to %parallel_loop3A_660 step %parallel_loop3A_661  : i32 {
          %parallel_loop3A_729 = vector.broadcast %parallel_loop3A_728 : i32 to vector<16xi32>
          %parallel_loop3A_730 = tpu.vector_load_idx %arg11[%broadcast_in_dim3A_658, %broadcast_in_dim3A_657, %parallel_loop3A_729] : memref<2x4x80xf32, #tpu.memory_space<vmem>>[vector<16xi32>, vector<16xi32>, vector<16xi32>], vector<16xf32>,
          %parallel_loop3A_731 = arith.index_cast %parallel_loop3A_728 : i32 to index
          %parallel_loop3A_732 = arith.constant 0 : index
          %parallel_loop3A_733 = tpu.vector_load %arg13[%parallel_loop3A_731, %parallel_loop3A_732] {strides = array<i32>} : memref<80x64xf32, #tpu.memory_space<vmem>>, vector<16xf32>,
          %parallel_loop3A_734 = arith.mulf %parallel_loop3A_733, %parallel_loop3A_730 : vector<16xf32>
          %parallel_loop3A_735 = arith.index_cast %parallel_loop3A_728 : i32 to index
          %parallel_loop3A_736 = arith.constant 0 : index
          %parallel_loop3A_737 = tpu.vector_load %arg13[%parallel_loop3A_735, %parallel_loop3A_736] {strides = array<i32>} : memref<80x64xf32, #tpu.memory_space<vmem>>, vector<16xf32>,
          tpu.vector_store %arg13[%parallel_loop3A_735, %parallel_loop3A_736], %parallel_loop3A_734 {strides = array<i32>} : memref<80x64xf32, #tpu.memory_space<vmem>>, vector<16xf32>,
          %parallel_loop3A_738 = arith.index_cast %parallel_loop3A_728 : i32 to index
          %parallel_loop3A_739 = arith.constant 16 : index
          %parallel_loop3A_740 = tpu.vector_load %arg13[%parallel_loop3A_738, %parallel_loop3A_739] {strides = array<i32>} : memref<80x64xf32, #tpu.memory_space<vmem>>, vector<16xf32>,
          %parallel_loop3A_741 = arith.mulf %parallel_loop3A_740, %parallel_loop3A_730 : vector<16xf32>
          %parallel_loop3A_742 = arith.index_cast %parallel_loop3A_728 : i32 to index
          %parallel_loop3A_743 = arith.constant 16 : index
          %parallel_loop3A_744 = tpu.vector_load %arg13[%parallel_loop3A_742, %parallel_loop3A_743] {strides = array<i32>} : memref<80x64xf32, #tpu.memory_space<vmem>>, vector<16xf32>,
          tpu.vector_store %arg13[%parallel_loop3A_742, %parallel_loop3A_743], %parallel_loop3A_741 {strides = array<i32>} : memref<80x64xf32, #tpu.memory_space<vmem>>, vector<16xf32>,
          %parallel_loop3A_745 = arith.index_cast %parallel_loop3A_728 : i32 to index
          %parallel_loop3A_746 = arith.constant 32 : index
          %parallel_loop3A_747 = tpu.vector_load %arg13[%parallel_loop3A_745, %parallel_loop3A_746] {strides = array<i32>} : memref<80x64xf32, #tpu.memory_space<vmem>>, vector<16xf32>,
          %parallel_loop3A_748 = arith.mulf %parallel_loop3A_747, %parallel_loop3A_730 : vector<16xf32>
          %parallel_loop3A_749 = arith.index_cast %parallel_loop3A_728 : i32 to index
          %parallel_loop3A_750 = arith.constant 32 : index
          %parallel_loop3A_751 = tpu.vector_load %arg13[%parallel_loop3A_749, %parallel_loop3A_750] {strides = array<i32>} : memref<80x64xf32, #tpu.memory_space<vmem>>, vector<16xf32>,
          tpu.vector_store %arg13[%parallel_loop3A_749, %parallel_loop3A_750], %parallel_loop3A_748 {strides = array<i32>} : memref<80x64xf32, #tpu.memory_space<vmem>>, vector<16xf32>,
          %parallel_loop3A_752 = arith.index_cast %parallel_loop3A_728 : i32 to index
          %parallel_loop3A_753 = arith.constant 48 : index
          %parallel_loop3A_754 = tpu.vector_load %arg13[%parallel_loop3A_752, %parallel_loop3A_753] {strides = array<i32>} : memref<80x64xf32, #tpu.memory_space<vmem>>, vector<16xf32>,
          %parallel_loop3A_755 = arith.mulf %parallel_loop3A_754, %parallel_loop3A_730 : vector<16xf32>
          %parallel_loop3A_756 = arith.index_cast %parallel_loop3A_728 : i32 to index
          %parallel_loop3A_757 = arith.constant 48 : index
          %parallel_loop3A_758 = tpu.vector_load %arg13[%parallel_loop3A_756, %parallel_loop3A_757] {strides = array<i32>} : memref<80x64xf32, #tpu.memory_space<vmem>>, vector<16xf32>,
          tpu.vector_store %arg13[%parallel_loop3A_756, %parallel_loop3A_757], %parallel_loop3A_755 {strides = array<i32>} : memref<80x64xf32, #tpu.memory_space<vmem>>, vector<16xf32>,
        } {sc.loop_unroll_factor = 8 : i64, sc.parallel_access}
        %dma_start3A_662 = arith.constant 1 : i32
        %dma_start3A_663 = arith.constant 1 : i32
        %dma_start3A_664 = arith.constant 0 : i32
        %dma_start3A_665 = tpu.memref_slice %arg9[%rem3A_588, %dma_start3A_662, %dma_start3A_664] : memref<2x4x80xi32, #tpu.memory_space<vmem>> -> memref<1x1x80xi32, #tpu.memory_space<vmem>>
        %dma_start3A_666 = tpu.memref_squeeze %dma_start3A_665 : memref<1x1x80xi32, #tpu.memory_space<vmem>> -> memref<80xi32, #tpu.memory_space<vmem>>
        %dma_start3A_667 = arith.constant 0 : i32
        %dma_start3A_668 = arith.constant 0 : i32
        %dma_start3A_669 = tpu.memref_slice %arg8[%dma_start3A_667, %dma_start3A_668] : memref<10000x64xf32, #tpu.memory_space<vmem_shared>> -> memref<10000x64xf32, #tpu.memory_space<vmem_shared>>
        %dma_start3A_670 = tpu.memref_slice %arg20[%dma_start3A_663] : memref<4x!tpu.dma_semaphore, #tpu.memory_space<semaphore_mem>> -> memref<1x!tpu.dma_semaphore, #tpu.memory_space<semaphore_mem>>
        %dma_start3A_671 = tpu.memref_squeeze %dma_start3A_670 : memref<1x!tpu.dma_semaphore, #tpu.memory_space<semaphore_mem>> -> memref<!tpu.dma_semaphore, #tpu.memory_space<semaphore_mem>>
        tpu.enqueue_indirect_dma source(%arg13 : memref<80x64xf32, #tpu.memory_space<vmem>>) target(%dma_start3A_669 : memref<10000x64xf32, #tpu.memory_space<vmem_shared>>) offsets(%dma_start3A_666 : memref<80xi32, #tpu.memory_space<vmem>>) semaphore(%dma_start3A_671 : memref<!tpu.dma_semaphore, #tpu.memory_space<semaphore_mem>>) {add = true}
        %convert_element_type3A_672 = arith.extui %lt3A_590 : i1 to i32
        %cond3A_673 = arith.constant 0 : i32
        %cond3A_674 = arith.cmpi ne, %convert_element_type3A_672, %cond3A_673 : i32
        scf.if %cond3A_674 {
          %dma_wait3A_728 = arith.constant 0 : i32
          %dma_wait3A_729 = arith.constant 0 : i32
          %dma_wait3A_730 = arith.constant 0 : i32
          %dma_wait3A_731 = tpu.memref_slice %arg8[%dma_wait3A_729, %dma_wait3A_730] : memref<10000x64xf32, #tpu.memory_space<vmem_shared>> -> memref<80x64xf32, #tpu.memory_space<vmem_shared>>
          %dma_wait3A_732 = tpu.memref_slice %arg20[%dma_wait3A_728] : memref<4x!tpu.dma_semaphore, #tpu.memory_space<semaphore_mem>> -> memref<1x!tpu.dma_semaphore, #tpu.memory_space<semaphore_mem>>
          %dma_wait3A_733 = tpu.memref_squeeze %dma_wait3A_732 : memref<1x!tpu.dma_semaphore, #tpu.memory_space<semaphore_mem>> -> memref<!tpu.dma_semaphore, #tpu.memory_space<semaphore_mem>>
          %dma_wait3A_734 = arith.constant 0 : i32
          %dma_wait3A_735 = arith.constant 0 : i32
          %dma_wait3A_736 = tpu.memref_slice %arg8[%dma_wait3A_734, %dma_wait3A_735] : memref<10000x64xf32, #tpu.memory_space<vmem_shared>> -> memref<80x64xf32, #tpu.memory_space<vmem_shared>>
          tpu.wait_dma2 semaphore(%dma_wait3A_733 : memref<!tpu.dma_semaphore, #tpu.memory_space<semaphore_mem>>) src(%arg12 : memref<80x64xf32, #tpu.memory_space<vmem>>) dst(%dma_wait3A_736 : memref<80x64xf32, #tpu.memory_space<vmem_shared>>)
          %add3A_737 = arith.constant 1 : i32
          %add3A_738 = arith.addi %scan3A_587, %add3A_737 : i32
          %mul3A_739 = arith.constant 4 : i32
          %mul3A_740 = arith.muli %add3A_738, %mul3A_739 : i32
          %dma_wait3A_741 = arith.constant 0 : i32
          %dma_wait3A_742 = arith.constant 0 : i32
          %dma_wait3A_743 = tpu.memref_slice %arg9[%sub3A_589, %dma_wait3A_741, %dma_wait3A_742] : memref<2x4x80xi32, #tpu.memory_space<vmem>> -> memref<1x4x80xi32, #tpu.memory_space<vmem>>
          %dma_wait3A_744 = tpu.memref_squeeze %dma_wait3A_743 : memref<1x4x80xi32, #tpu.memory_space<vmem>> -> memref<4x80xi32, #tpu.memory_space<vmem>>
          %dma_wait3A_745 = arith.constant 0 : i32
          %dma_wait3A_746 = tpu.memref_slice %arg3[%arg1, %mul3A_740, %dma_wait3A_745] : memref<16x260x80xi32, #tpu.memory_space<hbm>> -> memref<1x4x80xi32, #tpu.memory_space<hbm>>
          %dma_wait3A_747 = tpu.memref_squeeze %dma_wait3A_746 : memref<1x4x80xi32, #tpu.memory_space<hbm>> -> memref<4x80xi32, #tpu.memory_space<hbm>>
          %dma_wait3A_748 = tpu.memref_slice %arg21[%sub3A_589] : memref<2x!tpu.dma_semaphore, #tpu.memory_space<semaphore_mem>> -> memref<1x!tpu.dma_semaphore, #tpu.memory_space<semaphore_mem>>
          %dma_wait3A_749 = tpu.memref_squeeze %dma_wait3A_748 : memref<1x!tpu.dma_semaphore, #tpu.memory_space<semaphore_mem>> -> memref<!tpu.dma_semaphore, #tpu.memory_space<semaphore_mem>>
          %dma_wait3A_750 = arith.constant 0 : i32
          %dma_wait3A_751 = arith.constant 0 : i32
          %dma_wait3A_752 = tpu.memref_slice %arg9[%sub3A_589, %dma_wait3A_750, %dma_wait3A_751] : memref<2x4x80xi32, #tpu.memory_space<vmem>> -> memref<1x4x80xi32, #tpu.memory_space<vmem>>
          %dma_wait3A_753 = tpu.memref_squeeze %dma_wait3A_752 : memref<1x4x80xi32, #tpu.memory_space<vmem>> -> memref<4x80xi32, #tpu.memory_space<vmem>>
          %dma_wait3A_754 = arith.constant 0 : i32
          %dma_wait3A_755 = tpu.memref_slice %arg3[%arg1, %mul3A_740, %dma_wait3A_754] : memref<16x260x80xi32, #tpu.memory_space<hbm>> -> memref<1x4x80xi32, #tpu.memory_space<hbm>>
          %dma_wait3A_756 = tpu.memref_squeeze %dma_wait3A_755 : memref<1x4x80xi32, #tpu.memory_space<hbm>> -> memref<4x80xi32, #tpu.memory_space<hbm>>
          tpu.wait_dma2 semaphore(%dma_wait3A_749 : memref<!tpu.dma_semaphore, #tpu.memory_space<semaphore_mem>>) src(%dma_wait3A_756 : memref<4x80xi32, #tpu.memory_space<hbm>>) dst(%dma_wait3A_753 : memref<4x80xi32, #tpu.memory_space<vmem>>)
          %dma_wait3A_757 = arith.constant 0 : i32
          %dma_wait3A_758 = arith.constant 0 : i32
          %dma_wait3A_759 = tpu.memref_slice %arg10[%sub3A_589, %dma_wait3A_757, %dma_wait3A_758] : memref<2x4x80xi32, #tpu.memory_space<vmem>> -> memref<1x4x80xi32, #tpu.memory_space<vmem>>
          %dma_wait3A_760 = tpu.memref_squeeze %dma_wait3A_759 : memref<1x4x80xi32, #tpu.memory_space<vmem>> -> memref<4x80xi32, #tpu.memory_space<vmem>>
          %dma_wait3A_761 = arith.constant 0 : i32
          %dma_wait3A_762 = tpu.memref_slice %arg4[%arg1, %mul3A_740, %dma_wait3A_761] : memref<16x260x80xi32, #tpu.memory_space<hbm>> -> memref<1x4x80xi32, #tpu.memory_space<hbm>>
          %dma_wait3A_763 = tpu.memref_squeeze %dma_wait3A_762 : memref<1x4x80xi32, #tpu.memory_space<hbm>> -> memref<4x80xi32, #tpu.memory_space<hbm>>
          %dma_wait3A_764 = tpu.memref_slice %arg21[%sub3A_589] : memref<2x!tpu.dma_semaphore, #tpu.memory_space<semaphore_mem>> -> memref<1x!tpu.dma_semaphore, #tpu.memory_space<semaphore_mem>>
          %dma_wait3A_765 = tpu.memref_squeeze %dma_wait3A_764 : memref<1x!tpu.dma_semaphore, #tpu.memory_space<semaphore_mem>> -> memref<!tpu.dma_semaphore, #tpu.memory_space<semaphore_mem>>
          %dma_wait3A_766 = arith.constant 0 : i32
          %dma_wait3A_767 = arith.constant 0 : i32
          %dma_wait3A_768 = tpu.memref_slice %arg10[%sub3A_589, %dma_wait3A_766, %dma_wait3A_767] : memref<2x4x80xi32, #tpu.memory_space<vmem>> -> memref<1x4x80xi32, #tpu.memory_space<vmem>>
          %dma_wait3A_769 = tpu.memref_squeeze %dma_wait3A_768 : memref<1x4x80xi32, #tpu.memory_space<vmem>> -> memref<4x80xi32, #tpu.memory_space<vmem>>
          %dma_wait3A_770 = arith.constant 0 : i32
          %dma_wait3A_771 = tpu.memref_slice %arg4[%arg1, %mul3A_740, %dma_wait3A_770] : memref<16x260x80xi32, #tpu.memory_space<hbm>> -> memref<1x4x80xi32, #tpu.memory_space<hbm>>
          %dma_wait3A_772 = tpu.memref_squeeze %dma_wait3A_771 : memref<1x4x80xi32, #tpu.memory_space<hbm>> -> memref<4x80xi32, #tpu.memory_space<hbm>>
          tpu.wait_dma2 semaphore(%dma_wait3A_765 : memref<!tpu.dma_semaphore, #tpu.memory_space<semaphore_mem>>) src(%dma_wait3A_772 : memref<4x80xi32, #tpu.memory_space<hbm>>) dst(%dma_wait3A_769 : memref<4x80xi32, #tpu.memory_space<vmem>>)
          %dma_wait3A_773 = arith.constant 0 : i32
          %dma_wait3A_774 = arith.constant 0 : i32
          %dma_wait3A_775 = tpu.memref_slice %arg11[%sub3A_589, %dma_wait3A_773, %dma_wait3A_774] : memref<2x4x80xf32, #tpu.memory_space<vmem>> -> memref<1x4x80xf32, #tpu.memory_space<vmem>>
          %dma_wait3A_776 = tpu.memref_squeeze %dma_wait3A_775 : memref<1x4x80xf32, #tpu.memory_space<vmem>> -> memref<4x80xf32, #tpu.memory_space<vmem>>
          %dma_wait3A_777 = arith.constant 0 : i32
          %dma_wait3A_778 = tpu.memref_slice %arg5[%arg1, %mul3A_740, %dma_wait3A_777] : memref<16x260x80xf32, #tpu.memory_space<hbm>> -> memref<1x4x80xf32, #tpu.memory_space<hbm>>
          %dma_wait3A_779 = tpu.memref_squeeze %dma_wait3A_778 : memref<1x4x80xf32, #tpu.memory_space<hbm>> -> memref<4x80xf32, #tpu.memory_space<hbm>>
          %dma_wait3A_780 = tpu.memref_slice %arg21[%sub3A_589] : memref<2x!tpu.dma_semaphore, #tpu.memory_space<semaphore_mem>> -> memref<1x!tpu.dma_semaphore, #tpu.memory_space<semaphore_mem>>
          %dma_wait3A_781 = tpu.memref_squeeze %dma_wait3A_780 : memref<1x!tpu.dma_semaphore, #tpu.memory_space<semaphore_mem>> -> memref<!tpu.dma_semaphore, #tpu.memory_space<semaphore_mem>>
          %dma_wait3A_782 = arith.constant 0 : i32
          %dma_wait3A_783 = arith.constant 0 : i32
          %dma_wait3A_784 = tpu.memref_slice %arg11[%sub3A_589, %dma_wait3A_782, %dma_wait3A_783] : memref<2x4x80xf32, #tpu.memory_space<vmem>> -> memref<1x4x80xf32, #tpu.memory_space<vmem>>
          %dma_wait3A_785 = tpu.memref_squeeze %dma_wait3A_784 : memref<1x4x80xf32, #tpu.memory_space<vmem>> -> memref<4x80xf32, #tpu.memory_space<vmem>>
          %dma_wait3A_786 = arith.constant 0 : i32
          %dma_wait3A_787 = tpu.memref_slice %arg5[%arg1, %mul3A_740, %dma_wait3A_786] : memref<16x260x80xf32, #tpu.memory_space<hbm>> -> memref<1x4x80xf32, #tpu.memory_space<hbm>>
          %dma_wait3A_788 = tpu.memref_squeeze %dma_wait3A_787 : memref<1x4x80xf32, #tpu.memory_space<hbm>> -> memref<4x80xf32, #tpu.memory_space<hbm>>
          tpu.wait_dma2 semaphore(%dma_wait3A_781 : memref<!tpu.dma_semaphore, #tpu.memory_space<semaphore_mem>>) src(%dma_wait3A_788 : memref<4x80xf32, #tpu.memory_space<hbm>>) dst(%dma_wait3A_785 : memref<4x80xf32, #tpu.memory_space<vmem>>)
          %dma_start3A_789 = arith.constant 0 : i32
          %dma_start3A_790 = arith.constant 0 : i32
          %dma_start3A_791 = arith.constant 0 : i32
          %dma_start3A_792 = tpu.memref_slice %arg10[%sub3A_589, %dma_start3A_789, %dma_start3A_791] : memref<2x4x80xi32, #tpu.memory_space<vmem>> -> memref<1x1x80xi32, #tpu.memory_space<vmem>>
          %dma_start3A_793 = tpu.memref_squeeze %dma_start3A_792 : memref<1x1x80xi32, #tpu.memory_space<vmem>> -> memref<80xi32, #tpu.memory_space<vmem>>
          %dma_start3A_794 = arith.constant 0 : i32
          %dma_start3A_795 = arith.constant 0 : i32
          %dma_start3A_796 = tpu.memref_slice %arg7[%dma_start3A_794, %dma_start3A_795] : memref<10000x64xf32, #tpu.memory_space<vmem_shared>> -> memref<10000x64xf32, #tpu.memory_space<vmem_shared>>
          %dma_start3A_797 = tpu.memref_slice %arg19[%dma_start3A_790] : memref<4x!tpu.dma_semaphore, #tpu.memory_space<semaphore_mem>> -> memref<1x!tpu.dma_semaphore, #tpu.memory_space<semaphore_mem>>
          %dma_start3A_798 = tpu.memref_squeeze %dma_start3A_797 : memref<1x!tpu.dma_semaphore, #tpu.memory_space<semaphore_mem>> -> memref<!tpu.dma_semaphore, #tpu.memory_space<semaphore_mem>>
          tpu.enqueue_indirect_dma source(%dma_start3A_796 : memref<10000x64xf32, #tpu.memory_space<vmem_shared>>) target(%arg12 : memref<80x64xf32, #tpu.memory_space<vmem>>) offsets(%dma_start3A_793 : memref<80xi32, #tpu.memory_space<vmem>>) semaphore(%dma_start3A_798 : memref<!tpu.dma_semaphore, #tpu.memory_space<semaphore_mem>>)
        } else {
        }
        %dma_wait3A_675 = arith.constant 2 : i32
        %dma_wait3A_676 = arith.constant 0 : i32
        %dma_wait3A_677 = arith.constant 0 : i32
        %dma_wait3A_678 = tpu.memref_slice %arg7[%dma_wait3A_676, %dma_wait3A_677] : memref<10000x64xf32, #tpu.memory_space<vmem_shared>> -> memref<80x64xf32, #tpu.memory_space<vmem_shared>>
        %dma_wait3A_679 = tpu.memref_slice %arg19[%dma_wait3A_675] : memref<4x!tpu.dma_semaphore, #tpu.memory_space<semaphore_mem>> -> memref<1x!tpu.dma_semaphore, #tpu.memory_space<semaphore_mem>>
        %dma_wait3A_680 = tpu.memref_squeeze %dma_wait3A_679 : memref<1x!tpu.dma_semaphore, #tpu.memory_space<semaphore_mem>> -> memref<!tpu.dma_semaphore, #tpu.memory_space<semaphore_mem>>
        %dma_wait3A_681 = arith.constant 0 : i32
        %dma_wait3A_682 = arith.constant 0 : i32
        %dma_wait3A_683 = tpu.memref_slice %arg7[%dma_wait3A_681, %dma_wait3A_682] : memref<10000x64xf32, #tpu.memory_space<vmem_shared>> -> memref<80x64xf32, #tpu.memory_space<vmem_shared>>
        tpu.wait_dma2 semaphore(%dma_wait3A_680 : memref<!tpu.dma_semaphore, #tpu.memory_space<semaphore_mem>>) src(%dma_wait3A_683 : memref<80x64xf32, #tpu.memory_space<vmem_shared>>) dst(%arg14 : memref<80x64xf32, #tpu.memory_space<vmem>>)
        %broadcast_in_dim3A_684 = arith.constant 2 : i32
        %broadcast_in_dim3A_685 = vector.broadcast %broadcast_in_dim3A_684 : i32 to vector<16xi32>
        %broadcast_in_dim3A_686 = vector.broadcast %rem3A_588 : i32 to vector<16xi32>
        %parallel_loop3A_687 = arith.constant 0 : i32
        %parallel_loop3A_688 = arith.constant 80 : i32
        %parallel_loop3A_689 = arith.constant 1 : i32
        scf.for %parallel_loop3A_728 = %parallel_loop3A_687 to %parallel_loop3A_688 step %parallel_loop3A_689  : i32 {
          %parallel_loop3A_729 = vector.broadcast %parallel_loop3A_728 : i32 to vector<16xi32>
          %parallel_loop3A_730 = tpu.vector_load_idx %arg11[%broadcast_in_dim3A_686, %broadcast_in_dim3A_685, %parallel_loop3A_729] : memref<2x4x80xf32, #tpu.memory_space<vmem>>[vector<16xi32>, vector<16xi32>, vector<16xi32>], vector<16xf32>,
          %parallel_loop3A_731 = arith.index_cast %parallel_loop3A_728 : i32 to index
          %parallel_loop3A_732 = arith.constant 0 : index
          %parallel_loop3A_733 = tpu.vector_load %arg14[%parallel_loop3A_731, %parallel_loop3A_732] {strides = array<i32>} : memref<80x64xf32, #tpu.memory_space<vmem>>, vector<16xf32>,
          %parallel_loop3A_734 = arith.mulf %parallel_loop3A_733, %parallel_loop3A_730 : vector<16xf32>
          %parallel_loop3A_735 = arith.index_cast %parallel_loop3A_728 : i32 to index
          %parallel_loop3A_736 = arith.constant 0 : index
          %parallel_loop3A_737 = tpu.vector_load %arg14[%parallel_loop3A_735, %parallel_loop3A_736] {strides = array<i32>} : memref<80x64xf32, #tpu.memory_space<vmem>>, vector<16xf32>,
          tpu.vector_store %arg14[%parallel_loop3A_735, %parallel_loop3A_736], %parallel_loop3A_734 {strides = array<i32>} : memref<80x64xf32, #tpu.memory_space<vmem>>, vector<16xf32>,
          %parallel_loop3A_738 = arith.index_cast %parallel_loop3A_728 : i32 to index
          %parallel_loop3A_739 = arith.constant 16 : index
          %parallel_loop3A_740 = tpu.vector_load %arg14[%parallel_loop3A_738, %parallel_loop3A_739] {strides = array<i32>} : memref<80x64xf32, #tpu.memory_space<vmem>>, vector<16xf32>,
          %parallel_loop3A_741 = arith.mulf %parallel_loop3A_740, %parallel_loop3A_730 : vector<16xf32>
          %parallel_loop3A_742 = arith.index_cast %parallel_loop3A_728 : i32 to index
          %parallel_loop3A_743 = arith.constant 16 : index
          %parallel_loop3A_744 = tpu.vector_load %arg14[%parallel_loop3A_742, %parallel_loop3A_743] {strides = array<i32>} : memref<80x64xf32, #tpu.memory_space<vmem>>, vector<16xf32>,
          tpu.vector_store %arg14[%parallel_loop3A_742, %parallel_loop3A_743], %parallel_loop3A_741 {strides = array<i32>} : memref<80x64xf32, #tpu.memory_space<vmem>>, vector<16xf32>,
          %parallel_loop3A_745 = arith.index_cast %parallel_loop3A_728 : i32 to index
          %parallel_loop3A_746 = arith.constant 32 : index
          %parallel_loop3A_747 = tpu.vector_load %arg14[%parallel_loop3A_745, %parallel_loop3A_746] {strides = array<i32>} : memref<80x64xf32, #tpu.memory_space<vmem>>, vector<16xf32>,
          %parallel_loop3A_748 = arith.mulf %parallel_loop3A_747, %parallel_loop3A_730 : vector<16xf32>
          %parallel_loop3A_749 = arith.index_cast %parallel_loop3A_728 : i32 to index
          %parallel_loop3A_750 = arith.constant 32 : index
          %parallel_loop3A_751 = tpu.vector_load %arg14[%parallel_loop3A_749, %parallel_loop3A_750] {strides = array<i32>} : memref<80x64xf32, #tpu.memory_space<vmem>>, vector<16xf32>,
          tpu.vector_store %arg14[%parallel_loop3A_749, %parallel_loop3A_750], %parallel_loop3A_748 {strides = array<i32>} : memref<80x64xf32, #tpu.memory_space<vmem>>, vector<16xf32>,
          %parallel_loop3A_752 = arith.index_cast %parallel_loop3A_728 : i32 to index
          %parallel_loop3A_753 = arith.constant 48 : index
          %parallel_loop3A_754 = tpu.vector_load %arg14[%parallel_loop3A_752, %parallel_loop3A_753] {strides = array<i32>} : memref<80x64xf32, #tpu.memory_space<vmem>>, vector<16xf32>,
          %parallel_loop3A_755 = arith.mulf %parallel_loop3A_754, %parallel_loop3A_730 : vector<16xf32>
          %parallel_loop3A_756 = arith.index_cast %parallel_loop3A_728 : i32 to index
          %parallel_loop3A_757 = arith.constant 48 : index
          %parallel_loop3A_758 = tpu.vector_load %arg14[%parallel_loop3A_756, %parallel_loop3A_757] {strides = array<i32>} : memref<80x64xf32, #tpu.memory_space<vmem>>, vector<16xf32>,
          tpu.vector_store %arg14[%parallel_loop3A_756, %parallel_loop3A_757], %parallel_loop3A_755 {strides = array<i32>} : memref<80x64xf32, #tpu.memory_space<vmem>>, vector<16xf32>,
        } {sc.loop_unroll_factor = 8 : i64, sc.parallel_access}
        %dma_start3A_690 = arith.constant 2 : i32
        %dma_start3A_691 = arith.constant 2 : i32
        %dma_start3A_692 = arith.constant 0 : i32
        %dma_start3A_693 = tpu.memref_slice %arg9[%rem3A_588, %dma_start3A_690, %dma_start3A_692] : memref<2x4x80xi32, #tpu.memory_space<vmem>> -> memref<1x1x80xi32, #tpu.memory_space<vmem>>
        %dma_start3A_694 = tpu.memref_squeeze %dma_start3A_693 : memref<1x1x80xi32, #tpu.memory_space<vmem>> -> memref<80xi32, #tpu.memory_space<vmem>>
        %dma_start3A_695 = arith.constant 0 : i32
        %dma_start3A_696 = arith.constant 0 : i32
        %dma_start3A_697 = tpu.memref_slice %arg8[%dma_start3A_695, %dma_start3A_696] : memref<10000x64xf32, #tpu.memory_space<vmem_shared>> -> memref<10000x64xf32, #tpu.memory_space<vmem_shared>>
        %dma_start3A_698 = tpu.memref_slice %arg20[%dma_start3A_691] : memref<4x!tpu.dma_semaphore, #tpu.memory_space<semaphore_mem>> -> memref<1x!tpu.dma_semaphore, #tpu.memory_space<semaphore_mem>>
        %dma_start3A_699 = tpu.memref_squeeze %dma_start3A_698 : memref<1x!tpu.dma_semaphore, #tpu.memory_space<semaphore_mem>> -> memref<!tpu.dma_semaphore, #tpu.memory_space<semaphore_mem>>
        tpu.enqueue_indirect_dma source(%arg14 : memref<80x64xf32, #tpu.memory_space<vmem>>) target(%dma_start3A_697 : memref<10000x64xf32, #tpu.memory_space<vmem_shared>>) offsets(%dma_start3A_694 : memref<80xi32, #tpu.memory_space<vmem>>) semaphore(%dma_start3A_699 : memref<!tpu.dma_semaphore, #tpu.memory_space<semaphore_mem>>) {add = true}
        %convert_element_type3A_700 = arith.extui %lt3A_590 : i1 to i32
        %cond3A_701 = arith.constant 0 : i32
        %cond3A_702 = arith.cmpi ne, %convert_element_type3A_700, %cond3A_701 : i32
        scf.if %cond3A_702 {
          %dma_wait3A_728 = arith.constant 1 : i32
          %dma_wait3A_729 = arith.constant 0 : i32
          %dma_wait3A_730 = arith.constant 0 : i32
          %dma_wait3A_731 = tpu.memref_slice %arg8[%dma_wait3A_729, %dma_wait3A_730] : memref<10000x64xf32, #tpu.memory_space<vmem_shared>> -> memref<80x64xf32, #tpu.memory_space<vmem_shared>>
          %dma_wait3A_732 = tpu.memref_slice %arg20[%dma_wait3A_728] : memref<4x!tpu.dma_semaphore, #tpu.memory_space<semaphore_mem>> -> memref<1x!tpu.dma_semaphore, #tpu.memory_space<semaphore_mem>>
          %dma_wait3A_733 = tpu.memref_squeeze %dma_wait3A_732 : memref<1x!tpu.dma_semaphore, #tpu.memory_space<semaphore_mem>> -> memref<!tpu.dma_semaphore, #tpu.memory_space<semaphore_mem>>
          %dma_wait3A_734 = arith.constant 0 : i32
          %dma_wait3A_735 = arith.constant 0 : i32
          %dma_wait3A_736 = tpu.memref_slice %arg8[%dma_wait3A_734, %dma_wait3A_735] : memref<10000x64xf32, #tpu.memory_space<vmem_shared>> -> memref<80x64xf32, #tpu.memory_space<vmem_shared>>
          tpu.wait_dma2 semaphore(%dma_wait3A_733 : memref<!tpu.dma_semaphore, #tpu.memory_space<semaphore_mem>>) src(%arg13 : memref<80x64xf32, #tpu.memory_space<vmem>>) dst(%dma_wait3A_736 : memref<80x64xf32, #tpu.memory_space<vmem_shared>>)
          %dma_start3A_737 = arith.constant 1 : i32
          %dma_start3A_738 = arith.constant 1 : i32
          %dma_start3A_739 = arith.constant 0 : i32
          %dma_start3A_740 = tpu.memref_slice %arg10[%sub3A_589, %dma_start3A_737, %dma_start3A_739] : memref<2x4x80xi32, #tpu.memory_space<vmem>> -> memref<1x1x80xi32, #tpu.memory_space<vmem>>
          %dma_start3A_741 = tpu.memref_squeeze %dma_start3A_740 : memref<1x1x80xi32, #tpu.memory_space<vmem>> -> memref<80xi32, #tpu.memory_space<vmem>>
          %dma_start3A_742 = arith.constant 0 : i32
          %dma_start3A_743 = arith.constant 0 : i32
          %dma_start3A_744 = tpu.memref_slice %arg7[%dma_start3A_742, %dma_start3A_743] : memref<10000x64xf32, #tpu.memory_space<vmem_shared>> -> memref<10000x64xf32, #tpu.memory_space<vmem_shared>>
          %dma_start3A_745 = tpu.memref_slice %arg19[%dma_start3A_738] : memref<4x!tpu.dma_semaphore, #tpu.memory_space<semaphore_mem>> -> memref<1x!tpu.dma_semaphore, #tpu.memory_space<semaphore_mem>>
          %dma_start3A_746 = tpu.memref_squeeze %dma_start3A_745 : memref<1x!tpu.dma_semaphore, #tpu.memory_space<semaphore_mem>> -> memref<!tpu.dma_semaphore, #tpu.memory_space<semaphore_mem>>
          tpu.enqueue_indirect_dma source(%dma_start3A_744 : memref<10000x64xf32, #tpu.memory_space<vmem_shared>>) target(%arg13 : memref<80x64xf32, #tpu.memory_space<vmem>>) offsets(%dma_start3A_741 : memref<80xi32, #tpu.memory_space<vmem>>) semaphore(%dma_start3A_746 : memref<!tpu.dma_semaphore, #tpu.memory_space<semaphore_mem>>)
        } else {
        }
        %dma_wait3A_703 = arith.constant 3 : i32
        %dma_wait3A_704 = arith.constant 0 : i32
        %dma_wait3A_705 = arith.constant 0 : i32
        %dma_wait3A_706 = tpu.memref_slice %arg7[%dma_wait3A_704, %dma_wait3A_705] : memref<10000x64xf32, #tpu.memory_space<vmem_shared>> -> memref<80x64xf32, #tpu.memory_space<vmem_shared>>
        %dma_wait3A_707 = tpu.memref_slice %arg19[%dma_wait3A_703] : memref<4x!tpu.dma_semaphore, #tpu.memory_space<semaphore_mem>> -> memref<1x!tpu.dma_semaphore, #tpu.memory_space<semaphore_mem>>
        %dma_wait3A_708 = tpu.memref_squeeze %dma_wait3A_707 : memref<1x!tpu.dma_semaphore, #tpu.memory_space<semaphore_mem>> -> memref<!tpu.dma_semaphore, #tpu.memory_space<semaphore_mem>>
        %dma_wait3A_709 = arith.constant 0 : i32
        %dma_wait3A_710 = arith.constant 0 : i32
        %dma_wait3A_711 = tpu.memref_slice %arg7[%dma_wait3A_709, %dma_wait3A_710] : memref<10000x64xf32, #tpu.memory_space<vmem_shared>> -> memref<80x64xf32, #tpu.memory_space<vmem_shared>>
        tpu.wait_dma2 semaphore(%dma_wait3A_708 : memref<!tpu.dma_semaphore, #tpu.memory_space<semaphore_mem>>) src(%dma_wait3A_711 : memref<80x64xf32, #tpu.memory_space<vmem_shared>>) dst(%arg15 : memref<80x64xf32, #tpu.memory_space<vmem>>)
        %broadcast_in_dim3A_712 = arith.constant 3 : i32
        %broadcast_in_dim3A_713 = vector.broadcast %broadcast_in_dim3A_712 : i32 to vector<16xi32>
        %broadcast_in_dim3A_714 = vector.broadcast %rem3A_588 : i32 to vector<16xi32>
        %parallel_loop3A_715 = arith.constant 0 : i32
        %parallel_loop3A_716 = arith.constant 80 : i32
        %parallel_loop3A_717 = arith.constant 1 : i32
        scf.for %parallel_loop3A_728 = %parallel_loop3A_715 to %parallel_loop3A_716 step %parallel_loop3A_717  : i32 {
          %parallel_loop3A_729 = vector.broadcast %parallel_loop3A_728 : i32 to vector<16xi32>
          %parallel_loop3A_730 = tpu.vector_load_idx %arg11[%broadcast_in_dim3A_714, %broadcast_in_dim3A_713, %parallel_loop3A_729] : memref<2x4x80xf32, #tpu.memory_space<vmem>>[vector<16xi32>, vector<16xi32>, vector<16xi32>], vector<16xf32>,
          %parallel_loop3A_731 = arith.index_cast %parallel_loop3A_728 : i32 to index
          %parallel_loop3A_732 = arith.constant 0 : index
          %parallel_loop3A_733 = tpu.vector_load %arg15[%parallel_loop3A_731, %parallel_loop3A_732] {strides = array<i32>} : memref<80x64xf32, #tpu.memory_space<vmem>>, vector<16xf32>,
          %parallel_loop3A_734 = arith.mulf %parallel_loop3A_733, %parallel_loop3A_730 : vector<16xf32>
          %parallel_loop3A_735 = arith.index_cast %parallel_loop3A_728 : i32 to index
          %parallel_loop3A_736 = arith.constant 0 : index
          %parallel_loop3A_737 = tpu.vector_load %arg15[%parallel_loop3A_735, %parallel_loop3A_736] {strides = array<i32>} : memref<80x64xf32, #tpu.memory_space<vmem>>, vector<16xf32>,
          tpu.vector_store %arg15[%parallel_loop3A_735, %parallel_loop3A_736], %parallel_loop3A_734 {strides = array<i32>} : memref<80x64xf32, #tpu.memory_space<vmem>>, vector<16xf32>,
          %parallel_loop3A_738 = arith.index_cast %parallel_loop3A_728 : i32 to index
          %parallel_loop3A_739 = arith.constant 16 : index
          %parallel_loop3A_740 = tpu.vector_load %arg15[%parallel_loop3A_738, %parallel_loop3A_739] {strides = array<i32>} : memref<80x64xf32, #tpu.memory_space<vmem>>, vector<16xf32>,
          %parallel_loop3A_741 = arith.mulf %parallel_loop3A_740, %parallel_loop3A_730 : vector<16xf32>
          %parallel_loop3A_742 = arith.index_cast %parallel_loop3A_728 : i32 to index
          %parallel_loop3A_743 = arith.constant 16 : index
          %parallel_loop3A_744 = tpu.vector_load %arg15[%parallel_loop3A_742, %parallel_loop3A_743] {strides = array<i32>} : memref<80x64xf32, #tpu.memory_space<vmem>>, vector<16xf32>,
          tpu.vector_store %arg15[%parallel_loop3A_742, %parallel_loop3A_743], %parallel_loop3A_741 {strides = array<i32>} : memref<80x64xf32, #tpu.memory_space<vmem>>, vector<16xf32>,
          %parallel_loop3A_745 = arith.index_cast %parallel_loop3A_728 : i32 to index
          %parallel_loop3A_746 = arith.constant 32 : index
          %parallel_loop3A_747 = tpu.vector_load %arg15[%parallel_loop3A_745, %parallel_loop3A_746] {strides = array<i32>} : memref<80x64xf32, #tpu.memory_space<vmem>>, vector<16xf32>,
          %parallel_loop3A_748 = arith.mulf %parallel_loop3A_747, %parallel_loop3A_730 : vector<16xf32>
          %parallel_loop3A_749 = arith.index_cast %parallel_loop3A_728 : i32 to index
          %parallel_loop3A_750 = arith.constant 32 : index
          %parallel_loop3A_751 = tpu.vector_load %arg15[%parallel_loop3A_749, %parallel_loop3A_750] {strides = array<i32>} : memref<80x64xf32, #tpu.memory_space<vmem>>, vector<16xf32>,
          tpu.vector_store %arg15[%parallel_loop3A_749, %parallel_loop3A_750], %parallel_loop3A_748 {strides = array<i32>} : memref<80x64xf32, #tpu.memory_space<vmem>>, vector<16xf32>,
          %parallel_loop3A_752 = arith.index_cast %parallel_loop3A_728 : i32 to index
          %parallel_loop3A_753 = arith.constant 48 : index
          %parallel_loop3A_754 = tpu.vector_load %arg15[%parallel_loop3A_752, %parallel_loop3A_753] {strides = array<i32>} : memref<80x64xf32, #tpu.memory_space<vmem>>, vector<16xf32>,
          %parallel_loop3A_755 = arith.mulf %parallel_loop3A_754, %parallel_loop3A_730 : vector<16xf32>
          %parallel_loop3A_756 = arith.index_cast %parallel_loop3A_728 : i32 to index
          %parallel_loop3A_757 = arith.constant 48 : index
          %parallel_loop3A_758 = tpu.vector_load %arg15[%parallel_loop3A_756, %parallel_loop3A_757] {strides = array<i32>} : memref<80x64xf32, #tpu.memory_space<vmem>>, vector<16xf32>,
          tpu.vector_store %arg15[%parallel_loop3A_756, %parallel_loop3A_757], %parallel_loop3A_755 {strides = array<i32>} : memref<80x64xf32, #tpu.memory_space<vmem>>, vector<16xf32>,
        } {sc.loop_unroll_factor = 8 : i64, sc.parallel_access}
        %dma_start3A_718 = arith.constant 3 : i32
        %dma_start3A_719 = arith.constant 3 : i32
        %dma_start3A_720 = arith.constant 0 : i32
        %dma_start3A_721 = tpu.memref_slice %arg9[%rem3A_588, %dma_start3A_718, %dma_start3A_720] : memref<2x4x80xi32, #tpu.memory_space<vmem>> -> memref<1x1x80xi32, #tpu.memory_space<vmem>>
        %dma_start3A_722 = tpu.memref_squeeze %dma_start3A_721 : memref<1x1x80xi32, #tpu.memory_space<vmem>> -> memref<80xi32, #tpu.memory_space<vmem>>
        %dma_start3A_723 = arith.constant 0 : i32
        %dma_start3A_724 = arith.constant 0 : i32
        %dma_start3A_725 = tpu.memref_slice %arg8[%dma_start3A_723, %dma_start3A_724] : memref<10000x64xf32, #tpu.memory_space<vmem_shared>> -> memref<10000x64xf32, #tpu.memory_space<vmem_shared>>
        %dma_start3A_726 = tpu.memref_slice %arg20[%dma_start3A_719] : memref<4x!tpu.dma_semaphore, #tpu.memory_space<semaphore_mem>> -> memref<1x!tpu.dma_semaphore, #tpu.memory_space<semaphore_mem>>
        %dma_start3A_727 = tpu.memref_squeeze %dma_start3A_726 : memref<1x!tpu.dma_semaphore, #tpu.memory_space<semaphore_mem>> -> memref<!tpu.dma_semaphore, #tpu.memory_space<semaphore_mem>>
        tpu.enqueue_indirect_dma source(%arg15 : memref<80x64xf32, #tpu.memory_space<vmem>>) target(%dma_start3A_725 : memref<10000x64xf32, #tpu.memory_space<vmem_shared>>) offsets(%dma_start3A_722 : memref<80xi32, #tpu.memory_space<vmem>>) semaphore(%dma_start3A_727 : memref<!tpu.dma_semaphore, #tpu.memory_space<semaphore_mem>>) {add = true}
      }
      %scan3A_169 = arith.constant 65 : i32
      %dma_wait3A_170 = arith.constant 0 : i32
      %dma_wait3A_171 = arith.constant 0 : i32
      %dma_wait3A_172 = arith.constant 0 : i32
      %dma_wait3A_173 = tpu.memref_slice %arg8[%dma_wait3A_171, %dma_wait3A_172] : memref<10000x64xf32, #tpu.memory_space<vmem_shared>> -> memref<80x64xf32, #tpu.memory_space<vmem_shared>>
      %dma_wait3A_174 = tpu.memref_slice %arg20[%dma_wait3A_170] : memref<4x!tpu.dma_semaphore, #tpu.memory_space<semaphore_mem>> -> memref<1x!tpu.dma_semaphore, #tpu.memory_space<semaphore_mem>>
      %dma_wait3A_175 = tpu.memref_squeeze %dma_wait3A_174 : memref<1x!tpu.dma_semaphore, #tpu.memory_space<semaphore_mem>> -> memref<!tpu.dma_semaphore, #tpu.memory_space<semaphore_mem>>
      %dma_wait3A_176 = arith.constant 0 : i32
      %dma_wait3A_177 = arith.constant 0 : i32
      %dma_wait3A_178 = tpu.memref_slice %arg8[%dma_wait3A_176, %dma_wait3A_177] : memref<10000x64xf32, #tpu.memory_space<vmem_shared>> -> memref<80x64xf32, #tpu.memory_space<vmem_shared>>
      tpu.wait_dma2 semaphore(%dma_wait3A_175 : memref<!tpu.dma_semaphore, #tpu.memory_space<semaphore_mem>>) src(%arg12 : memref<80x64xf32, #tpu.memory_space<vmem>>) dst(%dma_wait3A_178 : memref<80x64xf32, #tpu.memory_space<vmem_shared>>)
      %dma_wait3A_179 = arith.constant 1 : i32
      %dma_wait3A_180 = arith.constant 0 : i32
      %dma_wait3A_181 = arith.constant 0 : i32
      %dma_wait3A_182 = tpu.memref_slice %arg8[%dma_wait3A_180, %dma_wait3A_181] : memref<10000x64xf32, #tpu.memory_space<vmem_shared>> -> memref<80x64xf32, #tpu.memory_space<vmem_shared>>
      %dma_wait3A_183 = tpu.memref_slice %arg20[%dma_wait3A_179] : memref<4x!tpu.dma_semaphore, #tpu.memory_space<semaphore_mem>> -> memref<1x!tpu.dma_semaphore, #tpu.memory_space<semaphore_mem>>
      %dma_wait3A_184 = tpu.memref_squeeze %dma_wait3A_183 : memref<1x!tpu.dma_semaphore, #tpu.memory_space<semaphore_mem>> -> memref<!tpu.dma_semaphore, #tpu.memory_space<semaphore_mem>>
      %dma_wait3A_185 = arith.constant 0 : i32
      %dma_wait3A_186 = arith.constant 0 : i32
      %dma_wait3A_187 = tpu.memref_slice %arg8[%dma_wait3A_185, %dma_wait3A_186] : memref<10000x64xf32, #tpu.memory_space<vmem_shared>> -> memref<80x64xf32, #tpu.memory_space<vmem_shared>>
      tpu.wait_dma2 semaphore(%dma_wait3A_184 : memref<!tpu.dma_semaphore, #tpu.memory_space<semaphore_mem>>) src(%arg13 : memref<80x64xf32, #tpu.memory_space<vmem>>) dst(%dma_wait3A_187 : memref<80x64xf32, #tpu.memory_space<vmem_shared>>)
      %dma_wait3A_188 = arith.constant 2 : i32
      %dma_wait3A_189 = arith.constant 0 : i32
      %dma_wait3A_190 = arith.constant 0 : i32
      %dma_wait3A_191 = tpu.memref_slice %arg8[%dma_wait3A_189, %dma_wait3A_190] : memref<10000x64xf32, #tpu.memory_space<vmem_shared>> -> memref<80x64xf32, #tpu.memory_space<vmem_shared>>
      %dma_wait3A_192 = tpu.memref_slice %arg20[%dma_wait3A_188] : memref<4x!tpu.dma_semaphore, #tpu.memory_space<semaphore_mem>> -> memref<1x!tpu.dma_semaphore, #tpu.memory_space<semaphore_mem>>
      %dma_wait3A_193 = tpu.memref_squeeze %dma_wait3A_192 : memref<1x!tpu.dma_semaphore, #tpu.memory_space<semaphore_mem>> -> memref<!tpu.dma_semaphore, #tpu.memory_space<semaphore_mem>>
      %dma_wait3A_194 = arith.constant 0 : i32
      %dma_wait3A_195 = arith.constant 0 : i32
      %dma_wait3A_196 = tpu.memref_slice %arg8[%dma_wait3A_194, %dma_wait3A_195] : memref<10000x64xf32, #tpu.memory_space<vmem_shared>> -> memref<80x64xf32, #tpu.memory_space<vmem_shared>>
      tpu.wait_dma2 semaphore(%dma_wait3A_193 : memref<!tpu.dma_semaphore, #tpu.memory_space<semaphore_mem>>) src(%arg14 : memref<80x64xf32, #tpu.memory_space<vmem>>) dst(%dma_wait3A_196 : memref<80x64xf32, #tpu.memory_space<vmem_shared>>)
      %dma_wait3A_197 = arith.constant 3 : i32
      %dma_wait3A_198 = arith.constant 0 : i32
      %dma_wait3A_199 = arith.constant 0 : i32
      %dma_wait3A_200 = tpu.memref_slice %arg8[%dma_wait3A_198, %dma_wait3A_199] : memref<10000x64xf32, #tpu.memory_space<vmem_shared>> -> memref<80x64xf32, #tpu.memory_space<vmem_shared>>
      %dma_wait3A_201 = tpu.memref_slice %arg20[%dma_wait3A_197] : memref<4x!tpu.dma_semaphore, #tpu.memory_space<semaphore_mem>> -> memref<1x!tpu.dma_semaphore, #tpu.memory_space<semaphore_mem>>
      %dma_wait3A_202 = tpu.memref_squeeze %dma_wait3A_201 : memref<1x!tpu.dma_semaphore, #tpu.memory_space<semaphore_mem>> -> memref<!tpu.dma_semaphore, #tpu.memory_space<semaphore_mem>>
      %dma_wait3A_203 = arith.constant 0 : i32
      %dma_wait3A_204 = arith.constant 0 : i32
      %dma_wait3A_205 = tpu.memref_slice %arg8[%dma_wait3A_203, %dma_wait3A_204] : memref<10000x64xf32, #tpu.memory_space<vmem_shared>> -> memref<80x64xf32, #tpu.memory_space<vmem_shared>>
      tpu.wait_dma2 semaphore(%dma_wait3A_202 : memref<!tpu.dma_semaphore, #tpu.memory_space<semaphore_mem>>) src(%arg15 : memref<80x64xf32, #tpu.memory_space<vmem>>) dst(%dma_wait3A_205 : memref<80x64xf32, #tpu.memory_space<vmem_shared>>)
      %barrier3A_206 = arith.constant 0 : index
      tpu.barrier barrier_id(%barrier3A_206)
      %eq3A = arith.constant 2 : i32
      %eq3A_207 = arith.cmpi eq, %scan3A_24, %eq3A : i32
      %mul3A_208 = arith.constant 625 : i32
      %mul3A_209 = arith.muli %arg1, %mul3A_208 : i32
      %add3A_210 = arith.constant 0 : i32
      %add3A_211 = arith.addi %mul3A_209, %add3A_210 : i32
      %dma_start3A_212 = arith.constant 0 : i32
      %dma_start3A_213 = arith.constant 0 : i32
      %dma_start3A_214 = tpu.memref_slice %arg2[%arg0, %add3A_211, %dma_start3A_213] : memref<2x10000x64xf32, #tpu.memory_space<hbm>> -> memref<1x125x64xf32, #tpu.memory_space<hbm>>
      %dma_start3A_215 = tpu.memref_squeeze %dma_start3A_214 : memref<1x125x64xf32, #tpu.memory_space<hbm>> -> memref<125x64xf32, #tpu.memory_space<hbm>>
      %dma_start3A_216 = tpu.memref_slice %arg22[%dma_start3A_212] : memref<3x!tpu.dma_semaphore, #tpu.memory_space<semaphore_mem>> -> memref<1x!tpu.dma_semaphore, #tpu.memory_space<semaphore_mem>>
      %dma_start3A_217 = tpu.memref_squeeze %dma_start3A_216 : memref<1x!tpu.dma_semaphore, #tpu.memory_space<semaphore_mem>> -> memref<!tpu.dma_semaphore, #tpu.memory_space<semaphore_mem>>
      %dma_start3A_218 = arith.constant 0 : i32
      %dma_start3A_219 = tpu.memref_slice %arg2[%arg0, %add3A_211, %dma_start3A_218] : memref<2x10000x64xf32, #tpu.memory_space<hbm>> -> memref<1x125x64xf32, #tpu.memory_space<hbm>>
      %dma_start3A_220 = tpu.memref_squeeze %dma_start3A_219 : memref<1x125x64xf32, #tpu.memory_space<hbm>> -> memref<125x64xf32, #tpu.memory_space<hbm>>
      tpu.enqueue_dma source(%dma_start3A_220 : memref<125x64xf32, #tpu.memory_space<hbm>>) target(%arg18 : memref<125x64xf32, #tpu.memory_space<vmem>>) target_semaphore(%dma_start3A_217 : memref<!tpu.dma_semaphore, #tpu.memory_space<semaphore_mem>>)
      %dma_start3A_221 = arith.constant 1 : i32
      %dma_start3A_222 = arith.constant 0 : i32
      %dma_start3A_223 = tpu.memref_slice %arg7[%add3A_211, %dma_start3A_222] : memref<10000x64xf32, #tpu.memory_space<vmem_shared>> -> memref<125x64xf32, #tpu.memory_space<vmem_shared>>
      %dma_start3A_224 = tpu.memref_slice %arg22[%dma_start3A_221] : memref<3x!tpu.dma_semaphore, #tpu.memory_space<semaphore_mem>> -> memref<1x!tpu.dma_semaphore, #tpu.memory_space<semaphore_mem>>
      %dma_start3A_225 = tpu.memref_squeeze %dma_start3A_224 : memref<1x!tpu.dma_semaphore, #tpu.memory_space<semaphore_mem>> -> memref<!tpu.dma_semaphore, #tpu.memory_space<semaphore_mem>>
      %dma_start3A_226 = arith.constant 0 : i32
      %dma_start3A_227 = tpu.memref_slice %arg7[%add3A_211, %dma_start3A_226] : memref<10000x64xf32, #tpu.memory_space<vmem_shared>> -> memref<125x64xf32, #tpu.memory_space<vmem_shared>>
      tpu.enqueue_dma source(%dma_start3A_227 : memref<125x64xf32, #tpu.memory_space<vmem_shared>>) target(%arg16 : memref<125x64xf32, #tpu.memory_space<vmem>>) target_semaphore(%dma_start3A_225 : memref<!tpu.dma_semaphore, #tpu.memory_space<semaphore_mem>>)
      %dma_start3A_228 = arith.constant 2 : i32
      %dma_start3A_229 = arith.constant 0 : i32
      %dma_start3A_230 = tpu.memref_slice %arg8[%add3A_211, %dma_start3A_229] : memref<10000x64xf32, #tpu.memory_space<vmem_shared>> -> memref<125x64xf32, #tpu.memory_space<vmem_shared>>
      %dma_start3A_231 = tpu.memref_slice %arg22[%dma_start3A_228] : memref<3x!tpu.dma_semaphore, #tpu.memory_space<semaphore_mem>> -> memref<1x!tpu.dma_semaphore, #tpu.memory_space<semaphore_mem>>
      %dma_start3A_232 = tpu.memref_squeeze %dma_start3A_231 : memref<1x!tpu.dma_semaphore, #tpu.memory_space<semaphore_mem>> -> memref<!tpu.dma_semaphore, #tpu.memory_space<semaphore_mem>>
      %dma_start3A_233 = arith.constant 0 : i32
      %dma_start3A_234 = tpu.memref_slice %arg8[%add3A_211, %dma_start3A_233] : memref<10000x64xf32, #tpu.memory_space<vmem_shared>> -> memref<125x64xf32, #tpu.memory_space<vmem_shared>>
      tpu.enqueue_dma source(%dma_start3A_234 : memref<125x64xf32, #tpu.memory_space<vmem_shared>>) target(%arg17 : memref<125x64xf32, #tpu.memory_space<vmem>>) target_semaphore(%dma_start3A_232 : memref<!tpu.dma_semaphore, #tpu.memory_space<semaphore_mem>>)
      %dma_wait3A_235 = arith.constant 0 : i32
      %dma_wait3A_236 = arith.constant 0 : i32
      %dma_wait3A_237 = tpu.memref_slice %arg2[%arg0, %add3A_211, %dma_wait3A_236] : memref<2x10000x64xf32, #tpu.memory_space<hbm>> -> memref<1x125x64xf32, #tpu.memory_space<hbm>>
      %dma_wait3A_238 = tpu.memref_squeeze %dma_wait3A_237 : memref<1x125x64xf32, #tpu.memory_space<hbm>> -> memref<125x64xf32, #tpu.memory_space<hbm>>
      %dma_wait3A_239 = tpu.memref_slice %arg22[%dma_wait3A_235] : memref<3x!tpu.dma_semaphore, #tpu.memory_space<semaphore_mem>> -> memref<1x!tpu.dma_semaphore, #tpu.memory_space<semaphore_mem>>
      %dma_wait3A_240 = tpu.memref_squeeze %dma_wait3A_239 : memref<1x!tpu.dma_semaphore, #tpu.memory_space<semaphore_mem>> -> memref<!tpu.dma_semaphore, #tpu.memory_space<semaphore_mem>>
      %dma_wait3A_241 = arith.constant 0 : i32
      %dma_wait3A_242 = tpu.memref_slice %arg2[%arg0, %add3A_211, %dma_wait3A_241] : memref<2x10000x64xf32, #tpu.memory_space<hbm>> -> memref<1x125x64xf32, #tpu.memory_space<hbm>>
      %dma_wait3A_243 = tpu.memref_squeeze %dma_wait3A_242 : memref<1x125x64xf32, #tpu.memory_space<hbm>> -> memref<125x64xf32, #tpu.memory_space<hbm>>
      tpu.wait_dma2 semaphore(%dma_wait3A_240 : memref<!tpu.dma_semaphore, #tpu.memory_space<semaphore_mem>>) src(%dma_wait3A_243 : memref<125x64xf32, #tpu.memory_space<hbm>>) dst(%arg18 : memref<125x64xf32, #tpu.memory_space<vmem>>)
      %dma_wait3A_244 = arith.constant 1 : i32
      %dma_wait3A_245 = arith.constant 0 : i32
      %dma_wait3A_246 = tpu.memref_slice %arg7[%add3A_211, %dma_wait3A_245] : memref<10000x64xf32, #tpu.memory_space<vmem_shared>> -> memref<125x64xf32, #tpu.memory_space<vmem_shared>>
      %dma_wait3A_247 = tpu.memref_slice %arg22[%dma_wait3A_244] : memref<3x!tpu.dma_semaphore, #tpu.memory_space<semaphore_mem>> -> memref<1x!tpu.dma_semaphore, #tpu.memory_space<semaphore_mem>>
      %dma_wait3A_248 = tpu.memref_squeeze %dma_wait3A_247 : memref<1x!tpu.dma_semaphore, #tpu.memory_space<semaphore_mem>> -> memref<!tpu.dma_semaphore, #tpu.memory_space<semaphore_mem>>
      %dma_wait3A_249 = arith.constant 0 : i32
      %dma_wait3A_250 = tpu.memref_slice %arg7[%add3A_211, %dma_wait3A_249] : memref<10000x64xf32, #tpu.memory_space<vmem_shared>> -> memref<125x64xf32, #tpu.memory_space<vmem_shared>>
      tpu.wait_dma2 semaphore(%dma_wait3A_248 : memref<!tpu.dma_semaphore, #tpu.memory_space<semaphore_mem>>) src(%dma_wait3A_250 : memref<125x64xf32, #tpu.memory_space<vmem_shared>>) dst(%arg16 : memref<125x64xf32, #tpu.memory_space<vmem>>)
      %dma_wait3A_251 = arith.constant 2 : i32
      %dma_wait3A_252 = arith.constant 0 : i32
      %dma_wait3A_253 = tpu.memref_slice %arg8[%add3A_211, %dma_wait3A_252] : memref<10000x64xf32, #tpu.memory_space<vmem_shared>> -> memref<125x64xf32, #tpu.memory_space<vmem_shared>>
      %dma_wait3A_254 = tpu.memref_slice %arg22[%dma_wait3A_251] : memref<3x!tpu.dma_semaphore, #tpu.memory_space<semaphore_mem>> -> memref<1x!tpu.dma_semaphore, #tpu.memory_space<semaphore_mem>>
      %dma_wait3A_255 = tpu.memref_squeeze %dma_wait3A_254 : memref<1x!tpu.dma_semaphore, #tpu.memory_space<semaphore_mem>> -> memref<!tpu.dma_semaphore, #tpu.memory_space<semaphore_mem>>
      %dma_wait3A_256 = arith.constant 0 : i32
      %dma_wait3A_257 = tpu.memref_slice %arg8[%add3A_211, %dma_wait3A_256] : memref<10000x64xf32, #tpu.memory_space<vmem_shared>> -> memref<125x64xf32, #tpu.memory_space<vmem_shared>>
      tpu.wait_dma2 semaphore(%dma_wait3A_255 : memref<!tpu.dma_semaphore, #tpu.memory_space<semaphore_mem>>) src(%dma_wait3A_257 : memref<125x64xf32, #tpu.memory_space<vmem_shared>>) dst(%arg17 : memref<125x64xf32, #tpu.memory_space<vmem>>)
      %not3A = arith.constant true
      %not3A_258 = arith.xori %eq3A_207, %not3A : i1
      %convert_element_type3A = arith.extui %not3A_258 : i1 to i32
      %cond3A = arith.constant 0 : i32
      %cond3A_259 = arith.cmpi ne, %convert_element_type3A, %cond3A : i32
      scf.if %cond3A_259 {
        %parallel_loop3A_587 = arith.constant 0 : i32
        %parallel_loop3A_588 = arith.constant 125 : i32
        %parallel_loop3A_589 = arith.constant 1 : i32
        scf.for %parallel_loop3A_604 = %parallel_loop3A_587 to %parallel_loop3A_588 step %parallel_loop3A_589  : i32 {
          %parallel_loop3A_605 = arith.index_cast %parallel_loop3A_604 : i32 to index
          %parallel_loop3A_606 = arith.constant 0 : index
          %parallel_loop3A_607 = tpu.vector_load %arg18[%parallel_loop3A_605, %parallel_loop3A_606] {strides = array<i32>} : memref<125x64xf32, #tpu.memory_space<vmem>>, vector<16xf32>,
          %parallel_loop3A_608 = arith.index_cast %parallel_loop3A_604 : i32 to index
          %parallel_loop3A_609 = arith.constant 0 : index
          %parallel_loop3A_610 = tpu.vector_load %arg16[%parallel_loop3A_608, %parallel_loop3A_609] {strides = array<i32>} : memref<125x64xf32, #tpu.memory_space<vmem>>, vector<16xf32>,
          %parallel_loop3A_611 = arith.addf %parallel_loop3A_607, %parallel_loop3A_610 : vector<16xf32>
          %parallel_loop3A_612 = arith.index_cast %parallel_loop3A_604 : i32 to index
          %parallel_loop3A_613 = arith.constant 0 : index
          %parallel_loop3A_614 = tpu.vector_load %arg17[%parallel_loop3A_612, %parallel_loop3A_613] {strides = array<i32>} : memref<125x64xf32, #tpu.memory_space<vmem>>, vector<16xf32>,
          %parallel_loop3A_615 = arith.addf %parallel_loop3A_611, %parallel_loop3A_614 : vector<16xf32>
          %parallel_loop3A_616 = arith.index_cast %parallel_loop3A_604 : i32 to index
          %parallel_loop3A_617 = arith.constant 0 : index
          %parallel_loop3A_618 = tpu.vector_load %arg16[%parallel_loop3A_616, %parallel_loop3A_617] {strides = array<i32>} : memref<125x64xf32, #tpu.memory_space<vmem>>, vector<16xf32>,
          tpu.vector_store %arg16[%parallel_loop3A_616, %parallel_loop3A_617], %parallel_loop3A_615 {strides = array<i32>} : memref<125x64xf32, #tpu.memory_space<vmem>>, vector<16xf32>,
          %parallel_loop3A_619 = arith.constant 0.000000e+00 : f32
          %parallel_loop3A_620 = vector.broadcast %parallel_loop3A_619 : f32 to vector<16xf32>
          %parallel_loop3A_621 = arith.index_cast %parallel_loop3A_604 : i32 to index
          %parallel_loop3A_622 = arith.constant 0 : index
          %parallel_loop3A_623 = tpu.vector_load %arg17[%parallel_loop3A_621, %parallel_loop3A_622] {strides = array<i32>} : memref<125x64xf32, #tpu.memory_space<vmem>>, vector<16xf32>,
          tpu.vector_store %arg17[%parallel_loop3A_621, %parallel_loop3A_622], %parallel_loop3A_620 {strides = array<i32>} : memref<125x64xf32, #tpu.memory_space<vmem>>, vector<16xf32>,
          %parallel_loop3A_624 = arith.index_cast %parallel_loop3A_604 : i32 to index
          %parallel_loop3A_625 = arith.constant 16 : index
          %parallel_loop3A_626 = tpu.vector_load %arg18[%parallel_loop3A_624, %parallel_loop3A_625] {strides = array<i32>} : memref<125x64xf32, #tpu.memory_space<vmem>>, vector<16xf32>,
          %parallel_loop3A_627 = arith.index_cast %parallel_loop3A_604 : i32 to index
          %parallel_loop3A_628 = arith.constant 16 : index
          %parallel_loop3A_629 = tpu.vector_load %arg16[%parallel_loop3A_627, %parallel_loop3A_628] {strides = array<i32>} : memref<125x64xf32, #tpu.memory_space<vmem>>, vector<16xf32>,
          %parallel_loop3A_630 = arith.addf %parallel_loop3A_626, %parallel_loop3A_629 : vector<16xf32>
          %parallel_loop3A_631 = arith.index_cast %parallel_loop3A_604 : i32 to index
          %parallel_loop3A_632 = arith.constant 16 : index
          %parallel_loop3A_633 = tpu.vector_load %arg17[%parallel_loop3A_631, %parallel_loop3A_632] {strides = array<i32>} : memref<125x64xf32, #tpu.memory_space<vmem>>, vector<16xf32>,
          %parallel_loop3A_634 = arith.addf %parallel_loop3A_630, %parallel_loop3A_633 : vector<16xf32>
          %parallel_loop3A_635 = arith.index_cast %parallel_loop3A_604 : i32 to index
          %parallel_loop3A_636 = arith.constant 16 : index
          %parallel_loop3A_637 = tpu.vector_load %arg16[%parallel_loop3A_635, %parallel_loop3A_636] {strides = array<i32>} : memref<125x64xf32, #tpu.memory_space<vmem>>, vector<16xf32>,
          tpu.vector_store %arg16[%parallel_loop3A_635, %parallel_loop3A_636], %parallel_loop3A_634 {strides = array<i32>} : memref<125x64xf32, #tpu.memory_space<vmem>>, vector<16xf32>,
          %parallel_loop3A_638 = arith.constant 0.000000e+00 : f32
          %parallel_loop3A_639 = vector.broadcast %parallel_loop3A_638 : f32 to vector<16xf32>
          %parallel_loop3A_640 = arith.index_cast %parallel_loop3A_604 : i32 to index
          %parallel_loop3A_641 = arith.constant 16 : index
          %parallel_loop3A_642 = tpu.vector_load %arg17[%parallel_loop3A_640, %parallel_loop3A_641] {strides = array<i32>} : memref<125x64xf32, #tpu.memory_space<vmem>>, vector<16xf32>,
          tpu.vector_store %arg17[%parallel_loop3A_640, %parallel_loop3A_641], %parallel_loop3A_639 {strides = array<i32>} : memref<125x64xf32, #tpu.memory_space<vmem>>, vector<16xf32>,
          %parallel_loop3A_643 = arith.index_cast %parallel_loop3A_604 : i32 to index
          %parallel_loop3A_644 = arith.constant 32 : index
          %parallel_loop3A_645 = tpu.vector_load %arg18[%parallel_loop3A_643, %parallel_loop3A_644] {strides = array<i32>} : memref<125x64xf32, #tpu.memory_space<vmem>>, vector<16xf32>,
          %parallel_loop3A_646 = arith.index_cast %parallel_loop3A_604 : i32 to index
          %parallel_loop3A_647 = arith.constant 32 : index
          %parallel_loop3A_648 = tpu.vector_load %arg16[%parallel_loop3A_646, %parallel_loop3A_647] {strides = array<i32>} : memref<125x64xf32, #tpu.memory_space<vmem>>, vector<16xf32>,
          %parallel_loop3A_649 = arith.addf %parallel_loop3A_645, %parallel_loop3A_648 : vector<16xf32>
          %parallel_loop3A_650 = arith.index_cast %parallel_loop3A_604 : i32 to index
          %parallel_loop3A_651 = arith.constant 32 : index
          %parallel_loop3A_652 = tpu.vector_load %arg17[%parallel_loop3A_650, %parallel_loop3A_651] {strides = array<i32>} : memref<125x64xf32, #tpu.memory_space<vmem>>, vector<16xf32>,
          %parallel_loop3A_653 = arith.addf %parallel_loop3A_649, %parallel_loop3A_652 : vector<16xf32>
          %parallel_loop3A_654 = arith.index_cast %parallel_loop3A_604 : i32 to index
          %parallel_loop3A_655 = arith.constant 32 : index
          %parallel_loop3A_656 = tpu.vector_load %arg16[%parallel_loop3A_654, %parallel_loop3A_655] {strides = array<i32>} : memref<125x64xf32, #tpu.memory_space<vmem>>, vector<16xf32>,
          tpu.vector_store %arg16[%parallel_loop3A_654, %parallel_loop3A_655], %parallel_loop3A_653 {strides = array<i32>} : memref<125x64xf32, #tpu.memory_space<vmem>>, vector<16xf32>,
          %parallel_loop3A_657 = arith.constant 0.000000e+00 : f32
          %parallel_loop3A_658 = vector.broadcast %parallel_loop3A_657 : f32 to vector<16xf32>
          %parallel_loop3A_659 = arith.index_cast %parallel_loop3A_604 : i32 to index
          %parallel_loop3A_660 = arith.constant 32 : index
          %parallel_loop3A_661 = tpu.vector_load %arg17[%parallel_loop3A_659, %parallel_loop3A_660] {strides = array<i32>} : memref<125x64xf32, #tpu.memory_space<vmem>>, vector<16xf32>,
          tpu.vector_store %arg17[%parallel_loop3A_659, %parallel_loop3A_660], %parallel_loop3A_658 {strides = array<i32>} : memref<125x64xf32, #tpu.memory_space<vmem>>, vector<16xf32>,
          %parallel_loop3A_662 = arith.index_cast %parallel_loop3A_604 : i32 to index
          %parallel_loop3A_663 = arith.constant 48 : index
          %parallel_loop3A_664 = tpu.vector_load %arg18[%parallel_loop3A_662, %parallel_loop3A_663] {strides = array<i32>} : memref<125x64xf32, #tpu.memory_space<vmem>>, vector<16xf32>,
          %parallel_loop3A_665 = arith.index_cast %parallel_loop3A_604 : i32 to index
          %parallel_loop3A_666 = arith.constant 48 : index
          %parallel_loop3A_667 = tpu.vector_load %arg16[%parallel_loop3A_665, %parallel_loop3A_666] {strides = array<i32>} : memref<125x64xf32, #tpu.memory_space<vmem>>, vector<16xf32>,
          %parallel_loop3A_668 = arith.addf %parallel_loop3A_664, %parallel_loop3A_667 : vector<16xf32>
          %parallel_loop3A_669 = arith.index_cast %parallel_loop3A_604 : i32 to index
          %parallel_loop3A_670 = arith.constant 48 : index
          %parallel_loop3A_671 = tpu.vector_load %arg17[%parallel_loop3A_669, %parallel_loop3A_670] {strides = array<i32>} : memref<125x64xf32, #tpu.memory_space<vmem>>, vector<16xf32>,
          %parallel_loop3A_672 = arith.addf %parallel_loop3A_668, %parallel_loop3A_671 : vector<16xf32>
          %parallel_loop3A_673 = arith.index_cast %parallel_loop3A_604 : i32 to index
          %parallel_loop3A_674 = arith.constant 48 : index
          %parallel_loop3A_675 = tpu.vector_load %arg16[%parallel_loop3A_673, %parallel_loop3A_674] {strides = array<i32>} : memref<125x64xf32, #tpu.memory_space<vmem>>, vector<16xf32>,
          tpu.vector_store %arg16[%parallel_loop3A_673, %parallel_loop3A_674], %parallel_loop3A_672 {strides = array<i32>} : memref<125x64xf32, #tpu.memory_space<vmem>>, vector<16xf32>,
          %parallel_loop3A_676 = arith.constant 0.000000e+00 : f32
          %parallel_loop3A_677 = vector.broadcast %parallel_loop3A_676 : f32 to vector<16xf32>
          %parallel_loop3A_678 = arith.index_cast %parallel_loop3A_604 : i32 to index
          %parallel_loop3A_679 = arith.constant 48 : index
          %parallel_loop3A_680 = tpu.vector_load %arg17[%parallel_loop3A_678, %parallel_loop3A_679] {strides = array<i32>} : memref<125x64xf32, #tpu.memory_space<vmem>>, vector<16xf32>,
          tpu.vector_store %arg17[%parallel_loop3A_678, %parallel_loop3A_679], %parallel_loop3A_677 {strides = array<i32>} : memref<125x64xf32, #tpu.memory_space<vmem>>, vector<16xf32>,
        } {sc.loop_unroll_factor = 2 : i64, sc.parallel_access}
        %dma_start3A_590 = arith.constant 0 : i32
        %dma_start3A_591 = arith.constant 0 : i32
        %dma_start3A_592 = tpu.memref_slice %arg7[%add3A_211, %dma_start3A_591] : memref<10000x64xf32, #tpu.memory_space<vmem_shared>> -> memref<125x64xf32, #tpu.memory_space<vmem_shared>>
        %dma_start3A_593 = tpu.memref_slice %arg22[%dma_start3A_590] : memref<3x!tpu.dma_semaphore, #tpu.memory_space<semaphore_mem>> -> memref<1x!tpu.dma_semaphore, #tpu.memory_space<semaphore_mem>>
        %dma_start3A_594 = tpu.memref_squeeze %dma_start3A_593 : memref<1x!tpu.dma_semaphore, #tpu.memory_space<semaphore_mem>> -> memref<!tpu.dma_semaphore, #tpu.memory_space<semaphore_mem>>
        %dma_start3A_595 = arith.constant 0 : i32
        %dma_start3A_596 = tpu.memref_slice %arg7[%add3A_211, %dma_start3A_595] : memref<10000x64xf32, #tpu.memory_space<vmem_shared>> -> memref<125x64xf32, #tpu.memory_space<vmem_shared>>
        tpu.enqueue_dma source(%arg16 : memref<125x64xf32, #tpu.memory_space<vmem>>) target(%dma_start3A_596 : memref<125x64xf32, #tpu.memory_space<vmem_shared>>) target_semaphore(%dma_start3A_594 : memref<!tpu.dma_semaphore, #tpu.memory_space<semaphore_mem>>)
        %dma_start3A_597 = arith.constant 1 : i32
        %dma_start3A_598 = arith.constant 0 : i32
        %dma_start3A_599 = tpu.memref_slice %arg8[%add3A_211, %dma_start3A_598] : memref<10000x64xf32, #tpu.memory_space<vmem_shared>> -> memref<125x64xf32, #tpu.memory_space<vmem_shared>>
        %dma_start3A_600 = tpu.memref_slice %arg22[%dma_start3A_597] : memref<3x!tpu.dma_semaphore, #tpu.memory_space<semaphore_mem>> -> memref<1x!tpu.dma_semaphore, #tpu.memory_space<semaphore_mem>>
        %dma_start3A_601 = tpu.memref_squeeze %dma_start3A_600 : memref<1x!tpu.dma_semaphore, #tpu.memory_space<semaphore_mem>> -> memref<!tpu.dma_semaphore, #tpu.memory_space<semaphore_mem>>
        %dma_start3A_602 = arith.constant 0 : i32
        %dma_start3A_603 = tpu.memref_slice %arg8[%add3A_211, %dma_start3A_602] : memref<10000x64xf32, #tpu.memory_space<vmem_shared>> -> memref<125x64xf32, #tpu.memory_space<vmem_shared>>
        tpu.enqueue_dma source(%arg17 : memref<125x64xf32, #tpu.memory_space<vmem>>) target(%dma_start3A_603 : memref<125x64xf32, #tpu.memory_space<vmem_shared>>) target_semaphore(%dma_start3A_601 : memref<!tpu.dma_semaphore, #tpu.memory_space<semaphore_mem>>)
      } else {
      }
      %convert_element_type3A_260 = arith.extui %eq3A_207 : i1 to i32
      %cond3A_261 = arith.constant 0 : i32
      %cond3A_262 = arith.cmpi ne, %convert_element_type3A_260, %cond3A_261 : i32
      scf.if %cond3A_262 {
        %parallel_loop3A_587 = arith.constant 0 : i32
        %parallel_loop3A_588 = arith.constant 125 : i32
        %parallel_loop3A_589 = arith.constant 1 : i32
        scf.for %parallel_loop3A_606 = %parallel_loop3A_587 to %parallel_loop3A_588 step %parallel_loop3A_589  : i32 {
          %parallel_loop3A_607 = arith.index_cast %parallel_loop3A_606 : i32 to index
          %parallel_loop3A_608 = arith.constant 0 : index
          %parallel_loop3A_609 = tpu.vector_load %arg18[%parallel_loop3A_607, %parallel_loop3A_608] {strides = array<i32>} : memref<125x64xf32, #tpu.memory_space<vmem>>, vector<16xf32>,
          %parallel_loop3A_610 = arith.index_cast %parallel_loop3A_606 : i32 to index
          %parallel_loop3A_611 = arith.constant 0 : index
          %parallel_loop3A_612 = tpu.vector_load %arg16[%parallel_loop3A_610, %parallel_loop3A_611] {strides = array<i32>} : memref<125x64xf32, #tpu.memory_space<vmem>>, vector<16xf32>,
          %parallel_loop3A_613 = arith.addf %parallel_loop3A_609, %parallel_loop3A_612 : vector<16xf32>
          %parallel_loop3A_614 = arith.index_cast %parallel_loop3A_606 : i32 to index
          %parallel_loop3A_615 = arith.constant 0 : index
          %parallel_loop3A_616 = tpu.vector_load %arg17[%parallel_loop3A_614, %parallel_loop3A_615] {strides = array<i32>} : memref<125x64xf32, #tpu.memory_space<vmem>>, vector<16xf32>,
          %parallel_loop3A_617 = arith.addf %parallel_loop3A_613, %parallel_loop3A_616 : vector<16xf32>
          %parallel_loop3A_618 = arith.constant 2.500000e-01 : f32
          %parallel_loop3A_619 = vector.broadcast %parallel_loop3A_618 : f32 to vector<16xf32>
          %parallel_loop3A_620 = arith.mulf %parallel_loop3A_617, %parallel_loop3A_619 : vector<16xf32>
          %parallel_loop3A_621 = arith.index_cast %parallel_loop3A_606 : i32 to index
          %parallel_loop3A_622 = arith.constant 0 : index
          %parallel_loop3A_623 = tpu.vector_load %arg16[%parallel_loop3A_621, %parallel_loop3A_622] {strides = array<i32>} : memref<125x64xf32, #tpu.memory_space<vmem>>, vector<16xf32>,
          tpu.vector_store %arg16[%parallel_loop3A_621, %parallel_loop3A_622], %parallel_loop3A_620 {strides = array<i32>} : memref<125x64xf32, #tpu.memory_space<vmem>>, vector<16xf32>,
          %parallel_loop3A_624 = arith.index_cast %parallel_loop3A_606 : i32 to index
          %parallel_loop3A_625 = arith.constant 16 : index
          %parallel_loop3A_626 = tpu.vector_load %arg18[%parallel_loop3A_624, %parallel_loop3A_625] {strides = array<i32>} : memref<125x64xf32, #tpu.memory_space<vmem>>, vector<16xf32>,
          %parallel_loop3A_627 = arith.index_cast %parallel_loop3A_606 : i32 to index
          %parallel_loop3A_628 = arith.constant 16 : index
          %parallel_loop3A_629 = tpu.vector_load %arg16[%parallel_loop3A_627, %parallel_loop3A_628] {strides = array<i32>} : memref<125x64xf32, #tpu.memory_space<vmem>>, vector<16xf32>,
          %parallel_loop3A_630 = arith.addf %parallel_loop3A_626, %parallel_loop3A_629 : vector<16xf32>
          %parallel_loop3A_631 = arith.index_cast %parallel_loop3A_606 : i32 to index
          %parallel_loop3A_632 = arith.constant 16 : index
          %parallel_loop3A_633 = tpu.vector_load %arg17[%parallel_loop3A_631, %parallel_loop3A_632] {strides = array<i32>} : memref<125x64xf32, #tpu.memory_space<vmem>>, vector<16xf32>,
          %parallel_loop3A_634 = arith.addf %parallel_loop3A_630, %parallel_loop3A_633 : vector<16xf32>
          %parallel_loop3A_635 = arith.constant 2.500000e-01 : f32
          %parallel_loop3A_636 = vector.broadcast %parallel_loop3A_635 : f32 to vector<16xf32>
          %parallel_loop3A_637 = arith.mulf %parallel_loop3A_634, %parallel_loop3A_636 : vector<16xf32>
          %parallel_loop3A_638 = arith.index_cast %parallel_loop3A_606 : i32 to index
          %parallel_loop3A_639 = arith.constant 16 : index
          %parallel_loop3A_640 = tpu.vector_load %arg16[%parallel_loop3A_638, %parallel_loop3A_639] {strides = array<i32>} : memref<125x64xf32, #tpu.memory_space<vmem>>, vector<16xf32>,
          tpu.vector_store %arg16[%parallel_loop3A_638, %parallel_loop3A_639], %parallel_loop3A_637 {strides = array<i32>} : memref<125x64xf32, #tpu.memory_space<vmem>>, vector<16xf32>,
          %parallel_loop3A_641 = arith.index_cast %parallel_loop3A_606 : i32 to index
          %parallel_loop3A_642 = arith.constant 32 : index
          %parallel_loop3A_643 = tpu.vector_load %arg18[%parallel_loop3A_641, %parallel_loop3A_642] {strides = array<i32>} : memref<125x64xf32, #tpu.memory_space<vmem>>, vector<16xf32>,
          %parallel_loop3A_644 = arith.index_cast %parallel_loop3A_606 : i32 to index
          %parallel_loop3A_645 = arith.constant 32 : index
          %parallel_loop3A_646 = tpu.vector_load %arg16[%parallel_loop3A_644, %parallel_loop3A_645] {strides = array<i32>} : memref<125x64xf32, #tpu.memory_space<vmem>>, vector<16xf32>,
          %parallel_loop3A_647 = arith.addf %parallel_loop3A_643, %parallel_loop3A_646 : vector<16xf32>
          %parallel_loop3A_648 = arith.index_cast %parallel_loop3A_606 : i32 to index
          %parallel_loop3A_649 = arith.constant 32 : index
          %parallel_loop3A_650 = tpu.vector_load %arg17[%parallel_loop3A_648, %parallel_loop3A_649] {strides = array<i32>} : memref<125x64xf32, #tpu.memory_space<vmem>>, vector<16xf32>,
          %parallel_loop3A_651 = arith.addf %parallel_loop3A_647, %parallel_loop3A_650 : vector<16xf32>
          %parallel_loop3A_652 = arith.constant 2.500000e-01 : f32
          %parallel_loop3A_653 = vector.broadcast %parallel_loop3A_652 : f32 to vector<16xf32>
          %parallel_loop3A_654 = arith.mulf %parallel_loop3A_651, %parallel_loop3A_653 : vector<16xf32>
          %parallel_loop3A_655 = arith.index_cast %parallel_loop3A_606 : i32 to index
          %parallel_loop3A_656 = arith.constant 32 : index
          %parallel_loop3A_657 = tpu.vector_load %arg16[%parallel_loop3A_655, %parallel_loop3A_656] {strides = array<i32>} : memref<125x64xf32, #tpu.memory_space<vmem>>, vector<16xf32>,
          tpu.vector_store %arg16[%parallel_loop3A_655, %parallel_loop3A_656], %parallel_loop3A_654 {strides = array<i32>} : memref<125x64xf32, #tpu.memory_space<vmem>>, vector<16xf32>,
          %parallel_loop3A_658 = arith.index_cast %parallel_loop3A_606 : i32 to index
          %parallel_loop3A_659 = arith.constant 48 : index
          %parallel_loop3A_660 = tpu.vector_load %arg18[%parallel_loop3A_658, %parallel_loop3A_659] {strides = array<i32>} : memref<125x64xf32, #tpu.memory_space<vmem>>, vector<16xf32>,
          %parallel_loop3A_661 = arith.index_cast %parallel_loop3A_606 : i32 to index
          %parallel_loop3A_662 = arith.constant 48 : index
          %parallel_loop3A_663 = tpu.vector_load %arg16[%parallel_loop3A_661, %parallel_loop3A_662] {strides = array<i32>} : memref<125x64xf32, #tpu.memory_space<vmem>>, vector<16xf32>,
          %parallel_loop3A_664 = arith.addf %parallel_loop3A_660, %parallel_loop3A_663 : vector<16xf32>
          %parallel_loop3A_665 = arith.index_cast %parallel_loop3A_606 : i32 to index
          %parallel_loop3A_666 = arith.constant 48 : index
          %parallel_loop3A_667 = tpu.vector_load %arg17[%parallel_loop3A_665, %parallel_loop3A_666] {strides = array<i32>} : memref<125x64xf32, #tpu.memory_space<vmem>>, vector<16xf32>,
          %parallel_loop3A_668 = arith.addf %parallel_loop3A_664, %parallel_loop3A_667 : vector<16xf32>
          %parallel_loop3A_669 = arith.constant 2.500000e-01 : f32
          %parallel_loop3A_670 = vector.broadcast %parallel_loop3A_669 : f32 to vector<16xf32>
          %parallel_loop3A_671 = arith.mulf %parallel_loop3A_668, %parallel_loop3A_670 : vector<16xf32>
          %parallel_loop3A_672 = arith.index_cast %parallel_loop3A_606 : i32 to index
          %parallel_loop3A_673 = arith.constant 48 : index
          %parallel_loop3A_674 = tpu.vector_load %arg16[%parallel_loop3A_672, %parallel_loop3A_673] {strides = array<i32>} : memref<125x64xf32, #tpu.memory_space<vmem>>, vector<16xf32>,
          tpu.vector_store %arg16[%parallel_loop3A_672, %parallel_loop3A_673], %parallel_loop3A_671 {strides = array<i32>} : memref<125x64xf32, #tpu.memory_space<vmem>>, vector<16xf32>,
        } {sc.loop_unroll_factor = 2 : i64, sc.parallel_access}
        %dma_start3A_590 = arith.constant 0 : i32
        %dma_start3A_591 = arith.constant 0 : i32
        %dma_start3A_592 = tpu.memref_slice %arg7[%add3A_211, %dma_start3A_591] : memref<10000x64xf32, #tpu.memory_space<vmem_shared>> -> memref<125x64xf32, #tpu.memory_space<vmem_shared>>
        %dma_start3A_593 = tpu.memref_slice %arg22[%dma_start3A_590] : memref<3x!tpu.dma_semaphore, #tpu.memory_space<semaphore_mem>> -> memref<1x!tpu.dma_semaphore, #tpu.memory_space<semaphore_mem>>
        %dma_start3A_594 = tpu.memref_squeeze %dma_start3A_593 : memref<1x!tpu.dma_semaphore, #tpu.memory_space<semaphore_mem>> -> memref<!tpu.dma_semaphore, #tpu.memory_space<semaphore_mem>>
        %dma_start3A_595 = arith.constant 0 : i32
        %dma_start3A_596 = tpu.memref_slice %arg7[%add3A_211, %dma_start3A_595] : memref<10000x64xf32, #tpu.memory_space<vmem_shared>> -> memref<125x64xf32, #tpu.memory_space<vmem_shared>>
        tpu.enqueue_dma source(%arg16 : memref<125x64xf32, #tpu.memory_space<vmem>>) target(%dma_start3A_596 : memref<125x64xf32, #tpu.memory_space<vmem_shared>>) target_semaphore(%dma_start3A_594 : memref<!tpu.dma_semaphore, #tpu.memory_space<semaphore_mem>>)
        %dma_start3A_597 = arith.constant 1 : i32
        %dma_start3A_598 = arith.constant 0 : i32
        %dma_start3A_599 = tpu.memref_slice %arg6[%arg0, %add3A_211, %dma_start3A_598] : memref<2x10000x64xf32, #tpu.memory_space<hbm>> -> memref<1x125x64xf32, #tpu.memory_space<hbm>>
        %dma_start3A_600 = tpu.memref_squeeze %dma_start3A_599 : memref<1x125x64xf32, #tpu.memory_space<hbm>> -> memref<125x64xf32, #tpu.memory_space<hbm>>
        %dma_start3A_601 = tpu.memref_slice %arg22[%dma_start3A_597] : memref<3x!tpu.dma_semaphore, #tpu.memory_space<semaphore_mem>> -> memref<1x!tpu.dma_semaphore, #tpu.memory_space<semaphore_mem>>
        %dma_start3A_602 = tpu.memref_squeeze %dma_start3A_601 : memref<1x!tpu.dma_semaphore, #tpu.memory_space<semaphore_mem>> -> memref<!tpu.dma_semaphore, #tpu.memory_space<semaphore_mem>>
        %dma_start3A_603 = arith.constant 0 : i32
        %dma_start3A_604 = tpu.memref_slice %arg6[%arg0, %add3A_211, %dma_start3A_603] : memref<2x10000x64xf32, #tpu.memory_space<hbm>> -> memref<1x125x64xf32, #tpu.memory_space<hbm>>
        %dma_start3A_605 = tpu.memref_squeeze %dma_start3A_604 : memref<1x125x64xf32, #tpu.memory_space<hbm>> -> memref<125x64xf32, #tpu.memory_space<hbm>>
        tpu.enqueue_dma source(%arg16 : memref<125x64xf32, #tpu.memory_space<vmem>>) target(%dma_start3A_605 : memref<125x64xf32, #tpu.memory_space<hbm>>) target_semaphore(%dma_start3A_602 : memref<!tpu.dma_semaphore, #tpu.memory_space<semaphore_mem>>)
      } else {
      }
      %mul3A_263 = arith.constant 625 : i32
      %mul3A_264 = arith.muli %arg1, %mul3A_263 : i32
      %add3A_265 = arith.constant 125 : i32
      %add3A_266 = arith.addi %mul3A_264, %add3A_265 : i32
      %mul3A_267 = arith.constant 625 : i32
      %mul3A_268 = arith.muli %arg1, %mul3A_267 : i32
      %add3A_269 = arith.constant 0 : i32
      %add3A_270 = arith.addi %mul3A_268, %add3A_269 : i32
      %dma_wait3A_271 = arith.constant 0 : i32
      %dma_wait3A_272 = arith.constant 0 : i32
      %dma_wait3A_273 = tpu.memref_slice %arg7[%add3A_270, %dma_wait3A_272] : memref<10000x64xf32, #tpu.memory_space<vmem_shared>> -> memref<125x64xf32, #tpu.memory_space<vmem_shared>>
      %dma_wait3A_274 = tpu.memref_slice %arg22[%dma_wait3A_271] : memref<3x!tpu.dma_semaphore, #tpu.memory_space<semaphore_mem>> -> memref<1x!tpu.dma_semaphore, #tpu.memory_space<semaphore_mem>>
      %dma_wait3A_275 = tpu.memref_squeeze %dma_wait3A_274 : memref<1x!tpu.dma_semaphore, #tpu.memory_space<semaphore_mem>> -> memref<!tpu.dma_semaphore, #tpu.memory_space<semaphore_mem>>
      %dma_wait3A_276 = arith.constant 0 : i32
      %dma_wait3A_277 = tpu.memref_slice %arg7[%add3A_270, %dma_wait3A_276] : memref<10000x64xf32, #tpu.memory_space<vmem_shared>> -> memref<125x64xf32, #tpu.memory_space<vmem_shared>>
      tpu.wait_dma2 semaphore(%dma_wait3A_275 : memref<!tpu.dma_semaphore, #tpu.memory_space<semaphore_mem>>) src(%arg16 : memref<125x64xf32, #tpu.memory_space<vmem>>) dst(%dma_wait3A_277 : memref<125x64xf32, #tpu.memory_space<vmem_shared>>)
      %dma_wait3A_278 = arith.constant 1 : i32
      %dma_wait3A_279 = arith.constant 0 : i32
      %dma_wait3A_280 = tpu.memref_slice %arg8[%add3A_270, %dma_wait3A_279] : memref<10000x64xf32, #tpu.memory_space<vmem_shared>> -> memref<125x64xf32, #tpu.memory_space<vmem_shared>>
      %dma_wait3A_281 = tpu.memref_slice %arg22[%dma_wait3A_278] : memref<3x!tpu.dma_semaphore, #tpu.memory_space<semaphore_mem>> -> memref<1x!tpu.dma_semaphore, #tpu.memory_space<semaphore_mem>>
      %dma_wait3A_282 = tpu.memref_squeeze %dma_wait3A_281 : memref<1x!tpu.dma_semaphore, #tpu.memory_space<semaphore_mem>> -> memref<!tpu.dma_semaphore, #tpu.memory_space<semaphore_mem>>
      %dma_wait3A_283 = arith.constant 0 : i32
      %dma_wait3A_284 = tpu.memref_slice %arg8[%add3A_270, %dma_wait3A_283] : memref<10000x64xf32, #tpu.memory_space<vmem_shared>> -> memref<125x64xf32, #tpu.memory_space<vmem_shared>>
      tpu.wait_dma2 semaphore(%dma_wait3A_282 : memref<!tpu.dma_semaphore, #tpu.memory_space<semaphore_mem>>) src(%arg17 : memref<125x64xf32, #tpu.memory_space<vmem>>) dst(%dma_wait3A_284 : memref<125x64xf32, #tpu.memory_space<vmem_shared>>)
      %dma_start3A_285 = arith.constant 0 : i32
      %dma_start3A_286 = arith.constant 0 : i32
      %dma_start3A_287 = tpu.memref_slice %arg2[%arg0, %add3A_266, %dma_start3A_286] : memref<2x10000x64xf32, #tpu.memory_space<hbm>> -> memref<1x125x64xf32, #tpu.memory_space<hbm>>
      %dma_start3A_288 = tpu.memref_squeeze %dma_start3A_287 : memref<1x125x64xf32, #tpu.memory_space<hbm>> -> memref<125x64xf32, #tpu.memory_space<hbm>>
      %dma_start3A_289 = tpu.memref_slice %arg22[%dma_start3A_285] : memref<3x!tpu.dma_semaphore, #tpu.memory_space<semaphore_mem>> -> memref<1x!tpu.dma_semaphore, #tpu.memory_space<semaphore_mem>>
      %dma_start3A_290 = tpu.memref_squeeze %dma_start3A_289 : memref<1x!tpu.dma_semaphore, #tpu.memory_space<semaphore_mem>> -> memref<!tpu.dma_semaphore, #tpu.memory_space<semaphore_mem>>
      %dma_start3A_291 = arith.constant 0 : i32
      %dma_start3A_292 = tpu.memref_slice %arg2[%arg0, %add3A_266, %dma_start3A_291] : memref<2x10000x64xf32, #tpu.memory_space<hbm>> -> memref<1x125x64xf32, #tpu.memory_space<hbm>>
      %dma_start3A_293 = tpu.memref_squeeze %dma_start3A_292 : memref<1x125x64xf32, #tpu.memory_space<hbm>> -> memref<125x64xf32, #tpu.memory_space<hbm>>
      tpu.enqueue_dma source(%dma_start3A_293 : memref<125x64xf32, #tpu.memory_space<hbm>>) target(%arg18 : memref<125x64xf32, #tpu.memory_space<vmem>>) target_semaphore(%dma_start3A_290 : memref<!tpu.dma_semaphore, #tpu.memory_space<semaphore_mem>>)
      %dma_start3A_294 = arith.constant 1 : i32
      %dma_start3A_295 = arith.constant 0 : i32
      %dma_start3A_296 = tpu.memref_slice %arg7[%add3A_266, %dma_start3A_295] : memref<10000x64xf32, #tpu.memory_space<vmem_shared>> -> memref<125x64xf32, #tpu.memory_space<vmem_shared>>
      %dma_start3A_297 = tpu.memref_slice %arg22[%dma_start3A_294] : memref<3x!tpu.dma_semaphore, #tpu.memory_space<semaphore_mem>> -> memref<1x!tpu.dma_semaphore, #tpu.memory_space<semaphore_mem>>
      %dma_start3A_298 = tpu.memref_squeeze %dma_start3A_297 : memref<1x!tpu.dma_semaphore, #tpu.memory_space<semaphore_mem>> -> memref<!tpu.dma_semaphore, #tpu.memory_space<semaphore_mem>>
      %dma_start3A_299 = arith.constant 0 : i32
      %dma_start3A_300 = tpu.memref_slice %arg7[%add3A_266, %dma_start3A_299] : memref<10000x64xf32, #tpu.memory_space<vmem_shared>> -> memref<125x64xf32, #tpu.memory_space<vmem_shared>>
      tpu.enqueue_dma source(%dma_start3A_300 : memref<125x64xf32, #tpu.memory_space<vmem_shared>>) target(%arg16 : memref<125x64xf32, #tpu.memory_space<vmem>>) target_semaphore(%dma_start3A_298 : memref<!tpu.dma_semaphore, #tpu.memory_space<semaphore_mem>>)
      %dma_start3A_301 = arith.constant 2 : i32
      %dma_start3A_302 = arith.constant 0 : i32
      %dma_start3A_303 = tpu.memref_slice %arg8[%add3A_266, %dma_start3A_302] : memref<10000x64xf32, #tpu.memory_space<vmem_shared>> -> memref<125x64xf32, #tpu.memory_space<vmem_shared>>
      %dma_start3A_304 = tpu.memref_slice %arg22[%dma_start3A_301] : memref<3x!tpu.dma_semaphore, #tpu.memory_space<semaphore_mem>> -> memref<1x!tpu.dma_semaphore, #tpu.memory_space<semaphore_mem>>
      %dma_start3A_305 = tpu.memref_squeeze %dma_start3A_304 : memref<1x!tpu.dma_semaphore, #tpu.memory_space<semaphore_mem>> -> memref<!tpu.dma_semaphore, #tpu.memory_space<semaphore_mem>>
      %dma_start3A_306 = arith.constant 0 : i32
      %dma_start3A_307 = tpu.memref_slice %arg8[%add3A_266, %dma_start3A_306] : memref<10000x64xf32, #tpu.memory_space<vmem_shared>> -> memref<125x64xf32, #tpu.memory_space<vmem_shared>>
      tpu.enqueue_dma source(%dma_start3A_307 : memref<125x64xf32, #tpu.memory_space<vmem_shared>>) target(%arg17 : memref<125x64xf32, #tpu.memory_space<vmem>>) target_semaphore(%dma_start3A_305 : memref<!tpu.dma_semaphore, #tpu.memory_space<semaphore_mem>>)
      %dma_wait3A_308 = arith.constant 0 : i32
      %dma_wait3A_309 = arith.constant 0 : i32
      %dma_wait3A_310 = tpu.memref_slice %arg2[%arg0, %add3A_266, %dma_wait3A_309] : memref<2x10000x64xf32, #tpu.memory_space<hbm>> -> memref<1x125x64xf32, #tpu.memory_space<hbm>>
      %dma_wait3A_311 = tpu.memref_squeeze %dma_wait3A_310 : memref<1x125x64xf32, #tpu.memory_space<hbm>> -> memref<125x64xf32, #tpu.memory_space<hbm>>
      %dma_wait3A_312 = tpu.memref_slice %arg22[%dma_wait3A_308] : memref<3x!tpu.dma_semaphore, #tpu.memory_space<semaphore_mem>> -> memref<1x!tpu.dma_semaphore, #tpu.memory_space<semaphore_mem>>
      %dma_wait3A_313 = tpu.memref_squeeze %dma_wait3A_312 : memref<1x!tpu.dma_semaphore, #tpu.memory_space<semaphore_mem>> -> memref<!tpu.dma_semaphore, #tpu.memory_space<semaphore_mem>>
      %dma_wait3A_314 = arith.constant 0 : i32
      %dma_wait3A_315 = tpu.memref_slice %arg2[%arg0, %add3A_266, %dma_wait3A_314] : memref<2x10000x64xf32, #tpu.memory_space<hbm>> -> memref<1x125x64xf32, #tpu.memory_space<hbm>>
      %dma_wait3A_316 = tpu.memref_squeeze %dma_wait3A_315 : memref<1x125x64xf32, #tpu.memory_space<hbm>> -> memref<125x64xf32, #tpu.memory_space<hbm>>
      tpu.wait_dma2 semaphore(%dma_wait3A_313 : memref<!tpu.dma_semaphore, #tpu.memory_space<semaphore_mem>>) src(%dma_wait3A_316 : memref<125x64xf32, #tpu.memory_space<hbm>>) dst(%arg18 : memref<125x64xf32, #tpu.memory_space<vmem>>)
      %dma_wait3A_317 = arith.constant 1 : i32
      %dma_wait3A_318 = arith.constant 0 : i32
      %dma_wait3A_319 = tpu.memref_slice %arg7[%add3A_266, %dma_wait3A_318] : memref<10000x64xf32, #tpu.memory_space<vmem_shared>> -> memref<125x64xf32, #tpu.memory_space<vmem_shared>>
      %dma_wait3A_320 = tpu.memref_slice %arg22[%dma_wait3A_317] : memref<3x!tpu.dma_semaphore, #tpu.memory_space<semaphore_mem>> -> memref<1x!tpu.dma_semaphore, #tpu.memory_space<semaphore_mem>>
      %dma_wait3A_321 = tpu.memref_squeeze %dma_wait3A_320 : memref<1x!tpu.dma_semaphore, #tpu.memory_space<semaphore_mem>> -> memref<!tpu.dma_semaphore, #tpu.memory_space<semaphore_mem>>
      %dma_wait3A_322 = arith.constant 0 : i32
      %dma_wait3A_323 = tpu.memref_slice %arg7[%add3A_266, %dma_wait3A_322] : memref<10000x64xf32, #tpu.memory_space<vmem_shared>> -> memref<125x64xf32, #tpu.memory_space<vmem_shared>>
      tpu.wait_dma2 semaphore(%dma_wait3A_321 : memref<!tpu.dma_semaphore, #tpu.memory_space<semaphore_mem>>) src(%dma_wait3A_323 : memref<125x64xf32, #tpu.memory_space<vmem_shared>>) dst(%arg16 : memref<125x64xf32, #tpu.memory_space<vmem>>)
      %dma_wait3A_324 = arith.constant 2 : i32
      %dma_wait3A_325 = arith.constant 0 : i32
      %dma_wait3A_326 = tpu.memref_slice %arg8[%add3A_266, %dma_wait3A_325] : memref<10000x64xf32, #tpu.memory_space<vmem_shared>> -> memref<125x64xf32, #tpu.memory_space<vmem_shared>>
      %dma_wait3A_327 = tpu.memref_slice %arg22[%dma_wait3A_324] : memref<3x!tpu.dma_semaphore, #tpu.memory_space<semaphore_mem>> -> memref<1x!tpu.dma_semaphore, #tpu.memory_space<semaphore_mem>>
      %dma_wait3A_328 = tpu.memref_squeeze %dma_wait3A_327 : memref<1x!tpu.dma_semaphore, #tpu.memory_space<semaphore_mem>> -> memref<!tpu.dma_semaphore, #tpu.memory_space<semaphore_mem>>
      %dma_wait3A_329 = arith.constant 0 : i32
      %dma_wait3A_330 = tpu.memref_slice %arg8[%add3A_266, %dma_wait3A_329] : memref<10000x64xf32, #tpu.memory_space<vmem_shared>> -> memref<125x64xf32, #tpu.memory_space<vmem_shared>>
      tpu.wait_dma2 semaphore(%dma_wait3A_328 : memref<!tpu.dma_semaphore, #tpu.memory_space<semaphore_mem>>) src(%dma_wait3A_330 : memref<125x64xf32, #tpu.memory_space<vmem_shared>>) dst(%arg17 : memref<125x64xf32, #tpu.memory_space<vmem>>)
      %not3A_331 = arith.constant true
      %not3A_332 = arith.xori %eq3A_207, %not3A_331 : i1
      %convert_element_type3A_333 = arith.extui %not3A_332 : i1 to i32
      %cond3A_334 = arith.constant 0 : i32
      %cond3A_335 = arith.cmpi ne, %convert_element_type3A_333, %cond3A_334 : i32
      scf.if %cond3A_335 {
        %parallel_loop3A_587 = arith.constant 0 : i32
        %parallel_loop3A_588 = arith.constant 125 : i32
        %parallel_loop3A_589 = arith.constant 1 : i32
        scf.for %parallel_loop3A_604 = %parallel_loop3A_587 to %parallel_loop3A_588 step %parallel_loop3A_589  : i32 {
          %parallel_loop3A_605 = arith.index_cast %parallel_loop3A_604 : i32 to index
          %parallel_loop3A_606 = arith.constant 0 : index
          %parallel_loop3A_607 = tpu.vector_load %arg18[%parallel_loop3A_605, %parallel_loop3A_606] {strides = array<i32>} : memref<125x64xf32, #tpu.memory_space<vmem>>, vector<16xf32>,
          %parallel_loop3A_608 = arith.index_cast %parallel_loop3A_604 : i32 to index
          %parallel_loop3A_609 = arith.constant 0 : index
          %parallel_loop3A_610 = tpu.vector_load %arg16[%parallel_loop3A_608, %parallel_loop3A_609] {strides = array<i32>} : memref<125x64xf32, #tpu.memory_space<vmem>>, vector<16xf32>,
          %parallel_loop3A_611 = arith.addf %parallel_loop3A_607, %parallel_loop3A_610 : vector<16xf32>
          %parallel_loop3A_612 = arith.index_cast %parallel_loop3A_604 : i32 to index
          %parallel_loop3A_613 = arith.constant 0 : index
          %parallel_loop3A_614 = tpu.vector_load %arg17[%parallel_loop3A_612, %parallel_loop3A_613] {strides = array<i32>} : memref<125x64xf32, #tpu.memory_space<vmem>>, vector<16xf32>,
          %parallel_loop3A_615 = arith.addf %parallel_loop3A_611, %parallel_loop3A_614 : vector<16xf32>
          %parallel_loop3A_616 = arith.index_cast %parallel_loop3A_604 : i32 to index
          %parallel_loop3A_617 = arith.constant 0 : index
          %parallel_loop3A_618 = tpu.vector_load %arg16[%parallel_loop3A_616, %parallel_loop3A_617] {strides = array<i32>} : memref<125x64xf32, #tpu.memory_space<vmem>>, vector<16xf32>,
          tpu.vector_store %arg16[%parallel_loop3A_616, %parallel_loop3A_617], %parallel_loop3A_615 {strides = array<i32>} : memref<125x64xf32, #tpu.memory_space<vmem>>, vector<16xf32>,
          %parallel_loop3A_619 = arith.constant 0.000000e+00 : f32
          %parallel_loop3A_620 = vector.broadcast %parallel_loop3A_619 : f32 to vector<16xf32>
          %parallel_loop3A_621 = arith.index_cast %parallel_loop3A_604 : i32 to index
          %parallel_loop3A_622 = arith.constant 0 : index
          %parallel_loop3A_623 = tpu.vector_load %arg17[%parallel_loop3A_621, %parallel_loop3A_622] {strides = array<i32>} : memref<125x64xf32, #tpu.memory_space<vmem>>, vector<16xf32>,
          tpu.vector_store %arg17[%parallel_loop3A_621, %parallel_loop3A_622], %parallel_loop3A_620 {strides = array<i32>} : memref<125x64xf32, #tpu.memory_space<vmem>>, vector<16xf32>,
          %parallel_loop3A_624 = arith.index_cast %parallel_loop3A_604 : i32 to index
          %parallel_loop3A_625 = arith.constant 16 : index
          %parallel_loop3A_626 = tpu.vector_load %arg18[%parallel_loop3A_624, %parallel_loop3A_625] {strides = array<i32>} : memref<125x64xf32, #tpu.memory_space<vmem>>, vector<16xf32>,
          %parallel_loop3A_627 = arith.index_cast %parallel_loop3A_604 : i32 to index
          %parallel_loop3A_628 = arith.constant 16 : index
          %parallel_loop3A_629 = tpu.vector_load %arg16[%parallel_loop3A_627, %parallel_loop3A_628] {strides = array<i32>} : memref<125x64xf32, #tpu.memory_space<vmem>>, vector<16xf32>,
          %parallel_loop3A_630 = arith.addf %parallel_loop3A_626, %parallel_loop3A_629 : vector<16xf32>
          %parallel_loop3A_631 = arith.index_cast %parallel_loop3A_604 : i32 to index
          %parallel_loop3A_632 = arith.constant 16 : index
          %parallel_loop3A_633 = tpu.vector_load %arg17[%parallel_loop3A_631, %parallel_loop3A_632] {strides = array<i32>} : memref<125x64xf32, #tpu.memory_space<vmem>>, vector<16xf32>,
          %parallel_loop3A_634 = arith.addf %parallel_loop3A_630, %parallel_loop3A_633 : vector<16xf32>
          %parallel_loop3A_635 = arith.index_cast %parallel_loop3A_604 : i32 to index
          %parallel_loop3A_636 = arith.constant 16 : index
          %parallel_loop3A_637 = tpu.vector_load %arg16[%parallel_loop3A_635, %parallel_loop3A_636] {strides = array<i32>} : memref<125x64xf32, #tpu.memory_space<vmem>>, vector<16xf32>,
          tpu.vector_store %arg16[%parallel_loop3A_635, %parallel_loop3A_636], %parallel_loop3A_634 {strides = array<i32>} : memref<125x64xf32, #tpu.memory_space<vmem>>, vector<16xf32>,
          %parallel_loop3A_638 = arith.constant 0.000000e+00 : f32
          %parallel_loop3A_639 = vector.broadcast %parallel_loop3A_638 : f32 to vector<16xf32>
          %parallel_loop3A_640 = arith.index_cast %parallel_loop3A_604 : i32 to index
          %parallel_loop3A_641 = arith.constant 16 : index
          %parallel_loop3A_642 = tpu.vector_load %arg17[%parallel_loop3A_640, %parallel_loop3A_641] {strides = array<i32>} : memref<125x64xf32, #tpu.memory_space<vmem>>, vector<16xf32>,
          tpu.vector_store %arg17[%parallel_loop3A_640, %parallel_loop3A_641], %parallel_loop3A_639 {strides = array<i32>} : memref<125x64xf32, #tpu.memory_space<vmem>>, vector<16xf32>,
          %parallel_loop3A_643 = arith.index_cast %parallel_loop3A_604 : i32 to index
          %parallel_loop3A_644 = arith.constant 32 : index
          %parallel_loop3A_645 = tpu.vector_load %arg18[%parallel_loop3A_643, %parallel_loop3A_644] {strides = array<i32>} : memref<125x64xf32, #tpu.memory_space<vmem>>, vector<16xf32>,
          %parallel_loop3A_646 = arith.index_cast %parallel_loop3A_604 : i32 to index
          %parallel_loop3A_647 = arith.constant 32 : index
          %parallel_loop3A_648 = tpu.vector_load %arg16[%parallel_loop3A_646, %parallel_loop3A_647] {strides = array<i32>} : memref<125x64xf32, #tpu.memory_space<vmem>>, vector<16xf32>,
          %parallel_loop3A_649 = arith.addf %parallel_loop3A_645, %parallel_loop3A_648 : vector<16xf32>
          %parallel_loop3A_650 = arith.index_cast %parallel_loop3A_604 : i32 to index
          %parallel_loop3A_651 = arith.constant 32 : index
          %parallel_loop3A_652 = tpu.vector_load %arg17[%parallel_loop3A_650, %parallel_loop3A_651] {strides = array<i32>} : memref<125x64xf32, #tpu.memory_space<vmem>>, vector<16xf32>,
          %parallel_loop3A_653 = arith.addf %parallel_loop3A_649, %parallel_loop3A_652 : vector<16xf32>
          %parallel_loop3A_654 = arith.index_cast %parallel_loop3A_604 : i32 to index
          %parallel_loop3A_655 = arith.constant 32 : index
          %parallel_loop3A_656 = tpu.vector_load %arg16[%parallel_loop3A_654, %parallel_loop3A_655] {strides = array<i32>} : memref<125x64xf32, #tpu.memory_space<vmem>>, vector<16xf32>,
          tpu.vector_store %arg16[%parallel_loop3A_654, %parallel_loop3A_655], %parallel_loop3A_653 {strides = array<i32>} : memref<125x64xf32, #tpu.memory_space<vmem>>, vector<16xf32>,
          %parallel_loop3A_657 = arith.constant 0.000000e+00 : f32
          %parallel_loop3A_658 = vector.broadcast %parallel_loop3A_657 : f32 to vector<16xf32>
          %parallel_loop3A_659 = arith.index_cast %parallel_loop3A_604 : i32 to index
          %parallel_loop3A_660 = arith.constant 32 : index
          %parallel_loop3A_661 = tpu.vector_load %arg17[%parallel_loop3A_659, %parallel_loop3A_660] {strides = array<i32>} : memref<125x64xf32, #tpu.memory_space<vmem>>, vector<16xf32>,
          tpu.vector_store %arg17[%parallel_loop3A_659, %parallel_loop3A_660], %parallel_loop3A_658 {strides = array<i32>} : memref<125x64xf32, #tpu.memory_space<vmem>>, vector<16xf32>,
          %parallel_loop3A_662 = arith.index_cast %parallel_loop3A_604 : i32 to index
          %parallel_loop3A_663 = arith.constant 48 : index
          %parallel_loop3A_664 = tpu.vector_load %arg18[%parallel_loop3A_662, %parallel_loop3A_663] {strides = array<i32>} : memref<125x64xf32, #tpu.memory_space<vmem>>, vector<16xf32>,
          %parallel_loop3A_665 = arith.index_cast %parallel_loop3A_604 : i32 to index
          %parallel_loop3A_666 = arith.constant 48 : index
          %parallel_loop3A_667 = tpu.vector_load %arg16[%parallel_loop3A_665, %parallel_loop3A_666] {strides = array<i32>} : memref<125x64xf32, #tpu.memory_space<vmem>>, vector<16xf32>,
          %parallel_loop3A_668 = arith.addf %parallel_loop3A_664, %parallel_loop3A_667 : vector<16xf32>
          %parallel_loop3A_669 = arith.index_cast %parallel_loop3A_604 : i32 to index
          %parallel_loop3A_670 = arith.constant 48 : index
          %parallel_loop3A_671 = tpu.vector_load %arg17[%parallel_loop3A_669, %parallel_loop3A_670] {strides = array<i32>} : memref<125x64xf32, #tpu.memory_space<vmem>>, vector<16xf32>,
          %parallel_loop3A_672 = arith.addf %parallel_loop3A_668, %parallel_loop3A_671 : vector<16xf32>
          %parallel_loop3A_673 = arith.index_cast %parallel_loop3A_604 : i32 to index
          %parallel_loop3A_674 = arith.constant 48 : index
          %parallel_loop3A_675 = tpu.vector_load %arg16[%parallel_loop3A_673, %parallel_loop3A_674] {strides = array<i32>} : memref<125x64xf32, #tpu.memory_space<vmem>>, vector<16xf32>,
          tpu.vector_store %arg16[%parallel_loop3A_673, %parallel_loop3A_674], %parallel_loop3A_672 {strides = array<i32>} : memref<125x64xf32, #tpu.memory_space<vmem>>, vector<16xf32>,
          %parallel_loop3A_676 = arith.constant 0.000000e+00 : f32
          %parallel_loop3A_677 = vector.broadcast %parallel_loop3A_676 : f32 to vector<16xf32>
          %parallel_loop3A_678 = arith.index_cast %parallel_loop3A_604 : i32 to index
          %parallel_loop3A_679 = arith.constant 48 : index
          %parallel_loop3A_680 = tpu.vector_load %arg17[%parallel_loop3A_678, %parallel_loop3A_679] {strides = array<i32>} : memref<125x64xf32, #tpu.memory_space<vmem>>, vector<16xf32>,
          tpu.vector_store %arg17[%parallel_loop3A_678, %parallel_loop3A_679], %parallel_loop3A_677 {strides = array<i32>} : memref<125x64xf32, #tpu.memory_space<vmem>>, vector<16xf32>,
        } {sc.loop_unroll_factor = 2 : i64, sc.parallel_access}
        %dma_start3A_590 = arith.constant 0 : i32
        %dma_start3A_591 = arith.constant 0 : i32
        %dma_start3A_592 = tpu.memref_slice %arg7[%add3A_266, %dma_start3A_591] : memref<10000x64xf32, #tpu.memory_space<vmem_shared>> -> memref<125x64xf32, #tpu.memory_space<vmem_shared>>
        %dma_start3A_593 = tpu.memref_slice %arg22[%dma_start3A_590] : memref<3x!tpu.dma_semaphore, #tpu.memory_space<semaphore_mem>> -> memref<1x!tpu.dma_semaphore, #tpu.memory_space<semaphore_mem>>
        %dma_start3A_594 = tpu.memref_squeeze %dma_start3A_593 : memref<1x!tpu.dma_semaphore, #tpu.memory_space<semaphore_mem>> -> memref<!tpu.dma_semaphore, #tpu.memory_space<semaphore_mem>>
        %dma_start3A_595 = arith.constant 0 : i32
        %dma_start3A_596 = tpu.memref_slice %arg7[%add3A_266, %dma_start3A_595] : memref<10000x64xf32, #tpu.memory_space<vmem_shared>> -> memref<125x64xf32, #tpu.memory_space<vmem_shared>>
        tpu.enqueue_dma source(%arg16 : memref<125x64xf32, #tpu.memory_space<vmem>>) target(%dma_start3A_596 : memref<125x64xf32, #tpu.memory_space<vmem_shared>>) target_semaphore(%dma_start3A_594 : memref<!tpu.dma_semaphore, #tpu.memory_space<semaphore_mem>>)
        %dma_start3A_597 = arith.constant 1 : i32
        %dma_start3A_598 = arith.constant 0 : i32
        %dma_start3A_599 = tpu.memref_slice %arg8[%add3A_266, %dma_start3A_598] : memref<10000x64xf32, #tpu.memory_space<vmem_shared>> -> memref<125x64xf32, #tpu.memory_space<vmem_shared>>
        %dma_start3A_600 = tpu.memref_slice %arg22[%dma_start3A_597] : memref<3x!tpu.dma_semaphore, #tpu.memory_space<semaphore_mem>> -> memref<1x!tpu.dma_semaphore, #tpu.memory_space<semaphore_mem>>
        %dma_start3A_601 = tpu.memref_squeeze %dma_start3A_600 : memref<1x!tpu.dma_semaphore, #tpu.memory_space<semaphore_mem>> -> memref<!tpu.dma_semaphore, #tpu.memory_space<semaphore_mem>>
        %dma_start3A_602 = arith.constant 0 : i32
        %dma_start3A_603 = tpu.memref_slice %arg8[%add3A_266, %dma_start3A_602] : memref<10000x64xf32, #tpu.memory_space<vmem_shared>> -> memref<125x64xf32, #tpu.memory_space<vmem_shared>>
        tpu.enqueue_dma source(%arg17 : memref<125x64xf32, #tpu.memory_space<vmem>>) target(%dma_start3A_603 : memref<125x64xf32, #tpu.memory_space<vmem_shared>>) target_semaphore(%dma_start3A_601 : memref<!tpu.dma_semaphore, #tpu.memory_space<semaphore_mem>>)
      } else {
      }
      %convert_element_type3A_336 = arith.extui %eq3A_207 : i1 to i32
      %cond3A_337 = arith.constant 0 : i32
      %cond3A_338 = arith.cmpi ne, %convert_element_type3A_336, %cond3A_337 : i32
      scf.if %cond3A_338 {
        %parallel_loop3A_587 = arith.constant 0 : i32
        %parallel_loop3A_588 = arith.constant 125 : i32
        %parallel_loop3A_589 = arith.constant 1 : i32
        scf.for %parallel_loop3A_606 = %parallel_loop3A_587 to %parallel_loop3A_588 step %parallel_loop3A_589  : i32 {
          %parallel_loop3A_607 = arith.index_cast %parallel_loop3A_606 : i32 to index
          %parallel_loop3A_608 = arith.constant 0 : index
          %parallel_loop3A_609 = tpu.vector_load %arg18[%parallel_loop3A_607, %parallel_loop3A_608] {strides = array<i32>} : memref<125x64xf32, #tpu.memory_space<vmem>>, vector<16xf32>,
          %parallel_loop3A_610 = arith.index_cast %parallel_loop3A_606 : i32 to index
          %parallel_loop3A_611 = arith.constant 0 : index
          %parallel_loop3A_612 = tpu.vector_load %arg16[%parallel_loop3A_610, %parallel_loop3A_611] {strides = array<i32>} : memref<125x64xf32, #tpu.memory_space<vmem>>, vector<16xf32>,
          %parallel_loop3A_613 = arith.addf %parallel_loop3A_609, %parallel_loop3A_612 : vector<16xf32>
          %parallel_loop3A_614 = arith.index_cast %parallel_loop3A_606 : i32 to index
          %parallel_loop3A_615 = arith.constant 0 : index
          %parallel_loop3A_616 = tpu.vector_load %arg17[%parallel_loop3A_614, %parallel_loop3A_615] {strides = array<i32>} : memref<125x64xf32, #tpu.memory_space<vmem>>, vector<16xf32>,
          %parallel_loop3A_617 = arith.addf %parallel_loop3A_613, %parallel_loop3A_616 : vector<16xf32>
          %parallel_loop3A_618 = arith.constant 2.500000e-01 : f32
          %parallel_loop3A_619 = vector.broadcast %parallel_loop3A_618 : f32 to vector<16xf32>
          %parallel_loop3A_620 = arith.mulf %parallel_loop3A_617, %parallel_loop3A_619 : vector<16xf32>
          %parallel_loop3A_621 = arith.index_cast %parallel_loop3A_606 : i32 to index
          %parallel_loop3A_622 = arith.constant 0 : index
          %parallel_loop3A_623 = tpu.vector_load %arg16[%parallel_loop3A_621, %parallel_loop3A_622] {strides = array<i32>} : memref<125x64xf32, #tpu.memory_space<vmem>>, vector<16xf32>,
          tpu.vector_store %arg16[%parallel_loop3A_621, %parallel_loop3A_622], %parallel_loop3A_620 {strides = array<i32>} : memref<125x64xf32, #tpu.memory_space<vmem>>, vector<16xf32>,
          %parallel_loop3A_624 = arith.index_cast %parallel_loop3A_606 : i32 to index
          %parallel_loop3A_625 = arith.constant 16 : index
          %parallel_loop3A_626 = tpu.vector_load %arg18[%parallel_loop3A_624, %parallel_loop3A_625] {strides = array<i32>} : memref<125x64xf32, #tpu.memory_space<vmem>>, vector<16xf32>,
          %parallel_loop3A_627 = arith.index_cast %parallel_loop3A_606 : i32 to index
          %parallel_loop3A_628 = arith.constant 16 : index
          %parallel_loop3A_629 = tpu.vector_load %arg16[%parallel_loop3A_627, %parallel_loop3A_628] {strides = array<i32>} : memref<125x64xf32, #tpu.memory_space<vmem>>, vector<16xf32>,
          %parallel_loop3A_630 = arith.addf %parallel_loop3A_626, %parallel_loop3A_629 : vector<16xf32>
          %parallel_loop3A_631 = arith.index_cast %parallel_loop3A_606 : i32 to index
          %parallel_loop3A_632 = arith.constant 16 : index
          %parallel_loop3A_633 = tpu.vector_load %arg17[%parallel_loop3A_631, %parallel_loop3A_632] {strides = array<i32>} : memref<125x64xf32, #tpu.memory_space<vmem>>, vector<16xf32>,
          %parallel_loop3A_634 = arith.addf %parallel_loop3A_630, %parallel_loop3A_633 : vector<16xf32>
          %parallel_loop3A_635 = arith.constant 2.500000e-01 : f32
          %parallel_loop3A_636 = vector.broadcast %parallel_loop3A_635 : f32 to vector<16xf32>
          %parallel_loop3A_637 = arith.mulf %parallel_loop3A_634, %parallel_loop3A_636 : vector<16xf32>
          %parallel_loop3A_638 = arith.index_cast %parallel_loop3A_606 : i32 to index
          %parallel_loop3A_639 = arith.constant 16 : index
          %parallel_loop3A_640 = tpu.vector_load %arg16[%parallel_loop3A_638, %parallel_loop3A_639] {strides = array<i32>} : memref<125x64xf32, #tpu.memory_space<vmem>>, vector<16xf32>,
          tpu.vector_store %arg16[%parallel_loop3A_638, %parallel_loop3A_639], %parallel_loop3A_637 {strides = array<i32>} : memref<125x64xf32, #tpu.memory_space<vmem>>, vector<16xf32>,
          %parallel_loop3A_641 = arith.index_cast %parallel_loop3A_606 : i32 to index
          %parallel_loop3A_642 = arith.constant 32 : index
          %parallel_loop3A_643 = tpu.vector_load %arg18[%parallel_loop3A_641, %parallel_loop3A_642] {strides = array<i32>} : memref<125x64xf32, #tpu.memory_space<vmem>>, vector<16xf32>,
          %parallel_loop3A_644 = arith.index_cast %parallel_loop3A_606 : i32 to index
          %parallel_loop3A_645 = arith.constant 32 : index
          %parallel_loop3A_646 = tpu.vector_load %arg16[%parallel_loop3A_644, %parallel_loop3A_645] {strides = array<i32>} : memref<125x64xf32, #tpu.memory_space<vmem>>, vector<16xf32>,
          %parallel_loop3A_647 = arith.addf %parallel_loop3A_643, %parallel_loop3A_646 : vector<16xf32>
          %parallel_loop3A_648 = arith.index_cast %parallel_loop3A_606 : i32 to index
          %parallel_loop3A_649 = arith.constant 32 : index
          %parallel_loop3A_650 = tpu.vector_load %arg17[%parallel_loop3A_648, %parallel_loop3A_649] {strides = array<i32>} : memref<125x64xf32, #tpu.memory_space<vmem>>, vector<16xf32>,
          %parallel_loop3A_651 = arith.addf %parallel_loop3A_647, %parallel_loop3A_650 : vector<16xf32>
          %parallel_loop3A_652 = arith.constant 2.500000e-01 : f32
          %parallel_loop3A_653 = vector.broadcast %parallel_loop3A_652 : f32 to vector<16xf32>
          %parallel_loop3A_654 = arith.mulf %parallel_loop3A_651, %parallel_loop3A_653 : vector<16xf32>
          %parallel_loop3A_655 = arith.index_cast %parallel_loop3A_606 : i32 to index
          %parallel_loop3A_656 = arith.constant 32 : index
          %parallel_loop3A_657 = tpu.vector_load %arg16[%parallel_loop3A_655, %parallel_loop3A_656] {strides = array<i32>} : memref<125x64xf32, #tpu.memory_space<vmem>>, vector<16xf32>,
          tpu.vector_store %arg16[%parallel_loop3A_655, %parallel_loop3A_656], %parallel_loop3A_654 {strides = array<i32>} : memref<125x64xf32, #tpu.memory_space<vmem>>, vector<16xf32>,
          %parallel_loop3A_658 = arith.index_cast %parallel_loop3A_606 : i32 to index
          %parallel_loop3A_659 = arith.constant 48 : index
          %parallel_loop3A_660 = tpu.vector_load %arg18[%parallel_loop3A_658, %parallel_loop3A_659] {strides = array<i32>} : memref<125x64xf32, #tpu.memory_space<vmem>>, vector<16xf32>,
          %parallel_loop3A_661 = arith.index_cast %parallel_loop3A_606 : i32 to index
          %parallel_loop3A_662 = arith.constant 48 : index
          %parallel_loop3A_663 = tpu.vector_load %arg16[%parallel_loop3A_661, %parallel_loop3A_662] {strides = array<i32>} : memref<125x64xf32, #tpu.memory_space<vmem>>, vector<16xf32>,
          %parallel_loop3A_664 = arith.addf %parallel_loop3A_660, %parallel_loop3A_663 : vector<16xf32>
          %parallel_loop3A_665 = arith.index_cast %parallel_loop3A_606 : i32 to index
          %parallel_loop3A_666 = arith.constant 48 : index
          %parallel_loop3A_667 = tpu.vector_load %arg17[%parallel_loop3A_665, %parallel_loop3A_666] {strides = array<i32>} : memref<125x64xf32, #tpu.memory_space<vmem>>, vector<16xf32>,
          %parallel_loop3A_668 = arith.addf %parallel_loop3A_664, %parallel_loop3A_667 : vector<16xf32>
          %parallel_loop3A_669 = arith.constant 2.500000e-01 : f32
          %parallel_loop3A_670 = vector.broadcast %parallel_loop3A_669 : f32 to vector<16xf32>
          %parallel_loop3A_671 = arith.mulf %parallel_loop3A_668, %parallel_loop3A_670 : vector<16xf32>
          %parallel_loop3A_672 = arith.index_cast %parallel_loop3A_606 : i32 to index
          %parallel_loop3A_673 = arith.constant 48 : index
          %parallel_loop3A_674 = tpu.vector_load %arg16[%parallel_loop3A_672, %parallel_loop3A_673] {strides = array<i32>} : memref<125x64xf32, #tpu.memory_space<vmem>>, vector<16xf32>,
          tpu.vector_store %arg16[%parallel_loop3A_672, %parallel_loop3A_673], %parallel_loop3A_671 {strides = array<i32>} : memref<125x64xf32, #tpu.memory_space<vmem>>, vector<16xf32>,
        } {sc.loop_unroll_factor = 2 : i64, sc.parallel_access}
        %dma_start3A_590 = arith.constant 0 : i32
        %dma_start3A_591 = arith.constant 0 : i32
        %dma_start3A_592 = tpu.memref_slice %arg7[%add3A_266, %dma_start3A_591] : memref<10000x64xf32, #tpu.memory_space<vmem_shared>> -> memref<125x64xf32, #tpu.memory_space<vmem_shared>>
        %dma_start3A_593 = tpu.memref_slice %arg22[%dma_start3A_590] : memref<3x!tpu.dma_semaphore, #tpu.memory_space<semaphore_mem>> -> memref<1x!tpu.dma_semaphore, #tpu.memory_space<semaphore_mem>>
        %dma_start3A_594 = tpu.memref_squeeze %dma_start3A_593 : memref<1x!tpu.dma_semaphore, #tpu.memory_space<semaphore_mem>> -> memref<!tpu.dma_semaphore, #tpu.memory_space<semaphore_mem>>
        %dma_start3A_595 = arith.constant 0 : i32
        %dma_start3A_596 = tpu.memref_slice %arg7[%add3A_266, %dma_start3A_595] : memref<10000x64xf32, #tpu.memory_space<vmem_shared>> -> memref<125x64xf32, #tpu.memory_space<vmem_shared>>
        tpu.enqueue_dma source(%arg16 : memref<125x64xf32, #tpu.memory_space<vmem>>) target(%dma_start3A_596 : memref<125x64xf32, #tpu.memory_space<vmem_shared>>) target_semaphore(%dma_start3A_594 : memref<!tpu.dma_semaphore, #tpu.memory_space<semaphore_mem>>)
        %dma_start3A_597 = arith.constant 1 : i32
        %dma_start3A_598 = arith.constant 0 : i32
        %dma_start3A_599 = tpu.memref_slice %arg6[%arg0, %add3A_266, %dma_start3A_598] : memref<2x10000x64xf32, #tpu.memory_space<hbm>> -> memref<1x125x64xf32, #tpu.memory_space<hbm>>
        %dma_start3A_600 = tpu.memref_squeeze %dma_start3A_599 : memref<1x125x64xf32, #tpu.memory_space<hbm>> -> memref<125x64xf32, #tpu.memory_space<hbm>>
        %dma_start3A_601 = tpu.memref_slice %arg22[%dma_start3A_597] : memref<3x!tpu.dma_semaphore, #tpu.memory_space<semaphore_mem>> -> memref<1x!tpu.dma_semaphore, #tpu.memory_space<semaphore_mem>>
        %dma_start3A_602 = tpu.memref_squeeze %dma_start3A_601 : memref<1x!tpu.dma_semaphore, #tpu.memory_space<semaphore_mem>> -> memref<!tpu.dma_semaphore, #tpu.memory_space<semaphore_mem>>
        %dma_start3A_603 = arith.constant 0 : i32
        %dma_start3A_604 = tpu.memref_slice %arg6[%arg0, %add3A_266, %dma_start3A_603] : memref<2x10000x64xf32, #tpu.memory_space<hbm>> -> memref<1x125x64xf32, #tpu.memory_space<hbm>>
        %dma_start3A_605 = tpu.memref_squeeze %dma_start3A_604 : memref<1x125x64xf32, #tpu.memory_space<hbm>> -> memref<125x64xf32, #tpu.memory_space<hbm>>
        tpu.enqueue_dma source(%arg16 : memref<125x64xf32, #tpu.memory_space<vmem>>) target(%dma_start3A_605 : memref<125x64xf32, #tpu.memory_space<hbm>>) target_semaphore(%dma_start3A_602 : memref<!tpu.dma_semaphore, #tpu.memory_space<semaphore_mem>>)
      } else {
      }
      %mul3A_339 = arith.constant 625 : i32
      %mul3A_340 = arith.muli %arg1, %mul3A_339 : i32
      %add3A_341 = arith.constant 250 : i32
      %add3A_342 = arith.addi %mul3A_340, %add3A_341 : i32
      %mul3A_343 = arith.constant 625 : i32
      %mul3A_344 = arith.muli %arg1, %mul3A_343 : i32
      %add3A_345 = arith.constant 125 : i32
      %add3A_346 = arith.addi %mul3A_344, %add3A_345 : i32
      %dma_wait3A_347 = arith.constant 0 : i32
      %dma_wait3A_348 = arith.constant 0 : i32
      %dma_wait3A_349 = tpu.memref_slice %arg7[%add3A_346, %dma_wait3A_348] : memref<10000x64xf32, #tpu.memory_space<vmem_shared>> -> memref<125x64xf32, #tpu.memory_space<vmem_shared>>
      %dma_wait3A_350 = tpu.memref_slice %arg22[%dma_wait3A_347] : memref<3x!tpu.dma_semaphore, #tpu.memory_space<semaphore_mem>> -> memref<1x!tpu.dma_semaphore, #tpu.memory_space<semaphore_mem>>
      %dma_wait3A_351 = tpu.memref_squeeze %dma_wait3A_350 : memref<1x!tpu.dma_semaphore, #tpu.memory_space<semaphore_mem>> -> memref<!tpu.dma_semaphore, #tpu.memory_space<semaphore_mem>>
      %dma_wait3A_352 = arith.constant 0 : i32
      %dma_wait3A_353 = tpu.memref_slice %arg7[%add3A_346, %dma_wait3A_352] : memref<10000x64xf32, #tpu.memory_space<vmem_shared>> -> memref<125x64xf32, #tpu.memory_space<vmem_shared>>
      tpu.wait_dma2 semaphore(%dma_wait3A_351 : memref<!tpu.dma_semaphore, #tpu.memory_space<semaphore_mem>>) src(%arg16 : memref<125x64xf32, #tpu.memory_space<vmem>>) dst(%dma_wait3A_353 : memref<125x64xf32, #tpu.memory_space<vmem_shared>>)
      %dma_wait3A_354 = arith.constant 1 : i32
      %dma_wait3A_355 = arith.constant 0 : i32
      %dma_wait3A_356 = tpu.memref_slice %arg8[%add3A_346, %dma_wait3A_355] : memref<10000x64xf32, #tpu.memory_space<vmem_shared>> -> memref<125x64xf32, #tpu.memory_space<vmem_shared>>
      %dma_wait3A_357 = tpu.memref_slice %arg22[%dma_wait3A_354] : memref<3x!tpu.dma_semaphore, #tpu.memory_space<semaphore_mem>> -> memref<1x!tpu.dma_semaphore, #tpu.memory_space<semaphore_mem>>
      %dma_wait3A_358 = tpu.memref_squeeze %dma_wait3A_357 : memref<1x!tpu.dma_semaphore, #tpu.memory_space<semaphore_mem>> -> memref<!tpu.dma_semaphore, #tpu.memory_space<semaphore_mem>>
      %dma_wait3A_359 = arith.constant 0 : i32
      %dma_wait3A_360 = tpu.memref_slice %arg8[%add3A_346, %dma_wait3A_359] : memref<10000x64xf32, #tpu.memory_space<vmem_shared>> -> memref<125x64xf32, #tpu.memory_space<vmem_shared>>
      tpu.wait_dma2 semaphore(%dma_wait3A_358 : memref<!tpu.dma_semaphore, #tpu.memory_space<semaphore_mem>>) src(%arg17 : memref<125x64xf32, #tpu.memory_space<vmem>>) dst(%dma_wait3A_360 : memref<125x64xf32, #tpu.memory_space<vmem_shared>>)
      %dma_start3A_361 = arith.constant 0 : i32
      %dma_start3A_362 = arith.constant 0 : i32
      %dma_start3A_363 = tpu.memref_slice %arg2[%arg0, %add3A_342, %dma_start3A_362] : memref<2x10000x64xf32, #tpu.memory_space<hbm>> -> memref<1x125x64xf32, #tpu.memory_space<hbm>>
      %dma_start3A_364 = tpu.memref_squeeze %dma_start3A_363 : memref<1x125x64xf32, #tpu.memory_space<hbm>> -> memref<125x64xf32, #tpu.memory_space<hbm>>
      %dma_start3A_365 = tpu.memref_slice %arg22[%dma_start3A_361] : memref<3x!tpu.dma_semaphore, #tpu.memory_space<semaphore_mem>> -> memref<1x!tpu.dma_semaphore, #tpu.memory_space<semaphore_mem>>
      %dma_start3A_366 = tpu.memref_squeeze %dma_start3A_365 : memref<1x!tpu.dma_semaphore, #tpu.memory_space<semaphore_mem>> -> memref<!tpu.dma_semaphore, #tpu.memory_space<semaphore_mem>>
      %dma_start3A_367 = arith.constant 0 : i32
      %dma_start3A_368 = tpu.memref_slice %arg2[%arg0, %add3A_342, %dma_start3A_367] : memref<2x10000x64xf32, #tpu.memory_space<hbm>> -> memref<1x125x64xf32, #tpu.memory_space<hbm>>
      %dma_start3A_369 = tpu.memref_squeeze %dma_start3A_368 : memref<1x125x64xf32, #tpu.memory_space<hbm>> -> memref<125x64xf32, #tpu.memory_space<hbm>>
      tpu.enqueue_dma source(%dma_start3A_369 : memref<125x64xf32, #tpu.memory_space<hbm>>) target(%arg18 : memref<125x64xf32, #tpu.memory_space<vmem>>) target_semaphore(%dma_start3A_366 : memref<!tpu.dma_semaphore, #tpu.memory_space<semaphore_mem>>)
      %dma_start3A_370 = arith.constant 1 : i32
      %dma_start3A_371 = arith.constant 0 : i32
      %dma_start3A_372 = tpu.memref_slice %arg7[%add3A_342, %dma_start3A_371] : memref<10000x64xf32, #tpu.memory_space<vmem_shared>> -> memref<125x64xf32, #tpu.memory_space<vmem_shared>>
      %dma_start3A_373 = tpu.memref_slice %arg22[%dma_start3A_370] : memref<3x!tpu.dma_semaphore, #tpu.memory_space<semaphore_mem>> -> memref<1x!tpu.dma_semaphore, #tpu.memory_space<semaphore_mem>>
      %dma_start3A_374 = tpu.memref_squeeze %dma_start3A_373 : memref<1x!tpu.dma_semaphore, #tpu.memory_space<semaphore_mem>> -> memref<!tpu.dma_semaphore, #tpu.memory_space<semaphore_mem>>
      %dma_start3A_375 = arith.constant 0 : i32
      %dma_start3A_376 = tpu.memref_slice %arg7[%add3A_342, %dma_start3A_375] : memref<10000x64xf32, #tpu.memory_space<vmem_shared>> -> memref<125x64xf32, #tpu.memory_space<vmem_shared>>
      tpu.enqueue_dma source(%dma_start3A_376 : memref<125x64xf32, #tpu.memory_space<vmem_shared>>) target(%arg16 : memref<125x64xf32, #tpu.memory_space<vmem>>) target_semaphore(%dma_start3A_374 : memref<!tpu.dma_semaphore, #tpu.memory_space<semaphore_mem>>)
      %dma_start3A_377 = arith.constant 2 : i32
      %dma_start3A_378 = arith.constant 0 : i32
      %dma_start3A_379 = tpu.memref_slice %arg8[%add3A_342, %dma_start3A_378] : memref<10000x64xf32, #tpu.memory_space<vmem_shared>> -> memref<125x64xf32, #tpu.memory_space<vmem_shared>>
      %dma_start3A_380 = tpu.memref_slice %arg22[%dma_start3A_377] : memref<3x!tpu.dma_semaphore, #tpu.memory_space<semaphore_mem>> -> memref<1x!tpu.dma_semaphore, #tpu.memory_space<semaphore_mem>>
      %dma_start3A_381 = tpu.memref_squeeze %dma_start3A_380 : memref<1x!tpu.dma_semaphore, #tpu.memory_space<semaphore_mem>> -> memref<!tpu.dma_semaphore, #tpu.memory_space<semaphore_mem>>
      %dma_start3A_382 = arith.constant 0 : i32
      %dma_start3A_383 = tpu.memref_slice %arg8[%add3A_342, %dma_start3A_382] : memref<10000x64xf32, #tpu.memory_space<vmem_shared>> -> memref<125x64xf32, #tpu.memory_space<vmem_shared>>
      tpu.enqueue_dma source(%dma_start3A_383 : memref<125x64xf32, #tpu.memory_space<vmem_shared>>) target(%arg17 : memref<125x64xf32, #tpu.memory_space<vmem>>) target_semaphore(%dma_start3A_381 : memref<!tpu.dma_semaphore, #tpu.memory_space<semaphore_mem>>)
      %dma_wait3A_384 = arith.constant 0 : i32
      %dma_wait3A_385 = arith.constant 0 : i32
      %dma_wait3A_386 = tpu.memref_slice %arg2[%arg0, %add3A_342, %dma_wait3A_385] : memref<2x10000x64xf32, #tpu.memory_space<hbm>> -> memref<1x125x64xf32, #tpu.memory_space<hbm>>
      %dma_wait3A_387 = tpu.memref_squeeze %dma_wait3A_386 : memref<1x125x64xf32, #tpu.memory_space<hbm>> -> memref<125x64xf32, #tpu.memory_space<hbm>>
      %dma_wait3A_388 = tpu.memref_slice %arg22[%dma_wait3A_384] : memref<3x!tpu.dma_semaphore, #tpu.memory_space<semaphore_mem>> -> memref<1x!tpu.dma_semaphore, #tpu.memory_space<semaphore_mem>>
      %dma_wait3A_389 = tpu.memref_squeeze %dma_wait3A_388 : memref<1x!tpu.dma_semaphore, #tpu.memory_space<semaphore_mem>> -> memref<!tpu.dma_semaphore, #tpu.memory_space<semaphore_mem>>
      %dma_wait3A_390 = arith.constant 0 : i32
      %dma_wait3A_391 = tpu.memref_slice %arg2[%arg0, %add3A_342, %dma_wait3A_390] : memref<2x10000x64xf32, #tpu.memory_space<hbm>> -> memref<1x125x64xf32, #tpu.memory_space<hbm>>
      %dma_wait3A_392 = tpu.memref_squeeze %dma_wait3A_391 : memref<1x125x64xf32, #tpu.memory_space<hbm>> -> memref<125x64xf32, #tpu.memory_space<hbm>>
      tpu.wait_dma2 semaphore(%dma_wait3A_389 : memref<!tpu.dma_semaphore, #tpu.memory_space<semaphore_mem>>) src(%dma_wait3A_392 : memref<125x64xf32, #tpu.memory_space<hbm>>) dst(%arg18 : memref<125x64xf32, #tpu.memory_space<vmem>>)
      %dma_wait3A_393 = arith.constant 1 : i32
      %dma_wait3A_394 = arith.constant 0 : i32
      %dma_wait3A_395 = tpu.memref_slice %arg7[%add3A_342, %dma_wait3A_394] : memref<10000x64xf32, #tpu.memory_space<vmem_shared>> -> memref<125x64xf32, #tpu.memory_space<vmem_shared>>
      %dma_wait3A_396 = tpu.memref_slice %arg22[%dma_wait3A_393] : memref<3x!tpu.dma_semaphore, #tpu.memory_space<semaphore_mem>> -> memref<1x!tpu.dma_semaphore, #tpu.memory_space<semaphore_mem>>
      %dma_wait3A_397 = tpu.memref_squeeze %dma_wait3A_396 : memref<1x!tpu.dma_semaphore, #tpu.memory_space<semaphore_mem>> -> memref<!tpu.dma_semaphore, #tpu.memory_space<semaphore_mem>>
      %dma_wait3A_398 = arith.constant 0 : i32
      %dma_wait3A_399 = tpu.memref_slice %arg7[%add3A_342, %dma_wait3A_398] : memref<10000x64xf32, #tpu.memory_space<vmem_shared>> -> memref<125x64xf32, #tpu.memory_space<vmem_shared>>
      tpu.wait_dma2 semaphore(%dma_wait3A_397 : memref<!tpu.dma_semaphore, #tpu.memory_space<semaphore_mem>>) src(%dma_wait3A_399 : memref<125x64xf32, #tpu.memory_space<vmem_shared>>) dst(%arg16 : memref<125x64xf32, #tpu.memory_space<vmem>>)
      %dma_wait3A_400 = arith.constant 2 : i32
      %dma_wait3A_401 = arith.constant 0 : i32
      %dma_wait3A_402 = tpu.memref_slice %arg8[%add3A_342, %dma_wait3A_401] : memref<10000x64xf32, #tpu.memory_space<vmem_shared>> -> memref<125x64xf32, #tpu.memory_space<vmem_shared>>
      %dma_wait3A_403 = tpu.memref_slice %arg22[%dma_wait3A_400] : memref<3x!tpu.dma_semaphore, #tpu.memory_space<semaphore_mem>> -> memref<1x!tpu.dma_semaphore, #tpu.memory_space<semaphore_mem>>
      %dma_wait3A_404 = tpu.memref_squeeze %dma_wait3A_403 : memref<1x!tpu.dma_semaphore, #tpu.memory_space<semaphore_mem>> -> memref<!tpu.dma_semaphore, #tpu.memory_space<semaphore_mem>>
      %dma_wait3A_405 = arith.constant 0 : i32
      %dma_wait3A_406 = tpu.memref_slice %arg8[%add3A_342, %dma_wait3A_405] : memref<10000x64xf32, #tpu.memory_space<vmem_shared>> -> memref<125x64xf32, #tpu.memory_space<vmem_shared>>
      tpu.wait_dma2 semaphore(%dma_wait3A_404 : memref<!tpu.dma_semaphore, #tpu.memory_space<semaphore_mem>>) src(%dma_wait3A_406 : memref<125x64xf32, #tpu.memory_space<vmem_shared>>) dst(%arg17 : memref<125x64xf32, #tpu.memory_space<vmem>>)
      %not3A_407 = arith.constant true
      %not3A_408 = arith.xori %eq3A_207, %not3A_407 : i1
      %convert_element_type3A_409 = arith.extui %not3A_408 : i1 to i32
      %cond3A_410 = arith.constant 0 : i32
      %cond3A_411 = arith.cmpi ne, %convert_element_type3A_409, %cond3A_410 : i32
      scf.if %cond3A_411 {
        %parallel_loop3A_587 = arith.constant 0 : i32
        %parallel_loop3A_588 = arith.constant 125 : i32
        %parallel_loop3A_589 = arith.constant 1 : i32
        scf.for %parallel_loop3A_604 = %parallel_loop3A_587 to %parallel_loop3A_588 step %parallel_loop3A_589  : i32 {
          %parallel_loop3A_605 = arith.index_cast %parallel_loop3A_604 : i32 to index
          %parallel_loop3A_606 = arith.constant 0 : index
          %parallel_loop3A_607 = tpu.vector_load %arg18[%parallel_loop3A_605, %parallel_loop3A_606] {strides = array<i32>} : memref<125x64xf32, #tpu.memory_space<vmem>>, vector<16xf32>,
          %parallel_loop3A_608 = arith.index_cast %parallel_loop3A_604 : i32 to index
          %parallel_loop3A_609 = arith.constant 0 : index
          %parallel_loop3A_610 = tpu.vector_load %arg16[%parallel_loop3A_608, %parallel_loop3A_609] {strides = array<i32>} : memref<125x64xf32, #tpu.memory_space<vmem>>, vector<16xf32>,
          %parallel_loop3A_611 = arith.addf %parallel_loop3A_607, %parallel_loop3A_610 : vector<16xf32>
          %parallel_loop3A_612 = arith.index_cast %parallel_loop3A_604 : i32 to index
          %parallel_loop3A_613 = arith.constant 0 : index
          %parallel_loop3A_614 = tpu.vector_load %arg17[%parallel_loop3A_612, %parallel_loop3A_613] {strides = array<i32>} : memref<125x64xf32, #tpu.memory_space<vmem>>, vector<16xf32>,
          %parallel_loop3A_615 = arith.addf %parallel_loop3A_611, %parallel_loop3A_614 : vector<16xf32>
          %parallel_loop3A_616 = arith.index_cast %parallel_loop3A_604 : i32 to index
          %parallel_loop3A_617 = arith.constant 0 : index
          %parallel_loop3A_618 = tpu.vector_load %arg16[%parallel_loop3A_616, %parallel_loop3A_617] {strides = array<i32>} : memref<125x64xf32, #tpu.memory_space<vmem>>, vector<16xf32>,
          tpu.vector_store %arg16[%parallel_loop3A_616, %parallel_loop3A_617], %parallel_loop3A_615 {strides = array<i32>} : memref<125x64xf32, #tpu.memory_space<vmem>>, vector<16xf32>,
          %parallel_loop3A_619 = arith.constant 0.000000e+00 : f32
          %parallel_loop3A_620 = vector.broadcast %parallel_loop3A_619 : f32 to vector<16xf32>
          %parallel_loop3A_621 = arith.index_cast %parallel_loop3A_604 : i32 to index
          %parallel_loop3A_622 = arith.constant 0 : index
          %parallel_loop3A_623 = tpu.vector_load %arg17[%parallel_loop3A_621, %parallel_loop3A_622] {strides = array<i32>} : memref<125x64xf32, #tpu.memory_space<vmem>>, vector<16xf32>,
          tpu.vector_store %arg17[%parallel_loop3A_621, %parallel_loop3A_622], %parallel_loop3A_620 {strides = array<i32>} : memref<125x64xf32, #tpu.memory_space<vmem>>, vector<16xf32>,
          %parallel_loop3A_624 = arith.index_cast %parallel_loop3A_604 : i32 to index
          %parallel_loop3A_625 = arith.constant 16 : index
          %parallel_loop3A_626 = tpu.vector_load %arg18[%parallel_loop3A_624, %parallel_loop3A_625] {strides = array<i32>} : memref<125x64xf32, #tpu.memory_space<vmem>>, vector<16xf32>,
          %parallel_loop3A_627 = arith.index_cast %parallel_loop3A_604 : i32 to index
          %parallel_loop3A_628 = arith.constant 16 : index
          %parallel_loop3A_629 = tpu.vector_load %arg16[%parallel_loop3A_627, %parallel_loop3A_628] {strides = array<i32>} : memref<125x64xf32, #tpu.memory_space<vmem>>, vector<16xf32>,
          %parallel_loop3A_630 = arith.addf %parallel_loop3A_626, %parallel_loop3A_629 : vector<16xf32>
          %parallel_loop3A_631 = arith.index_cast %parallel_loop3A_604 : i32 to index
          %parallel_loop3A_632 = arith.constant 16 : index
          %parallel_loop3A_633 = tpu.vector_load %arg17[%parallel_loop3A_631, %parallel_loop3A_632] {strides = array<i32>} : memref<125x64xf32, #tpu.memory_space<vmem>>, vector<16xf32>,
          %parallel_loop3A_634 = arith.addf %parallel_loop3A_630, %parallel_loop3A_633 : vector<16xf32>
          %parallel_loop3A_635 = arith.index_cast %parallel_loop3A_604 : i32 to index
          %parallel_loop3A_636 = arith.constant 16 : index
          %parallel_loop3A_637 = tpu.vector_load %arg16[%parallel_loop3A_635, %parallel_loop3A_636] {strides = array<i32>} : memref<125x64xf32, #tpu.memory_space<vmem>>, vector<16xf32>,
          tpu.vector_store %arg16[%parallel_loop3A_635, %parallel_loop3A_636], %parallel_loop3A_634 {strides = array<i32>} : memref<125x64xf32, #tpu.memory_space<vmem>>, vector<16xf32>,
          %parallel_loop3A_638 = arith.constant 0.000000e+00 : f32
          %parallel_loop3A_639 = vector.broadcast %parallel_loop3A_638 : f32 to vector<16xf32>
          %parallel_loop3A_640 = arith.index_cast %parallel_loop3A_604 : i32 to index
          %parallel_loop3A_641 = arith.constant 16 : index
          %parallel_loop3A_642 = tpu.vector_load %arg17[%parallel_loop3A_640, %parallel_loop3A_641] {strides = array<i32>} : memref<125x64xf32, #tpu.memory_space<vmem>>, vector<16xf32>,
          tpu.vector_store %arg17[%parallel_loop3A_640, %parallel_loop3A_641], %parallel_loop3A_639 {strides = array<i32>} : memref<125x64xf32, #tpu.memory_space<vmem>>, vector<16xf32>,
          %parallel_loop3A_643 = arith.index_cast %parallel_loop3A_604 : i32 to index
          %parallel_loop3A_644 = arith.constant 32 : index
          %parallel_loop3A_645 = tpu.vector_load %arg18[%parallel_loop3A_643, %parallel_loop3A_644] {strides = array<i32>} : memref<125x64xf32, #tpu.memory_space<vmem>>, vector<16xf32>,
          %parallel_loop3A_646 = arith.index_cast %parallel_loop3A_604 : i32 to index
          %parallel_loop3A_647 = arith.constant 32 : index
          %parallel_loop3A_648 = tpu.vector_load %arg16[%parallel_loop3A_646, %parallel_loop3A_647] {strides = array<i32>} : memref<125x64xf32, #tpu.memory_space<vmem>>, vector<16xf32>,
          %parallel_loop3A_649 = arith.addf %parallel_loop3A_645, %parallel_loop3A_648 : vector<16xf32>
          %parallel_loop3A_650 = arith.index_cast %parallel_loop3A_604 : i32 to index
          %parallel_loop3A_651 = arith.constant 32 : index
          %parallel_loop3A_652 = tpu.vector_load %arg17[%parallel_loop3A_650, %parallel_loop3A_651] {strides = array<i32>} : memref<125x64xf32, #tpu.memory_space<vmem>>, vector<16xf32>,
          %parallel_loop3A_653 = arith.addf %parallel_loop3A_649, %parallel_loop3A_652 : vector<16xf32>
          %parallel_loop3A_654 = arith.index_cast %parallel_loop3A_604 : i32 to index
          %parallel_loop3A_655 = arith.constant 32 : index
          %parallel_loop3A_656 = tpu.vector_load %arg16[%parallel_loop3A_654, %parallel_loop3A_655] {strides = array<i32>} : memref<125x64xf32, #tpu.memory_space<vmem>>, vector<16xf32>,
          tpu.vector_store %arg16[%parallel_loop3A_654, %parallel_loop3A_655], %parallel_loop3A_653 {strides = array<i32>} : memref<125x64xf32, #tpu.memory_space<vmem>>, vector<16xf32>,
          %parallel_loop3A_657 = arith.constant 0.000000e+00 : f32
          %parallel_loop3A_658 = vector.broadcast %parallel_loop3A_657 : f32 to vector<16xf32>
          %parallel_loop3A_659 = arith.index_cast %parallel_loop3A_604 : i32 to index
          %parallel_loop3A_660 = arith.constant 32 : index
          %parallel_loop3A_661 = tpu.vector_load %arg17[%parallel_loop3A_659, %parallel_loop3A_660] {strides = array<i32>} : memref<125x64xf32, #tpu.memory_space<vmem>>, vector<16xf32>,
          tpu.vector_store %arg17[%parallel_loop3A_659, %parallel_loop3A_660], %parallel_loop3A_658 {strides = array<i32>} : memref<125x64xf32, #tpu.memory_space<vmem>>, vector<16xf32>,
          %parallel_loop3A_662 = arith.index_cast %parallel_loop3A_604 : i32 to index
          %parallel_loop3A_663 = arith.constant 48 : index
          %parallel_loop3A_664 = tpu.vector_load %arg18[%parallel_loop3A_662, %parallel_loop3A_663] {strides = array<i32>} : memref<125x64xf32, #tpu.memory_space<vmem>>, vector<16xf32>,
          %parallel_loop3A_665 = arith.index_cast %parallel_loop3A_604 : i32 to index
          %parallel_loop3A_666 = arith.constant 48 : index
          %parallel_loop3A_667 = tpu.vector_load %arg16[%parallel_loop3A_665, %parallel_loop3A_666] {strides = array<i32>} : memref<125x64xf32, #tpu.memory_space<vmem>>, vector<16xf32>,
          %parallel_loop3A_668 = arith.addf %parallel_loop3A_664, %parallel_loop3A_667 : vector<16xf32>
          %parallel_loop3A_669 = arith.index_cast %parallel_loop3A_604 : i32 to index
          %parallel_loop3A_670 = arith.constant 48 : index
          %parallel_loop3A_671 = tpu.vector_load %arg17[%parallel_loop3A_669, %parallel_loop3A_670] {strides = array<i32>} : memref<125x64xf32, #tpu.memory_space<vmem>>, vector<16xf32>,
          %parallel_loop3A_672 = arith.addf %parallel_loop3A_668, %parallel_loop3A_671 : vector<16xf32>
          %parallel_loop3A_673 = arith.index_cast %parallel_loop3A_604 : i32 to index
          %parallel_loop3A_674 = arith.constant 48 : index
          %parallel_loop3A_675 = tpu.vector_load %arg16[%parallel_loop3A_673, %parallel_loop3A_674] {strides = array<i32>} : memref<125x64xf32, #tpu.memory_space<vmem>>, vector<16xf32>,
          tpu.vector_store %arg16[%parallel_loop3A_673, %parallel_loop3A_674], %parallel_loop3A_672 {strides = array<i32>} : memref<125x64xf32, #tpu.memory_space<vmem>>, vector<16xf32>,
          %parallel_loop3A_676 = arith.constant 0.000000e+00 : f32
          %parallel_loop3A_677 = vector.broadcast %parallel_loop3A_676 : f32 to vector<16xf32>
          %parallel_loop3A_678 = arith.index_cast %parallel_loop3A_604 : i32 to index
          %parallel_loop3A_679 = arith.constant 48 : index
          %parallel_loop3A_680 = tpu.vector_load %arg17[%parallel_loop3A_678, %parallel_loop3A_679] {strides = array<i32>} : memref<125x64xf32, #tpu.memory_space<vmem>>, vector<16xf32>,
          tpu.vector_store %arg17[%parallel_loop3A_678, %parallel_loop3A_679], %parallel_loop3A_677 {strides = array<i32>} : memref<125x64xf32, #tpu.memory_space<vmem>>, vector<16xf32>,
        } {sc.loop_unroll_factor = 2 : i64, sc.parallel_access}
        %dma_start3A_590 = arith.constant 0 : i32
        %dma_start3A_591 = arith.constant 0 : i32
        %dma_start3A_592 = tpu.memref_slice %arg7[%add3A_342, %dma_start3A_591] : memref<10000x64xf32, #tpu.memory_space<vmem_shared>> -> memref<125x64xf32, #tpu.memory_space<vmem_shared>>
        %dma_start3A_593 = tpu.memref_slice %arg22[%dma_start3A_590] : memref<3x!tpu.dma_semaphore, #tpu.memory_space<semaphore_mem>> -> memref<1x!tpu.dma_semaphore, #tpu.memory_space<semaphore_mem>>
        %dma_start3A_594 = tpu.memref_squeeze %dma_start3A_593 : memref<1x!tpu.dma_semaphore, #tpu.memory_space<semaphore_mem>> -> memref<!tpu.dma_semaphore, #tpu.memory_space<semaphore_mem>>
        %dma_start3A_595 = arith.constant 0 : i32
        %dma_start3A_596 = tpu.memref_slice %arg7[%add3A_342, %dma_start3A_595] : memref<10000x64xf32, #tpu.memory_space<vmem_shared>> -> memref<125x64xf32, #tpu.memory_space<vmem_shared>>
        tpu.enqueue_dma source(%arg16 : memref<125x64xf32, #tpu.memory_space<vmem>>) target(%dma_start3A_596 : memref<125x64xf32, #tpu.memory_space<vmem_shared>>) target_semaphore(%dma_start3A_594 : memref<!tpu.dma_semaphore, #tpu.memory_space<semaphore_mem>>)
        %dma_start3A_597 = arith.constant 1 : i32
        %dma_start3A_598 = arith.constant 0 : i32
        %dma_start3A_599 = tpu.memref_slice %arg8[%add3A_342, %dma_start3A_598] : memref<10000x64xf32, #tpu.memory_space<vmem_shared>> -> memref<125x64xf32, #tpu.memory_space<vmem_shared>>
        %dma_start3A_600 = tpu.memref_slice %arg22[%dma_start3A_597] : memref<3x!tpu.dma_semaphore, #tpu.memory_space<semaphore_mem>> -> memref<1x!tpu.dma_semaphore, #tpu.memory_space<semaphore_mem>>
        %dma_start3A_601 = tpu.memref_squeeze %dma_start3A_600 : memref<1x!tpu.dma_semaphore, #tpu.memory_space<semaphore_mem>> -> memref<!tpu.dma_semaphore, #tpu.memory_space<semaphore_mem>>
        %dma_start3A_602 = arith.constant 0 : i32
        %dma_start3A_603 = tpu.memref_slice %arg8[%add3A_342, %dma_start3A_602] : memref<10000x64xf32, #tpu.memory_space<vmem_shared>> -> memref<125x64xf32, #tpu.memory_space<vmem_shared>>
        tpu.enqueue_dma source(%arg17 : memref<125x64xf32, #tpu.memory_space<vmem>>) target(%dma_start3A_603 : memref<125x64xf32, #tpu.memory_space<vmem_shared>>) target_semaphore(%dma_start3A_601 : memref<!tpu.dma_semaphore, #tpu.memory_space<semaphore_mem>>)
      } else {
      }
      %convert_element_type3A_412 = arith.extui %eq3A_207 : i1 to i32
      %cond3A_413 = arith.constant 0 : i32
      %cond3A_414 = arith.cmpi ne, %convert_element_type3A_412, %cond3A_413 : i32
      scf.if %cond3A_414 {
        %parallel_loop3A_587 = arith.constant 0 : i32
        %parallel_loop3A_588 = arith.constant 125 : i32
        %parallel_loop3A_589 = arith.constant 1 : i32
        scf.for %parallel_loop3A_606 = %parallel_loop3A_587 to %parallel_loop3A_588 step %parallel_loop3A_589  : i32 {
          %parallel_loop3A_607 = arith.index_cast %parallel_loop3A_606 : i32 to index
          %parallel_loop3A_608 = arith.constant 0 : index
          %parallel_loop3A_609 = tpu.vector_load %arg18[%parallel_loop3A_607, %parallel_loop3A_608] {strides = array<i32>} : memref<125x64xf32, #tpu.memory_space<vmem>>, vector<16xf32>,
          %parallel_loop3A_610 = arith.index_cast %parallel_loop3A_606 : i32 to index
          %parallel_loop3A_611 = arith.constant 0 : index
          %parallel_loop3A_612 = tpu.vector_load %arg16[%parallel_loop3A_610, %parallel_loop3A_611] {strides = array<i32>} : memref<125x64xf32, #tpu.memory_space<vmem>>, vector<16xf32>,
          %parallel_loop3A_613 = arith.addf %parallel_loop3A_609, %parallel_loop3A_612 : vector<16xf32>
          %parallel_loop3A_614 = arith.index_cast %parallel_loop3A_606 : i32 to index
          %parallel_loop3A_615 = arith.constant 0 : index
          %parallel_loop3A_616 = tpu.vector_load %arg17[%parallel_loop3A_614, %parallel_loop3A_615] {strides = array<i32>} : memref<125x64xf32, #tpu.memory_space<vmem>>, vector<16xf32>,
          %parallel_loop3A_617 = arith.addf %parallel_loop3A_613, %parallel_loop3A_616 : vector<16xf32>
          %parallel_loop3A_618 = arith.constant 2.500000e-01 : f32
          %parallel_loop3A_619 = vector.broadcast %parallel_loop3A_618 : f32 to vector<16xf32>
          %parallel_loop3A_620 = arith.mulf %parallel_loop3A_617, %parallel_loop3A_619 : vector<16xf32>
          %parallel_loop3A_621 = arith.index_cast %parallel_loop3A_606 : i32 to index
          %parallel_loop3A_622 = arith.constant 0 : index
          %parallel_loop3A_623 = tpu.vector_load %arg16[%parallel_loop3A_621, %parallel_loop3A_622] {strides = array<i32>} : memref<125x64xf32, #tpu.memory_space<vmem>>, vector<16xf32>,
          tpu.vector_store %arg16[%parallel_loop3A_621, %parallel_loop3A_622], %parallel_loop3A_620 {strides = array<i32>} : memref<125x64xf32, #tpu.memory_space<vmem>>, vector<16xf32>,
          %parallel_loop3A_624 = arith.index_cast %parallel_loop3A_606 : i32 to index
          %parallel_loop3A_625 = arith.constant 16 : index
          %parallel_loop3A_626 = tpu.vector_load %arg18[%parallel_loop3A_624, %parallel_loop3A_625] {strides = array<i32>} : memref<125x64xf32, #tpu.memory_space<vmem>>, vector<16xf32>,
          %parallel_loop3A_627 = arith.index_cast %parallel_loop3A_606 : i32 to index
          %parallel_loop3A_628 = arith.constant 16 : index
          %parallel_loop3A_629 = tpu.vector_load %arg16[%parallel_loop3A_627, %parallel_loop3A_628] {strides = array<i32>} : memref<125x64xf32, #tpu.memory_space<vmem>>, vector<16xf32>,
          %parallel_loop3A_630 = arith.addf %parallel_loop3A_626, %parallel_loop3A_629 : vector<16xf32>
          %parallel_loop3A_631 = arith.index_cast %parallel_loop3A_606 : i32 to index
          %parallel_loop3A_632 = arith.constant 16 : index
          %parallel_loop3A_633 = tpu.vector_load %arg17[%parallel_loop3A_631, %parallel_loop3A_632] {strides = array<i32>} : memref<125x64xf32, #tpu.memory_space<vmem>>, vector<16xf32>,
          %parallel_loop3A_634 = arith.addf %parallel_loop3A_630, %parallel_loop3A_633 : vector<16xf32>
          %parallel_loop3A_635 = arith.constant 2.500000e-01 : f32
          %parallel_loop3A_636 = vector.broadcast %parallel_loop3A_635 : f32 to vector<16xf32>
          %parallel_loop3A_637 = arith.mulf %parallel_loop3A_634, %parallel_loop3A_636 : vector<16xf32>
          %parallel_loop3A_638 = arith.index_cast %parallel_loop3A_606 : i32 to index
          %parallel_loop3A_639 = arith.constant 16 : index
          %parallel_loop3A_640 = tpu.vector_load %arg16[%parallel_loop3A_638, %parallel_loop3A_639] {strides = array<i32>} : memref<125x64xf32, #tpu.memory_space<vmem>>, vector<16xf32>,
          tpu.vector_store %arg16[%parallel_loop3A_638, %parallel_loop3A_639], %parallel_loop3A_637 {strides = array<i32>} : memref<125x64xf32, #tpu.memory_space<vmem>>, vector<16xf32>,
          %parallel_loop3A_641 = arith.index_cast %parallel_loop3A_606 : i32 to index
          %parallel_loop3A_642 = arith.constant 32 : index
          %parallel_loop3A_643 = tpu.vector_load %arg18[%parallel_loop3A_641, %parallel_loop3A_642] {strides = array<i32>} : memref<125x64xf32, #tpu.memory_space<vmem>>, vector<16xf32>,
          %parallel_loop3A_644 = arith.index_cast %parallel_loop3A_606 : i32 to index
          %parallel_loop3A_645 = arith.constant 32 : index
          %parallel_loop3A_646 = tpu.vector_load %arg16[%parallel_loop3A_644, %parallel_loop3A_645] {strides = array<i32>} : memref<125x64xf32, #tpu.memory_space<vmem>>, vector<16xf32>,
          %parallel_loop3A_647 = arith.addf %parallel_loop3A_643, %parallel_loop3A_646 : vector<16xf32>
          %parallel_loop3A_648 = arith.index_cast %parallel_loop3A_606 : i32 to index
          %parallel_loop3A_649 = arith.constant 32 : index
          %parallel_loop3A_650 = tpu.vector_load %arg17[%parallel_loop3A_648, %parallel_loop3A_649] {strides = array<i32>} : memref<125x64xf32, #tpu.memory_space<vmem>>, vector<16xf32>,
          %parallel_loop3A_651 = arith.addf %parallel_loop3A_647, %parallel_loop3A_650 : vector<16xf32>
          %parallel_loop3A_652 = arith.constant 2.500000e-01 : f32
          %parallel_loop3A_653 = vector.broadcast %parallel_loop3A_652 : f32 to vector<16xf32>
          %parallel_loop3A_654 = arith.mulf %parallel_loop3A_651, %parallel_loop3A_653 : vector<16xf32>
          %parallel_loop3A_655 = arith.index_cast %parallel_loop3A_606 : i32 to index
          %parallel_loop3A_656 = arith.constant 32 : index
          %parallel_loop3A_657 = tpu.vector_load %arg16[%parallel_loop3A_655, %parallel_loop3A_656] {strides = array<i32>} : memref<125x64xf32, #tpu.memory_space<vmem>>, vector<16xf32>,
          tpu.vector_store %arg16[%parallel_loop3A_655, %parallel_loop3A_656], %parallel_loop3A_654 {strides = array<i32>} : memref<125x64xf32, #tpu.memory_space<vmem>>, vector<16xf32>,
          %parallel_loop3A_658 = arith.index_cast %parallel_loop3A_606 : i32 to index
          %parallel_loop3A_659 = arith.constant 48 : index
          %parallel_loop3A_660 = tpu.vector_load %arg18[%parallel_loop3A_658, %parallel_loop3A_659] {strides = array<i32>} : memref<125x64xf32, #tpu.memory_space<vmem>>, vector<16xf32>,
          %parallel_loop3A_661 = arith.index_cast %parallel_loop3A_606 : i32 to index
          %parallel_loop3A_662 = arith.constant 48 : index
          %parallel_loop3A_663 = tpu.vector_load %arg16[%parallel_loop3A_661, %parallel_loop3A_662] {strides = array<i32>} : memref<125x64xf32, #tpu.memory_space<vmem>>, vector<16xf32>,
          %parallel_loop3A_664 = arith.addf %parallel_loop3A_660, %parallel_loop3A_663 : vector<16xf32>
          %parallel_loop3A_665 = arith.index_cast %parallel_loop3A_606 : i32 to index
          %parallel_loop3A_666 = arith.constant 48 : index
          %parallel_loop3A_667 = tpu.vector_load %arg17[%parallel_loop3A_665, %parallel_loop3A_666] {strides = array<i32>} : memref<125x64xf32, #tpu.memory_space<vmem>>, vector<16xf32>,
          %parallel_loop3A_668 = arith.addf %parallel_loop3A_664, %parallel_loop3A_667 : vector<16xf32>
          %parallel_loop3A_669 = arith.constant 2.500000e-01 : f32
          %parallel_loop3A_670 = vector.broadcast %parallel_loop3A_669 : f32 to vector<16xf32>
          %parallel_loop3A_671 = arith.mulf %parallel_loop3A_668, %parallel_loop3A_670 : vector<16xf32>
          %parallel_loop3A_672 = arith.index_cast %parallel_loop3A_606 : i32 to index
          %parallel_loop3A_673 = arith.constant 48 : index
          %parallel_loop3A_674 = tpu.vector_load %arg16[%parallel_loop3A_672, %parallel_loop3A_673] {strides = array<i32>} : memref<125x64xf32, #tpu.memory_space<vmem>>, vector<16xf32>,
          tpu.vector_store %arg16[%parallel_loop3A_672, %parallel_loop3A_673], %parallel_loop3A_671 {strides = array<i32>} : memref<125x64xf32, #tpu.memory_space<vmem>>, vector<16xf32>,
        } {sc.loop_unroll_factor = 2 : i64, sc.parallel_access}
        %dma_start3A_590 = arith.constant 0 : i32
        %dma_start3A_591 = arith.constant 0 : i32
        %dma_start3A_592 = tpu.memref_slice %arg7[%add3A_342, %dma_start3A_591] : memref<10000x64xf32, #tpu.memory_space<vmem_shared>> -> memref<125x64xf32, #tpu.memory_space<vmem_shared>>
        %dma_start3A_593 = tpu.memref_slice %arg22[%dma_start3A_590] : memref<3x!tpu.dma_semaphore, #tpu.memory_space<semaphore_mem>> -> memref<1x!tpu.dma_semaphore, #tpu.memory_space<semaphore_mem>>
        %dma_start3A_594 = tpu.memref_squeeze %dma_start3A_593 : memref<1x!tpu.dma_semaphore, #tpu.memory_space<semaphore_mem>> -> memref<!tpu.dma_semaphore, #tpu.memory_space<semaphore_mem>>
        %dma_start3A_595 = arith.constant 0 : i32
        %dma_start3A_596 = tpu.memref_slice %arg7[%add3A_342, %dma_start3A_595] : memref<10000x64xf32, #tpu.memory_space<vmem_shared>> -> memref<125x64xf32, #tpu.memory_space<vmem_shared>>
        tpu.enqueue_dma source(%arg16 : memref<125x64xf32, #tpu.memory_space<vmem>>) target(%dma_start3A_596 : memref<125x64xf32, #tpu.memory_space<vmem_shared>>) target_semaphore(%dma_start3A_594 : memref<!tpu.dma_semaphore, #tpu.memory_space<semaphore_mem>>)
        %dma_start3A_597 = arith.constant 1 : i32
        %dma_start3A_598 = arith.constant 0 : i32
        %dma_start3A_599 = tpu.memref_slice %arg6[%arg0, %add3A_342, %dma_start3A_598] : memref<2x10000x64xf32, #tpu.memory_space<hbm>> -> memref<1x125x64xf32, #tpu.memory_space<hbm>>
        %dma_start3A_600 = tpu.memref_squeeze %dma_start3A_599 : memref<1x125x64xf32, #tpu.memory_space<hbm>> -> memref<125x64xf32, #tpu.memory_space<hbm>>
        %dma_start3A_601 = tpu.memref_slice %arg22[%dma_start3A_597] : memref<3x!tpu.dma_semaphore, #tpu.memory_space<semaphore_mem>> -> memref<1x!tpu.dma_semaphore, #tpu.memory_space<semaphore_mem>>
        %dma_start3A_602 = tpu.memref_squeeze %dma_start3A_601 : memref<1x!tpu.dma_semaphore, #tpu.memory_space<semaphore_mem>> -> memref<!tpu.dma_semaphore, #tpu.memory_space<semaphore_mem>>
        %dma_start3A_603 = arith.constant 0 : i32
        %dma_start3A_604 = tpu.memref_slice %arg6[%arg0, %add3A_342, %dma_start3A_603] : memref<2x10000x64xf32, #tpu.memory_space<hbm>> -> memref<1x125x64xf32, #tpu.memory_space<hbm>>
        %dma_start3A_605 = tpu.memref_squeeze %dma_start3A_604 : memref<1x125x64xf32, #tpu.memory_space<hbm>> -> memref<125x64xf32, #tpu.memory_space<hbm>>
        tpu.enqueue_dma source(%arg16 : memref<125x64xf32, #tpu.memory_space<vmem>>) target(%dma_start3A_605 : memref<125x64xf32, #tpu.memory_space<hbm>>) target_semaphore(%dma_start3A_602 : memref<!tpu.dma_semaphore, #tpu.memory_space<semaphore_mem>>)
      } else {
      }
      %mul3A_415 = arith.constant 625 : i32
      %mul3A_416 = arith.muli %arg1, %mul3A_415 : i32
      %add3A_417 = arith.constant 375 : i32
      %add3A_418 = arith.addi %mul3A_416, %add3A_417 : i32
      %mul3A_419 = arith.constant 625 : i32
      %mul3A_420 = arith.muli %arg1, %mul3A_419 : i32
      %add3A_421 = arith.constant 250 : i32
      %add3A_422 = arith.addi %mul3A_420, %add3A_421 : i32
      %dma_wait3A_423 = arith.constant 0 : i32
      %dma_wait3A_424 = arith.constant 0 : i32
      %dma_wait3A_425 = tpu.memref_slice %arg7[%add3A_422, %dma_wait3A_424] : memref<10000x64xf32, #tpu.memory_space<vmem_shared>> -> memref<125x64xf32, #tpu.memory_space<vmem_shared>>
      %dma_wait3A_426 = tpu.memref_slice %arg22[%dma_wait3A_423] : memref<3x!tpu.dma_semaphore, #tpu.memory_space<semaphore_mem>> -> memref<1x!tpu.dma_semaphore, #tpu.memory_space<semaphore_mem>>
      %dma_wait3A_427 = tpu.memref_squeeze %dma_wait3A_426 : memref<1x!tpu.dma_semaphore, #tpu.memory_space<semaphore_mem>> -> memref<!tpu.dma_semaphore, #tpu.memory_space<semaphore_mem>>
      %dma_wait3A_428 = arith.constant 0 : i32
      %dma_wait3A_429 = tpu.memref_slice %arg7[%add3A_422, %dma_wait3A_428] : memref<10000x64xf32, #tpu.memory_space<vmem_shared>> -> memref<125x64xf32, #tpu.memory_space<vmem_shared>>
      tpu.wait_dma2 semaphore(%dma_wait3A_427 : memref<!tpu.dma_semaphore, #tpu.memory_space<semaphore_mem>>) src(%arg16 : memref<125x64xf32, #tpu.memory_space<vmem>>) dst(%dma_wait3A_429 : memref<125x64xf32, #tpu.memory_space<vmem_shared>>)
      %dma_wait3A_430 = arith.constant 1 : i32
      %dma_wait3A_431 = arith.constant 0 : i32
      %dma_wait3A_432 = tpu.memref_slice %arg8[%add3A_422, %dma_wait3A_431] : memref<10000x64xf32, #tpu.memory_space<vmem_shared>> -> memref<125x64xf32, #tpu.memory_space<vmem_shared>>
      %dma_wait3A_433 = tpu.memref_slice %arg22[%dma_wait3A_430] : memref<3x!tpu.dma_semaphore, #tpu.memory_space<semaphore_mem>> -> memref<1x!tpu.dma_semaphore, #tpu.memory_space<semaphore_mem>>
      %dma_wait3A_434 = tpu.memref_squeeze %dma_wait3A_433 : memref<1x!tpu.dma_semaphore, #tpu.memory_space<semaphore_mem>> -> memref<!tpu.dma_semaphore, #tpu.memory_space<semaphore_mem>>
      %dma_wait3A_435 = arith.constant 0 : i32
      %dma_wait3A_436 = tpu.memref_slice %arg8[%add3A_422, %dma_wait3A_435] : memref<10000x64xf32, #tpu.memory_space<vmem_shared>> -> memref<125x64xf32, #tpu.memory_space<vmem_shared>>
      tpu.wait_dma2 semaphore(%dma_wait3A_434 : memref<!tpu.dma_semaphore, #tpu.memory_space<semaphore_mem>>) src(%arg17 : memref<125x64xf32, #tpu.memory_space<vmem>>) dst(%dma_wait3A_436 : memref<125x64xf32, #tpu.memory_space<vmem_shared>>)
      %dma_start3A_437 = arith.constant 0 : i32
      %dma_start3A_438 = arith.constant 0 : i32
      %dma_start3A_439 = tpu.memref_slice %arg2[%arg0, %add3A_418, %dma_start3A_438] : memref<2x10000x64xf32, #tpu.memory_space<hbm>> -> memref<1x125x64xf32, #tpu.memory_space<hbm>>
      %dma_start3A_440 = tpu.memref_squeeze %dma_start3A_439 : memref<1x125x64xf32, #tpu.memory_space<hbm>> -> memref<125x64xf32, #tpu.memory_space<hbm>>
      %dma_start3A_441 = tpu.memref_slice %arg22[%dma_start3A_437] : memref<3x!tpu.dma_semaphore, #tpu.memory_space<semaphore_mem>> -> memref<1x!tpu.dma_semaphore, #tpu.memory_space<semaphore_mem>>
      %dma_start3A_442 = tpu.memref_squeeze %dma_start3A_441 : memref<1x!tpu.dma_semaphore, #tpu.memory_space<semaphore_mem>> -> memref<!tpu.dma_semaphore, #tpu.memory_space<semaphore_mem>>
      %dma_start3A_443 = arith.constant 0 : i32
      %dma_start3A_444 = tpu.memref_slice %arg2[%arg0, %add3A_418, %dma_start3A_443] : memref<2x10000x64xf32, #tpu.memory_space<hbm>> -> memref<1x125x64xf32, #tpu.memory_space<hbm>>
      %dma_start3A_445 = tpu.memref_squeeze %dma_start3A_444 : memref<1x125x64xf32, #tpu.memory_space<hbm>> -> memref<125x64xf32, #tpu.memory_space<hbm>>
      tpu.enqueue_dma source(%dma_start3A_445 : memref<125x64xf32, #tpu.memory_space<hbm>>) target(%arg18 : memref<125x64xf32, #tpu.memory_space<vmem>>) target_semaphore(%dma_start3A_442 : memref<!tpu.dma_semaphore, #tpu.memory_space<semaphore_mem>>)
      %dma_start3A_446 = arith.constant 1 : i32
      %dma_start3A_447 = arith.constant 0 : i32
      %dma_start3A_448 = tpu.memref_slice %arg7[%add3A_418, %dma_start3A_447] : memref<10000x64xf32, #tpu.memory_space<vmem_shared>> -> memref<125x64xf32, #tpu.memory_space<vmem_shared>>
      %dma_start3A_449 = tpu.memref_slice %arg22[%dma_start3A_446] : memref<3x!tpu.dma_semaphore, #tpu.memory_space<semaphore_mem>> -> memref<1x!tpu.dma_semaphore, #tpu.memory_space<semaphore_mem>>
      %dma_start3A_450 = tpu.memref_squeeze %dma_start3A_449 : memref<1x!tpu.dma_semaphore, #tpu.memory_space<semaphore_mem>> -> memref<!tpu.dma_semaphore, #tpu.memory_space<semaphore_mem>>
      %dma_start3A_451 = arith.constant 0 : i32
      %dma_start3A_452 = tpu.memref_slice %arg7[%add3A_418, %dma_start3A_451] : memref<10000x64xf32, #tpu.memory_space<vmem_shared>> -> memref<125x64xf32, #tpu.memory_space<vmem_shared>>
      tpu.enqueue_dma source(%dma_start3A_452 : memref<125x64xf32, #tpu.memory_space<vmem_shared>>) target(%arg16 : memref<125x64xf32, #tpu.memory_space<vmem>>) target_semaphore(%dma_start3A_450 : memref<!tpu.dma_semaphore, #tpu.memory_space<semaphore_mem>>)
      %dma_start3A_453 = arith.constant 2 : i32
      %dma_start3A_454 = arith.constant 0 : i32
      %dma_start3A_455 = tpu.memref_slice %arg8[%add3A_418, %dma_start3A_454] : memref<10000x64xf32, #tpu.memory_space<vmem_shared>> -> memref<125x64xf32, #tpu.memory_space<vmem_shared>>
      %dma_start3A_456 = tpu.memref_slice %arg22[%dma_start3A_453] : memref<3x!tpu.dma_semaphore, #tpu.memory_space<semaphore_mem>> -> memref<1x!tpu.dma_semaphore, #tpu.memory_space<semaphore_mem>>
      %dma_start3A_457 = tpu.memref_squeeze %dma_start3A_456 : memref<1x!tpu.dma_semaphore, #tpu.memory_space<semaphore_mem>> -> memref<!tpu.dma_semaphore, #tpu.memory_space<semaphore_mem>>
      %dma_start3A_458 = arith.constant 0 : i32
      %dma_start3A_459 = tpu.memref_slice %arg8[%add3A_418, %dma_start3A_458] : memref<10000x64xf32, #tpu.memory_space<vmem_shared>> -> memref<125x64xf32, #tpu.memory_space<vmem_shared>>
      tpu.enqueue_dma source(%dma_start3A_459 : memref<125x64xf32, #tpu.memory_space<vmem_shared>>) target(%arg17 : memref<125x64xf32, #tpu.memory_space<vmem>>) target_semaphore(%dma_start3A_457 : memref<!tpu.dma_semaphore, #tpu.memory_space<semaphore_mem>>)
      %dma_wait3A_460 = arith.constant 0 : i32
      %dma_wait3A_461 = arith.constant 0 : i32
      %dma_wait3A_462 = tpu.memref_slice %arg2[%arg0, %add3A_418, %dma_wait3A_461] : memref<2x10000x64xf32, #tpu.memory_space<hbm>> -> memref<1x125x64xf32, #tpu.memory_space<hbm>>
      %dma_wait3A_463 = tpu.memref_squeeze %dma_wait3A_462 : memref<1x125x64xf32, #tpu.memory_space<hbm>> -> memref<125x64xf32, #tpu.memory_space<hbm>>
      %dma_wait3A_464 = tpu.memref_slice %arg22[%dma_wait3A_460] : memref<3x!tpu.dma_semaphore, #tpu.memory_space<semaphore_mem>> -> memref<1x!tpu.dma_semaphore, #tpu.memory_space<semaphore_mem>>
      %dma_wait3A_465 = tpu.memref_squeeze %dma_wait3A_464 : memref<1x!tpu.dma_semaphore, #tpu.memory_space<semaphore_mem>> -> memref<!tpu.dma_semaphore, #tpu.memory_space<semaphore_mem>>
      %dma_wait3A_466 = arith.constant 0 : i32
      %dma_wait3A_467 = tpu.memref_slice %arg2[%arg0, %add3A_418, %dma_wait3A_466] : memref<2x10000x64xf32, #tpu.memory_space<hbm>> -> memref<1x125x64xf32, #tpu.memory_space<hbm>>
      %dma_wait3A_468 = tpu.memref_squeeze %dma_wait3A_467 : memref<1x125x64xf32, #tpu.memory_space<hbm>> -> memref<125x64xf32, #tpu.memory_space<hbm>>
      tpu.wait_dma2 semaphore(%dma_wait3A_465 : memref<!tpu.dma_semaphore, #tpu.memory_space<semaphore_mem>>) src(%dma_wait3A_468 : memref<125x64xf32, #tpu.memory_space<hbm>>) dst(%arg18 : memref<125x64xf32, #tpu.memory_space<vmem>>)
      %dma_wait3A_469 = arith.constant 1 : i32
      %dma_wait3A_470 = arith.constant 0 : i32
      %dma_wait3A_471 = tpu.memref_slice %arg7[%add3A_418, %dma_wait3A_470] : memref<10000x64xf32, #tpu.memory_space<vmem_shared>> -> memref<125x64xf32, #tpu.memory_space<vmem_shared>>
      %dma_wait3A_472 = tpu.memref_slice %arg22[%dma_wait3A_469] : memref<3x!tpu.dma_semaphore, #tpu.memory_space<semaphore_mem>> -> memref<1x!tpu.dma_semaphore, #tpu.memory_space<semaphore_mem>>
      %dma_wait3A_473 = tpu.memref_squeeze %dma_wait3A_472 : memref<1x!tpu.dma_semaphore, #tpu.memory_space<semaphore_mem>> -> memref<!tpu.dma_semaphore, #tpu.memory_space<semaphore_mem>>
      %dma_wait3A_474 = arith.constant 0 : i32
      %dma_wait3A_475 = tpu.memref_slice %arg7[%add3A_418, %dma_wait3A_474] : memref<10000x64xf32, #tpu.memory_space<vmem_shared>> -> memref<125x64xf32, #tpu.memory_space<vmem_shared>>
      tpu.wait_dma2 semaphore(%dma_wait3A_473 : memref<!tpu.dma_semaphore, #tpu.memory_space<semaphore_mem>>) src(%dma_wait3A_475 : memref<125x64xf32, #tpu.memory_space<vmem_shared>>) dst(%arg16 : memref<125x64xf32, #tpu.memory_space<vmem>>)
      %dma_wait3A_476 = arith.constant 2 : i32
      %dma_wait3A_477 = arith.constant 0 : i32
      %dma_wait3A_478 = tpu.memref_slice %arg8[%add3A_418, %dma_wait3A_477] : memref<10000x64xf32, #tpu.memory_space<vmem_shared>> -> memref<125x64xf32, #tpu.memory_space<vmem_shared>>
      %dma_wait3A_479 = tpu.memref_slice %arg22[%dma_wait3A_476] : memref<3x!tpu.dma_semaphore, #tpu.memory_space<semaphore_mem>> -> memref<1x!tpu.dma_semaphore, #tpu.memory_space<semaphore_mem>>
      %dma_wait3A_480 = tpu.memref_squeeze %dma_wait3A_479 : memref<1x!tpu.dma_semaphore, #tpu.memory_space<semaphore_mem>> -> memref<!tpu.dma_semaphore, #tpu.memory_space<semaphore_mem>>
      %dma_wait3A_481 = arith.constant 0 : i32
      %dma_wait3A_482 = tpu.memref_slice %arg8[%add3A_418, %dma_wait3A_481] : memref<10000x64xf32, #tpu.memory_space<vmem_shared>> -> memref<125x64xf32, #tpu.memory_space<vmem_shared>>
      tpu.wait_dma2 semaphore(%dma_wait3A_480 : memref<!tpu.dma_semaphore, #tpu.memory_space<semaphore_mem>>) src(%dma_wait3A_482 : memref<125x64xf32, #tpu.memory_space<vmem_shared>>) dst(%arg17 : memref<125x64xf32, #tpu.memory_space<vmem>>)
      %not3A_483 = arith.constant true
      %not3A_484 = arith.xori %eq3A_207, %not3A_483 : i1
      %convert_element_type3A_485 = arith.extui %not3A_484 : i1 to i32
      %cond3A_486 = arith.constant 0 : i32
      %cond3A_487 = arith.cmpi ne, %convert_element_type3A_485, %cond3A_486 : i32
      scf.if %cond3A_487 {
        %parallel_loop3A_587 = arith.constant 0 : i32
        %parallel_loop3A_588 = arith.constant 125 : i32
        %parallel_loop3A_589 = arith.constant 1 : i32
        scf.for %parallel_loop3A_604 = %parallel_loop3A_587 to %parallel_loop3A_588 step %parallel_loop3A_589  : i32 {
          %parallel_loop3A_605 = arith.index_cast %parallel_loop3A_604 : i32 to index
          %parallel_loop3A_606 = arith.constant 0 : index
          %parallel_loop3A_607 = tpu.vector_load %arg18[%parallel_loop3A_605, %parallel_loop3A_606] {strides = array<i32>} : memref<125x64xf32, #tpu.memory_space<vmem>>, vector<16xf32>,
          %parallel_loop3A_608 = arith.index_cast %parallel_loop3A_604 : i32 to index
          %parallel_loop3A_609 = arith.constant 0 : index
          %parallel_loop3A_610 = tpu.vector_load %arg16[%parallel_loop3A_608, %parallel_loop3A_609] {strides = array<i32>} : memref<125x64xf32, #tpu.memory_space<vmem>>, vector<16xf32>,
          %parallel_loop3A_611 = arith.addf %parallel_loop3A_607, %parallel_loop3A_610 : vector<16xf32>
          %parallel_loop3A_612 = arith.index_cast %parallel_loop3A_604 : i32 to index
          %parallel_loop3A_613 = arith.constant 0 : index
          %parallel_loop3A_614 = tpu.vector_load %arg17[%parallel_loop3A_612, %parallel_loop3A_613] {strides = array<i32>} : memref<125x64xf32, #tpu.memory_space<vmem>>, vector<16xf32>,
          %parallel_loop3A_615 = arith.addf %parallel_loop3A_611, %parallel_loop3A_614 : vector<16xf32>
          %parallel_loop3A_616 = arith.index_cast %parallel_loop3A_604 : i32 to index
          %parallel_loop3A_617 = arith.constant 0 : index
          %parallel_loop3A_618 = tpu.vector_load %arg16[%parallel_loop3A_616, %parallel_loop3A_617] {strides = array<i32>} : memref<125x64xf32, #tpu.memory_space<vmem>>, vector<16xf32>,
          tpu.vector_store %arg16[%parallel_loop3A_616, %parallel_loop3A_617], %parallel_loop3A_615 {strides = array<i32>} : memref<125x64xf32, #tpu.memory_space<vmem>>, vector<16xf32>,
          %parallel_loop3A_619 = arith.constant 0.000000e+00 : f32
          %parallel_loop3A_620 = vector.broadcast %parallel_loop3A_619 : f32 to vector<16xf32>
          %parallel_loop3A_621 = arith.index_cast %parallel_loop3A_604 : i32 to index
          %parallel_loop3A_622 = arith.constant 0 : index
          %parallel_loop3A_623 = tpu.vector_load %arg17[%parallel_loop3A_621, %parallel_loop3A_622] {strides = array<i32>} : memref<125x64xf32, #tpu.memory_space<vmem>>, vector<16xf32>,
          tpu.vector_store %arg17[%parallel_loop3A_621, %parallel_loop3A_622], %parallel_loop3A_620 {strides = array<i32>} : memref<125x64xf32, #tpu.memory_space<vmem>>, vector<16xf32>,
          %parallel_loop3A_624 = arith.index_cast %parallel_loop3A_604 : i32 to index
          %parallel_loop3A_625 = arith.constant 16 : index
          %parallel_loop3A_626 = tpu.vector_load %arg18[%parallel_loop3A_624, %parallel_loop3A_625] {strides = array<i32>} : memref<125x64xf32, #tpu.memory_space<vmem>>, vector<16xf32>,
          %parallel_loop3A_627 = arith.index_cast %parallel_loop3A_604 : i32 to index
          %parallel_loop3A_628 = arith.constant 16 : index
          %parallel_loop3A_629 = tpu.vector_load %arg16[%parallel_loop3A_627, %parallel_loop3A_628] {strides = array<i32>} : memref<125x64xf32, #tpu.memory_space<vmem>>, vector<16xf32>,
          %parallel_loop3A_630 = arith.addf %parallel_loop3A_626, %parallel_loop3A_629 : vector<16xf32>
          %parallel_loop3A_631 = arith.index_cast %parallel_loop3A_604 : i32 to index
          %parallel_loop3A_632 = arith.constant 16 : index
          %parallel_loop3A_633 = tpu.vector_load %arg17[%parallel_loop3A_631, %parallel_loop3A_632] {strides = array<i32>} : memref<125x64xf32, #tpu.memory_space<vmem>>, vector<16xf32>,
          %parallel_loop3A_634 = arith.addf %parallel_loop3A_630, %parallel_loop3A_633 : vector<16xf32>
          %parallel_loop3A_635 = arith.index_cast %parallel_loop3A_604 : i32 to index
          %parallel_loop3A_636 = arith.constant 16 : index
          %parallel_loop3A_637 = tpu.vector_load %arg16[%parallel_loop3A_635, %parallel_loop3A_636] {strides = array<i32>} : memref<125x64xf32, #tpu.memory_space<vmem>>, vector<16xf32>,
          tpu.vector_store %arg16[%parallel_loop3A_635, %parallel_loop3A_636], %parallel_loop3A_634 {strides = array<i32>} : memref<125x64xf32, #tpu.memory_space<vmem>>, vector<16xf32>,
          %parallel_loop3A_638 = arith.constant 0.000000e+00 : f32
          %parallel_loop3A_639 = vector.broadcast %parallel_loop3A_638 : f32 to vector<16xf32>
          %parallel_loop3A_640 = arith.index_cast %parallel_loop3A_604 : i32 to index
          %parallel_loop3A_641 = arith.constant 16 : index
          %parallel_loop3A_642 = tpu.vector_load %arg17[%parallel_loop3A_640, %parallel_loop3A_641] {strides = array<i32>} : memref<125x64xf32, #tpu.memory_space<vmem>>, vector<16xf32>,
          tpu.vector_store %arg17[%parallel_loop3A_640, %parallel_loop3A_641], %parallel_loop3A_639 {strides = array<i32>} : memref<125x64xf32, #tpu.memory_space<vmem>>, vector<16xf32>,
          %parallel_loop3A_643 = arith.index_cast %parallel_loop3A_604 : i32 to index
          %parallel_loop3A_644 = arith.constant 32 : index
          %parallel_loop3A_645 = tpu.vector_load %arg18[%parallel_loop3A_643, %parallel_loop3A_644] {strides = array<i32>} : memref<125x64xf32, #tpu.memory_space<vmem>>, vector<16xf32>,
          %parallel_loop3A_646 = arith.index_cast %parallel_loop3A_604 : i32 to index
          %parallel_loop3A_647 = arith.constant 32 : index
          %parallel_loop3A_648 = tpu.vector_load %arg16[%parallel_loop3A_646, %parallel_loop3A_647] {strides = array<i32>} : memref<125x64xf32, #tpu.memory_space<vmem>>, vector<16xf32>,
          %parallel_loop3A_649 = arith.addf %parallel_loop3A_645, %parallel_loop3A_648 : vector<16xf32>
          %parallel_loop3A_650 = arith.index_cast %parallel_loop3A_604 : i32 to index
          %parallel_loop3A_651 = arith.constant 32 : index
          %parallel_loop3A_652 = tpu.vector_load %arg17[%parallel_loop3A_650, %parallel_loop3A_651] {strides = array<i32>} : memref<125x64xf32, #tpu.memory_space<vmem>>, vector<16xf32>,
          %parallel_loop3A_653 = arith.addf %parallel_loop3A_649, %parallel_loop3A_652 : vector<16xf32>
          %parallel_loop3A_654 = arith.index_cast %parallel_loop3A_604 : i32 to index
          %parallel_loop3A_655 = arith.constant 32 : index
          %parallel_loop3A_656 = tpu.vector_load %arg16[%parallel_loop3A_654, %parallel_loop3A_655] {strides = array<i32>} : memref<125x64xf32, #tpu.memory_space<vmem>>, vector<16xf32>,
          tpu.vector_store %arg16[%parallel_loop3A_654, %parallel_loop3A_655], %parallel_loop3A_653 {strides = array<i32>} : memref<125x64xf32, #tpu.memory_space<vmem>>, vector<16xf32>,
          %parallel_loop3A_657 = arith.constant 0.000000e+00 : f32
          %parallel_loop3A_658 = vector.broadcast %parallel_loop3A_657 : f32 to vector<16xf32>
          %parallel_loop3A_659 = arith.index_cast %parallel_loop3A_604 : i32 to index
          %parallel_loop3A_660 = arith.constant 32 : index
          %parallel_loop3A_661 = tpu.vector_load %arg17[%parallel_loop3A_659, %parallel_loop3A_660] {strides = array<i32>} : memref<125x64xf32, #tpu.memory_space<vmem>>, vector<16xf32>,
          tpu.vector_store %arg17[%parallel_loop3A_659, %parallel_loop3A_660], %parallel_loop3A_658 {strides = array<i32>} : memref<125x64xf32, #tpu.memory_space<vmem>>, vector<16xf32>,
          %parallel_loop3A_662 = arith.index_cast %parallel_loop3A_604 : i32 to index
          %parallel_loop3A_663 = arith.constant 48 : index
          %parallel_loop3A_664 = tpu.vector_load %arg18[%parallel_loop3A_662, %parallel_loop3A_663] {strides = array<i32>} : memref<125x64xf32, #tpu.memory_space<vmem>>, vector<16xf32>,
          %parallel_loop3A_665 = arith.index_cast %parallel_loop3A_604 : i32 to index
          %parallel_loop3A_666 = arith.constant 48 : index
          %parallel_loop3A_667 = tpu.vector_load %arg16[%parallel_loop3A_665, %parallel_loop3A_666] {strides = array<i32>} : memref<125x64xf32, #tpu.memory_space<vmem>>, vector<16xf32>,
          %parallel_loop3A_668 = arith.addf %parallel_loop3A_664, %parallel_loop3A_667 : vector<16xf32>
          %parallel_loop3A_669 = arith.index_cast %parallel_loop3A_604 : i32 to index
          %parallel_loop3A_670 = arith.constant 48 : index
          %parallel_loop3A_671 = tpu.vector_load %arg17[%parallel_loop3A_669, %parallel_loop3A_670] {strides = array<i32>} : memref<125x64xf32, #tpu.memory_space<vmem>>, vector<16xf32>,
          %parallel_loop3A_672 = arith.addf %parallel_loop3A_668, %parallel_loop3A_671 : vector<16xf32>
          %parallel_loop3A_673 = arith.index_cast %parallel_loop3A_604 : i32 to index
          %parallel_loop3A_674 = arith.constant 48 : index
          %parallel_loop3A_675 = tpu.vector_load %arg16[%parallel_loop3A_673, %parallel_loop3A_674] {strides = array<i32>} : memref<125x64xf32, #tpu.memory_space<vmem>>, vector<16xf32>,
          tpu.vector_store %arg16[%parallel_loop3A_673, %parallel_loop3A_674], %parallel_loop3A_672 {strides = array<i32>} : memref<125x64xf32, #tpu.memory_space<vmem>>, vector<16xf32>,
          %parallel_loop3A_676 = arith.constant 0.000000e+00 : f32
          %parallel_loop3A_677 = vector.broadcast %parallel_loop3A_676 : f32 to vector<16xf32>
          %parallel_loop3A_678 = arith.index_cast %parallel_loop3A_604 : i32 to index
          %parallel_loop3A_679 = arith.constant 48 : index
          %parallel_loop3A_680 = tpu.vector_load %arg17[%parallel_loop3A_678, %parallel_loop3A_679] {strides = array<i32>} : memref<125x64xf32, #tpu.memory_space<vmem>>, vector<16xf32>,
          tpu.vector_store %arg17[%parallel_loop3A_678, %parallel_loop3A_679], %parallel_loop3A_677 {strides = array<i32>} : memref<125x64xf32, #tpu.memory_space<vmem>>, vector<16xf32>,
        } {sc.loop_unroll_factor = 2 : i64, sc.parallel_access}
        %dma_start3A_590 = arith.constant 0 : i32
        %dma_start3A_591 = arith.constant 0 : i32
        %dma_start3A_592 = tpu.memref_slice %arg7[%add3A_418, %dma_start3A_591] : memref<10000x64xf32, #tpu.memory_space<vmem_shared>> -> memref<125x64xf32, #tpu.memory_space<vmem_shared>>
        %dma_start3A_593 = tpu.memref_slice %arg22[%dma_start3A_590] : memref<3x!tpu.dma_semaphore, #tpu.memory_space<semaphore_mem>> -> memref<1x!tpu.dma_semaphore, #tpu.memory_space<semaphore_mem>>
        %dma_start3A_594 = tpu.memref_squeeze %dma_start3A_593 : memref<1x!tpu.dma_semaphore, #tpu.memory_space<semaphore_mem>> -> memref<!tpu.dma_semaphore, #tpu.memory_space<semaphore_mem>>
        %dma_start3A_595 = arith.constant 0 : i32
        %dma_start3A_596 = tpu.memref_slice %arg7[%add3A_418, %dma_start3A_595] : memref<10000x64xf32, #tpu.memory_space<vmem_shared>> -> memref<125x64xf32, #tpu.memory_space<vmem_shared>>
        tpu.enqueue_dma source(%arg16 : memref<125x64xf32, #tpu.memory_space<vmem>>) target(%dma_start3A_596 : memref<125x64xf32, #tpu.memory_space<vmem_shared>>) target_semaphore(%dma_start3A_594 : memref<!tpu.dma_semaphore, #tpu.memory_space<semaphore_mem>>)
        %dma_start3A_597 = arith.constant 1 : i32
        %dma_start3A_598 = arith.constant 0 : i32
        %dma_start3A_599 = tpu.memref_slice %arg8[%add3A_418, %dma_start3A_598] : memref<10000x64xf32, #tpu.memory_space<vmem_shared>> -> memref<125x64xf32, #tpu.memory_space<vmem_shared>>
        %dma_start3A_600 = tpu.memref_slice %arg22[%dma_start3A_597] : memref<3x!tpu.dma_semaphore, #tpu.memory_space<semaphore_mem>> -> memref<1x!tpu.dma_semaphore, #tpu.memory_space<semaphore_mem>>
        %dma_start3A_601 = tpu.memref_squeeze %dma_start3A_600 : memref<1x!tpu.dma_semaphore, #tpu.memory_space<semaphore_mem>> -> memref<!tpu.dma_semaphore, #tpu.memory_space<semaphore_mem>>
        %dma_start3A_602 = arith.constant 0 : i32
        %dma_start3A_603 = tpu.memref_slice %arg8[%add3A_418, %dma_start3A_602] : memref<10000x64xf32, #tpu.memory_space<vmem_shared>> -> memref<125x64xf32, #tpu.memory_space<vmem_shared>>
        tpu.enqueue_dma source(%arg17 : memref<125x64xf32, #tpu.memory_space<vmem>>) target(%dma_start3A_603 : memref<125x64xf32, #tpu.memory_space<vmem_shared>>) target_semaphore(%dma_start3A_601 : memref<!tpu.dma_semaphore, #tpu.memory_space<semaphore_mem>>)
      } else {
      }
      %convert_element_type3A_488 = arith.extui %eq3A_207 : i1 to i32
      %cond3A_489 = arith.constant 0 : i32
      %cond3A_490 = arith.cmpi ne, %convert_element_type3A_488, %cond3A_489 : i32
      scf.if %cond3A_490 {
        %parallel_loop3A_587 = arith.constant 0 : i32
        %parallel_loop3A_588 = arith.constant 125 : i32
        %parallel_loop3A_589 = arith.constant 1 : i32
        scf.for %parallel_loop3A_606 = %parallel_loop3A_587 to %parallel_loop3A_588 step %parallel_loop3A_589  : i32 {
          %parallel_loop3A_607 = arith.index_cast %parallel_loop3A_606 : i32 to index
          %parallel_loop3A_608 = arith.constant 0 : index
          %parallel_loop3A_609 = tpu.vector_load %arg18[%parallel_loop3A_607, %parallel_loop3A_608] {strides = array<i32>} : memref<125x64xf32, #tpu.memory_space<vmem>>, vector<16xf32>,
          %parallel_loop3A_610 = arith.index_cast %parallel_loop3A_606 : i32 to index
          %parallel_loop3A_611 = arith.constant 0 : index
          %parallel_loop3A_612 = tpu.vector_load %arg16[%parallel_loop3A_610, %parallel_loop3A_611] {strides = array<i32>} : memref<125x64xf32, #tpu.memory_space<vmem>>, vector<16xf32>,
          %parallel_loop3A_613 = arith.addf %parallel_loop3A_609, %parallel_loop3A_612 : vector<16xf32>
          %parallel_loop3A_614 = arith.index_cast %parallel_loop3A_606 : i32 to index
          %parallel_loop3A_615 = arith.constant 0 : index
          %parallel_loop3A_616 = tpu.vector_load %arg17[%parallel_loop3A_614, %parallel_loop3A_615] {strides = array<i32>} : memref<125x64xf32, #tpu.memory_space<vmem>>, vector<16xf32>,
          %parallel_loop3A_617 = arith.addf %parallel_loop3A_613, %parallel_loop3A_616 : vector<16xf32>
          %parallel_loop3A_618 = arith.constant 2.500000e-01 : f32
          %parallel_loop3A_619 = vector.broadcast %parallel_loop3A_618 : f32 to vector<16xf32>
          %parallel_loop3A_620 = arith.mulf %parallel_loop3A_617, %parallel_loop3A_619 : vector<16xf32>
          %parallel_loop3A_621 = arith.index_cast %parallel_loop3A_606 : i32 to index
          %parallel_loop3A_622 = arith.constant 0 : index
          %parallel_loop3A_623 = tpu.vector_load %arg16[%parallel_loop3A_621, %parallel_loop3A_622] {strides = array<i32>} : memref<125x64xf32, #tpu.memory_space<vmem>>, vector<16xf32>,
          tpu.vector_store %arg16[%parallel_loop3A_621, %parallel_loop3A_622], %parallel_loop3A_620 {strides = array<i32>} : memref<125x64xf32, #tpu.memory_space<vmem>>, vector<16xf32>,
          %parallel_loop3A_624 = arith.index_cast %parallel_loop3A_606 : i32 to index
          %parallel_loop3A_625 = arith.constant 16 : index
          %parallel_loop3A_626 = tpu.vector_load %arg18[%parallel_loop3A_624, %parallel_loop3A_625] {strides = array<i32>} : memref<125x64xf32, #tpu.memory_space<vmem>>, vector<16xf32>,
          %parallel_loop3A_627 = arith.index_cast %parallel_loop3A_606 : i32 to index
          %parallel_loop3A_628 = arith.constant 16 : index
          %parallel_loop3A_629 = tpu.vector_load %arg16[%parallel_loop3A_627, %parallel_loop3A_628] {strides = array<i32>} : memref<125x64xf32, #tpu.memory_space<vmem>>, vector<16xf32>,
          %parallel_loop3A_630 = arith.addf %parallel_loop3A_626, %parallel_loop3A_629 : vector<16xf32>
          %parallel_loop3A_631 = arith.index_cast %parallel_loop3A_606 : i32 to index
          %parallel_loop3A_632 = arith.constant 16 : index
          %parallel_loop3A_633 = tpu.vector_load %arg17[%parallel_loop3A_631, %parallel_loop3A_632] {strides = array<i32>} : memref<125x64xf32, #tpu.memory_space<vmem>>, vector<16xf32>,
          %parallel_loop3A_634 = arith.addf %parallel_loop3A_630, %parallel_loop3A_633 : vector<16xf32>
          %parallel_loop3A_635 = arith.constant 2.500000e-01 : f32
          %parallel_loop3A_636 = vector.broadcast %parallel_loop3A_635 : f32 to vector<16xf32>
          %parallel_loop3A_637 = arith.mulf %parallel_loop3A_634, %parallel_loop3A_636 : vector<16xf32>
          %parallel_loop3A_638 = arith.index_cast %parallel_loop3A_606 : i32 to index
          %parallel_loop3A_639 = arith.constant 16 : index
          %parallel_loop3A_640 = tpu.vector_load %arg16[%parallel_loop3A_638, %parallel_loop3A_639] {strides = array<i32>} : memref<125x64xf32, #tpu.memory_space<vmem>>, vector<16xf32>,
          tpu.vector_store %arg16[%parallel_loop3A_638, %parallel_loop3A_639], %parallel_loop3A_637 {strides = array<i32>} : memref<125x64xf32, #tpu.memory_space<vmem>>, vector<16xf32>,
          %parallel_loop3A_641 = arith.index_cast %parallel_loop3A_606 : i32 to index
          %parallel_loop3A_642 = arith.constant 32 : index
          %parallel_loop3A_643 = tpu.vector_load %arg18[%parallel_loop3A_641, %parallel_loop3A_642] {strides = array<i32>} : memref<125x64xf32, #tpu.memory_space<vmem>>, vector<16xf32>,
          %parallel_loop3A_644 = arith.index_cast %parallel_loop3A_606 : i32 to index
          %parallel_loop3A_645 = arith.constant 32 : index
          %parallel_loop3A_646 = tpu.vector_load %arg16[%parallel_loop3A_644, %parallel_loop3A_645] {strides = array<i32>} : memref<125x64xf32, #tpu.memory_space<vmem>>, vector<16xf32>,
          %parallel_loop3A_647 = arith.addf %parallel_loop3A_643, %parallel_loop3A_646 : vector<16xf32>
          %parallel_loop3A_648 = arith.index_cast %parallel_loop3A_606 : i32 to index
          %parallel_loop3A_649 = arith.constant 32 : index
          %parallel_loop3A_650 = tpu.vector_load %arg17[%parallel_loop3A_648, %parallel_loop3A_649] {strides = array<i32>} : memref<125x64xf32, #tpu.memory_space<vmem>>, vector<16xf32>,
          %parallel_loop3A_651 = arith.addf %parallel_loop3A_647, %parallel_loop3A_650 : vector<16xf32>
          %parallel_loop3A_652 = arith.constant 2.500000e-01 : f32
          %parallel_loop3A_653 = vector.broadcast %parallel_loop3A_652 : f32 to vector<16xf32>
          %parallel_loop3A_654 = arith.mulf %parallel_loop3A_651, %parallel_loop3A_653 : vector<16xf32>
          %parallel_loop3A_655 = arith.index_cast %parallel_loop3A_606 : i32 to index
          %parallel_loop3A_656 = arith.constant 32 : index
          %parallel_loop3A_657 = tpu.vector_load %arg16[%parallel_loop3A_655, %parallel_loop3A_656] {strides = array<i32>} : memref<125x64xf32, #tpu.memory_space<vmem>>, vector<16xf32>,
          tpu.vector_store %arg16[%parallel_loop3A_655, %parallel_loop3A_656], %parallel_loop3A_654 {strides = array<i32>} : memref<125x64xf32, #tpu.memory_space<vmem>>, vector<16xf32>,
          %parallel_loop3A_658 = arith.index_cast %parallel_loop3A_606 : i32 to index
          %parallel_loop3A_659 = arith.constant 48 : index
          %parallel_loop3A_660 = tpu.vector_load %arg18[%parallel_loop3A_658, %parallel_loop3A_659] {strides = array<i32>} : memref<125x64xf32, #tpu.memory_space<vmem>>, vector<16xf32>,
          %parallel_loop3A_661 = arith.index_cast %parallel_loop3A_606 : i32 to index
          %parallel_loop3A_662 = arith.constant 48 : index
          %parallel_loop3A_663 = tpu.vector_load %arg16[%parallel_loop3A_661, %parallel_loop3A_662] {strides = array<i32>} : memref<125x64xf32, #tpu.memory_space<vmem>>, vector<16xf32>,
          %parallel_loop3A_664 = arith.addf %parallel_loop3A_660, %parallel_loop3A_663 : vector<16xf32>
          %parallel_loop3A_665 = arith.index_cast %parallel_loop3A_606 : i32 to index
          %parallel_loop3A_666 = arith.constant 48 : index
          %parallel_loop3A_667 = tpu.vector_load %arg17[%parallel_loop3A_665, %parallel_loop3A_666] {strides = array<i32>} : memref<125x64xf32, #tpu.memory_space<vmem>>, vector<16xf32>,
          %parallel_loop3A_668 = arith.addf %parallel_loop3A_664, %parallel_loop3A_667 : vector<16xf32>
          %parallel_loop3A_669 = arith.constant 2.500000e-01 : f32
          %parallel_loop3A_670 = vector.broadcast %parallel_loop3A_669 : f32 to vector<16xf32>
          %parallel_loop3A_671 = arith.mulf %parallel_loop3A_668, %parallel_loop3A_670 : vector<16xf32>
          %parallel_loop3A_672 = arith.index_cast %parallel_loop3A_606 : i32 to index
          %parallel_loop3A_673 = arith.constant 48 : index
          %parallel_loop3A_674 = tpu.vector_load %arg16[%parallel_loop3A_672, %parallel_loop3A_673] {strides = array<i32>} : memref<125x64xf32, #tpu.memory_space<vmem>>, vector<16xf32>,
          tpu.vector_store %arg16[%parallel_loop3A_672, %parallel_loop3A_673], %parallel_loop3A_671 {strides = array<i32>} : memref<125x64xf32, #tpu.memory_space<vmem>>, vector<16xf32>,
        } {sc.loop_unroll_factor = 2 : i64, sc.parallel_access}
        %dma_start3A_590 = arith.constant 0 : i32
        %dma_start3A_591 = arith.constant 0 : i32
        %dma_start3A_592 = tpu.memref_slice %arg7[%add3A_418, %dma_start3A_591] : memref<10000x64xf32, #tpu.memory_space<vmem_shared>> -> memref<125x64xf32, #tpu.memory_space<vmem_shared>>
        %dma_start3A_593 = tpu.memref_slice %arg22[%dma_start3A_590] : memref<3x!tpu.dma_semaphore, #tpu.memory_space<semaphore_mem>> -> memref<1x!tpu.dma_semaphore, #tpu.memory_space<semaphore_mem>>
        %dma_start3A_594 = tpu.memref_squeeze %dma_start3A_593 : memref<1x!tpu.dma_semaphore, #tpu.memory_space<semaphore_mem>> -> memref<!tpu.dma_semaphore, #tpu.memory_space<semaphore_mem>>
        %dma_start3A_595 = arith.constant 0 : i32
        %dma_start3A_596 = tpu.memref_slice %arg7[%add3A_418, %dma_start3A_595] : memref<10000x64xf32, #tpu.memory_space<vmem_shared>> -> memref<125x64xf32, #tpu.memory_space<vmem_shared>>
        tpu.enqueue_dma source(%arg16 : memref<125x64xf32, #tpu.memory_space<vmem>>) target(%dma_start3A_596 : memref<125x64xf32, #tpu.memory_space<vmem_shared>>) target_semaphore(%dma_start3A_594 : memref<!tpu.dma_semaphore, #tpu.memory_space<semaphore_mem>>)
        %dma_start3A_597 = arith.constant 1 : i32
        %dma_start3A_598 = arith.constant 0 : i32
        %dma_start3A_599 = tpu.memref_slice %arg6[%arg0, %add3A_418, %dma_start3A_598] : memref<2x10000x64xf32, #tpu.memory_space<hbm>> -> memref<1x125x64xf32, #tpu.memory_space<hbm>>
        %dma_start3A_600 = tpu.memref_squeeze %dma_start3A_599 : memref<1x125x64xf32, #tpu.memory_space<hbm>> -> memref<125x64xf32, #tpu.memory_space<hbm>>
        %dma_start3A_601 = tpu.memref_slice %arg22[%dma_start3A_597] : memref<3x!tpu.dma_semaphore, #tpu.memory_space<semaphore_mem>> -> memref<1x!tpu.dma_semaphore, #tpu.memory_space<semaphore_mem>>
        %dma_start3A_602 = tpu.memref_squeeze %dma_start3A_601 : memref<1x!tpu.dma_semaphore, #tpu.memory_space<semaphore_mem>> -> memref<!tpu.dma_semaphore, #tpu.memory_space<semaphore_mem>>
        %dma_start3A_603 = arith.constant 0 : i32
        %dma_start3A_604 = tpu.memref_slice %arg6[%arg0, %add3A_418, %dma_start3A_603] : memref<2x10000x64xf32, #tpu.memory_space<hbm>> -> memref<1x125x64xf32, #tpu.memory_space<hbm>>
        %dma_start3A_605 = tpu.memref_squeeze %dma_start3A_604 : memref<1x125x64xf32, #tpu.memory_space<hbm>> -> memref<125x64xf32, #tpu.memory_space<hbm>>
        tpu.enqueue_dma source(%arg16 : memref<125x64xf32, #tpu.memory_space<vmem>>) target(%dma_start3A_605 : memref<125x64xf32, #tpu.memory_space<hbm>>) target_semaphore(%dma_start3A_602 : memref<!tpu.dma_semaphore, #tpu.memory_space<semaphore_mem>>)
      } else {
      }
      %mul3A_491 = arith.constant 625 : i32
      %mul3A_492 = arith.muli %arg1, %mul3A_491 : i32
      %add3A_493 = arith.constant 500 : i32
      %add3A_494 = arith.addi %mul3A_492, %add3A_493 : i32
      %mul3A_495 = arith.constant 625 : i32
      %mul3A_496 = arith.muli %arg1, %mul3A_495 : i32
      %add3A_497 = arith.constant 375 : i32
      %add3A_498 = arith.addi %mul3A_496, %add3A_497 : i32
      %dma_wait3A_499 = arith.constant 0 : i32
      %dma_wait3A_500 = arith.constant 0 : i32
      %dma_wait3A_501 = tpu.memref_slice %arg7[%add3A_498, %dma_wait3A_500] : memref<10000x64xf32, #tpu.memory_space<vmem_shared>> -> memref<125x64xf32, #tpu.memory_space<vmem_shared>>
      %dma_wait3A_502 = tpu.memref_slice %arg22[%dma_wait3A_499] : memref<3x!tpu.dma_semaphore, #tpu.memory_space<semaphore_mem>> -> memref<1x!tpu.dma_semaphore, #tpu.memory_space<semaphore_mem>>
      %dma_wait3A_503 = tpu.memref_squeeze %dma_wait3A_502 : memref<1x!tpu.dma_semaphore, #tpu.memory_space<semaphore_mem>> -> memref<!tpu.dma_semaphore, #tpu.memory_space<semaphore_mem>>
      %dma_wait3A_504 = arith.constant 0 : i32
      %dma_wait3A_505 = tpu.memref_slice %arg7[%add3A_498, %dma_wait3A_504] : memref<10000x64xf32, #tpu.memory_space<vmem_shared>> -> memref<125x64xf32, #tpu.memory_space<vmem_shared>>
      tpu.wait_dma2 semaphore(%dma_wait3A_503 : memref<!tpu.dma_semaphore, #tpu.memory_space<semaphore_mem>>) src(%arg16 : memref<125x64xf32, #tpu.memory_space<vmem>>) dst(%dma_wait3A_505 : memref<125x64xf32, #tpu.memory_space<vmem_shared>>)
      %dma_wait3A_506 = arith.constant 1 : i32
      %dma_wait3A_507 = arith.constant 0 : i32
      %dma_wait3A_508 = tpu.memref_slice %arg8[%add3A_498, %dma_wait3A_507] : memref<10000x64xf32, #tpu.memory_space<vmem_shared>> -> memref<125x64xf32, #tpu.memory_space<vmem_shared>>
      %dma_wait3A_509 = tpu.memref_slice %arg22[%dma_wait3A_506] : memref<3x!tpu.dma_semaphore, #tpu.memory_space<semaphore_mem>> -> memref<1x!tpu.dma_semaphore, #tpu.memory_space<semaphore_mem>>
      %dma_wait3A_510 = tpu.memref_squeeze %dma_wait3A_509 : memref<1x!tpu.dma_semaphore, #tpu.memory_space<semaphore_mem>> -> memref<!tpu.dma_semaphore, #tpu.memory_space<semaphore_mem>>
      %dma_wait3A_511 = arith.constant 0 : i32
      %dma_wait3A_512 = tpu.memref_slice %arg8[%add3A_498, %dma_wait3A_511] : memref<10000x64xf32, #tpu.memory_space<vmem_shared>> -> memref<125x64xf32, #tpu.memory_space<vmem_shared>>
      tpu.wait_dma2 semaphore(%dma_wait3A_510 : memref<!tpu.dma_semaphore, #tpu.memory_space<semaphore_mem>>) src(%arg17 : memref<125x64xf32, #tpu.memory_space<vmem>>) dst(%dma_wait3A_512 : memref<125x64xf32, #tpu.memory_space<vmem_shared>>)
      %dma_start3A_513 = arith.constant 0 : i32
      %dma_start3A_514 = arith.constant 0 : i32
      %dma_start3A_515 = tpu.memref_slice %arg2[%arg0, %add3A_494, %dma_start3A_514] : memref<2x10000x64xf32, #tpu.memory_space<hbm>> -> memref<1x125x64xf32, #tpu.memory_space<hbm>>
      %dma_start3A_516 = tpu.memref_squeeze %dma_start3A_515 : memref<1x125x64xf32, #tpu.memory_space<hbm>> -> memref<125x64xf32, #tpu.memory_space<hbm>>
      %dma_start3A_517 = tpu.memref_slice %arg22[%dma_start3A_513] : memref<3x!tpu.dma_semaphore, #tpu.memory_space<semaphore_mem>> -> memref<1x!tpu.dma_semaphore, #tpu.memory_space<semaphore_mem>>
      %dma_start3A_518 = tpu.memref_squeeze %dma_start3A_517 : memref<1x!tpu.dma_semaphore, #tpu.memory_space<semaphore_mem>> -> memref<!tpu.dma_semaphore, #tpu.memory_space<semaphore_mem>>
      %dma_start3A_519 = arith.constant 0 : i32
      %dma_start3A_520 = tpu.memref_slice %arg2[%arg0, %add3A_494, %dma_start3A_519] : memref<2x10000x64xf32, #tpu.memory_space<hbm>> -> memref<1x125x64xf32, #tpu.memory_space<hbm>>
      %dma_start3A_521 = tpu.memref_squeeze %dma_start3A_520 : memref<1x125x64xf32, #tpu.memory_space<hbm>> -> memref<125x64xf32, #tpu.memory_space<hbm>>
      tpu.enqueue_dma source(%dma_start3A_521 : memref<125x64xf32, #tpu.memory_space<hbm>>) target(%arg18 : memref<125x64xf32, #tpu.memory_space<vmem>>) target_semaphore(%dma_start3A_518 : memref<!tpu.dma_semaphore, #tpu.memory_space<semaphore_mem>>)
      %dma_start3A_522 = arith.constant 1 : i32
      %dma_start3A_523 = arith.constant 0 : i32
      %dma_start3A_524 = tpu.memref_slice %arg7[%add3A_494, %dma_start3A_523] : memref<10000x64xf32, #tpu.memory_space<vmem_shared>> -> memref<125x64xf32, #tpu.memory_space<vmem_shared>>
      %dma_start3A_525 = tpu.memref_slice %arg22[%dma_start3A_522] : memref<3x!tpu.dma_semaphore, #tpu.memory_space<semaphore_mem>> -> memref<1x!tpu.dma_semaphore, #tpu.memory_space<semaphore_mem>>
      %dma_start3A_526 = tpu.memref_squeeze %dma_start3A_525 : memref<1x!tpu.dma_semaphore, #tpu.memory_space<semaphore_mem>> -> memref<!tpu.dma_semaphore, #tpu.memory_space<semaphore_mem>>
      %dma_start3A_527 = arith.constant 0 : i32
      %dma_start3A_528 = tpu.memref_slice %arg7[%add3A_494, %dma_start3A_527] : memref<10000x64xf32, #tpu.memory_space<vmem_shared>> -> memref<125x64xf32, #tpu.memory_space<vmem_shared>>
      tpu.enqueue_dma source(%dma_start3A_528 : memref<125x64xf32, #tpu.memory_space<vmem_shared>>) target(%arg16 : memref<125x64xf32, #tpu.memory_space<vmem>>) target_semaphore(%dma_start3A_526 : memref<!tpu.dma_semaphore, #tpu.memory_space<semaphore_mem>>)
      %dma_start3A_529 = arith.constant 2 : i32
      %dma_start3A_530 = arith.constant 0 : i32
      %dma_start3A_531 = tpu.memref_slice %arg8[%add3A_494, %dma_start3A_530] : memref<10000x64xf32, #tpu.memory_space<vmem_shared>> -> memref<125x64xf32, #tpu.memory_space<vmem_shared>>
      %dma_start3A_532 = tpu.memref_slice %arg22[%dma_start3A_529] : memref<3x!tpu.dma_semaphore, #tpu.memory_space<semaphore_mem>> -> memref<1x!tpu.dma_semaphore, #tpu.memory_space<semaphore_mem>>
      %dma_start3A_533 = tpu.memref_squeeze %dma_start3A_532 : memref<1x!tpu.dma_semaphore, #tpu.memory_space<semaphore_mem>> -> memref<!tpu.dma_semaphore, #tpu.memory_space<semaphore_mem>>
      %dma_start3A_534 = arith.constant 0 : i32
      %dma_start3A_535 = tpu.memref_slice %arg8[%add3A_494, %dma_start3A_534] : memref<10000x64xf32, #tpu.memory_space<vmem_shared>> -> memref<125x64xf32, #tpu.memory_space<vmem_shared>>
      tpu.enqueue_dma source(%dma_start3A_535 : memref<125x64xf32, #tpu.memory_space<vmem_shared>>) target(%arg17 : memref<125x64xf32, #tpu.memory_space<vmem>>) target_semaphore(%dma_start3A_533 : memref<!tpu.dma_semaphore, #tpu.memory_space<semaphore_mem>>)
      %dma_wait3A_536 = arith.constant 0 : i32
      %dma_wait3A_537 = arith.constant 0 : i32
      %dma_wait3A_538 = tpu.memref_slice %arg2[%arg0, %add3A_494, %dma_wait3A_537] : memref<2x10000x64xf32, #tpu.memory_space<hbm>> -> memref<1x125x64xf32, #tpu.memory_space<hbm>>
      %dma_wait3A_539 = tpu.memref_squeeze %dma_wait3A_538 : memref<1x125x64xf32, #tpu.memory_space<hbm>> -> memref<125x64xf32, #tpu.memory_space<hbm>>
      %dma_wait3A_540 = tpu.memref_slice %arg22[%dma_wait3A_536] : memref<3x!tpu.dma_semaphore, #tpu.memory_space<semaphore_mem>> -> memref<1x!tpu.dma_semaphore, #tpu.memory_space<semaphore_mem>>
      %dma_wait3A_541 = tpu.memref_squeeze %dma_wait3A_540 : memref<1x!tpu.dma_semaphore, #tpu.memory_space<semaphore_mem>> -> memref<!tpu.dma_semaphore, #tpu.memory_space<semaphore_mem>>
      %dma_wait3A_542 = arith.constant 0 : i32
      %dma_wait3A_543 = tpu.memref_slice %arg2[%arg0, %add3A_494, %dma_wait3A_542] : memref<2x10000x64xf32, #tpu.memory_space<hbm>> -> memref<1x125x64xf32, #tpu.memory_space<hbm>>
      %dma_wait3A_544 = tpu.memref_squeeze %dma_wait3A_543 : memref<1x125x64xf32, #tpu.memory_space<hbm>> -> memref<125x64xf32, #tpu.memory_space<hbm>>
      tpu.wait_dma2 semaphore(%dma_wait3A_541 : memref<!tpu.dma_semaphore, #tpu.memory_space<semaphore_mem>>) src(%dma_wait3A_544 : memref<125x64xf32, #tpu.memory_space<hbm>>) dst(%arg18 : memref<125x64xf32, #tpu.memory_space<vmem>>)
      %dma_wait3A_545 = arith.constant 1 : i32
      %dma_wait3A_546 = arith.constant 0 : i32
      %dma_wait3A_547 = tpu.memref_slice %arg7[%add3A_494, %dma_wait3A_546] : memref<10000x64xf32, #tpu.memory_space<vmem_shared>> -> memref<125x64xf32, #tpu.memory_space<vmem_shared>>
      %dma_wait3A_548 = tpu.memref_slice %arg22[%dma_wait3A_545] : memref<3x!tpu.dma_semaphore, #tpu.memory_space<semaphore_mem>> -> memref<1x!tpu.dma_semaphore, #tpu.memory_space<semaphore_mem>>
      %dma_wait3A_549 = tpu.memref_squeeze %dma_wait3A_548 : memref<1x!tpu.dma_semaphore, #tpu.memory_space<semaphore_mem>> -> memref<!tpu.dma_semaphore, #tpu.memory_space<semaphore_mem>>
      %dma_wait3A_550 = arith.constant 0 : i32
      %dma_wait3A_551 = tpu.memref_slice %arg7[%add3A_494, %dma_wait3A_550] : memref<10000x64xf32, #tpu.memory_space<vmem_shared>> -> memref<125x64xf32, #tpu.memory_space<vmem_shared>>
      tpu.wait_dma2 semaphore(%dma_wait3A_549 : memref<!tpu.dma_semaphore, #tpu.memory_space<semaphore_mem>>) src(%dma_wait3A_551 : memref<125x64xf32, #tpu.memory_space<vmem_shared>>) dst(%arg16 : memref<125x64xf32, #tpu.memory_space<vmem>>)
      %dma_wait3A_552 = arith.constant 2 : i32
      %dma_wait3A_553 = arith.constant 0 : i32
      %dma_wait3A_554 = tpu.memref_slice %arg8[%add3A_494, %dma_wait3A_553] : memref<10000x64xf32, #tpu.memory_space<vmem_shared>> -> memref<125x64xf32, #tpu.memory_space<vmem_shared>>
      %dma_wait3A_555 = tpu.memref_slice %arg22[%dma_wait3A_552] : memref<3x!tpu.dma_semaphore, #tpu.memory_space<semaphore_mem>> -> memref<1x!tpu.dma_semaphore, #tpu.memory_space<semaphore_mem>>
      %dma_wait3A_556 = tpu.memref_squeeze %dma_wait3A_555 : memref<1x!tpu.dma_semaphore, #tpu.memory_space<semaphore_mem>> -> memref<!tpu.dma_semaphore, #tpu.memory_space<semaphore_mem>>
      %dma_wait3A_557 = arith.constant 0 : i32
      %dma_wait3A_558 = tpu.memref_slice %arg8[%add3A_494, %dma_wait3A_557] : memref<10000x64xf32, #tpu.memory_space<vmem_shared>> -> memref<125x64xf32, #tpu.memory_space<vmem_shared>>
      tpu.wait_dma2 semaphore(%dma_wait3A_556 : memref<!tpu.dma_semaphore, #tpu.memory_space<semaphore_mem>>) src(%dma_wait3A_558 : memref<125x64xf32, #tpu.memory_space<vmem_shared>>) dst(%arg17 : memref<125x64xf32, #tpu.memory_space<vmem>>)
      %not3A_559 = arith.constant true
      %not3A_560 = arith.xori %eq3A_207, %not3A_559 : i1
      %convert_element_type3A_561 = arith.extui %not3A_560 : i1 to i32
      %cond3A_562 = arith.constant 0 : i32
      %cond3A_563 = arith.cmpi ne, %convert_element_type3A_561, %cond3A_562 : i32
      scf.if %cond3A_563 {
        %parallel_loop3A_587 = arith.constant 0 : i32
        %parallel_loop3A_588 = arith.constant 125 : i32
        %parallel_loop3A_589 = arith.constant 1 : i32
        scf.for %parallel_loop3A_604 = %parallel_loop3A_587 to %parallel_loop3A_588 step %parallel_loop3A_589  : i32 {
          %parallel_loop3A_605 = arith.index_cast %parallel_loop3A_604 : i32 to index
          %parallel_loop3A_606 = arith.constant 0 : index
          %parallel_loop3A_607 = tpu.vector_load %arg18[%parallel_loop3A_605, %parallel_loop3A_606] {strides = array<i32>} : memref<125x64xf32, #tpu.memory_space<vmem>>, vector<16xf32>,
          %parallel_loop3A_608 = arith.index_cast %parallel_loop3A_604 : i32 to index
          %parallel_loop3A_609 = arith.constant 0 : index
          %parallel_loop3A_610 = tpu.vector_load %arg16[%parallel_loop3A_608, %parallel_loop3A_609] {strides = array<i32>} : memref<125x64xf32, #tpu.memory_space<vmem>>, vector<16xf32>,
          %parallel_loop3A_611 = arith.addf %parallel_loop3A_607, %parallel_loop3A_610 : vector<16xf32>
          %parallel_loop3A_612 = arith.index_cast %parallel_loop3A_604 : i32 to index
          %parallel_loop3A_613 = arith.constant 0 : index
          %parallel_loop3A_614 = tpu.vector_load %arg17[%parallel_loop3A_612, %parallel_loop3A_613] {strides = array<i32>} : memref<125x64xf32, #tpu.memory_space<vmem>>, vector<16xf32>,
          %parallel_loop3A_615 = arith.addf %parallel_loop3A_611, %parallel_loop3A_614 : vector<16xf32>
          %parallel_loop3A_616 = arith.index_cast %parallel_loop3A_604 : i32 to index
          %parallel_loop3A_617 = arith.constant 0 : index
          %parallel_loop3A_618 = tpu.vector_load %arg16[%parallel_loop3A_616, %parallel_loop3A_617] {strides = array<i32>} : memref<125x64xf32, #tpu.memory_space<vmem>>, vector<16xf32>,
          tpu.vector_store %arg16[%parallel_loop3A_616, %parallel_loop3A_617], %parallel_loop3A_615 {strides = array<i32>} : memref<125x64xf32, #tpu.memory_space<vmem>>, vector<16xf32>,
          %parallel_loop3A_619 = arith.constant 0.000000e+00 : f32
          %parallel_loop3A_620 = vector.broadcast %parallel_loop3A_619 : f32 to vector<16xf32>
          %parallel_loop3A_621 = arith.index_cast %parallel_loop3A_604 : i32 to index
          %parallel_loop3A_622 = arith.constant 0 : index
          %parallel_loop3A_623 = tpu.vector_load %arg17[%parallel_loop3A_621, %parallel_loop3A_622] {strides = array<i32>} : memref<125x64xf32, #tpu.memory_space<vmem>>, vector<16xf32>,
          tpu.vector_store %arg17[%parallel_loop3A_621, %parallel_loop3A_622], %parallel_loop3A_620 {strides = array<i32>} : memref<125x64xf32, #tpu.memory_space<vmem>>, vector<16xf32>,
          %parallel_loop3A_624 = arith.index_cast %parallel_loop3A_604 : i32 to index
          %parallel_loop3A_625 = arith.constant 16 : index
          %parallel_loop3A_626 = tpu.vector_load %arg18[%parallel_loop3A_624, %parallel_loop3A_625] {strides = array<i32>} : memref<125x64xf32, #tpu.memory_space<vmem>>, vector<16xf32>,
          %parallel_loop3A_627 = arith.index_cast %parallel_loop3A_604 : i32 to index
          %parallel_loop3A_628 = arith.constant 16 : index
          %parallel_loop3A_629 = tpu.vector_load %arg16[%parallel_loop3A_627, %parallel_loop3A_628] {strides = array<i32>} : memref<125x64xf32, #tpu.memory_space<vmem>>, vector<16xf32>,
          %parallel_loop3A_630 = arith.addf %parallel_loop3A_626, %parallel_loop3A_629 : vector<16xf32>
          %parallel_loop3A_631 = arith.index_cast %parallel_loop3A_604 : i32 to index
          %parallel_loop3A_632 = arith.constant 16 : index
          %parallel_loop3A_633 = tpu.vector_load %arg17[%parallel_loop3A_631, %parallel_loop3A_632] {strides = array<i32>} : memref<125x64xf32, #tpu.memory_space<vmem>>, vector<16xf32>,
          %parallel_loop3A_634 = arith.addf %parallel_loop3A_630, %parallel_loop3A_633 : vector<16xf32>
          %parallel_loop3A_635 = arith.index_cast %parallel_loop3A_604 : i32 to index
          %parallel_loop3A_636 = arith.constant 16 : index
          %parallel_loop3A_637 = tpu.vector_load %arg16[%parallel_loop3A_635, %parallel_loop3A_636] {strides = array<i32>} : memref<125x64xf32, #tpu.memory_space<vmem>>, vector<16xf32>,
          tpu.vector_store %arg16[%parallel_loop3A_635, %parallel_loop3A_636], %parallel_loop3A_634 {strides = array<i32>} : memref<125x64xf32, #tpu.memory_space<vmem>>, vector<16xf32>,
          %parallel_loop3A_638 = arith.constant 0.000000e+00 : f32
          %parallel_loop3A_639 = vector.broadcast %parallel_loop3A_638 : f32 to vector<16xf32>
          %parallel_loop3A_640 = arith.index_cast %parallel_loop3A_604 : i32 to index
          %parallel_loop3A_641 = arith.constant 16 : index
          %parallel_loop3A_642 = tpu.vector_load %arg17[%parallel_loop3A_640, %parallel_loop3A_641] {strides = array<i32>} : memref<125x64xf32, #tpu.memory_space<vmem>>, vector<16xf32>,
          tpu.vector_store %arg17[%parallel_loop3A_640, %parallel_loop3A_641], %parallel_loop3A_639 {strides = array<i32>} : memref<125x64xf32, #tpu.memory_space<vmem>>, vector<16xf32>,
          %parallel_loop3A_643 = arith.index_cast %parallel_loop3A_604 : i32 to index
          %parallel_loop3A_644 = arith.constant 32 : index
          %parallel_loop3A_645 = tpu.vector_load %arg18[%parallel_loop3A_643, %parallel_loop3A_644] {strides = array<i32>} : memref<125x64xf32, #tpu.memory_space<vmem>>, vector<16xf32>,
          %parallel_loop3A_646 = arith.index_cast %parallel_loop3A_604 : i32 to index
          %parallel_loop3A_647 = arith.constant 32 : index
          %parallel_loop3A_648 = tpu.vector_load %arg16[%parallel_loop3A_646, %parallel_loop3A_647] {strides = array<i32>} : memref<125x64xf32, #tpu.memory_space<vmem>>, vector<16xf32>,
          %parallel_loop3A_649 = arith.addf %parallel_loop3A_645, %parallel_loop3A_648 : vector<16xf32>
          %parallel_loop3A_650 = arith.index_cast %parallel_loop3A_604 : i32 to index
          %parallel_loop3A_651 = arith.constant 32 : index
          %parallel_loop3A_652 = tpu.vector_load %arg17[%parallel_loop3A_650, %parallel_loop3A_651] {strides = array<i32>} : memref<125x64xf32, #tpu.memory_space<vmem>>, vector<16xf32>,
          %parallel_loop3A_653 = arith.addf %parallel_loop3A_649, %parallel_loop3A_652 : vector<16xf32>
          %parallel_loop3A_654 = arith.index_cast %parallel_loop3A_604 : i32 to index
          %parallel_loop3A_655 = arith.constant 32 : index
          %parallel_loop3A_656 = tpu.vector_load %arg16[%parallel_loop3A_654, %parallel_loop3A_655] {strides = array<i32>} : memref<125x64xf32, #tpu.memory_space<vmem>>, vector<16xf32>,
          tpu.vector_store %arg16[%parallel_loop3A_654, %parallel_loop3A_655], %parallel_loop3A_653 {strides = array<i32>} : memref<125x64xf32, #tpu.memory_space<vmem>>, vector<16xf32>,
          %parallel_loop3A_657 = arith.constant 0.000000e+00 : f32
          %parallel_loop3A_658 = vector.broadcast %parallel_loop3A_657 : f32 to vector<16xf32>
          %parallel_loop3A_659 = arith.index_cast %parallel_loop3A_604 : i32 to index
          %parallel_loop3A_660 = arith.constant 32 : index
          %parallel_loop3A_661 = tpu.vector_load %arg17[%parallel_loop3A_659, %parallel_loop3A_660] {strides = array<i32>} : memref<125x64xf32, #tpu.memory_space<vmem>>, vector<16xf32>,
          tpu.vector_store %arg17[%parallel_loop3A_659, %parallel_loop3A_660], %parallel_loop3A_658 {strides = array<i32>} : memref<125x64xf32, #tpu.memory_space<vmem>>, vector<16xf32>,
          %parallel_loop3A_662 = arith.index_cast %parallel_loop3A_604 : i32 to index
          %parallel_loop3A_663 = arith.constant 48 : index
          %parallel_loop3A_664 = tpu.vector_load %arg18[%parallel_loop3A_662, %parallel_loop3A_663] {strides = array<i32>} : memref<125x64xf32, #tpu.memory_space<vmem>>, vector<16xf32>,
          %parallel_loop3A_665 = arith.index_cast %parallel_loop3A_604 : i32 to index
          %parallel_loop3A_666 = arith.constant 48 : index
          %parallel_loop3A_667 = tpu.vector_load %arg16[%parallel_loop3A_665, %parallel_loop3A_666] {strides = array<i32>} : memref<125x64xf32, #tpu.memory_space<vmem>>, vector<16xf32>,
          %parallel_loop3A_668 = arith.addf %parallel_loop3A_664, %parallel_loop3A_667 : vector<16xf32>
          %parallel_loop3A_669 = arith.index_cast %parallel_loop3A_604 : i32 to index
          %parallel_loop3A_670 = arith.constant 48 : index
          %parallel_loop3A_671 = tpu.vector_load %arg17[%parallel_loop3A_669, %parallel_loop3A_670] {strides = array<i32>} : memref<125x64xf32, #tpu.memory_space<vmem>>, vector<16xf32>,
          %parallel_loop3A_672 = arith.addf %parallel_loop3A_668, %parallel_loop3A_671 : vector<16xf32>
          %parallel_loop3A_673 = arith.index_cast %parallel_loop3A_604 : i32 to index
          %parallel_loop3A_674 = arith.constant 48 : index
          %parallel_loop3A_675 = tpu.vector_load %arg16[%parallel_loop3A_673, %parallel_loop3A_674] {strides = array<i32>} : memref<125x64xf32, #tpu.memory_space<vmem>>, vector<16xf32>,
          tpu.vector_store %arg16[%parallel_loop3A_673, %parallel_loop3A_674], %parallel_loop3A_672 {strides = array<i32>} : memref<125x64xf32, #tpu.memory_space<vmem>>, vector<16xf32>,
          %parallel_loop3A_676 = arith.constant 0.000000e+00 : f32
          %parallel_loop3A_677 = vector.broadcast %parallel_loop3A_676 : f32 to vector<16xf32>
          %parallel_loop3A_678 = arith.index_cast %parallel_loop3A_604 : i32 to index
          %parallel_loop3A_679 = arith.constant 48 : index
          %parallel_loop3A_680 = tpu.vector_load %arg17[%parallel_loop3A_678, %parallel_loop3A_679] {strides = array<i32>} : memref<125x64xf32, #tpu.memory_space<vmem>>, vector<16xf32>,
          tpu.vector_store %arg17[%parallel_loop3A_678, %parallel_loop3A_679], %parallel_loop3A_677 {strides = array<i32>} : memref<125x64xf32, #tpu.memory_space<vmem>>, vector<16xf32>,
        } {sc.loop_unroll_factor = 2 : i64, sc.parallel_access}
        %dma_start3A_590 = arith.constant 0 : i32
        %dma_start3A_591 = arith.constant 0 : i32
        %dma_start3A_592 = tpu.memref_slice %arg7[%add3A_494, %dma_start3A_591] : memref<10000x64xf32, #tpu.memory_space<vmem_shared>> -> memref<125x64xf32, #tpu.memory_space<vmem_shared>>
        %dma_start3A_593 = tpu.memref_slice %arg22[%dma_start3A_590] : memref<3x!tpu.dma_semaphore, #tpu.memory_space<semaphore_mem>> -> memref<1x!tpu.dma_semaphore, #tpu.memory_space<semaphore_mem>>
        %dma_start3A_594 = tpu.memref_squeeze %dma_start3A_593 : memref<1x!tpu.dma_semaphore, #tpu.memory_space<semaphore_mem>> -> memref<!tpu.dma_semaphore, #tpu.memory_space<semaphore_mem>>
        %dma_start3A_595 = arith.constant 0 : i32
        %dma_start3A_596 = tpu.memref_slice %arg7[%add3A_494, %dma_start3A_595] : memref<10000x64xf32, #tpu.memory_space<vmem_shared>> -> memref<125x64xf32, #tpu.memory_space<vmem_shared>>
        tpu.enqueue_dma source(%arg16 : memref<125x64xf32, #tpu.memory_space<vmem>>) target(%dma_start3A_596 : memref<125x64xf32, #tpu.memory_space<vmem_shared>>) target_semaphore(%dma_start3A_594 : memref<!tpu.dma_semaphore, #tpu.memory_space<semaphore_mem>>)
        %dma_start3A_597 = arith.constant 1 : i32
        %dma_start3A_598 = arith.constant 0 : i32
        %dma_start3A_599 = tpu.memref_slice %arg8[%add3A_494, %dma_start3A_598] : memref<10000x64xf32, #tpu.memory_space<vmem_shared>> -> memref<125x64xf32, #tpu.memory_space<vmem_shared>>
        %dma_start3A_600 = tpu.memref_slice %arg22[%dma_start3A_597] : memref<3x!tpu.dma_semaphore, #tpu.memory_space<semaphore_mem>> -> memref<1x!tpu.dma_semaphore, #tpu.memory_space<semaphore_mem>>
        %dma_start3A_601 = tpu.memref_squeeze %dma_start3A_600 : memref<1x!tpu.dma_semaphore, #tpu.memory_space<semaphore_mem>> -> memref<!tpu.dma_semaphore, #tpu.memory_space<semaphore_mem>>
        %dma_start3A_602 = arith.constant 0 : i32
        %dma_start3A_603 = tpu.memref_slice %arg8[%add3A_494, %dma_start3A_602] : memref<10000x64xf32, #tpu.memory_space<vmem_shared>> -> memref<125x64xf32, #tpu.memory_space<vmem_shared>>
        tpu.enqueue_dma source(%arg17 : memref<125x64xf32, #tpu.memory_space<vmem>>) target(%dma_start3A_603 : memref<125x64xf32, #tpu.memory_space<vmem_shared>>) target_semaphore(%dma_start3A_601 : memref<!tpu.dma_semaphore, #tpu.memory_space<semaphore_mem>>)
      } else {
      }
      %convert_element_type3A_564 = arith.extui %eq3A_207 : i1 to i32
      %cond3A_565 = arith.constant 0 : i32
      %cond3A_566 = arith.cmpi ne, %convert_element_type3A_564, %cond3A_565 : i32
      scf.if %cond3A_566 {
        %parallel_loop3A_587 = arith.constant 0 : i32
        %parallel_loop3A_588 = arith.constant 125 : i32
        %parallel_loop3A_589 = arith.constant 1 : i32
        scf.for %parallel_loop3A_606 = %parallel_loop3A_587 to %parallel_loop3A_588 step %parallel_loop3A_589  : i32 {
          %parallel_loop3A_607 = arith.index_cast %parallel_loop3A_606 : i32 to index
          %parallel_loop3A_608 = arith.constant 0 : index
          %parallel_loop3A_609 = tpu.vector_load %arg18[%parallel_loop3A_607, %parallel_loop3A_608] {strides = array<i32>} : memref<125x64xf32, #tpu.memory_space<vmem>>, vector<16xf32>,
          %parallel_loop3A_610 = arith.index_cast %parallel_loop3A_606 : i32 to index
          %parallel_loop3A_611 = arith.constant 0 : index
          %parallel_loop3A_612 = tpu.vector_load %arg16[%parallel_loop3A_610, %parallel_loop3A_611] {strides = array<i32>} : memref<125x64xf32, #tpu.memory_space<vmem>>, vector<16xf32>,
          %parallel_loop3A_613 = arith.addf %parallel_loop3A_609, %parallel_loop3A_612 : vector<16xf32>
          %parallel_loop3A_614 = arith.index_cast %parallel_loop3A_606 : i32 to index
          %parallel_loop3A_615 = arith.constant 0 : index
          %parallel_loop3A_616 = tpu.vector_load %arg17[%parallel_loop3A_614, %parallel_loop3A_615] {strides = array<i32>} : memref<125x64xf32, #tpu.memory_space<vmem>>, vector<16xf32>,
          %parallel_loop3A_617 = arith.addf %parallel_loop3A_613, %parallel_loop3A_616 : vector<16xf32>
          %parallel_loop3A_618 = arith.constant 2.500000e-01 : f32
          %parallel_loop3A_619 = vector.broadcast %parallel_loop3A_618 : f32 to vector<16xf32>
          %parallel_loop3A_620 = arith.mulf %parallel_loop3A_617, %parallel_loop3A_619 : vector<16xf32>
          %parallel_loop3A_621 = arith.index_cast %parallel_loop3A_606 : i32 to index
          %parallel_loop3A_622 = arith.constant 0 : index
          %parallel_loop3A_623 = tpu.vector_load %arg16[%parallel_loop3A_621, %parallel_loop3A_622] {strides = array<i32>} : memref<125x64xf32, #tpu.memory_space<vmem>>, vector<16xf32>,
          tpu.vector_store %arg16[%parallel_loop3A_621, %parallel_loop3A_622], %parallel_loop3A_620 {strides = array<i32>} : memref<125x64xf32, #tpu.memory_space<vmem>>, vector<16xf32>,
          %parallel_loop3A_624 = arith.index_cast %parallel_loop3A_606 : i32 to index
          %parallel_loop3A_625 = arith.constant 16 : index
          %parallel_loop3A_626 = tpu.vector_load %arg18[%parallel_loop3A_624, %parallel_loop3A_625] {strides = array<i32>} : memref<125x64xf32, #tpu.memory_space<vmem>>, vector<16xf32>,
          %parallel_loop3A_627 = arith.index_cast %parallel_loop3A_606 : i32 to index
          %parallel_loop3A_628 = arith.constant 16 : index
          %parallel_loop3A_629 = tpu.vector_load %arg16[%parallel_loop3A_627, %parallel_loop3A_628] {strides = array<i32>} : memref<125x64xf32, #tpu.memory_space<vmem>>, vector<16xf32>,
          %parallel_loop3A_630 = arith.addf %parallel_loop3A_626, %parallel_loop3A_629 : vector<16xf32>
          %parallel_loop3A_631 = arith.index_cast %parallel_loop3A_606 : i32 to index
          %parallel_loop3A_632 = arith.constant 16 : index
          %parallel_loop3A_633 = tpu.vector_load %arg17[%parallel_loop3A_631, %parallel_loop3A_632] {strides = array<i32>} : memref<125x64xf32, #tpu.memory_space<vmem>>, vector<16xf32>,
          %parallel_loop3A_634 = arith.addf %parallel_loop3A_630, %parallel_loop3A_633 : vector<16xf32>
          %parallel_loop3A_635 = arith.constant 2.500000e-01 : f32
          %parallel_loop3A_636 = vector.broadcast %parallel_loop3A_635 : f32 to vector<16xf32>
          %parallel_loop3A_637 = arith.mulf %parallel_loop3A_634, %parallel_loop3A_636 : vector<16xf32>
          %parallel_loop3A_638 = arith.index_cast %parallel_loop3A_606 : i32 to index
          %parallel_loop3A_639 = arith.constant 16 : index
          %parallel_loop3A_640 = tpu.vector_load %arg16[%parallel_loop3A_638, %parallel_loop3A_639] {strides = array<i32>} : memref<125x64xf32, #tpu.memory_space<vmem>>, vector<16xf32>,
          tpu.vector_store %arg16[%parallel_loop3A_638, %parallel_loop3A_639], %parallel_loop3A_637 {strides = array<i32>} : memref<125x64xf32, #tpu.memory_space<vmem>>, vector<16xf32>,
          %parallel_loop3A_641 = arith.index_cast %parallel_loop3A_606 : i32 to index
          %parallel_loop3A_642 = arith.constant 32 : index
          %parallel_loop3A_643 = tpu.vector_load %arg18[%parallel_loop3A_641, %parallel_loop3A_642] {strides = array<i32>} : memref<125x64xf32, #tpu.memory_space<vmem>>, vector<16xf32>,
          %parallel_loop3A_644 = arith.index_cast %parallel_loop3A_606 : i32 to index
          %parallel_loop3A_645 = arith.constant 32 : index
          %parallel_loop3A_646 = tpu.vector_load %arg16[%parallel_loop3A_644, %parallel_loop3A_645] {strides = array<i32>} : memref<125x64xf32, #tpu.memory_space<vmem>>, vector<16xf32>,
          %parallel_loop3A_647 = arith.addf %parallel_loop3A_643, %parallel_loop3A_646 : vector<16xf32>
          %parallel_loop3A_648 = arith.index_cast %parallel_loop3A_606 : i32 to index
          %parallel_loop3A_649 = arith.constant 32 : index
          %parallel_loop3A_650 = tpu.vector_load %arg17[%parallel_loop3A_648, %parallel_loop3A_649] {strides = array<i32>} : memref<125x64xf32, #tpu.memory_space<vmem>>, vector<16xf32>,
          %parallel_loop3A_651 = arith.addf %parallel_loop3A_647, %parallel_loop3A_650 : vector<16xf32>
          %parallel_loop3A_652 = arith.constant 2.500000e-01 : f32
          %parallel_loop3A_653 = vector.broadcast %parallel_loop3A_652 : f32 to vector<16xf32>
          %parallel_loop3A_654 = arith.mulf %parallel_loop3A_651, %parallel_loop3A_653 : vector<16xf32>
          %parallel_loop3A_655 = arith.index_cast %parallel_loop3A_606 : i32 to index
          %parallel_loop3A_656 = arith.constant 32 : index
          %parallel_loop3A_657 = tpu.vector_load %arg16[%parallel_loop3A_655, %parallel_loop3A_656] {strides = array<i32>} : memref<125x64xf32, #tpu.memory_space<vmem>>, vector<16xf32>,
          tpu.vector_store %arg16[%parallel_loop3A_655, %parallel_loop3A_656], %parallel_loop3A_654 {strides = array<i32>} : memref<125x64xf32, #tpu.memory_space<vmem>>, vector<16xf32>,
          %parallel_loop3A_658 = arith.index_cast %parallel_loop3A_606 : i32 to index
          %parallel_loop3A_659 = arith.constant 48 : index
          %parallel_loop3A_660 = tpu.vector_load %arg18[%parallel_loop3A_658, %parallel_loop3A_659] {strides = array<i32>} : memref<125x64xf32, #tpu.memory_space<vmem>>, vector<16xf32>,
          %parallel_loop3A_661 = arith.index_cast %parallel_loop3A_606 : i32 to index
          %parallel_loop3A_662 = arith.constant 48 : index
          %parallel_loop3A_663 = tpu.vector_load %arg16[%parallel_loop3A_661, %parallel_loop3A_662] {strides = array<i32>} : memref<125x64xf32, #tpu.memory_space<vmem>>, vector<16xf32>,
          %parallel_loop3A_664 = arith.addf %parallel_loop3A_660, %parallel_loop3A_663 : vector<16xf32>
          %parallel_loop3A_665 = arith.index_cast %parallel_loop3A_606 : i32 to index
          %parallel_loop3A_666 = arith.constant 48 : index
          %parallel_loop3A_667 = tpu.vector_load %arg17[%parallel_loop3A_665, %parallel_loop3A_666] {strides = array<i32>} : memref<125x64xf32, #tpu.memory_space<vmem>>, vector<16xf32>,
          %parallel_loop3A_668 = arith.addf %parallel_loop3A_664, %parallel_loop3A_667 : vector<16xf32>
          %parallel_loop3A_669 = arith.constant 2.500000e-01 : f32
          %parallel_loop3A_670 = vector.broadcast %parallel_loop3A_669 : f32 to vector<16xf32>
          %parallel_loop3A_671 = arith.mulf %parallel_loop3A_668, %parallel_loop3A_670 : vector<16xf32>
          %parallel_loop3A_672 = arith.index_cast %parallel_loop3A_606 : i32 to index
          %parallel_loop3A_673 = arith.constant 48 : index
          %parallel_loop3A_674 = tpu.vector_load %arg16[%parallel_loop3A_672, %parallel_loop3A_673] {strides = array<i32>} : memref<125x64xf32, #tpu.memory_space<vmem>>, vector<16xf32>,
          tpu.vector_store %arg16[%parallel_loop3A_672, %parallel_loop3A_673], %parallel_loop3A_671 {strides = array<i32>} : memref<125x64xf32, #tpu.memory_space<vmem>>, vector<16xf32>,
        } {sc.loop_unroll_factor = 2 : i64, sc.parallel_access}
        %dma_start3A_590 = arith.constant 0 : i32
        %dma_start3A_591 = arith.constant 0 : i32
        %dma_start3A_592 = tpu.memref_slice %arg7[%add3A_494, %dma_start3A_591] : memref<10000x64xf32, #tpu.memory_space<vmem_shared>> -> memref<125x64xf32, #tpu.memory_space<vmem_shared>>
        %dma_start3A_593 = tpu.memref_slice %arg22[%dma_start3A_590] : memref<3x!tpu.dma_semaphore, #tpu.memory_space<semaphore_mem>> -> memref<1x!tpu.dma_semaphore, #tpu.memory_space<semaphore_mem>>
        %dma_start3A_594 = tpu.memref_squeeze %dma_start3A_593 : memref<1x!tpu.dma_semaphore, #tpu.memory_space<semaphore_mem>> -> memref<!tpu.dma_semaphore, #tpu.memory_space<semaphore_mem>>
        %dma_start3A_595 = arith.constant 0 : i32
        %dma_start3A_596 = tpu.memref_slice %arg7[%add3A_494, %dma_start3A_595] : memref<10000x64xf32, #tpu.memory_space<vmem_shared>> -> memref<125x64xf32, #tpu.memory_space<vmem_shared>>
        tpu.enqueue_dma source(%arg16 : memref<125x64xf32, #tpu.memory_space<vmem>>) target(%dma_start3A_596 : memref<125x64xf32, #tpu.memory_space<vmem_shared>>) target_semaphore(%dma_start3A_594 : memref<!tpu.dma_semaphore, #tpu.memory_space<semaphore_mem>>)
        %dma_start3A_597 = arith.constant 1 : i32
        %dma_start3A_598 = arith.constant 0 : i32
        %dma_start3A_599 = tpu.memref_slice %arg6[%arg0, %add3A_494, %dma_start3A_598] : memref<2x10000x64xf32, #tpu.memory_space<hbm>> -> memref<1x125x64xf32, #tpu.memory_space<hbm>>
        %dma_start3A_600 = tpu.memref_squeeze %dma_start3A_599 : memref<1x125x64xf32, #tpu.memory_space<hbm>> -> memref<125x64xf32, #tpu.memory_space<hbm>>
        %dma_start3A_601 = tpu.memref_slice %arg22[%dma_start3A_597] : memref<3x!tpu.dma_semaphore, #tpu.memory_space<semaphore_mem>> -> memref<1x!tpu.dma_semaphore, #tpu.memory_space<semaphore_mem>>
        %dma_start3A_602 = tpu.memref_squeeze %dma_start3A_601 : memref<1x!tpu.dma_semaphore, #tpu.memory_space<semaphore_mem>> -> memref<!tpu.dma_semaphore, #tpu.memory_space<semaphore_mem>>
        %dma_start3A_603 = arith.constant 0 : i32
        %dma_start3A_604 = tpu.memref_slice %arg6[%arg0, %add3A_494, %dma_start3A_603] : memref<2x10000x64xf32, #tpu.memory_space<hbm>> -> memref<1x125x64xf32, #tpu.memory_space<hbm>>
        %dma_start3A_605 = tpu.memref_squeeze %dma_start3A_604 : memref<1x125x64xf32, #tpu.memory_space<hbm>> -> memref<125x64xf32, #tpu.memory_space<hbm>>
        tpu.enqueue_dma source(%arg16 : memref<125x64xf32, #tpu.memory_space<vmem>>) target(%dma_start3A_605 : memref<125x64xf32, #tpu.memory_space<hbm>>) target_semaphore(%dma_start3A_602 : memref<!tpu.dma_semaphore, #tpu.memory_space<semaphore_mem>>)
      } else {
      }
      %mul3A_567 = arith.constant 625 : i32
      %mul3A_568 = arith.muli %arg1, %mul3A_567 : i32
      %add3A_569 = arith.constant 500 : i32
      %add3A_570 = arith.addi %mul3A_568, %add3A_569 : i32
      %dma_wait3A_571 = arith.constant 0 : i32
      %dma_wait3A_572 = arith.constant 0 : i32
      %dma_wait3A_573 = tpu.memref_slice %arg7[%add3A_570, %dma_wait3A_572] : memref<10000x64xf32, #tpu.memory_space<vmem_shared>> -> memref<125x64xf32, #tpu.memory_space<vmem_shared>>
      %dma_wait3A_574 = tpu.memref_slice %arg22[%dma_wait3A_571] : memref<3x!tpu.dma_semaphore, #tpu.memory_space<semaphore_mem>> -> memref<1x!tpu.dma_semaphore, #tpu.memory_space<semaphore_mem>>
      %dma_wait3A_575 = tpu.memref_squeeze %dma_wait3A_574 : memref<1x!tpu.dma_semaphore, #tpu.memory_space<semaphore_mem>> -> memref<!tpu.dma_semaphore, #tpu.memory_space<semaphore_mem>>
      %dma_wait3A_576 = arith.constant 0 : i32
      %dma_wait3A_577 = tpu.memref_slice %arg7[%add3A_570, %dma_wait3A_576] : memref<10000x64xf32, #tpu.memory_space<vmem_shared>> -> memref<125x64xf32, #tpu.memory_space<vmem_shared>>
      tpu.wait_dma2 semaphore(%dma_wait3A_575 : memref<!tpu.dma_semaphore, #tpu.memory_space<semaphore_mem>>) src(%arg16 : memref<125x64xf32, #tpu.memory_space<vmem>>) dst(%dma_wait3A_577 : memref<125x64xf32, #tpu.memory_space<vmem_shared>>)
      %not3A_578 = arith.constant true
      %not3A_579 = arith.xori %eq3A_207, %not3A_578 : i1
      %convert_element_type3A_580 = arith.extui %not3A_579 : i1 to i32
      %cond3A_581 = arith.constant 0 : i32
      %cond3A_582 = arith.cmpi ne, %convert_element_type3A_580, %cond3A_581 : i32
      scf.if %cond3A_582 {
        %dma_wait3A_587 = arith.constant 1 : i32
        %dma_wait3A_588 = arith.constant 0 : i32
        %dma_wait3A_589 = tpu.memref_slice %arg8[%add3A_570, %dma_wait3A_588] : memref<10000x64xf32, #tpu.memory_space<vmem_shared>> -> memref<125x64xf32, #tpu.memory_space<vmem_shared>>
        %dma_wait3A_590 = tpu.memref_slice %arg22[%dma_wait3A_587] : memref<3x!tpu.dma_semaphore, #tpu.memory_space<semaphore_mem>> -> memref<1x!tpu.dma_semaphore, #tpu.memory_space<semaphore_mem>>
        %dma_wait3A_591 = tpu.memref_squeeze %dma_wait3A_590 : memref<1x!tpu.dma_semaphore, #tpu.memory_space<semaphore_mem>> -> memref<!tpu.dma_semaphore, #tpu.memory_space<semaphore_mem>>
        %dma_wait3A_592 = arith.constant 0 : i32
        %dma_wait3A_593 = tpu.memref_slice %arg8[%add3A_570, %dma_wait3A_592] : memref<10000x64xf32, #tpu.memory_space<vmem_shared>> -> memref<125x64xf32, #tpu.memory_space<vmem_shared>>
        tpu.wait_dma2 semaphore(%dma_wait3A_591 : memref<!tpu.dma_semaphore, #tpu.memory_space<semaphore_mem>>) src(%arg17 : memref<125x64xf32, #tpu.memory_space<vmem>>) dst(%dma_wait3A_593 : memref<125x64xf32, #tpu.memory_space<vmem_shared>>)
      } else {
      }
      %convert_element_type3A_583 = arith.extui %eq3A_207 : i1 to i32
      %cond3A_584 = arith.constant 0 : i32
      %cond3A_585 = arith.cmpi ne, %convert_element_type3A_583, %cond3A_584 : i32
      scf.if %cond3A_585 {
        %dma_wait3A_587 = arith.constant 1 : i32
        %dma_wait3A_588 = arith.constant 0 : i32
        %dma_wait3A_589 = tpu.memref_slice %arg6[%arg0, %add3A_570, %dma_wait3A_588] : memref<2x10000x64xf32, #tpu.memory_space<hbm>> -> memref<1x125x64xf32, #tpu.memory_space<hbm>>
        %dma_wait3A_590 = tpu.memref_squeeze %dma_wait3A_589 : memref<1x125x64xf32, #tpu.memory_space<hbm>> -> memref<125x64xf32, #tpu.memory_space<hbm>>
        %dma_wait3A_591 = tpu.memref_slice %arg22[%dma_wait3A_587] : memref<3x!tpu.dma_semaphore, #tpu.memory_space<semaphore_mem>> -> memref<1x!tpu.dma_semaphore, #tpu.memory_space<semaphore_mem>>
        %dma_wait3A_592 = tpu.memref_squeeze %dma_wait3A_591 : memref<1x!tpu.dma_semaphore, #tpu.memory_space<semaphore_mem>> -> memref<!tpu.dma_semaphore, #tpu.memory_space<semaphore_mem>>
        %dma_wait3A_593 = arith.constant 0 : i32
        %dma_wait3A_594 = tpu.memref_slice %arg6[%arg0, %add3A_570, %dma_wait3A_593] : memref<2x10000x64xf32, #tpu.memory_space<hbm>> -> memref<1x125x64xf32, #tpu.memory_space<hbm>>
        %dma_wait3A_595 = tpu.memref_squeeze %dma_wait3A_594 : memref<1x125x64xf32, #tpu.memory_space<hbm>> -> memref<125x64xf32, #tpu.memory_space<hbm>>
        tpu.wait_dma2 semaphore(%dma_wait3A_592 : memref<!tpu.dma_semaphore, #tpu.memory_space<semaphore_mem>>) src(%arg16 : memref<125x64xf32, #tpu.memory_space<vmem>>) dst(%dma_wait3A_595 : memref<125x64xf32, #tpu.memory_space<hbm>>)
      } else {
      }
      %barrier3A_586 = arith.constant 0 : index
      tpu.barrier barrier_id(%barrier3A_586)
    }
    %scan3A_23 = arith.constant 3 : i32
    return
  }
}

</mosaic_0001>

<sc_bundles>
// kernel: kernel.3.cloned.1.call-start
scs
__scs_entry_jumppad:
0x0: {  	(pc) =	sbr.rel $0x88, $3  }
0x1: {  	(tag) =	ssettag $0x0;
	lr =	simm.s32 $0x1  }
0x2: {  	[smem:$0x3F9E] =	sst lr;
	_ =	strace $0xD0000000  }
0x3: {  	_ = 	snop  }
0x4: {  	_ = 	snop  }
0x5: {  	_ = 	snop  }
0x6: {  	_ = 	snop  }
0x7: {  	_ = 	snop  }
__scs_overlays_trampoline_lowered:
0x8: {  	[smem:$0x3FAD] =	sst s0  }
0x9: {  	[smem:$0x3FAE] =	sst s1  }
0xa: {  	[smem:$0x3FAF] =	sst s2  }
0xb: {  	[smem:$0x3FB0] =	sst s3  }
0xc: {  	[smem:$0x3FB1] =	sst s4  }
0xd: {  	[smem:$0x3FB2] =	sst s5  }
0xe: {  	[smem:$0x3FB3] =	sst s6  }
0xf: {  	[smem:$0x3FB4] =	sst s7  }
0x10: {  	[smem:$0x3FB5] =	sst s8  }
0x11: {  	[smem:$0x3FB6] =	sst s9;
	s0 =	simm.s32 @!p0 $0x0  }
0x12: {  	s1 =	sld [smem:$0x3F9C];
	s0 =	simm.s32 @p0 $0x1  }
0x13: {  	[smem:$0x3FB7] =	sst s0;
	s0 =	simm.s32 @!p1 $0x0  }
0x14: {  	s2 =	sld [smem:$0x3F9B];
	s0 =	simm.s32 @p1 $0x1  }
0x15: {  	[smem:$0x3FB8] =	sst s0;
	s0 =	simm.s32 @!p2 $0x0  }
0x16: {  	s3 =	sld [smem:$0x3FDB];
	s0 =	simm.s32 @p2 $0x1  }
0x17: {  	s4 =	simm.s32 $0x1BF5;
	[smem:$0x3FBA] =	sst s0  }
0x18: {  	s0 =	sld [smem:$0x3F9D];
	_ =	swait.ge [sflag:s4], $0x0  }
0x19: {  	s7 =	sld [smem:$0x3F9E]  }
0x1a: {  	s8 =	sadd.s32 $0xFFFFE003, lr  }
0x1b: {  	s9 =	sadd.s32 $0xFFFFFEF7, lr;
	s5 =	simm.s32 $0xFFFFFFFF;
	p2 =	slt.u32 s8, $0xFFFFF086  }
0x1c: {  	p1 =	slt.u32 s9, $0xF7A;
	s5 =	simm.s32 @!p2 $0x0  }
0x1d: {  	s5 =	simm.s32 @p1 $0x1;
	p0 =	seq.s32 s7, s2  }
0x1e: {  	s7 =	smul.u32 @!p0 $0xF7A, s2;
	p2 =	seq.s32 @!p0 s5, $0x0  }
0x1f: {  	s9 =	smul.u32 $0xF7A, s1;
	s8 =	simm.s32 @!p0 $0x1BF5;
	p2 =	por !p2, p0  }
0x20: {  	[sflag:s8] =	ssyncset.s32 @!p0 $0xFFFFF086;
	s6 =	sadd.s32 @!p0 s3, s7;
	s7 =	simm.s32 @!p0 $0x108  }
0x21: {  	s3 =	sadd.s32 s3, s9;
	s6 =	sadd.s32 @!p0 $0x88, s6;
	s7 =	simm.s32 @p2 $0x1082  }
0x22: {  	[simem:s7], [sflag:s8] =	dma.local @!p0 [hbm:s6], $0xF7A  }
0x23: {  	s9 =	sor.u32 $0xD0000000, s2;
	s6 =	simm.s32 $0x108;
	_ =	swait.ge @!p0 [sflag:s8], $0x0  }
0x24: {  	s3 =	sadd.s32 $0x88, s3;
	s6 =	simm.s32 @!p1 $0x1082;
	[sflag:s4] =	ssyncset.s32 $0xFFFFF086  }
0x25: {  	[simem:s6], [sflag:s4] =	dma.local [hbm:s3], $0xF7A  }
0x26: {  	[smem:$0x3F9E] =	sst s1;
	(tag) =	ssettag s2;
	_ =	strace s9  }
0x27: {  	s1 =	sld [smem:$0x3FAE]  }
0x28: {  	s2 =	sld [smem:$0x3FAF]  }
0x29: {  	s4 =	sld [smem:$0x3FB1]  }
0x2a: {  	p0 =	seq.s32 s5, $0x0;
	s5 =	sld [smem:$0x3FB2]  }
0x2b: {  	s6 =	sld [smem:$0x3FB3]  }
0x2c: {  	s7 =	sld [smem:$0x3FB4]  }
0x2d: {  	s3 =	simm.s32 $0x108;
	s8 =	sld [smem:$0x3FB5]  }
0x2e: {  	s3 =	simm.s32 @!p0 $0x1082;
	s9 =	sld [smem:$0x3FB6]  }
0x2f: {  	lr =	sadd.s32 s0, s3;
	s0 =	sld [smem:$0x3FAD]  }
0x30: {  	s3 =	sld [smem:$0x3FB0]  }
0x31: {  	[smem:$0x3FB9] =	sst s10  }
0x32: {  	s10 =	sld [smem:$0x3FB7];
	_ =	sdelay $0x3  }
0x33: {  	p0 =	seq.s32 s10, $0x1;
	s10 =	sld [smem:$0x3FB9];
	_ =	sdelay $0x3  }
0x34: {  	[smem:$0x3FB9] =	sst s10  }
0x35: {  	s10 =	sld [smem:$0x3FB8];
	_ =	sdelay $0x3  }
0x36: {  	p1 =	seq.s32 s10, $0x1;
	s10 =	sld [smem:$0x3FB9];
	_ =	sdelay $0x3  }
0x37: {  	[smem:$0x3FB9] =	sst s10  }
0x38: {  	s10 =	sld [smem:$0x3FBA]  }
0x39: {  	_ = 	snop;
	(pc) =	sbr.ind lr, $3  }
0x3a: {  	_ = 	snop  }
0x3b: {  	_ = 	snop  }
0x3c: {  	p2 =	seq.s32 s10, $0x1;
	s10 =	sld [smem:$0x3FB9]  }
0x3d: {  	_ =	shalt  }
0x3e: {  	_ =	shalt  }
0x3f: {  	_ =	shalt  }
0x40: {  	_ =	shalt  }
0x41: {  	_ =	shalt  }
0x42: {  	_ =	shalt  }
0x43: {  	_ =	shalt  }
0x44: {  	_ =	shalt  }
0x45: {  	_ =	shalt  }
0x46: {  	_ =	shalt  }
0x47: {  	_ =	shalt  }
0x48: {  	_ =	shalt  }
0x49: {  	_ =	shalt  }
0x4a: {  	_ =	shalt  }
0x4b: {  	_ =	shalt  }
0x4c: {  	_ =	shalt  }
0x4d: {  	_ =	shalt  }
0x4e: {  	_ =	shalt  }
0x4f: {  	_ =	shalt  }
0x50: {  	_ =	shalt  }
0x51: {  	_ =	shalt  }
0x52: {  	_ =	shalt  }
0x53: {  	_ =	shalt  }
0x54: {  	_ =	shalt  }
0x55: {  	_ =	shalt  }
0x56: {  	_ =	shalt  }
0x57: {  	_ =	shalt  }
0x58: {  	_ =	shalt  }
0x59: {  	_ =	shalt  }
0x5a: {  	_ =	shalt  }
0x5b: {  	_ =	shalt  }
0x5c: {  	_ =	shalt  }
0x5d: {  	_ =	shalt  }
0x5e: {  	_ =	shalt  }
0x5f: {  	_ =	shalt  }
0x60: {  	_ =	shalt  }
0x61: {  	_ =	shalt  }
0x62: {  	_ =	shalt  }
0x63: {  	_ =	shalt  }
0x64: {  	_ =	shalt  }
0x65: {  	_ =	shalt  }
0x66: {  	_ =	shalt  }
0x67: {  	_ =	shalt  }
0x68: {  	_ =	shalt  }
0x69: {  	_ =	shalt  }
0x6a: {  	_ =	shalt  }
0x6b: {  	_ =	shalt  }
0x6c: {  	_ =	shalt  }
0x6d: {  	_ =	shalt  }
0x6e: {  	_ =	shalt  }
0x6f: {  	_ =	shalt  }
0x70: {  	_ =	shalt  }
0x71: {  	_ =	shalt  }
0x72: {  	_ =	shalt  }
0x73: {  	_ =	shalt  }
0x74: {  	_ =	shalt  }
0x75: {  	_ =	shalt  }
0x76: {  	_ =	shalt  }
0x77: {  	_ =	shalt  }
0x78: {  	_ =	shalt  }
0x79: {  	_ =	shalt  }
0x7a: {  	_ =	shalt  }
0x7b: {  	_ =	shalt  }
0x7c: {  	_ =	shalt  }
0x7d: {  	_ =	shalt  }
0x7e: {  	_ =	shalt  }
0x7f: {  	_ =	shalt  }
0x80: {  	_ =	shalt  }
0x81: {  	_ =	shalt  }
0x82: {  	_ =	shalt  }
0x83: {  	_ =	shalt  }
0x84: {  	_ =	shalt  }
0x85: {  	_ =	shalt  }
0x86: {  	_ =	shalt  }
0x87: {  	_ =	shalt  }
.Lfunc_end0:
.L_simem_size_0:
called_computation_lowered:
.L_overlay_start_0:
0x88: {  	s2 =	sld [smem:$0x3FD9]  }
0x89: {  	s3 =	sld [smem:$0x3FFE];
	_ =	sdelay $0x1  }
0x8a: {  	s1 =	srdreg.scid  }
0x8b: {  	s0 =	sand.u32 $0x1, s1  }
0x8c: {  	s17 =	sshll.u32 s0, $0xA;
	s2 =	sadd.s32 s3, s2  }
0x8d: {  	s2 =	sadd.s32 s2, s17  }
0x8e: {  	[smem:$0x3FC5] =	sst s2  }
0x8f: {  	_ = 	snop  }
0x90: {  	s2 =	sld [smem:$0x3FD0];
	(tm) =	ssettm $0x1  }
0x91: {  	s18 =	sld [smem:$0x3FFB];
	_ =	sdelay $0x3  }
0x92: {  	_ =	strace s18  }
0x93: {  	s3 =	sld [smem:$0x3FFC];
	_ =	sdelay $0x3  }
0x94: {  	_ =	strace s3  }
0x95: {  	s3 =	sld [smem:$0x3FFD];
	_ =	sdelay $0x3  }
0x96: {  	_ =	strace s3  }
0x97: {  	_ =	strace $0x8FFFFFFF  }
0x98: {  	s19 =	sld [smem:$0x3FDB];
	_ =	sdelay $0x1  }
0x99: {  	s4 =	simm.s32 $_scs_section_size  }
0x9a: {  	s5 =	simm.s32 $_size__tile_overlayer_lowered;
	s6 =	simm.s32 $_tile_overlayer_lowered  }
0x9b: {  	s22 =	simm.s32 $0x1BFF;
	s21 =	sshll.u32 s6, $0x1;
	s3 =	sadd.s32 s4, s19  }
0x9c: {  	s7 =	simm.s32 $0x0;
	s20 =	sshll.u32 s5, $0x1;
	s5 =	sadd.s32 s21, s3  }
0x9d: {  	[timem:s7], [sflag:s22] =	dma.local [hbm:s5], s20  }
0x9e: {  	_ =	swait.ge [sflag:s22], s20  }
0x9f: {  	s4 =	ssub.s32 $0x0, s20;
	[sflag:s22] =	ssyncset.done $0x0  }
0xa0: {  	[sflag:s22] =	ssyncadd.s32 s4;
	_ =	sdelay $0x1  }
0xa1: {  	s23 =	simm.s32 $0x1B8B  }
0xa2: {  	_ =	swait.ge [sflag:s23], $0x1  }
0xa3: {  	[sflag:s23] =	ssyncset.done $0x0  }
0xa4: {  	s25 =	simm.s32 $0x1B8E;
	s24 =	sld [smem:$0x3FFE];
	[sflag:s23] =	ssyncadd.s32 $0xFFFFFFFF  }
0xa5: {  	s26 =	simm.s32 $execute0_lowered;
	[smem:$0x3FD2] =	sst s25  }
0xa6: {  	s5 =	sshll.u32 s26, $0x1;
	_ =	strace $0x80000046;
	[dreg:$0x1] =	wrdreg $0xFFFFFFFF  }
0xa7: {  	s28 =	simm.s32 $_size_execute0_lowered;
	s3 =	sadd.s32 s3, s5;
	[dreg:$0x0] =	wrdreg $0x0  }
0xa8: {  	s5 =	sshll.u32 s28, $0x1;
	[dreg:$0x2] =	wrdreg s3  }
0xa9: {  	[dreg:$0x3] =	wrdreg s5  }
0xaa: {  	[dreg:$0x4] =	wrdreg $0xC0  }
0xab: {  	_ =	task [dreg:s7], $0x5FFFF  }
0xac: {  	[dreg:$0x1] =	wrdreg $0xFFFFFFFF  }
0xad: {  	[dreg:$0x0] =	wrdreg $0x60  }
0xae: {  	[dreg:$0x2] =	wrdreg s2  }
0xaf: {  	[dreg:$0x3] =	wrdreg s24  }
0xb0: {  	[dreg:$0x4] =	wrdreg $0x0  }
0xb1: {  	[dreg:$0x5] =	wrdreg $0x9C400  }
0xb2: {  	[dreg:$0x6] =	wrdreg $0x9  }
0xb3: {  	_ =	task.clear_ibuf [dreg:s7], $0x7FFFF;
	_ =	strace $0x90000046  }
0xb4: {  	s29 =	simm.s32 $0x9;
	_ =	strace $0x80000048  }
0xb5: {  	_ =	swait.ge [sflag:s29], $0x1  }
0xb6: {  	[sflag:s29] =	ssyncadd.s32 $0xFFFFFFFF  }
0xb7: {  	_ =	strace $0x90000048  }
0xb8: {  	_ =	sfence  }
0xb9: {  	s30 =	sld [smem:$0x0];
	_ =	sdelay $0x2  }
0xba: {  	s31 =	sshll.u32 s1, $0xD;
	s1 =	sshrl.u32 s1, $0x2  }
0xbb: {  	s3 =	sand.u32 $0x4000, s31;
	s1 =	sadd.s32 s1, s30  }
0xbc: {  	s0 =	sor.u32 s3, s0;
	s1 =	sshll.u32 s1, $0x11  }
0xbd: {  	s0 =	sor.u32 s1, s0  }
0xbe: {  	s0 =	sadd.s32 $0x8F2B, s0  }
0xbf: {  	[sflag:s0] =	ssyncadd.remote.s32 $0x1  }
0xc0: {  	_ =	sfence.sel $0xFFFF  }
0xc1: {  	[dreg:$0x0] =	wrdreg $0xFFFFFFFF;
	(pc) =	sbr.abs _section_cstart, $3  }
0xc2: {  	[dreg:$0x1] =	wrdreg $0xFFFFFFFF  }
0xc3: {  	_ =	task.clear_ibuf [dreg:s7], $0x2FFFF;
	_ =	strace $0x9FFFFFFF  }
0xc4: {  	(tm) =	ssettm $0x7FFFFFFF  }
0xc5: {  	_ =	shalt  }
tec
execute0_lowered:
.L_overlay_start_1:
0x0: {  	(tag) =	ssettag $0x1  }
0x1: {  	s0 =	rddreg [dreg:$0x0]  }
0x2: {  	s3 =	rddreg [dreg:$0x1]  }
0x3: {  	s1 =	rddreg [dreg:$0x2]  }
0x4: {  	s2 =	rddreg [dreg:$0x3];
	s5 =	simm.s32 $0x0;
	s4 =	srdreg.scid  }
0x5: {  	s17 =	stileid.u32;
	s29 =	simm.s32 $0x14000;
	s30 =	simm.s32 $0x15400  }
0x6: {  	s31 =	simm.s32 $0x16800;
	[smem:$0x7FF] =	sst s5;
	s4 =	sand.u32 $0x1, s4  }
0x7: {  	s5 =	sadd.s32 $0x200, s3;
	s6 =	sadd.s32 $0xA600, s3;
	s9 =	smul.u32 $0x9C40, s17  }
0x8: {  	s7 =	sadd.s32 $0x14A00, s3;
	s8 =	smul.u32 $0x9C400, s4;
	s4 =	ssub.s32 $0x2, s4  }
0x9: {  	s3 =	sadd.s32 $0x1EE00, s3;
	_ =	strace $0x80000047;
	s10 =	sshrl.u32 s4, $0x1  }
0xa: {  	s12 =	sadd.s32 $0x1F40, s9;
	s20 =	sadd.s32 s9, s1;
	s21 =	sadd.s32 s9, s2  }
0xb: {  	s23 =	sadd.s32 $0x3E80, s9;
	s15 =	sadd.s32 $0x5DC0, s9;
	s11 =	sadd.s32 s9, s8  }
0xc: {  	s4 =	ssub.s32 s4, s10;
	s19 =	sadd.s32 s8, s12;
	[dreg:$0x6] =	wrdreg s20  }
0xd: {  	[dreg:$0x7] =	wrdreg s21;
	s14 =	sadd.s32 s8, s23;
	s20 =	sadd.s32 s15, s1  }
0xe: {  	s21 =	sadd.s32 s15, s2;
	s28 =	sshrl.u32 s11, $0x3;
	[dreg:$0x15] =	wrdreg s20  }
0xf: {  	s11 =	sshrl.u32 s19, $0x3;
	s19 =	sadd.s32 s23, s2;
	[dreg:$0x16] =	wrdreg s21  }
0x10: {  	s16 =	sadd.s32 s8, s15;
	s13 =	sadd.s32 s0, s28;
	[dreg:$0x14] =	wrdreg s19  }
0x11: {  	s14 =	sshrl.u32 s14, $0x3;
	s22 =	sadd.s32 s0, s11;
	[dreg:$0x5] =	wrdreg s13  }
0x12: {  	s16 =	sshrl.u32 s16, $0x3;
	s18 =	sadd.s32 s0, s14;
	[dreg:$0x8] =	wrdreg s22  }
0x13: {  	s9 =	sadd.s32 $0x7D00, s9;
	s24 =	sadd.s32 s0, s16;
	[dreg:$0x9] =	wrdreg s18  }
0x14: {  	s15 =	simm.s32 $0x1AF40;
	s25 =	sadd.s32 s3, s28;
	[dreg:$0xa] =	wrdreg s24  }
0x15: {  	s8 =	sadd.s32 s8, s9;
	s26 =	sadd.s32 s3, s11;
	[dreg:$0xc] =	wrdreg s25  }
0x16: {  	s21 =	simm.s32 $0xB;
	s28 =	sadd.s32 s3, s14;
	[dreg:$0xd] =	wrdreg s26  }
0x17: {  	s8 =	sshrl.u32 s8, $0x3;
	s10 =	sadd.s32 s3, s16;
	[dreg:$0xe] =	wrdreg s28  }
0x18: {  	s14 =	sadd.s32 s12, s1;
	s16 =	smul.u32 $0x5140, s17;
	[dreg:$0xf] =	wrdreg s10  }
0x19: {  	s17 =	sadd.s32 s12, s2;
	s12 =	simm.s32 $0x3;
	[dreg:$0x11] =	wrdreg s14  }
0x1a: {  	s0 =	sadd.s32 s0, s8;
	s11 =	sadd.s32 s3, s8;
	[dreg:$0x12] =	wrdreg s17  }
0x1b: {  	s18 =	sadd.s32 s23, s1;
	s23 =	sadd.s32 s9, s1;
	[dreg:$0xb] =	wrdreg s0  }
0x1c: {  	s24 =	sadd.s32 s9, s2;
	s28 =	smax.u32 s4, $0x1;
	[dreg:$0x10] =	wrdreg s11  }
0x1d: {  	s4 =	simm.s32 $0x50;
	s17 =	simm.s32 $0x1;
	[dreg:$0x13] =	wrdreg s18  }
0x1e: {  	s8 =	simm.s32 $0x17C00;
	s13 =	simm.s32 $0x4;
	[dreg:$0x17] =	wrdreg s23  }
0x1f: {  	s14 =	simm.s32 $0x7;
	s22 =	sshrl.u32 s16, $0x3;
	[dreg:$0x18] =	wrdreg s24  }
0x20: {  	s0 =	sadd.s32 $0x140, s16;
	[dreg:$0x1c] =	wrdreg s28;
	s25 =	sadd.s32 s5, s22  }
0x21: {  	s18 =	simm.s32 $0x13D80;
	s26 =	sadd.s32 s6, s22;
	[dreg:$0x19] =	wrdreg s25  }
0x22: {  	v1 =	vimm.s32 $0x0;
	vm0 =	vcmask $0x300;
	s11 =	simm.s32 $0x2;
	s3 =	sadd.s32 s7, s22;
	[dreg:$0x1a] =	wrdreg s26  }
0x23: {  	v0 =	vimm.f32 $0.0e+00;
	v1 =	vsel vm0, $0x3, v1;
	s23 =	simm.s32 $0xC;
	s16 =	simm.s32 $0x0;
	[dreg:$0x1b] =	wrdreg s3  }
.LBB2_1:
0x24: {  	[dreg:$0x1d] =	wrdreg s16;
	s3 =	simm.s32 $0x1AF80  }
0x25: {  	[tilespmem:s3+$0xFFFFFFC0] =	vst v0  }
0x26: {  	[tilespmem:s3+$0x30] =	vst v0  }
0x27: {  	[tilespmem:s3+$0x20] =	vst v0  }
0x28: {  	[tilespmem:s3+$0x10] =	vst v0  }
0x29: {  	[tilespmem:s3+$0x0] =	vst v0  }
0x2a: {  	[tilespmem:s3+$0xFFFFFFF0] =	vst v0  }
0x2b: {  	s9 =	simm.s32 $0x0;
	[tilespmem:s3+$0xFFFFFFE0] =	vst v0  }
.LBB2_2:
0x2c: {  	s9 =	sadd.s32 $0x2, s9;
	[tilespmem:s3+$0xFFFFFFD0] =	vst v0;
	s3 =	sadd.s32 $0x80, s3  }
0x2d: {  	[tilespmem:s3+$0xFFFFFFC0] =	vst v0;
	p0 =	slt.u32 s9, $0x7A  }
0x2e: {  	[tilespmem:s3+$0x30] =	vst v0  }
.Ltmp0:
0x2f: {  	[tilespmem:s3+$0x20] =	vst v0;
	(pc) =	sbr.rel @p0 .LBB2_2-.Ltmp0, $4  }
0x30: {  	[tilespmem:s3+$0x10] =	vst v0  }
0x31: {  	[tilespmem:s3+$0x0] =	vst v0  }
0x32: {  	[tilespmem:s3+$0xFFFFFFF0] =	vst v0  }
0x33: {  	[tilespmem:s3+$0xFFFFFFE0] =	vst v0  }
0x34: {  	[tilespmem:s3+$0xFFFFFFD0] =	vst v0  }
0x35: {  	[tilespmem:$0x1CE40] =	vst v0  }
0x36: {  	[tilespmem:$0x1CE50] =	vst v0  }
0x37: {  	s16 =	simm.s32 $0x0;
	[tilespmem:$0x1CE60] =	vst v0  }
0x38: {  	s9 =	simm.s32 $0x19000;
	s10 =	simm.s32 $0xE;
	[tilespmem:$0x1CE70] =	vst v0;
	s3 =	rddreg [dreg:$0x5]  }
0x39: {  	[tilespmem:s9], [sflag:$0xE] =	stream.linear.gather [hbm4b:s3+s16], $0x1F40, $0x38;
	[tilespmem:$0x1EDC0] =	vst v63  }
0x3a: {  	_ =	swait.ge [sflag:s10], $0x1F40  }
0x3b: {  	[sflag:s10] =	ssyncset.done $0x0  }
0x3c: {  	s24 =	rddreg [dreg:$0x6];
	[sflag:s10] =	ssyncadd.s32 $0xFFFFE0C0  }
0x3d: {  	[spmem:s24] =	stream.linear.scatter [tilespmem:s9], [sflag:$0xE], $0x1F40, $0x38;
	[tilespmem:$0x1EDC0] =	vst v63  }
0x3e: {  	_ =	swait.ge [sflag:s10], $0x1F40  }
0x3f: {  	[sflag:s10] =	ssyncset.done $0x0  }
0x40: {  	s26 =	rddreg [dreg:$0x7];
	[sflag:s10] =	ssyncadd.s32 $0xFFFFE0C0  }
0x41: {  	[spmem:s26] =	stream.linear.scatter [tilespmem:s15], [sflag:$0xE], $0x1F40, $0x38;
	[tilespmem:$0x1EDC0] =	vst v63  }
0x42: {  	_ =	swait.ge [sflag:s10], $0x1F40  }
0x43: {  	[sflag:s10] =	ssyncset.done $0x0  }
0x44: {  	s28 =	rddreg [dreg:$0x8];
	[sflag:s10] =	ssyncadd.s32 $0xFFFFE0C0  }
0x45: {  	[tilespmem:s9], [sflag:$0xE] =	stream.linear.gather [hbm4b:s28+s16], $0x1F40, $0x38;
	[tilespmem:$0x1EDC0] =	vst v63  }
0x46: {  	_ =	swait.ge [sflag:s10], $0x1F40  }
0x47: {  	[sflag:s10] =	ssyncset.done $0x0  }
0x48: {  	s19 =	rddreg [dreg:$0x11];
	[sflag:s10] =	ssyncadd.s32 $0xFFFFE0C0  }
0x49: {  	[spmem:s19] =	stream.linear.scatter [tilespmem:s9], [sflag:$0xE], $0x1F40, $0x38;
	[tilespmem:$0x1EDC0] =	vst v63  }
0x4a: {  	_ =	swait.ge [sflag:s10], $0x1F40  }
0x4b: {  	[sflag:s10] =	ssyncset.done $0x0  }
0x4c: {  	s20 =	rddreg [dreg:$0x12];
	[sflag:s10] =	ssyncadd.s32 $0xFFFFE0C0  }
0x4d: {  	[spmem:s20] =	stream.linear.scatter [tilespmem:s15], [sflag:$0xE], $0x1F40, $0x38;
	[tilespmem:$0x1EDC0] =	vst v63  }
0x4e: {  	_ =	swait.ge [sflag:s10], $0x1F40  }
0x4f: {  	[sflag:s10] =	ssyncset.done $0x0  }
0x50: {  	s22 =	rddreg [dreg:$0x9];
	[sflag:s10] =	ssyncadd.s32 $0xFFFFE0C0  }
0x51: {  	[tilespmem:s9], [sflag:$0xE] =	stream.linear.gather [hbm4b:s22+s16], $0x1F40, $0x38;
	[tilespmem:$0x1EDC0] =	vst v63  }
0x52: {  	_ =	swait.ge [sflag:s10], $0x1F40  }
0x53: {  	[sflag:s10] =	ssyncset.done $0x0  }
0x54: {  	s24 =	rddreg [dreg:$0x13];
	[sflag:s10] =	ssyncadd.s32 $0xFFFFE0C0  }
0x55: {  	[spmem:s24] =	stream.linear.scatter [tilespmem:s9], [sflag:$0xE], $0x1F40, $0x38;
	[tilespmem:$0x1EDC0] =	vst v63  }
0x56: {  	_ =	swait.ge [sflag:s10], $0x1F40  }
0x57: {  	[sflag:s10] =	ssyncset.done $0x0  }
0x58: {  	s26 =	rddreg [dreg:$0x14];
	[sflag:s10] =	ssyncadd.s32 $0xFFFFE0C0  }
0x59: {  	[spmem:s26] =	stream.linear.scatter [tilespmem:s15], [sflag:$0xE], $0x1F40, $0x38;
	[tilespmem:$0x1EDC0] =	vst v63  }
0x5a: {  	_ =	swait.ge [sflag:s10], $0x1F40  }
0x5b: {  	[sflag:s10] =	ssyncset.done $0x0  }
0x5c: {  	s28 =	rddreg [dreg:$0xa];
	[sflag:s10] =	ssyncadd.s32 $0xFFFFE0C0  }
0x5d: {  	[tilespmem:s9], [sflag:$0xE] =	stream.linear.gather [hbm4b:s28+s16], $0x1F40, $0x38;
	[tilespmem:$0x1EDC0] =	vst v63  }
0x5e: {  	_ =	swait.ge [sflag:s10], $0x1F40  }
0x5f: {  	[sflag:s10] =	ssyncset.done $0x0  }
0x60: {  	s19 =	rddreg [dreg:$0x15];
	[sflag:s10] =	ssyncadd.s32 $0xFFFFE0C0  }
0x61: {  	[spmem:s19] =	stream.linear.scatter [tilespmem:s9], [sflag:$0xE], $0x1F40, $0x38;
	[tilespmem:$0x1EDC0] =	vst v63  }
0x62: {  	_ =	swait.ge [sflag:s10], $0x1F40  }
0x63: {  	[sflag:s10] =	ssyncset.done $0x0  }
0x64: {  	s20 =	rddreg [dreg:$0x16];
	[sflag:s10] =	ssyncadd.s32 $0xFFFFE0C0  }
0x65: {  	[spmem:s20] =	stream.linear.scatter [tilespmem:s15], [sflag:$0xE], $0x1F40, $0x38;
	[tilespmem:$0x1EDC0] =	vst v63  }
0x66: {  	_ =	swait.ge [sflag:s10], $0x1F40  }
0x67: {  	[sflag:s10] =	ssyncset.done $0x0  }
0x68: {  	s22 =	rddreg [dreg:$0xb];
	[sflag:s10] =	ssyncadd.s32 $0xFFFFE0C0  }
0x69: {  	[tilespmem:s9], [sflag:$0xE] =	stream.linear.gather [hbm4b:s22+s16], $0x1F40, $0x38;
	[tilespmem:$0x1EDC0] =	vst v63  }
0x6a: {  	_ =	swait.ge [sflag:s10], $0x1F40  }
0x6b: {  	[sflag:s10] =	ssyncset.done $0x0  }
0x6c: {  	s24 =	rddreg [dreg:$0x17];
	[sflag:s10] =	ssyncadd.s32 $0xFFFFE0C0  }
0x6d: {  	[spmem:s24] =	stream.linear.scatter [tilespmem:s9], [sflag:$0xE], $0x1F40, $0x38;
	[tilespmem:$0x1EDC0] =	vst v63  }
0x6e: {  	_ =	swait.ge [sflag:s10], $0x1F40  }
0x6f: {  	[sflag:s10] =	ssyncset.done $0x0  }
0x70: {  	s26 =	rddreg [dreg:$0x18];
	[sflag:s10] =	ssyncadd.s32 $0xFFFFE0C0  }
0x71: {  	[spmem:s26] =	stream.linear.scatter [tilespmem:s15], [sflag:$0xE], $0x1F40, $0x38;
	[tilespmem:$0x1EDC0] =	vst v63  }
0x72: {  	_ =	swait.ge [sflag:s10], $0x1F40  }
0x73: {  	[sflag:s10] =	ssyncset.done $0x0  }
0x74: {  	[sflag:s10] =	ssyncadd.s32 $0xFFFFE0C0  }
0x75: {  	s28 =	simm.s32 $0x0;
	[bflag:$0x0] =	sbarrier.arrive $0xFFFF  }
0x76: {  	s25 =	simm.s32 $0x0;
	[dreg:$0x1e] =	wrdreg s28  }
.LBB2_4:
0x77: {  	s3 =	rddreg [dreg:$0x19];
	s9 =	simm.s32 $0x13880;
	s10 =	simm.s32 $0x0  }
0x78: {  	[tilespmem:s9], [sflag:$0x9] =	stream.linear.gather [hbm4b:s3+s10], $0x140, $0x38;
	[tilespmem:$0x1EDC0] =	vst v63  }
0x79: {  	s20 =	rddreg [dreg:$0x1a];
	s22 =	simm.s32 $0x13B00  }
0x7a: {  	[tilespmem:s22], [sflag:$0x9] =	stream.linear.gather [hbm4b:s20+s10], $0x140, $0x38;
	[tilespmem:$0x1EDC0] =	vst v63  }
0x7b: {  	s24 =	rddreg [dreg:$0x1b];
	s26 =	simm.s32 $0x9  }
0x7c: {  	[tilespmem:s18], [sflag:$0x9] =	stream.linear.gather [hbm4b:s24+s10], $0x140, $0x38;
	[tilespmem:$0x1EDC0] =	vst v63  }
0x7d: {  	_ =	swait.ge [sflag:s26], $0x140  }
0x7e: {  	[sflag:s26] =	ssyncset.done $0x0  }
0x7f: {  	[sflag:s26] =	ssyncadd.s32 $0xFFFFFEC0  }
0x80: {  	_ =	swait.ge [sflag:s26], $0x140  }
0x81: {  	[sflag:s26] =	ssyncset.done $0x0  }
0x82: {  	[sflag:s26] =	ssyncadd.s32 $0xFFFFFEC0  }
0x83: {  	_ =	swait.ge [sflag:s26], $0x140  }
0x84: {  	[sflag:s26] =	ssyncset.done $0x0  }
0x85: {  	[sflag:s26] =	ssyncadd.s32 $0xFFFFFEC0  }
0x86: {  	[tilespmem:s29], [sflag:$0x1] =	stream.indirect.gather [spmem:s1], $0x40, s22, s4, $0xb8;
	[tilespmem:$0x1EDC0] =	vst v63  }
0x87: {  	s28 =	simm.s32 $0x13B50;
	s9 =	simm.s32 $0x0  }
0x88: {  	[tilespmem:s30], [sflag:$0x2] =	stream.indirect.gather [spmem:s1], $0x40, s28, s4, $0xb8;
	[tilespmem:$0x1EDC0] =	vst v63  }
.LBB2_5:
0x89: {  	p0 =	seq.s32 s9, $0x40  }
0x8a: {  	s3 =	sand.u32 $0x1, s9;
	s10 =	smul.u32 @!p0 $0x140, s9  }
0x8b: {  	s26 =	sxor.u32 $0x1, s3  }
0x8c: {  	s20 =	simm.s32 @!p0 $0x0;
	s15 =	smul.u32 @!p0 $0x140, s26;
	s10 =	sadd.s32 @!p0 s10, s0  }
0x8d: {  	p1 =	seq.s32 @!p0 s9, $0x0;
	s24 =	sadd.s32 @!p0 $0x9, s26;
	s10 =	sshrl.u32 @!p0 s10, $0x3  }
0x8e: {  	p1 =	por p0, !p1;
	s16 =	sadd.s32 @!p0 $0x13880, s15;
	s19 =	sadd.s32 @!p0 s5, s10  }
0x8f: {  	[tilespmem:s16], [sflag:s24] =	stream.linear.gather @!p0 [hbm4b:s19+s20], $0x140, $0x38;
	[tilespmem:$0x1EDC0] =	vst v63  }
.Ltmp1:
0x90: {  	_ = 	snop;
	(pc) =	sbr.rel @!p1 .LBB2_6-.Ltmp1, $4  }
0x91: {  	s16 =	sadd.s32 @!p0 $0x13B00, s15;
	s19 =	sadd.s32 @!p0 s6, s10  }
0x92: {  	[tilespmem:s16], [sflag:s24] =	stream.linear.gather @!p0 [hbm4b:s19+s20], $0x140, $0x38;
	[tilespmem:$0x1EDC0] =	vst v63  }
0x93: {  	s15 =	sadd.s32 @!p0 $0x13D80, s15;
	s10 =	sadd.s32 @!p0 s7, s10  }
0x94: {  	[tilespmem:s15], [sflag:s24] =	stream.linear.gather @!p0 [hbm4b:s10+s20], $0x140, $0x38;
	[tilespmem:$0x1EDC0] =	vst v63  }
.Ltmp2:
0x95: {  	(pc) =	sbr.rel .LBB2_8-.Ltmp2, $4  }
0x96: {  	_ = 	snop  }
0x97: {  	_ =	swait.ge [sflag:s14], $0x1400  }
0x98: {  	[sflag:s14] =	ssyncset.done $0x0  }
0x99: {  	p1 =	por $0x0, $0x0;
	[sflag:s14] =	ssyncadd.s32 $0xFFFFEC00  }
.LBB2_6:
0x9a: {  	p1 =	por @!p0 $0x1, $0x1  }
.LBB2_8:
0x9b: {  	v2 =	vmov s3;
	s10 =	simm.s32 $0x0  }
0x9c: {  	s16 =	simm.s32 $0x1;
	s15 =	simm.s32 $0x2;
	s19 =	simm.s32 $0x3;
	v2 =	vmul.u32 $0x140, v2;
	v9 =	vmov s10  }
0x9d: {  	s20 =	simm.s32 $0x5;
	s22 =	simm.s32 $0x6;
	v10 =	vmov s16;
	v11 =	vmov s15;
	v12 =	vmov s19  }
0x9e: {  	s16 =	simm.s32 $0x4;
	v14 =	vmov s20;
	v15 =	vmov s22;
	v9 =	vshrl.u32 v9, $0x3  }
0x9f: {  	v13 =	vmov s16;
	v10 =	vshrl.u32 v10, $0x3;
	v11 =	vshrl.u32 v11, $0x3  }
0xa0: {  	v12 =	vshrl.u32 v12, $0x3;
	v14 =	vshrl.u32 v14, $0x3;
	v8 =	vbroadcast v2, $0x0  }
0xa1: {  	v15 =	vshrl.u32 v15, $0x3;
	v9 =	vshll.u32 v9, v1;
	v13 =	vshrl.u32 v13, $0x3  }
0xa2: {  	v9 =	vadd.s32 v2, v9;
	v7 =	vor.u32 $0x1, v8;
	v6 =	vor.u32 $0x2, v8  }
0xa3: {  	s10 =	smul.u32 $0x140, s3;
	v5 =	vor.u32 $0x3, v8;
	v4 =	vor.u32 $0x4, v8;
	v3 =	vor.u32 $0x5, v8  }
0xa4: {  	v16 =	vbroadcast v9, $0x0;
	v9 =	vshll.u32 v10, v1;
	v10 =	vshll.u32 v11, v1  }
0xa5: {  	s3 =	sadd.s32 $0x13BA0, s10;
	v11 =	vshll.u32 v12, v1;
	v12 =	vshll.u32 v13, v1;
	v10 =	vbroadcast v10, $0x0  }
0xa6: {  	[tilespmem:s31], [sflag:$0x3] =	stream.indirect.gather [spmem:s1], $0x40, s3, s4, $0xb8;
	v13 =	vshll.u32 v14, v1;
	v9 =	vbroadcast v9, $0x0;
	v11 =	vbroadcast v11, $0x0;
	[tilespmem:$0x1EDC0] =	vst v63  }
0xa7: {  	s15 =	simm.s32 $0x7;
	_ =	swait.ge [sflag:s17], $0x1400;
	v12 =	vbroadcast v12, $0x0;
	v13 =	vbroadcast v13, $0x0;
	v17 =	vadd.s32 v6, v10  }
0xa8: {  	[sflag:s17] =	ssyncset.done $0x0;
	v14 =	vadd.s32 v7, v9;
	v9 =	vmov s15;
	v11 =	vadd.s32 v5, v11  }
0xa9: {  	s22 =	simm.s32 $0x14100;
	[sflag:s17] =	ssyncadd.s32 $0xFFFFEC00;
	v10 =	vshll.u32 v15, v1;
	v12 =	vadd.s32 v4, v12;
	v9 =	vshrl.u32 v9, $0x3  }
0xaa: {  	v13 =	vadd.s32 v3, v13;
	v19 =	vld [tilespmem:s22+$0xFFFFFF10];
	v15 =	vbroadcast v10, $0x0;
	v10 =	vshll.u32 v9, v1  }
0xab: {  	v9 =	vor.u32 $0x6, v8;
	v16 =	vld.idx.msk [tilespmem:v16+s18+$0x0], $0xffff;
	v18 =	vbroadcast v10, $0x0  }
0xac: {  	v10 =	vor.u32 $0x7, v8;
	v8 =	vadd.s32 v9, v15;
	v15 =	vld.idx.msk [tilespmem:v17+s18+$0x0], $0xffff  }
0xad: {  	v17 =	vadd.s32 v10, v18;
	v18 =	vld.idx.msk [tilespmem:v11+s18+$0x0], $0xffff  }
0xae: {  	v21 =	vld.idx.msk [tilespmem:v12+s18+$0x0], $0xffff  }
0xaf: {  	v12 =	vld.idx.msk [tilespmem:v13+s18+$0x0], $0xffff  }
0xb0: {  	v13 =	vld [tilespmem:s22+$0xF0]  }
0xb1: {  	v11 =	vld.idx.msk [tilespmem:v8+s18+$0x0], $0xffff  }
0xb2: {  	v8 =	vld.idx.msk [tilespmem:v17+s18+$0x0], $0xffff  }
0xb3: {  	v17 =	vld [tilespmem:s22+$0xFFFFFF00]  }
0xb4: {  	v20 =	vld [tilespmem:s22+$0xFFFFFF20]  }
0xb5: {  	v22 =	vld [tilespmem:s22+$0xFFFFFF30]  }
0xb6: {  	v23 =	vld [tilespmem:s22+$0xFFFFFF40]  }
0xb7: {  	v14 =	vld.idx.msk [tilespmem:v14+s18+$0x0], $0xffff;
	v13 =	vmul.f32 v13, v8  }
0xb8: {  	v24 =	vld [tilespmem:s22+$0xFFFFFF50];
	v17 =	vmul.f32 v17, v16  }
0xb9: {  	v25 =	vld [tilespmem:s22+$0xFFFFFF60];
	v19 =	vmul.f32 v19, v16;
	[tilespmem:s22+$0xF0] =	vst v13  }
0xba: {  	[tilespmem:s22+$0xFFFFFF00] =	vst v17;
	v13 =	vmul.f32 v20, v16;
	v17 =	vld [tilespmem:s22+$0xFFFFFF70]  }
0xbb: {  	[tilespmem:s22+$0xFFFFFF10] =	vst v19;
	v19 =	vld [tilespmem:s22+$0xFFFFFF80];
	v16 =	vmul.f32 v22, v16  }
0xbc: {  	v20 =	vld [tilespmem:s22+$0xFFFFFF90];
	[tilespmem:s22+$0xFFFFFF20] =	vst v13;
	v13 =	vmul.f32 v23, v14  }
0xbd: {  	v22 =	vld [tilespmem:s22+$0xFFFFFFA0];
	[tilespmem:s22+$0xFFFFFF30] =	vst v16;
	v16 =	vmul.f32 v24, v14  }
0xbe: {  	v23 =	vld [tilespmem:s22+$0xFFFFFFB0];
	[tilespmem:s22+$0xFFFFFF40] =	vst v13;
	v13 =	vmul.f32 v25, v14  }
0xbf: {  	s16 =	simm.s32 $0x8;
	s15 =	simm.s32 $0xB;
	[tilespmem:s22+$0xFFFFFF50] =	vst v16;
	v16 =	vld [tilespmem:s22+$0xFFFFFFC0];
	v14 =	vmul.f32 v17, v14  }
0xc0: {  	s20 =	simm.s32 $0xA;
	v26 =	vmov s15;
	v24 =	vmov s16;
	s16 =	simm.s32 $0xC;
	[tilespmem:s22+$0xFFFFFF60] =	vst v13;
	v13 =	vmul.f32 v19, v15;
	v19 =	vld [tilespmem:s22+$0xFFFFFFD0]  }
0xc1: {  	s19 =	simm.s32 $0x9;
	v27 =	vmov s16;
	v25 =	vmov s20;
	[tilespmem:s22+$0xFFFFFF70] =	vst v14;
	v14 =	vmul.f32 v20, v15;
	v20 =	vld [tilespmem:s22+$0xFFFFFFE0]  }
0xc2: {  	v17 =	vshrl.u32 v24, $0x3;
	v24 =	vmov s19;
	[tilespmem:s22+$0xFFFFFF80] =	vst v13;
	v13 =	vmul.f32 v22, v15;
	v22 =	vld [tilespmem:s22+$0xFFFFFFF0]  }
0xc3: {  	v27 =	vshrl.u32 v27, $0x3;
	[tilespmem:s22+$0xFFFFFF90] =	vst v14;
	v14 =	vmul.f32 v23, v15;
	v15 =	vld [tilespmem:s22+$0x0];
	v23 =	vshrl.u32 v24, $0x3  }
0xc4: {  	s20 =	simm.s32 $0xE;
	s19 =	simm.s32 $0xD;
	v24 =	vshrl.u32 v25, $0x3;
	v25 =	vshrl.u32 v26, $0x3;
	v26 =	vld [tilespmem:s22+$0x20];
	[tilespmem:s22+$0xFFFFFFA0] =	vst v13;
	v13 =	vmul.f32 v16, v18  }
0xc5: {  	v29 =	vmov s20;
	v28 =	vmov s19;
	v16 =	vld [tilespmem:s22+$0x10];
	[tilespmem:s22+$0xFFFFFFB0] =	vst v14;
	v14 =	vmul.f32 v19, v18  }
0xc6: {  	v30 =	vld [tilespmem:s22+$0x30];
	v17 =	vshll.u32 v17, v1;
	v29 =	vshrl.u32 v29, $0x3;
	[tilespmem:s22+$0xFFFFFFC0] =	vst v13;
	v13 =	vmul.f32 v20, v18  }
0xc7: {  	v28 =	vshrl.u32 v28, $0x3;
	v17 =	vadd.s32 v2, v17;
	[tilespmem:s22+$0xFFFFFFD0] =	vst v14;
	v18 =	vmul.f32 v22, v18;
	v22 =	vld [tilespmem:s22+$0x40]  }
0xc8: {  	v14 =	vbroadcast v17, $0x0;
	v17 =	vshll.u32 v23, v1;
	v23 =	vld [tilespmem:s22+$0x50];
	[tilespmem:s22+$0xFFFFFFE0] =	vst v13;
	v13 =	vmul.f32 v15, v21  }
0xc9: {  	v31 =	vbroadcast v17, $0x0;
	v15 =	vshll.u32 v24, v1;
	v24 =	vmul.f32 v26, v21;
	[tilespmem:s22+$0xFFFFFFF0] =	vst v18;
	v18 =	vld [tilespmem:s22+$0x60]  }
0xca: {  	v17 =	vshll.u32 v25, v1;
	v16 =	vmul.f32 v16, v21;
	v19 =	vbroadcast v15, $0x0;
	v15 =	vld [tilespmem:s22+$0x70];
	[tilespmem:s22+$0x0] =	vst v13  }
0xcb: {  	v25 =	vmul.f32 v30, v21;
	v20 =	vbroadcast v17, $0x0;
	v17 =	vshll.u32 v27, v1;
	v13 =	vld [tilespmem:s22+$0x80];
	[tilespmem:s22+$0x20] =	vst v24  }
0xcc: {  	v21 =	vbroadcast v17, $0x0;
	v17 =	vshll.u32 v28, v1;
	[tilespmem:s22+$0x10] =	vst v16;
	v16 =	vld [tilespmem:s22+$0x90];
	v26 =	vmul.f32 v22, v12  }
0xcd: {  	v24 =	vshll.u32 v29, v1;
	[tilespmem:s22+$0x30] =	vst v25;
	v22 =	vbroadcast v17, $0x0;
	v25 =	vmul.f32 v23, v12;
	v17 =	vld [tilespmem:s22+$0xA0]  }
0xce: {  	s28 =	simm.s32 $0x10;
	s3 =	simm.s32 $0xF;
	s20 =	sadd.s32 $0xA0, s10;
	v24 =	vbroadcast v24, $0x0;
	v23 =	vadd.s32 v7, v31;
	[tilespmem:s22+$0x40] =	vst v26;
	v26 =	vmul.f32 v18, v12;
	v18 =	vld [tilespmem:s22+$0xB0]  }
.LBB2_9:
0xcf: {  	p2 =	slt.u32 s28, $0x48;
	v19 =	vadd.s32 v6, v19;
	v27 =	vmov s3;
	[tilespmem:s22+$0x50] =	vst v25;
	v12 =	vmul.f32 v15, v12;
	v15 =	vld [tilespmem:s22+$0xC0]  }
0xd0: {  	v20 =	vadd.s32 v5, v20;
	v25 =	vshrl.u32 v27, $0x3;
	[tilespmem:s22+$0x60] =	vst v26;
	v13 =	vmul.f32 v13, v11;
	v26 =	vld [tilespmem:s22+$0xD0]  }
0xd1: {  	v21 =	vadd.s32 v4, v21;
	v25 =	vshll.u32 v25, v1;
	[tilespmem:s22+$0x70] =	vst v12;
	v12 =	vmul.f32 v16, v11;
	v16 =	vld [tilespmem:s22+$0xE0]  }
0xd2: {  	v22 =	vadd.s32 v3, v22;
	v14 =	vld.idx.msk [tilespmem:v14+s18+$0x0], $0xffff;
	v25 =	vbroadcast v25, $0x0;
	[tilespmem:s22+$0x80] =	vst v13;
	v13 =	vmul.f32 v17, v11  }
0xd3: {  	v17 =	vld.idx.msk [tilespmem:v23+s18+$0x0], $0xffff;
	v23 =	vadd.s32 v9, v24;
	[tilespmem:s22+$0x90] =	vst v12;
	v11 =	vmul.f32 v18, v11  }
0xd4: {  	v18 =	vld.idx.msk [tilespmem:v19+s18+$0x0], $0xffff;
	v19 =	vadd.s32 v10, v25;
	[tilespmem:s22+$0xA0] =	vst v13;
	v12 =	vmul.f32 v15, v8  }
0xd5: {  	v15 =	vld.idx.msk [tilespmem:v20+s18+$0x0], $0xffff;
	[tilespmem:s22+$0xB0] =	vst v11;
	v11 =	vmul.f32 v26, v8  }
0xd6: {  	v13 =	vld.idx.msk [tilespmem:v21+s18+$0x0], $0xffff;
	[tilespmem:s22+$0xC0] =	vst v12;
	v8 =	vmul.f32 v16, v8  }
0xd7: {  	v12 =	vld.idx.msk [tilespmem:v22+s18+$0x0], $0xffff;
	[tilespmem:s22+$0xD0] =	vst v11  }
0xd8: {  	v11 =	vld.idx.msk [tilespmem:v23+s18+$0x0], $0xffff;
	[tilespmem:s22+$0xE0] =	vst v8  }
0xd9: {  	s22 =	sadd.s32 $0x200, s22;
	v8 =	vld.idx.msk [tilespmem:v19+s18+$0x0], $0xffff  }
0xda: {  	v16 =	vld [tilespmem:s22+$0xF0]  }
0xdb: {  	v19 =	vld [tilespmem:s22+$0xFFFFFF00]  }
0xdc: {  	v20 =	vld [tilespmem:s22+$0xFFFFFF10]  }
0xdd: {  	v21 =	vld [tilespmem:s22+$0xFFFFFF20]  }
0xde: {  	v22 =	vld [tilespmem:s22+$0xFFFFFF30]  }
0xdf: {  	v23 =	vld [tilespmem:s22+$0xFFFFFF40];
	v16 =	vmul.f32 v16, v8  }
0xe0: {  	v19 =	vmul.f32 v19, v14;
	v24 =	vld [tilespmem:s22+$0xFFFFFF50]  }
0xe1: {  	v20 =	vmul.f32 v20, v14;
	v25 =	vld [tilespmem:s22+$0xFFFFFF60];
	[tilespmem:s22+$0xF0] =	vst v16  }
0xe2: {  	[tilespmem:s22+$0xFFFFFF00] =	vst v19;
	v16 =	vmul.f32 v21, v14;
	v19 =	vld [tilespmem:s22+$0xFFFFFF70]  }
0xe3: {  	[tilespmem:s22+$0xFFFFFF10] =	vst v20;
	v14 =	vmul.f32 v22, v14;
	v20 =	vld [tilespmem:s22+$0xFFFFFF80]  }
0xe4: {  	[tilespmem:s22+$0xFFFFFF20] =	vst v16;
	v16 =	vmul.f32 v23, v17;
	v21 =	vld [tilespmem:s22+$0xFFFFFF90]  }
0xe5: {  	[tilespmem:s22+$0xFFFFFF30] =	vst v14;
	v14 =	vmul.f32 v24, v17;
	v22 =	vld [tilespmem:s22+$0xFFFFFFA0]  }
0xe6: {  	[tilespmem:s22+$0xFFFFFF40] =	vst v16;
	v16 =	vmul.f32 v25, v17;
	v23 =	vld [tilespmem:s22+$0xFFFFFFB0]  }
0xe7: {  	v24 =	vmov s28;
	[tilespmem:s22+$0xFFFFFF50] =	vst v14;
	v14 =	vmul.f32 v19, v17;
	v17 =	vld [tilespmem:s22+$0xFFFFFFC0]  }
0xe8: {  	s3 =	sadd.s32 $0x1, s28;
	s15 =	sadd.s32 $0x2, s28;
	v19 =	vshrl.u32 v24, $0x3;
	[tilespmem:s22+$0xFFFFFF60] =	vst v16;
	v16 =	vmul.f32 v20, v18;
	v20 =	vld [tilespmem:s22+$0xFFFFFFD0]  }
0xe9: {  	v25 =	vmov s15;
	s15 =	sadd.s32 $0x4, s28;
	v24 =	vmov s3;
	s3 =	sadd.s32 $0x3, s28;
	[tilespmem:s22+$0xFFFFFF70] =	vst v14;
	v14 =	vmul.f32 v21, v18;
	v21 =	vld [tilespmem:s22+$0xFFFFFFE0]  }
0xea: {  	v27 =	vmov s15;
	s15 =	sadd.s32 $0x6, s28;
	v26 =	vmov s3;
	s3 =	sadd.s32 $0x5, s28;
	[tilespmem:s22+$0xFFFFFF80] =	vst v16;
	v16 =	vmul.f32 v22, v18;
	v22 =	vld [tilespmem:s22+$0xFFFFFFF0]  }
0xeb: {  	v29 =	vmov s15;
	v28 =	vmov s3;
	[tilespmem:s22+$0xFFFFFF90] =	vst v14;
	v14 =	vmul.f32 v23, v18;
	v18 =	vld [tilespmem:s22+$0x0]  }
0xec: {  	v19 =	vshll.u32 v19, v1;
	v23 =	vshrl.u32 v24, $0x3;
	[tilespmem:s22+$0xFFFFFFA0] =	vst v16;
	v16 =	vmul.f32 v17, v15;
	v17 =	vld [tilespmem:s22+$0x10]  }
0xed: {  	v24 =	vshrl.u32 v25, $0x3;
	v25 =	vshrl.u32 v26, $0x3;
	[tilespmem:s22+$0xFFFFFFB0] =	vst v14;
	v14 =	vmul.f32 v20, v15;
	v20 =	vld [tilespmem:s22+$0x20]  }
0xee: {  	v26 =	vshrl.u32 v27, $0x3;
	v27 =	vshrl.u32 v28, $0x3;
	[tilespmem:s22+$0xFFFFFFC0] =	vst v16;
	v16 =	vmul.f32 v21, v15;
	v21 =	vld [tilespmem:s22+$0x30]  }
0xef: {  	v19 =	vadd.s32 v2, v19;
	v28 =	vshrl.u32 v29, $0x3;
	[tilespmem:s22+$0xFFFFFFD0] =	vst v14;
	v15 =	vmul.f32 v22, v15;
	v22 =	vld [tilespmem:s22+$0x40]  }
0xf0: {  	v14 =	vbroadcast v19, $0x0;
	v19 =	vshll.u32 v23, v1;
	[tilespmem:s22+$0xFFFFFFE0] =	vst v16;
	v16 =	vmul.f32 v18, v13;
	v18 =	vld [tilespmem:s22+$0x50]  }
0xf1: {  	v23 =	vbroadcast v19, $0x0;
	v19 =	vshll.u32 v24, v1;
	[tilespmem:s22+$0xFFFFFFF0] =	vst v15;
	v17 =	vmul.f32 v17, v13;
	v29 =	vld [tilespmem:s22+$0x60]  }
.Ltmp3:
0xf2: {  	v24 =	vshll.u32 v25, v1;
	v19 =	vbroadcast v19, $0x0;
	[tilespmem:s22+$0x0] =	vst v16;
	v16 =	vmul.f32 v20, v13;
	v15 =	vld [tilespmem:s22+$0x70];
	(pc) =	sbr.rel @p2 .LBB2_9-.Ltmp3, $4  }
0xf3: {  	v20 =	vbroadcast v24, $0x0;
	v24 =	vshll.u32 v26, v1;
	[tilespmem:s22+$0x10] =	vst v17;
	v17 =	vmul.f32 v21, v13;
	v13 =	vld [tilespmem:s22+$0x80]  }
0xf4: {  	v21 =	vbroadcast v24, $0x0;
	v24 =	vshll.u32 v27, v1;
	[tilespmem:s22+$0x20] =	vst v16;
	v26 =	vmul.f32 v22, v12;
	v16 =	vld [tilespmem:s22+$0x90]  }
0xf5: {  	v22 =	vbroadcast v24, $0x0;
	v24 =	vshll.u32 v28, v1;
	[tilespmem:s22+$0x30] =	vst v17;
	v25 =	vmul.f32 v18, v12;
	v17 =	vld [tilespmem:s22+$0xA0]  }
0xf6: {  	s3 =	sadd.s32 $0x7, s28;
	s28 =	sadd.s32 $0x8, s28;
	v23 =	vadd.s32 v7, v23;
	v24 =	vbroadcast v24, $0x0;
	[tilespmem:s22+$0x40] =	vst v26;
	v26 =	vmul.f32 v29, v12;
	v18 =	vld [tilespmem:s22+$0xB0]  }
0xf7: {  	_ = 	snop  }
0xf8: {  	v6 =	vadd.s32 v6, v19;
	v19 =	vld [tilespmem:s22+$0xC0]  }
0xf9: {  	v5 =	vadd.s32 v5, v20;
	v20 =	vld [tilespmem:s22+$0xD0]  }
0xfa: {  	v4 =	vadd.s32 v4, v21;
	v21 =	vld [tilespmem:s22+$0xE0]  }
0xfb: {  	v14 =	vld.idx.msk [tilespmem:v14+s18+$0x0], $0xffff;
	v13 =	vmul.f32 v13, v11  }
0xfc: {  	v7 =	vmov s3;
	v3 =	vadd.s32 v3, v22;
	v22 =	vld.idx.msk [tilespmem:v23+s18+$0x0], $0xffff;
	s3 =	sadd.s32 $0x200, s22  }
0xfd: {  	v7 =	vshrl.u32 v7, $0x3;
	[tilespmem:s22+$0x80] =	vst v13;
	v13 =	vmul.f32 v17, v11;
	v17 =	vld [tilespmem:s3+$0xFFFFFF20]  }
0xfe: {  	v7 =	vshll.u32 v7, v1;
	v6 =	vld.idx.msk [tilespmem:v6+s18+$0x0], $0xffff  }
0xff: {  	v7 =	vbroadcast v7, $0x0;
	v5 =	vld.idx.msk [tilespmem:v5+s18+$0x0], $0xffff  }
0x100: {  	v4 =	vld.idx.msk [tilespmem:v4+s18+$0x0], $0xffff  }
0x101: {  	v7 =	vadd.s32 v10, v7;
	v3 =	vld.idx.msk [tilespmem:v3+s18+$0x0], $0xffff;
	v10 =	vmul.f32 v15, v12  }
0x102: {  	v9 =	vadd.s32 v9, v24;
	v12 =	vld [tilespmem:s3+$0xF0]  }
0x103: {  	v15 =	vld [tilespmem:s3+$0xFFFFFF00];
	[tilespmem:s22+$0x70] =	vst v10;
	v10 =	vmul.f32 v16, v11  }
0x104: {  	[tilespmem:s22+$0xA0] =	vst v13;
	v16 =	vld [tilespmem:s3+$0xFFFFFF10]  }
0x105: {  	v13 =	vmul.f32 v19, v8;
	v19 =	vld [tilespmem:s3+$0xFFFFFF50];
	[tilespmem:s22+$0x90] =	vst v10;
	v10 =	vmul.f32 v18, v11  }
0x106: {  	[tilespmem:s22+$0x50] =	vst v25;
	v7 =	vld.idx.msk [tilespmem:v7+s18+$0x0], $0xffff  }
0x107: {  	v9 =	vld.idx.msk [tilespmem:v9+s18+$0x0], $0xffff;
	[tilespmem:s22+$0xB0] =	vst v10;
	v10 =	vmul.f32 v20, v8  }
0x108: {  	[tilespmem:s22+$0xC0] =	vst v13;
	v11 =	vld [tilespmem:s3+$0xFFFFFF30];
	v8 =	vmul.f32 v21, v8  }
0x109: {  	v18 =	vld [tilespmem:s3+$0xFFFFFF40];
	v16 =	vmul.f32 v16, v14;
	[tilespmem:s22+$0xD0] =	vst v10  }
0x10a: {  	v13 =	vld [tilespmem:s3+$0xFFFFFF60];
	[tilespmem:s22+$0xE0] =	vst v8;
	v8 =	vmul.f32 v15, v14  }
0x10b: {  	v15 =	vld [tilespmem:s3+$0xFFFFFF80];
	[tilespmem:s3+$0xFFFFFF10] =	vst v16;
	v10 =	vmul.f32 v12, v7  }
0x10c: {  	v12 =	vld [tilespmem:s3+$0xFFFFFF70];
	[tilespmem:s3+$0xFFFFFF00] =	vst v8;
	v8 =	vmul.f32 v17, v14  }
0x10d: {  	v11 =	vmul.f32 v11, v14;
	v16 =	vld [tilespmem:s3+$0xFFFFFFC0];
	[tilespmem:s3+$0xF0] =	vst v10  }
0x10e: {  	v10 =	vld [tilespmem:s3+$0xFFFFFF90];
	[tilespmem:s3+$0xFFFFFF20] =	vst v8;
	v8 =	vmul.f32 v18, v22  }
0x10f: {  	v17 =	vld [tilespmem:s3+$0xFFFFFFA0];
	[tilespmem:s3+$0xFFFFFF30] =	vst v11;
	v11 =	vmul.f32 v19, v22  }
0x110: {  	v14 =	vld [tilespmem:s3+$0xFFFFFFB0];
	[tilespmem:s3+$0xFFFFFF40] =	vst v8;
	v8 =	vmul.f32 v13, v22  }
0x111: {  	v18 =	vld [tilespmem:s3+$0xFFFFFFD0];
	[tilespmem:s3+$0xFFFFFF50] =	vst v11;
	v11 =	vmul.f32 v12, v22  }
0x112: {  	v13 =	vld [tilespmem:s3+$0xFFFFFFE0];
	[tilespmem:s3+$0xFFFFFF60] =	vst v8;
	v8 =	vmul.f32 v15, v6  }
0x113: {  	v12 =	vld [tilespmem:s3+$0xFFFFFFF0];
	[tilespmem:s3+$0xFFFFFF70] =	vst v11;
	v10 =	vmul.f32 v10, v6  }
0x114: {  	v15 =	vld [tilespmem:s3+$0x0];
	[tilespmem:s3+$0xFFFFFF80] =	vst v8;
	v8 =	vmul.f32 v17, v6  }
0x115: {  	v11 =	vld [tilespmem:s3+$0x10];
	v6 =	vmul.f32 v14, v6;
	[tilespmem:s3+$0xFFFFFF90] =	vst v10  }
0x116: {  	v17 =	vld [tilespmem:s3+$0x20];
	[tilespmem:s3+$0xFFFFFFA0] =	vst v8;
	v8 =	vmul.f32 v16, v5  }
0x117: {  	v14 =	vld [tilespmem:s3+$0x40];
	[tilespmem:s3+$0xFFFFFFB0] =	vst v6;
	v6 =	vmul.f32 v18, v5  }
0x118: {  	v10 =	vld [tilespmem:s3+$0x30];
	[tilespmem:s3+$0xFFFFFFC0] =	vst v8;
	v8 =	vmul.f32 v13, v5  }
0x119: {  	v16 =	vld [tilespmem:s3+$0x50];
	[tilespmem:s3+$0xFFFFFFD0] =	vst v6;
	v5 =	vmul.f32 v12, v5  }
0x11a: {  	v13 =	vld [tilespmem:s3+$0x60];
	[tilespmem:s3+$0xFFFFFFE0] =	vst v8;
	v8 =	vmul.f32 v15, v4  }
0x11b: {  	v6 =	vld [tilespmem:s3+$0x70];
	[tilespmem:s3+$0xFFFFFFF0] =	vst v5;
	v5 =	vmul.f32 v11, v4  }
0x11c: {  	v12 =	vld [tilespmem:s3+$0x80];
	[tilespmem:s3+$0x0] =	vst v8;
	v8 =	vmul.f32 v17, v4  }
0x11d: {  	v11 =	vld [tilespmem:s3+$0x90];
	[tilespmem:s3+$0x10] =	vst v5;
	v4 =	vmul.f32 v10, v4  }
0x11e: {  	v15 =	vld [tilespmem:s3+$0xA0];
	[tilespmem:s3+$0x20] =	vst v8;
	v8 =	vmul.f32 v14, v3  }
0x11f: {  	v10 =	vld [tilespmem:s3+$0xC0];
	[tilespmem:s3+$0x30] =	vst v4;
	v4 =	vmul.f32 v16, v3  }
0x120: {  	v5 =	vld [tilespmem:s3+$0xB0];
	[tilespmem:s3+$0x40] =	vst v8;
	v8 =	vmul.f32 v13, v3  }
0x121: {  	v14 =	vld [tilespmem:s3+$0xD0];
	[tilespmem:s3+$0x50] =	vst v4;
	v3 =	vmul.f32 v6, v3  }
0x122: {  	v4 =	vmul.f32 v12, v9;
	[tilespmem:s3+$0x60] =	vst v8  }
0x123: {  	v6 =	vmul.f32 v15, v9;
	[tilespmem:s3+$0x70] =	vst v3  }
0x124: {  	v13 =	vld [tilespmem:s3+$0xE0];
	v10 =	vmul.f32 v10, v7;
	v3 =	vmul.f32 v11, v9;
	[tilespmem:s3+$0x80] =	vst v4  }
0x125: {  	v8 =	vmul.f32 v5, v9;
	[tilespmem:s3+$0xA0] =	vst v6;
	v4 =	vadd.s32 $0x50, v2;
	v5 =	vadd.s32 $0x51, v2  }
0x126: {  	s16 =	simm.s32 $0x2;
	v6 =	vadd.s32 $0x52, v2;
	v9 =	vadd.s32 $0x55, v2;
	v11 =	vmul.f32 v14, v7;
	[tilespmem:s3+$0xC0] =	vst v10  }
0x127: {  	v10 =	vadd.s32 $0x56, v2;
	v14 =	vmov s16;
	s16 =	simm.s32 $0x4;
	[tilespmem:s3+$0xB0] =	vst v8;
	v8 =	vadd.s32 $0x54, v2  }
0x128: {  	s15 =	simm.s32 $0x0;
	[tilespmem:s3+$0x90] =	vst v3;
	v3 =	vadd.s32 $0x57, v2;
	v15 =	vmov s16;
	v14 =	vshrl.u32 v14, $0x3  }
0x129: {  	[tilespmem:s22+$0x60] =	vst v26;
	s16 =	simm.s32 $0x6;
	v12 =	vmul.f32 v13, v7;
	v7 =	vadd.s32 $0x53, v2;
	v13 =	vmov s15  }
0x12a: {  	s19 =	simm.s32 $0x1;
	[tilespmem:s3+$0xD0] =	vst v11;
	v17 =	vmov s16;
	v15 =	vshrl.u32 v15, $0x3;
	v14 =	vshll.u32 v14, v1  }
0x12b: {  	s22 =	sadd.s32 $0x13880, s10;
	v11 =	vshrl.u32 v13, $0x3;
	v13 =	vmov s19;
	v17 =	vshrl.u32 v17, $0x3;
	[tilespmem:s3+$0xE0] =	vst v12;
	s3 =	simm.s32 @!p1 $0x8  }
0x12c: {  	v15 =	vshll.u32 v15, v1;
	v11 =	vshll.u32 v11, v1;
	v13 =	vshrl.u32 v13, $0x3;
	[spmem:s2] =	stream.indirect.scatter.add.f32 [tilespmem:s29], [sflag:$0x5], $0x40, s22, s4, $0xb8;
	[tilespmem:$0x1EDC0] =	vst v63  }
0x12d: {  	s15 =	simm.s32 $0x3;
	v14 =	vadd.s32 v6, v14;
	v11 =	vadd.s32 v4, v11;
	v13 =	vshll.u32 v13, v1;
	_ =	swait.ge @!p1 [sflag:s3], $0x1400  }
0x12e: {  	s19 =	simm.s32 $0x5;
	v12 =	vmov s15;
	v11 =	vbroadcast v11, $0x0;
	v13 =	vadd.s32 v5, v13;
	[sflag:s3] =	ssyncset.done @!p1 $0x0  }
0x12f: {  	v16 =	vmov s19;
	s19 =	sadd.s32 $0x13BF0, s10;
	v17 =	vshll.u32 v17, v1;
	v13 =	vbroadcast v13, $0x0;
	[sflag:s3] =	ssyncadd.s32 @!p1 $0xFFFFEC00  }
0x130: {  	v14 =	vbroadcast v14, $0x0;
	v15 =	vadd.s32 v8, v15;
	v12 =	vshrl.u32 v12, $0x3;
	[tilespmem:s8], [sflag:$0x4] =	stream.indirect.gather [spmem:s1], $0x40, s19, s4, $0xb8;
	[tilespmem:$0x1EDC0] =	vst v63  }
0x131: {  	v16 =	vshrl.u32 v16, $0x3;
	s22 =	simm.s32 $0x7;
	v15 =	vbroadcast v15, $0x0;
	v12 =	vshll.u32 v12, v1;
	_ =	swait.ge [sflag:s11], $0x1400  }
0x132: {  	v16 =	vshll.u32 v16, v1;
	v18 =	vmov s22;
	v12 =	vadd.s32 v7, v12;
	[sflag:s11] =	ssyncset.done $0x0  }
0x133: {  	v16 =	vadd.s32 v9, v16;
	v18 =	vshrl.u32 v18, $0x3;
	v12 =	vbroadcast v12, $0x0;
	[sflag:s11] =	ssyncadd.s32 $0xFFFFEC00  }
0x134: {  	v17 =	vadd.s32 v10, v17;
	v16 =	vbroadcast v16, $0x0;
	v18 =	vshll.u32 v18, v1;
	v19 =	vld.idx.msk [tilespmem:v11+s18+$0x0], $0xffff  }
0x135: {  	v11 =	vbroadcast v17, $0x0;
	v17 =	vadd.s32 v3, v18;
	v18 =	vld.idx.msk [tilespmem:v13+s18+$0x0], $0xffff  }
0x136: {  	v14 =	vld.idx.msk [tilespmem:v14+s18+$0x0], $0xffff  }
0x137: {  	s28 =	simm.s32 $0x15500;
	v21 =	vld.idx.msk [tilespmem:v15+s18+$0x0], $0xffff;
	v17 =	vbroadcast v17, $0x0  }
0x138: {  	v15 =	vld [tilespmem:s28+$0xF0]  }
0x139: {  	v20 =	vld.idx.msk [tilespmem:v12+s18+$0x0], $0xffff  }
0x13a: {  	v13 =	vld.idx.msk [tilespmem:v16+s18+$0x0], $0xffff  }
0x13b: {  	v16 =	vld [tilespmem:s28+$0xFFFFFF00]  }
0x13c: {  	v12 =	vld.idx.msk [tilespmem:v11+s18+$0x0], $0xffff  }
0x13d: {  	v11 =	vld.idx.msk [tilespmem:v17+s18+$0x0], $0xffff  }
0x13e: {  	v17 =	vld [tilespmem:s28+$0xFFFFFF10]  }
0x13f: {  	v22 =	vld [tilespmem:s28+$0xFFFFFF20]  }
0x140: {  	v23 =	vld [tilespmem:s28+$0xFFFFFF30]  }
0x141: {  	v24 =	vld [tilespmem:s28+$0xFFFFFF40];
	v16 =	vmul.f32 v16, v19  }
0x142: {  	v25 =	vld [tilespmem:s28+$0xFFFFFF50];
	v15 =	vmul.f32 v15, v11  }
0x143: {  	v26 =	vld [tilespmem:s28+$0xFFFFFF60];
	[tilespmem:s28+$0xFFFFFF00] =	vst v16;
	v17 =	vmul.f32 v17, v19  }
0x144: {  	v16 =	vld [tilespmem:s28+$0xFFFFFF70];
	[tilespmem:s28+$0xF0] =	vst v15;
	v15 =	vmul.f32 v22, v19  }
0x145: {  	[tilespmem:s28+$0xFFFFFF10] =	vst v17;
	v17 =	vmul.f32 v23, v19;
	v19 =	vld [tilespmem:s28+$0xFFFFFF80]  }
0x146: {  	v22 =	vld [tilespmem:s28+$0xFFFFFF90];
	[tilespmem:s28+$0xFFFFFF20] =	vst v15;
	v15 =	vmul.f32 v24, v18  }
0x147: {  	v23 =	vld [tilespmem:s28+$0xFFFFFFA0];
	[tilespmem:s28+$0xFFFFFF30] =	vst v17;
	v17 =	vmul.f32 v25, v18  }
0x148: {  	s22 =	simm.s32 $0xB;
	v24 =	vld [tilespmem:s28+$0xFFFFFFB0];
	[tilespmem:s28+$0xFFFFFF40] =	vst v15;
	v15 =	vmul.f32 v26, v18  }
0x149: {  	s15 =	simm.s32 $0x8;
	v27 =	vmov s22;
	s22 =	simm.s32 $0xE;
	v16 =	vmul.f32 v16, v18;
	[tilespmem:s28+$0xFFFFFF50] =	vst v17;
	v17 =	vld [tilespmem:s28+$0xFFFFFFC0]  }
0x14a: {  	s16 =	simm.s32 $0x9;
	v30 =	vmov s22;
	v25 =	vmov s15;
	[tilespmem:s28+$0xFFFFFF60] =	vst v15;
	v15 =	vmul.f32 v19, v14;
	v19 =	vld [tilespmem:s28+$0xFFFFFFD0]  }
0x14b: {  	s19 =	simm.s32 $0xA;
	[tilespmem:s28+$0xFFFFFF70] =	vst v16;
	v18 =	vshrl.u32 v25, $0x3;
	v25 =	vmov s16;
	s16 =	simm.s32 $0xC;
	v16 =	vmul.f32 v22, v14;
	v22 =	vld [tilespmem:s28+$0xFFFFFFE0]  }
0x14c: {  	v26 =	vmov s19;
	s19 =	simm.s32 $0xD;
	v28 =	vmov s16;
	[tilespmem:s28+$0xFFFFFF80] =	vst v15;
	v15 =	vmul.f32 v23, v14;
	v23 =	vld [tilespmem:s28+$0xFFFFFFF0]  }
0x14d: {  	v29 =	vmov s19;
	v18 =	vshll.u32 v18, v1;
	[tilespmem:s28+$0xFFFFFF90] =	vst v16;
	v16 =	vld [tilespmem:s28+$0x0];
	v14 =	vmul.f32 v24, v14  }
0x14e: {  	v18 =	vadd.s32 v4, v18;
	v24 =	vshrl.u32 v25, $0x3;
	[tilespmem:s28+$0xFFFFFFA0] =	vst v15;
	v15 =	vmul.f32 v17, v20;
	v17 =	vld [tilespmem:s28+$0x10]  }
0x14f: {  	v25 =	vshrl.u32 v26, $0x3;
	v26 =	vshrl.u32 v27, $0x3;
	[tilespmem:s28+$0xFFFFFFB0] =	vst v14;
	v14 =	vmul.f32 v19, v20;
	v19 =	vld [tilespmem:s28+$0x20]  }
0x150: {  	v27 =	vshrl.u32 v28, $0x3;
	v28 =	vshrl.u32 v29, $0x3;
	[tilespmem:s28+$0xFFFFFFC0] =	vst v15;
	v15 =	vmul.f32 v22, v20;
	v22 =	vld [tilespmem:s28+$0x30]  }
0x151: {  	v29 =	vshrl.u32 v30, $0x3;
	v24 =	vshll.u32 v24, v1;
	[tilespmem:s28+$0xFFFFFFD0] =	vst v14;
	v14 =	vmul.f32 v23, v20;
	v20 =	vld [tilespmem:s28+$0x40]  }
0x152: {  	v63 =	vld [tilespmem:s28+$0x50];
	v27 =	vshll.u32 v27, v1;
	v28 =	vshll.u32 v28, v1;
	v16 =	vmul.f32 v16, v21;
	[tilespmem:s28+$0xFFFFFFE0] =	vst v15  }
0x153: {  	v31 =	vld [tilespmem:s28+$0x60];
	v29 =	vshll.u32 v29, v1;
	v23 =	vshll.u32 v25, v1;
	[tilespmem:s28+$0xFFFFFFF0] =	vst v14;
	v14 =	vmul.f32 v17, v21  }
0x154: {  	v25 =	vshll.u32 v26, v1;
	v15 =	vbroadcast v18, $0x0;
	[tilespmem:s28+$0x0] =	vst v16;
	v16 =	vld [tilespmem:s28+$0x70];
	v17 =	vmul.f32 v19, v21  }
0x155: {  	v18 =	vadd.s32 v5, v24;
	v24 =	vadd.s32 v6, v23;
	[tilespmem:s28+$0x10] =	vst v14;
	v21 =	vmul.f32 v22, v21;
	v14 =	vld [tilespmem:s28+$0x80]  }
0x156: {  	v26 =	vadd.s32 v7, v25;
	v23 =	vadd.s32 v9, v28;
	[tilespmem:s28+$0x20] =	vst v17;
	v20 =	vmul.f32 v20, v13;
	v17 =	vld [tilespmem:s28+$0x90]  }
0x157: {  	v25 =	vmul.f32 v63, v13;
	v19 =	vbroadcast v18, $0x0;
	v18 =	vld [tilespmem:s28+$0xA0];
	v22 =	vadd.s32 v8, v27;
	[tilespmem:s28+$0x30] =	vst v21  }
0x158: {  	s22 =	sadd.s32 $0xF0, s10;
	s3 =	simm.s32 $0x10;
	s15 =	simm.s32 $0xF;
	v27 =	vmul.f32 v31, v13;
	v21 =	vbroadcast v24, $0x0;
	v24 =	vadd.s32 v10, v29;
	[tilespmem:s28+$0x40] =	vst v20;
	v20 =	vld [tilespmem:s28+$0xB0]  }
.LBB2_11:
0x159: {  	p1 =	slt.u32 s3, $0x48;
	v26 =	vbroadcast v26, $0x0;
	v28 =	vmov s15;
	[tilespmem:s28+$0x50] =	vst v25;
	v13 =	vmul.f32 v16, v13;
	v16 =	vld [tilespmem:s28+$0xC0]  }
0x15a: {  	v22 =	vbroadcast v22, $0x0;
	v25 =	vshrl.u32 v28, $0x3;
	[tilespmem:s28+$0x60] =	vst v27;
	v14 =	vmul.f32 v14, v12;
	v27 =	vld [tilespmem:s28+$0xD0]  }
0x15b: {  	v23 =	vbroadcast v23, $0x0;
	v25 =	vshll.u32 v25, v1;
	[tilespmem:s28+$0x70] =	vst v13;
	v13 =	vmul.f32 v17, v12;
	v17 =	vld [tilespmem:s28+$0xE0]  }
0x15c: {  	v24 =	vbroadcast v24, $0x0;
	v15 =	vld.idx.msk [tilespmem:v15+s18+$0x0], $0xffff;
	v25 =	vadd.s32 v3, v25;
	[tilespmem:s28+$0x80] =	vst v14;
	v14 =	vmul.f32 v18, v12  }
0x15d: {  	v18 =	vld.idx.msk [tilespmem:v19+s18+$0x0], $0xffff;
	v19 =	vbroadcast v25, $0x0;
	[tilespmem:s28+$0x90] =	vst v13;
	v12 =	vmul.f32 v20, v12  }
0x15e: {  	v20 =	vld.idx.msk [tilespmem:v21+s18+$0x0], $0xffff;
	[tilespmem:s28+$0xA0] =	vst v14;
	v13 =	vmul.f32 v16, v11  }
0x15f: {  	v16 =	vld.idx.msk [tilespmem:v26+s18+$0x0], $0xffff;
	[tilespmem:s28+$0xB0] =	vst v12;
	v12 =	vmul.f32 v27, v11  }
0x160: {  	v14 =	vld.idx.msk [tilespmem:v22+s18+$0x0], $0xffff;
	[tilespmem:s28+$0xC0] =	vst v13;
	v11 =	vmul.f32 v17, v11  }
0x161: {  	v13 =	vld.idx.msk [tilespmem:v23+s18+$0x0], $0xffff;
	[tilespmem:s28+$0xD0] =	vst v12  }
0x162: {  	v12 =	vld.idx.msk [tilespmem:v24+s18+$0x0], $0xffff;
	[tilespmem:s28+$0xE0] =	vst v11  }
0x163: {  	s28 =	sadd.s32 $0x200, s28;
	v11 =	vld.idx.msk [tilespmem:v19+s18+$0x0], $0xffff  }
0x164: {  	v17 =	vld [tilespmem:s28+$0xF0]  }
0x165: {  	v19 =	vld [tilespmem:s28+$0xFFFFFF00]  }
0x166: {  	v21 =	vld [tilespmem:s28+$0xFFFFFF10]  }
0x167: {  	v22 =	vld [tilespmem:s28+$0xFFFFFF20]  }
0x168: {  	v23 =	vld [tilespmem:s28+$0xFFFFFF30]  }
0x169: {  	v24 =	vld [tilespmem:s28+$0xFFFFFF40];
	v17 =	vmul.f32 v17, v11  }
0x16a: {  	v19 =	vmul.f32 v19, v15;
	v25 =	vld [tilespmem:s28+$0xFFFFFF50]  }
0x16b: {  	v21 =	vmul.f32 v21, v15;
	v26 =	vld [tilespmem:s28+$0xFFFFFF60];
	[tilespmem:s28+$0xF0] =	vst v17  }
0x16c: {  	[tilespmem:s28+$0xFFFFFF00] =	vst v19;
	v17 =	vmul.f32 v22, v15;
	v19 =	vld [tilespmem:s28+$0xFFFFFF70]  }
0x16d: {  	[tilespmem:s28+$0xFFFFFF10] =	vst v21;
	v15 =	vmul.f32 v23, v15;
	v21 =	vld [tilespmem:s28+$0xFFFFFF80]  }
0x16e: {  	[tilespmem:s28+$0xFFFFFF20] =	vst v17;
	v17 =	vmul.f32 v24, v18;
	v22 =	vld [tilespmem:s28+$0xFFFFFF90]  }
0x16f: {  	[tilespmem:s28+$0xFFFFFF30] =	vst v15;
	v15 =	vmul.f32 v25, v18;
	v23 =	vld [tilespmem:s28+$0xFFFFFFA0]  }
0x170: {  	[tilespmem:s28+$0xFFFFFF40] =	vst v17;
	v17 =	vmul.f32 v26, v18;
	v24 =	vld [tilespmem:s28+$0xFFFFFFB0]  }
0x171: {  	s15 =	sadd.s32 $0x1, s3;
	v25 =	vmov s3;
	[tilespmem:s28+$0xFFFFFF50] =	vst v15;
	v15 =	vmul.f32 v19, v18;
	v18 =	vld [tilespmem:s28+$0xFFFFFFC0]  }
0x172: {  	s16 =	sadd.s32 $0x3, s3;
	v19 =	vshrl.u32 v25, $0x3;
	v25 =	vmov s15;
	s15 =	sadd.s32 $0x2, s3;
	[tilespmem:s28+$0xFFFFFF60] =	vst v17;
	v17 =	vmul.f32 v21, v20;
	v21 =	vld [tilespmem:s28+$0xFFFFFFD0]  }
0x173: {  	v27 =	vmov s16;
	s16 =	sadd.s32 $0x5, s3;
	v26 =	vmov s15;
	s15 =	sadd.s32 $0x4, s3;
	[tilespmem:s28+$0xFFFFFF70] =	vst v15;
	v15 =	vmul.f32 v22, v20;
	v22 =	vld [tilespmem:s28+$0xFFFFFFE0]  }
0x174: {  	v29 =	vmov s16;
	v28 =	vmov s15;
	s15 =	sadd.s32 $0x6, s3;
	[tilespmem:s28+$0xFFFFFF80] =	vst v17;
	v17 =	vmul.f32 v23, v20;
	v23 =	vld [tilespmem:s28+$0xFFFFFFF0]  }
0x175: {  	v19 =	vshll.u32 v19, v1;
	v30 =	vmov s15;
	[tilespmem:s28+$0xFFFFFF90] =	vst v15;
	v15 =	vmul.f32 v24, v20;
	v20 =	vld [tilespmem:s28+$0x0]  }
0x176: {  	v24 =	vshrl.u32 v25, $0x3;
	v25 =	vshrl.u32 v26, $0x3;
	[tilespmem:s28+$0xFFFFFFA0] =	vst v17;
	v17 =	vmul.f32 v18, v16;
	v18 =	vld [tilespmem:s28+$0x10]  }
0x177: {  	v26 =	vshrl.u32 v27, $0x3;
	v27 =	vshrl.u32 v28, $0x3;
	[tilespmem:s28+$0xFFFFFFB0] =	vst v15;
	v15 =	vmul.f32 v21, v16;
	v21 =	vld [tilespmem:s28+$0x20]  }
0x178: {  	v28 =	vshrl.u32 v29, $0x3;
	v29 =	vshrl.u32 v30, $0x3;
	[tilespmem:s28+$0xFFFFFFC0] =	vst v17;
	v17 =	vmul.f32 v22, v16;
	v22 =	vld [tilespmem:s28+$0x30]  }
0x179: {  	v19 =	vadd.s32 v4, v19;
	v24 =	vshll.u32 v24, v1;
	[tilespmem:s28+$0xFFFFFFD0] =	vst v15;
	v15 =	vmul.f32 v23, v16;
	v23 =	vld [tilespmem:s28+$0x40]  }
0x17a: {  	v25 =	vshll.u32 v25, v1;
	v26 =	vshll.u32 v26, v1;
	[tilespmem:s28+$0xFFFFFFE0] =	vst v17;
	v16 =	vmul.f32 v20, v14;
	v20 =	vld [tilespmem:s28+$0x50]  }
0x17b: {  	v17 =	vshll.u32 v27, v1;
	v27 =	vshll.u32 v28, v1;
	[tilespmem:s28+$0xFFFFFFF0] =	vst v15;
	v18 =	vmul.f32 v18, v14;
	v28 =	vld [tilespmem:s28+$0x60]  }
.Ltmp4:
0x17c: {  	v29 =	vshll.u32 v29, v1;
	v15 =	vbroadcast v19, $0x0;
	[tilespmem:s28+$0x0] =	vst v16;
	v19 =	vmul.f32 v21, v14;
	v16 =	vld [tilespmem:s28+$0x70];
	(pc) =	sbr.rel @p1 .LBB2_11-.Ltmp4, $4  }
0x17d: {  	v21 =	vadd.s32 v5, v24;
	v24 =	vadd.s32 v6, v25;
	[tilespmem:s28+$0x10] =	vst v18;
	v18 =	vmul.f32 v22, v14;
	v14 =	vld [tilespmem:s28+$0x80]  }
0x17e: {  	v26 =	vadd.s32 v7, v26;
	v22 =	vadd.s32 v8, v17;
	[tilespmem:s28+$0x20] =	vst v19;
	v30 =	vmul.f32 v23, v13;
	v17 =	vld [tilespmem:s28+$0x90]  }
0x17f: {  	v19 =	vbroadcast v21, $0x0;
	v23 =	vadd.s32 v9, v27;
	[tilespmem:s28+$0x30] =	vst v18;
	v25 =	vmul.f32 v20, v13;
	v18 =	vld [tilespmem:s28+$0xA0]  }
0x180: {  	s15 =	sadd.s32 $0x7, s3;
	s3 =	sadd.s32 $0x8, s3;
	v21 =	vbroadcast v24, $0x0;
	v24 =	vadd.s32 v10, v29;
	[tilespmem:s28+$0x40] =	vst v30;
	v27 =	vmul.f32 v28, v13;
	v20 =	vld [tilespmem:s28+$0xB0]  }
0x181: {  	_ = 	snop  }
0x182: {  	v6 =	vld [tilespmem:s28+$0xC0]  }
0x183: {  	v8 =	vld [tilespmem:s28+$0xD0]  }
0x184: {  	v5 =	vmov s15;
	v10 =	vld [tilespmem:s28+$0xE0];
	v13 =	vmul.f32 v16, v13  }
0x185: {  	v4 =	vbroadcast v26, $0x0;
	v7 =	vbroadcast v22, $0x0;
	v15 =	vld.idx.msk [tilespmem:v15+s18+$0x0], $0xffff;
	s3 =	sadd.s32 $0x200, s28;
	v5 =	vshrl.u32 v5, $0x3  }
0x186: {  	v14 =	vmul.f32 v14, v12;
	v5 =	vshll.u32 v5, v1;
	[tilespmem:s28+$0x70] =	vst v13;
	v13 =	vmul.f32 v17, v12;
	v17 =	vld [tilespmem:s3+$0xF0]  }
0x187: {  	v9 =	vbroadcast v23, $0x0;
	v3 =	vadd.s32 v3, v5;
	v5 =	vld.idx.msk [tilespmem:v19+s18+$0x0], $0xffff  }
0x188: {  	v19 =	vld.idx.msk [tilespmem:v21+s18+$0x0], $0xffff;
	[tilespmem:s28+$0x80] =	vst v14;
	v14 =	vmul.f32 v18, v12;
	v3 =	vbroadcast v3, $0x0  }
0x189: {  	v22 =	vbroadcast v24, $0x0;
	[tilespmem:s28+$0x90] =	vst v13;
	v13 =	vld [tilespmem:s3+$0xFFFFFF00]  }
0x18a: {  	[tilespmem:s28+$0xA0] =	vst v14;
	v14 =	vld [tilespmem:s3+$0xFFFFFF10]  }
0x18b: {  	v4 =	vld.idx.msk [tilespmem:v4+s18+$0x0], $0xffff  }
0x18c: {  	v7 =	vld.idx.msk [tilespmem:v7+s18+$0x0], $0xffff  }
0x18d: {  	v12 =	vmul.f32 v20, v12;
	v9 =	vld.idx.msk [tilespmem:v9+s18+$0x0], $0xffff  }
0x18e: {  	[tilespmem:s28+$0x50] =	vst v25;
	v6 =	vmul.f32 v6, v11;
	v3 =	vld.idx.msk [tilespmem:v3+s18+$0x0], $0xffff  }
0x18f: {  	v8 =	vmul.f32 v8, v11;
	v16 =	vld.idx.msk [tilespmem:v22+s18+$0x0], $0xffff;
	[tilespmem:s28+$0xB0] =	vst v12  }
0x190: {  	v12 =	vld [tilespmem:s3+$0xFFFFFF20];
	[tilespmem:s28+$0xC0] =	vst v6;
	v6 =	vmul.f32 v10, v11  }
0x191: {  	v10 =	vld [tilespmem:s3+$0xFFFFFF30];
	[tilespmem:s28+$0xD0] =	vst v8  }
0x192: {  	v8 =	vld [tilespmem:s3+$0xFFFFFF40];
	[tilespmem:s28+$0xE0] =	vst v6;
	v6 =	vmul.f32 v13, v15  }
0x193: {  	[tilespmem:s28+$0x60] =	vst v27;
	v13 =	vld [tilespmem:s3+$0xFFFFFF50];
	v11 =	vmul.f32 v17, v3  }
0x194: {  	v14 =	vmul.f32 v14, v15;
	[tilespmem:s3+$0xFFFFFF00] =	vst v6;
	v17 =	vld [tilespmem:s3+$0xFFFFFF60]  }
0x195: {  	v6 =	vmul.f32 v12, v15;
	[tilespmem:s3+$0xF0] =	vst v11;
	v11 =	vld [tilespmem:s3+$0xFFFFFF70]  }
0x196: {  	v12 =	vld [tilespmem:s3+$0xFFFFFF80];
	[tilespmem:s3+$0xFFFFFF10] =	vst v14;
	v10 =	vmul.f32 v10, v15  }
0x197: {  	[tilespmem:s3+$0xFFFFFF20] =	vst v6;
	v6 =	vmul.f32 v8, v5;
	v8 =	vld [tilespmem:s3+$0xFFFFFF90]  }
0x198: {  	[tilespmem:s3+$0xFFFFFF30] =	vst v10;
	v10 =	vmul.f32 v13, v5;
	v13 =	vld [tilespmem:s3+$0xFFFFFFA0]  }
0x199: {  	v14 =	vld [tilespmem:s3+$0xFFFFFFB0];
	[tilespmem:s3+$0xFFFFFF40] =	vst v6;
	v6 =	vmul.f32 v17, v5  }
0x19a: {  	[tilespmem:s3+$0xFFFFFF50] =	vst v10;
	v10 =	vld [tilespmem:s3+$0xFFFFFFC0];
	v5 =	vmul.f32 v11, v5  }
0x19b: {  	[tilespmem:s3+$0xFFFFFF60] =	vst v6;
	v6 =	vmul.f32 v12, v19;
	v11 =	vld [tilespmem:s3+$0xFFFFFFD0]  }
0x19c: {  	[tilespmem:s3+$0xFFFFFF70] =	vst v5;
	v5 =	vmul.f32 v8, v19;
	v8 =	vld [tilespmem:s3+$0xFFFFFFE0]  }
0x19d: {  	v12 =	vld [tilespmem:s3+$0xFFFFFFF0];
	[tilespmem:s3+$0xFFFFFF80] =	vst v6;
	v6 =	vmul.f32 v13, v19  }
0x19e: {  	v13 =	vld [tilespmem:s3+$0x0];
	[tilespmem:s3+$0xFFFFFF90] =	vst v5;
	v5 =	vmul.f32 v14, v19  }
0x19f: {  	[tilespmem:s3+$0xFFFFFFA0] =	vst v6;
	v6 =	vmul.f32 v10, v4;
	v10 =	vld [tilespmem:s3+$0x10]  }
0x1a0: {  	[tilespmem:s3+$0xFFFFFFB0] =	vst v5;
	v5 =	vmul.f32 v11, v4;
	v11 =	vld [tilespmem:s3+$0x20]  }
0x1a1: {  	[tilespmem:s3+$0xFFFFFFC0] =	vst v6;
	v6 =	vmul.f32 v8, v4;
	v8 =	vld [tilespmem:s3+$0x30]  }
0x1a2: {  	v4 =	vmul.f32 v12, v4;
	[tilespmem:s3+$0xFFFFFFD0] =	vst v5;
	v5 =	vld [tilespmem:s3+$0x40]  }
0x1a3: {  	v12 =	vld [tilespmem:s3+$0x50];
	[tilespmem:s3+$0xFFFFFFE0] =	vst v6;
	v6 =	vmul.f32 v13, v7  }
0x1a4: {  	[tilespmem:s3+$0xFFFFFFF0] =	vst v4;
	v4 =	vmul.f32 v10, v7;
	v10 =	vld [tilespmem:s3+$0x60]  }
0x1a5: {  	[tilespmem:s3+$0x0] =	vst v6;
	v6 =	vmul.f32 v11, v7;
	v11 =	vld [tilespmem:s3+$0x70]  }
0x1a6: {  	[tilespmem:s3+$0x10] =	vst v4;
	v4 =	vmul.f32 v8, v7;
	v7 =	vld [tilespmem:s3+$0x80]  }
0x1a7: {  	[tilespmem:s3+$0x20] =	vst v6;
	v5 =	vmul.f32 v5, v9;
	v6 =	vld [tilespmem:s3+$0x90]  }
0x1a8: {  	v8 =	vld [tilespmem:s3+$0xA0];
	[tilespmem:s3+$0x30] =	vst v4;
	v4 =	vmul.f32 v12, v9  }
0x1a9: {  	[tilespmem:s3+$0x40] =	vst v5;
	v5 =	vmul.f32 v10, v9;
	v10 =	vld [tilespmem:s3+$0xB0]  }
0x1aa: {  	[tilespmem:s3+$0x50] =	vst v4;
	v4 =	vmul.f32 v11, v9;
	v9 =	vld [tilespmem:s3+$0xC0]  }
0x1ab: {  	[tilespmem:s3+$0x60] =	vst v5;
	v5 =	vmul.f32 v7, v16;
	v7 =	vld [tilespmem:s3+$0xD0]  }
0x1ac: {  	[tilespmem:s3+$0x70] =	vst v4;
	v4 =	vmul.f32 v6, v16;
	v6 =	vld [tilespmem:s3+$0xE0]  }
0x1ad: {  	[tilespmem:s3+$0x80] =	vst v5;
	v5 =	vmul.f32 v8, v16  }
0x1ae: {  	[tilespmem:s3+$0x90] =	vst v4;
	v4 =	vmul.f32 v10, v16  }
0x1af: {  	[tilespmem:s3+$0xA0] =	vst v5;
	v5 =	vmul.f32 v9, v3  }
0x1b0: {  	[tilespmem:s3+$0xB0] =	vst v4;
	v4 =	vmul.f32 v7, v3  }
0x1b1: {  	[tilespmem:s3+$0xC0] =	vst v5;
	v3 =	vmul.f32 v6, v3  }
0x1b2: {  	[tilespmem:s3+$0xD0] =	vst v4  }
0x1b3: {  	s10 =	sadd.s32 $0x138D0, s10;
	[tilespmem:s3+$0xE0] =	vst v3;
	s3 =	simm.s32 @!p0 $0x5  }
0x1b4: {  	[spmem:s2] =	stream.indirect.scatter.add.f32 [tilespmem:s30], [sflag:$0x6], $0x40, s10, s4, $0xb8;
	[tilespmem:$0x1EDC0] =	vst v63  }
0x1b5: {  	s28 =	simm.s32 $0x3;
	_ =	swait.ge @!p0 [sflag:s3], $0x1400  }
0x1b6: {  	s19 =	simm.s32 $0x2;
	v14 =	vmov s28;
	[sflag:s3] =	ssyncset.done @!p0 $0x0  }
0x1b7: {  	v14 =	vshrl.u32 v14, $0x3;
	v13 =	vmov s19;
	s19 =	simm.s32 $0x6;
	[sflag:s3] =	ssyncadd.s32 @!p0 $0xFFFFEC00  }
0x1b8: {  	s16 =	simm.s32 $0x1;
	v14 =	vshll.u32 v14, v1;
	v17 =	vmov s19;
	v13 =	vshrl.u32 v13, $0x3;
	_ =	swait.ge @!p0 [sflag:s24], $0x140  }
0x1b9: {  	s15 =	simm.s32 $0x0;
	v17 =	vshrl.u32 v17, $0x3;
	v13 =	vshll.u32 v13, v1;
	v12 =	vmov s16;
	[sflag:s24] =	ssyncset.done @!p0 $0x0  }
0x1ba: {  	v17 =	vshll.u32 v17, v1;
	v12 =	vshrl.u32 v12, $0x3;
	v11 =	vmov s15;
	s15 =	simm.s32 $0x4;
	[sflag:s24] =	ssyncadd.s32 @!p0 $0xFFFFFEC0  }
0x1bb: {  	v12 =	vshll.u32 v12, v1;
	v11 =	vshrl.u32 v11, $0x3;
	v15 =	vmov s15;
	_ =	swait.ge @!p0 [sflag:s24], $0x140  }
0x1bc: {  	s16 =	simm.s32 $0x5;
	v11 =	vshll.u32 v11, v1;
	v15 =	vshrl.u32 v15, $0x3;
	v8 =	vadd.s32 $0xA4, v2;
	[sflag:s24] =	ssyncset.done @!p0 $0x0  }
0x1bd: {  	v15 =	vshll.u32 v15, v1;
	v16 =	vmov s16;
	v4 =	vadd.s32 $0xA0, v2;
	s3 =	smul.u32 @!p0 $0x500, s26;
	[sflag:s24] =	ssyncadd.s32 @!p0 $0xFFFFFEC0  }
0x1be: {  	v15 =	vadd.s32 v8, v15;
	v5 =	vadd.s32 $0xA1, v2;
	v11 =	vadd.s32 v4, v11;
	_ =	swait.ge @!p0 [sflag:s24], $0x140  }
0x1bf: {  	s15 =	simm.s32 @!p0 $0x50;
	v6 =	vadd.s32 $0xA2, v2;
	v12 =	vadd.s32 v5, v12;
	v11 =	vbroadcast v11, $0x0;
	s10 =	sshrl.u32 @!p0 s3, $0x2;
	[sflag:s24] =	ssyncset.done @!p0 $0x0  }
0x1c0: {  	s16 =	simm.s32 @!p0 $0x14000;
	v7 =	vadd.s32 $0xA3, v2;
	v13 =	vadd.s32 v6, v13;
	v12 =	vbroadcast v12, $0x0;
	s3 =	sadd.s32 @!p0 $0x13B00, s10;
	[sflag:s24] =	ssyncadd.s32 @!p0 $0xFFFFFEC0  }
0x1c1: {  	v16 =	vshrl.u32 v16, $0x3;
	v14 =	vadd.s32 v7, v14;
	v13 =	vbroadcast v13, $0x0;
	[tilespmem:s16], [sflag:$0x1] =	stream.indirect.gather @!p0 [spmem:s1], $0x40, s3, s15, $0xb8;
	[tilespmem:$0x1EDC0] =	vst v63  }
0x1c2: {  	v9 =	vadd.s32 $0xA5, v2;
	v16 =	vshll.u32 v16, v1;
	v14 =	vbroadcast v14, $0x0;
	s24 =	simm.s32 $0x7;
	_ =	swait.ge [sflag:s12], $0x1400  }
0x1c3: {  	v15 =	vbroadcast v15, $0x0;
	v16 =	vadd.s32 v9, v16;
	v18 =	vmov s24;
	[sflag:s12] =	ssyncset.done $0x0  }
0x1c4: {  	v10 =	vadd.s32 $0xA6, v2;
	v16 =	vbroadcast v16, $0x0;
	v18 =	vshrl.u32 v18, $0x3;
	[sflag:s12] =	ssyncadd.s32 $0xFFFFEC00  }
0x1c5: {  	v17 =	vadd.s32 v10, v17;
	v3 =	vadd.s32 $0xA7, v2;
	v18 =	vshll.u32 v18, v1;
	v19 =	vld.idx.msk [tilespmem:v11+s18+$0x0], $0xffff  }
0x1c6: {  	v11 =	vbroadcast v17, $0x0;
	v17 =	vadd.s32 v3, v18;
	v18 =	vld.idx.msk [tilespmem:v12+s18+$0x0], $0xffff  }
0x1c7: {  	v20 =	vld.idx.msk [tilespmem:v13+s18+$0x0], $0xffff  }
0x1c8: {  	v14 =	vld.idx.msk [tilespmem:v14+s18+$0x0], $0xffff;
	v17 =	vbroadcast v17, $0x0  }
0x1c9: {  	v21 =	vld.idx.msk [tilespmem:v15+s18+$0x0], $0xffff  }
0x1ca: {  	s24 =	simm.s32 $0x16900;
	v13 =	vld.idx.msk [tilespmem:v16+s18+$0x0], $0xffff  }
0x1cb: {  	v15 =	vld [tilespmem:s24+$0xF0]  }
0x1cc: {  	v16 =	vld [tilespmem:s24+$0xFFFFFF00]  }
0x1cd: {  	v12 =	vld.idx.msk [tilespmem:v11+s18+$0x0], $0xffff  }
0x1ce: {  	v11 =	vld.idx.msk [tilespmem:v17+s18+$0x0], $0xffff  }
0x1cf: {  	v17 =	vld [tilespmem:s24+$0xFFFFFF10]  }
0x1d0: {  	v22 =	vld [tilespmem:s24+$0xFFFFFF20]  }
0x1d1: {  	v23 =	vld [tilespmem:s24+$0xFFFFFF30]  }
0x1d2: {  	v24 =	vld [tilespmem:s24+$0xFFFFFF40];
	v16 =	vmul.f32 v16, v19  }
0x1d3: {  	v25 =	vld [tilespmem:s24+$0xFFFFFF50];
	v15 =	vmul.f32 v15, v11  }
0x1d4: {  	v26 =	vld [tilespmem:s24+$0xFFFFFF60];
	[tilespmem:s24+$0xFFFFFF00] =	vst v16;
	v17 =	vmul.f32 v17, v19  }
0x1d5: {  	v16 =	vld [tilespmem:s24+$0xFFFFFF70];
	[tilespmem:s24+$0xF0] =	vst v15;
	v15 =	vmul.f32 v22, v19  }
0x1d6: {  	[tilespmem:s24+$0xFFFFFF10] =	vst v17;
	v17 =	vmul.f32 v23, v19;
	v19 =	vld [tilespmem:s24+$0xFFFFFF80]  }
0x1d7: {  	v22 =	vld [tilespmem:s24+$0xFFFFFF90];
	[tilespmem:s24+$0xFFFFFF20] =	vst v15;
	v15 =	vmul.f32 v24, v18  }
0x1d8: {  	v23 =	vld [tilespmem:s24+$0xFFFFFFA0];
	[tilespmem:s24+$0xFFFFFF30] =	vst v17;
	v17 =	vmul.f32 v25, v18  }
0x1d9: {  	s19 =	simm.s32 $0xC;
	v24 =	vld [tilespmem:s24+$0xFFFFFFB0];
	[tilespmem:s24+$0xFFFFFF40] =	vst v15;
	v15 =	vmul.f32 v26, v18  }
0x1da: {  	v28 =	vmov s19;
	s26 =	simm.s32 $0x8;
	s16 =	simm.s32 $0xB;
	v16 =	vmul.f32 v16, v18;
	[tilespmem:s24+$0xFFFFFF50] =	vst v17;
	v17 =	vld [tilespmem:s24+$0xFFFFFFC0]  }
0x1db: {  	v27 =	vmov s16;
	v25 =	vmov s26;
	s26 =	simm.s32 $0xD;
	[tilespmem:s24+$0xFFFFFF60] =	vst v15;
	v15 =	vmul.f32 v19, v20;
	v19 =	vld [tilespmem:s24+$0xFFFFFFD0]  }
0x1dc: {  	s28 =	simm.s32 $0x9;
	s15 =	simm.s32 $0xA;
	[tilespmem:s24+$0xFFFFFF70] =	vst v16;
	v29 =	vmov s26;
	v18 =	vshrl.u32 v25, $0x3;
	v16 =	vmul.f32 v22, v20;
	v22 =	vld [tilespmem:s24+$0xFFFFFFE0]  }
0x1dd: {  	v25 =	vmov s28;
	v26 =	vmov s15;
	s28 =	simm.s32 $0xE;
	[tilespmem:s24+$0xFFFFFF80] =	vst v15;
	v15 =	vmul.f32 v23, v20;
	v23 =	vld [tilespmem:s24+$0xFFFFFFF0]  }
0x1de: {  	v18 =	vshll.u32 v18, v1;
	v30 =	vmov s28;
	[tilespmem:s24+$0xFFFFFF90] =	vst v16;
	v16 =	vmul.f32 v24, v20;
	v20 =	vld [tilespmem:s24+$0x0]  }
0x1df: {  	v18 =	vadd.s32 v4, v18;
	v24 =	vshrl.u32 v25, $0x3;
	[tilespmem:s24+$0xFFFFFFA0] =	vst v15;
	v15 =	vmul.f32 v17, v14;
	v17 =	vld [tilespmem:s24+$0x10]  }
0x1e0: {  	v25 =	vshrl.u32 v26, $0x3;
	v26 =	vshrl.u32 v27, $0x3;
	[tilespmem:s24+$0xFFFFFFB0] =	vst v16;
	v16 =	vmul.f32 v19, v14;
	v19 =	vld [tilespmem:s24+$0x20]  }
0x1e1: {  	v27 =	vshrl.u32 v28, $0x3;
	v28 =	vshrl.u32 v29, $0x3;
	[tilespmem:s24+$0xFFFFFFC0] =	vst v15;
	v15 =	vmul.f32 v22, v14;
	v22 =	vld [tilespmem:s24+$0x30]  }
0x1e2: {  	v29 =	vshrl.u32 v30, $0x3;
	v24 =	vshll.u32 v24, v1;
	[tilespmem:s24+$0xFFFFFFD0] =	vst v16;
	v14 =	vmul.f32 v23, v14;
	v23 =	vld [tilespmem:s24+$0x40]  }
0x1e3: {  	v25 =	vshll.u32 v25, v1;
	v26 =	vshll.u32 v26, v1;
	v16 =	vmul.f32 v20, v21;
	v20 =	vld [tilespmem:s24+$0x50];
	[tilespmem:s24+$0xFFFFFFE0] =	vst v15  }
0x1e4: {  	v63 =	vld [tilespmem:s24+$0x60];
	v27 =	vshll.u32 v27, v1;
	v28 =	vshll.u32 v28, v1;
	[tilespmem:s24+$0xFFFFFFF0] =	vst v14;
	v14 =	vmul.f32 v17, v21  }
0x1e5: {  	v29 =	vshll.u32 v29, v1;
	v26 =	vadd.s32 v7, v26;
	[tilespmem:s24+$0x0] =	vst v16;
	v16 =	vld [tilespmem:s24+$0x70];
	v17 =	vmul.f32 v19, v21  }
0x1e6: {  	v15 =	vbroadcast v18, $0x0;
	v18 =	vadd.s32 v5, v24;
	[tilespmem:s24+$0x10] =	vst v14;
	v21 =	vmul.f32 v22, v21;
	v14 =	vld [tilespmem:s24+$0x80]  }
0x1e7: {  	v24 =	vadd.s32 v6, v25;
	v22 =	vadd.s32 v8, v27;
	[tilespmem:s24+$0x20] =	vst v17;
	v27 =	vmul.f32 v23, v13;
	v17 =	vld [tilespmem:s24+$0x90]  }
0x1e8: {  	v19 =	vbroadcast v18, $0x0;
	v18 =	vld [tilespmem:s24+$0xA0];
	v23 =	vadd.s32 v9, v28;
	v25 =	vmul.f32 v20, v13;
	[tilespmem:s24+$0x30] =	vst v21  }
0x1e9: {  	s3 =	simm.s32 $0x10;
	s15 =	simm.s32 $0xF;
	v20 =	vld [tilespmem:s24+$0xB0];
	v21 =	vbroadcast v24, $0x0;
	v24 =	vadd.s32 v10, v29;
	[tilespmem:s24+$0x40] =	vst v27;
	v27 =	vmul.f32 v63, v13  }
.LBB2_13:
0x1ea: {  	p1 =	slt.u32 s3, $0x48;
	v26 =	vbroadcast v26, $0x0;
	v28 =	vmov s15;
	[tilespmem:s24+$0x50] =	vst v25;
	v13 =	vmul.f32 v16, v13;
	v16 =	vld [tilespmem:s24+$0xC0]  }
0x1eb: {  	v22 =	vbroadcast v22, $0x0;
	v25 =	vshrl.u32 v28, $0x3;
	[tilespmem:s24+$0x60] =	vst v27;
	v14 =	vmul.f32 v14, v12;
	v27 =	vld [tilespmem:s24+$0xD0]  }
0x1ec: {  	v23 =	vbroadcast v23, $0x0;
	v25 =	vshll.u32 v25, v1;
	[tilespmem:s24+$0x70] =	vst v13;
	v13 =	vmul.f32 v17, v12;
	v17 =	vld [tilespmem:s24+$0xE0]  }
0x1ed: {  	v24 =	vbroadcast v24, $0x0;
	v15 =	vld.idx.msk [tilespmem:v15+s18+$0x0], $0xffff;
	v25 =	vadd.s32 v3, v25;
	[tilespmem:s24+$0x80] =	vst v14;
	v14 =	vmul.f32 v18, v12  }
0x1ee: {  	v18 =	vld.idx.msk [tilespmem:v19+s18+$0x0], $0xffff;
	v19 =	vbroadcast v25, $0x0;
	[tilespmem:s24+$0x90] =	vst v13;
	v12 =	vmul.f32 v20, v12  }
0x1ef: {  	v20 =	vld.idx.msk [tilespmem:v21+s18+$0x0], $0xffff;
	[tilespmem:s24+$0xA0] =	vst v14;
	v13 =	vmul.f32 v16, v11  }
0x1f0: {  	v16 =	vld.idx.msk [tilespmem:v26+s18+$0x0], $0xffff;
	[tilespmem:s24+$0xB0] =	vst v12;
	v12 =	vmul.f32 v27, v11  }
0x1f1: {  	v14 =	vld.idx.msk [tilespmem:v22+s18+$0x0], $0xffff;
	[tilespmem:s24+$0xC0] =	vst v13;
	v11 =	vmul.f32 v17, v11  }
0x1f2: {  	v13 =	vld.idx.msk [tilespmem:v23+s18+$0x0], $0xffff;
	[tilespmem:s24+$0xD0] =	vst v12  }
0x1f3: {  	v12 =	vld.idx.msk [tilespmem:v24+s18+$0x0], $0xffff;
	[tilespmem:s24+$0xE0] =	vst v11  }
0x1f4: {  	s24 =	sadd.s32 $0x200, s24;
	v11 =	vld.idx.msk [tilespmem:v19+s18+$0x0], $0xffff  }
0x1f5: {  	v17 =	vld [tilespmem:s24+$0xF0]  }
0x1f6: {  	v19 =	vld [tilespmem:s24+$0xFFFFFF00]  }
0x1f7: {  	v21 =	vld [tilespmem:s24+$0xFFFFFF10]  }
0x1f8: {  	v22 =	vld [tilespmem:s24+$0xFFFFFF20]  }
0x1f9: {  	v23 =	vld [tilespmem:s24+$0xFFFFFF30]  }
0x1fa: {  	v24 =	vld [tilespmem:s24+$0xFFFFFF40];
	v17 =	vmul.f32 v17, v11  }
0x1fb: {  	v19 =	vmul.f32 v19, v15;
	v25 =	vld [tilespmem:s24+$0xFFFFFF50]  }
0x1fc: {  	v21 =	vmul.f32 v21, v15;
	v26 =	vld [tilespmem:s24+$0xFFFFFF60];
	[tilespmem:s24+$0xF0] =	vst v17  }
0x1fd: {  	[tilespmem:s24+$0xFFFFFF00] =	vst v19;
	v17 =	vmul.f32 v22, v15;
	v19 =	vld [tilespmem:s24+$0xFFFFFF70]  }
0x1fe: {  	[tilespmem:s24+$0xFFFFFF10] =	vst v21;
	v15 =	vmul.f32 v23, v15;
	v21 =	vld [tilespmem:s24+$0xFFFFFF80]  }
0x1ff: {  	[tilespmem:s24+$0xFFFFFF20] =	vst v17;
	v17 =	vmul.f32 v24, v18;
	v22 =	vld [tilespmem:s24+$0xFFFFFF90]  }
0x200: {  	[tilespmem:s24+$0xFFFFFF30] =	vst v15;
	v15 =	vmul.f32 v25, v18;
	v23 =	vld [tilespmem:s24+$0xFFFFFFA0]  }
0x201: {  	[tilespmem:s24+$0xFFFFFF40] =	vst v17;
	v17 =	vmul.f32 v26, v18;
	v24 =	vld [tilespmem:s24+$0xFFFFFFB0]  }
0x202: {  	s15 =	sadd.s32 $0x1, s3;
	v25 =	vmov s3;
	[tilespmem:s24+$0xFFFFFF50] =	vst v15;
	v15 =	vmul.f32 v19, v18;
	v18 =	vld [tilespmem:s24+$0xFFFFFFC0]  }
0x203: {  	s16 =	sadd.s32 $0x3, s3;
	v19 =	vshrl.u32 v25, $0x3;
	v25 =	vmov s15;
	s15 =	sadd.s32 $0x2, s3;
	[tilespmem:s24+$0xFFFFFF60] =	vst v17;
	v17 =	vmul.f32 v21, v20;
	v21 =	vld [tilespmem:s24+$0xFFFFFFD0]  }
0x204: {  	v27 =	vmov s16;
	s16 =	sadd.s32 $0x5, s3;
	v26 =	vmov s15;
	s15 =	sadd.s32 $0x4, s3;
	[tilespmem:s24+$0xFFFFFF70] =	vst v15;
	v15 =	vmul.f32 v22, v20;
	v22 =	vld [tilespmem:s24+$0xFFFFFFE0]  }
0x205: {  	v29 =	vmov s16;
	v28 =	vmov s15;
	s15 =	sadd.s32 $0x6, s3;
	[tilespmem:s24+$0xFFFFFF80] =	vst v17;
	v17 =	vmul.f32 v23, v20;
	v23 =	vld [tilespmem:s24+$0xFFFFFFF0]  }
0x206: {  	v19 =	vshll.u32 v19, v1;
	v30 =	vmov s15;
	[tilespmem:s24+$0xFFFFFF90] =	vst v15;
	v15 =	vmul.f32 v24, v20;
	v20 =	vld [tilespmem:s24+$0x0]  }
0x207: {  	v24 =	vshrl.u32 v25, $0x3;
	v25 =	vshrl.u32 v26, $0x3;
	[tilespmem:s24+$0xFFFFFFA0] =	vst v17;
	v17 =	vmul.f32 v18, v16;
	v18 =	vld [tilespmem:s24+$0x10]  }
0x208: {  	v26 =	vshrl.u32 v27, $0x3;
	v27 =	vshrl.u32 v28, $0x3;
	[tilespmem:s24+$0xFFFFFFB0] =	vst v15;
	v15 =	vmul.f32 v21, v16;
	v21 =	vld [tilespmem:s24+$0x20]  }
0x209: {  	v28 =	vshrl.u32 v29, $0x3;
	v29 =	vshrl.u32 v30, $0x3;
	[tilespmem:s24+$0xFFFFFFC0] =	vst v17;
	v17 =	vmul.f32 v22, v16;
	v22 =	vld [tilespmem:s24+$0x30]  }
0x20a: {  	v19 =	vadd.s32 v4, v19;
	v24 =	vshll.u32 v24, v1;
	[tilespmem:s24+$0xFFFFFFD0] =	vst v15;
	v15 =	vmul.f32 v23, v16;
	v23 =	vld [tilespmem:s24+$0x40]  }
0x20b: {  	v25 =	vshll.u32 v25, v1;
	v26 =	vshll.u32 v26, v1;
	[tilespmem:s24+$0xFFFFFFE0] =	vst v17;
	v16 =	vmul.f32 v20, v14;
	v20 =	vld [tilespmem:s24+$0x50]  }
0x20c: {  	v17 =	vshll.u32 v27, v1;
	v27 =	vshll.u32 v28, v1;
	[tilespmem:s24+$0xFFFFFFF0] =	vst v15;
	v18 =	vmul.f32 v18, v14;
	v28 =	vld [tilespmem:s24+$0x60]  }
.Ltmp5:
0x20d: {  	v29 =	vshll.u32 v29, v1;
	v15 =	vbroadcast v19, $0x0;
	[tilespmem:s24+$0x0] =	vst v16;
	v19 =	vmul.f32 v21, v14;
	v16 =	vld [tilespmem:s24+$0x70];
	(pc) =	sbr.rel @p1 .LBB2_13-.Ltmp5, $4  }
0x20e: {  	v21 =	vadd.s32 v5, v24;
	v24 =	vadd.s32 v6, v25;
	[tilespmem:s24+$0x10] =	vst v18;
	v18 =	vmul.f32 v22, v14;
	v14 =	vld [tilespmem:s24+$0x80]  }
0x20f: {  	v26 =	vadd.s32 v7, v26;
	v22 =	vadd.s32 v8, v17;
	[tilespmem:s24+$0x20] =	vst v19;
	v30 =	vmul.f32 v23, v13;
	v17 =	vld [tilespmem:s24+$0x90]  }
0x210: {  	v19 =	vbroadcast v21, $0x0;
	v23 =	vadd.s32 v9, v27;
	[tilespmem:s24+$0x30] =	vst v18;
	v25 =	vmul.f32 v20, v13;
	v18 =	vld [tilespmem:s24+$0xA0]  }
0x211: {  	s15 =	sadd.s32 $0x7, s3;
	s3 =	sadd.s32 $0x8, s3;
	v21 =	vbroadcast v24, $0x0;
	v24 =	vadd.s32 v10, v29;
	[tilespmem:s24+$0x40] =	vst v30;
	v27 =	vmul.f32 v28, v13;
	v20 =	vld [tilespmem:s24+$0xB0]  }
0x212: {  	_ = 	snop  }
0x213: {  	v6 =	vld [tilespmem:s24+$0xC0]  }
0x214: {  	v8 =	vld [tilespmem:s24+$0xD0]  }
0x215: {  	v5 =	vmov s15;
	v10 =	vld [tilespmem:s24+$0xE0];
	v13 =	vmul.f32 v16, v13  }
0x216: {  	v4 =	vbroadcast v26, $0x0;
	v7 =	vbroadcast v22, $0x0;
	v15 =	vld.idx.msk [tilespmem:v15+s18+$0x0], $0xffff;
	s3 =	sadd.s32 $0x200, s24;
	v5 =	vshrl.u32 v5, $0x3  }
0x217: {  	v14 =	vmul.f32 v14, v12;
	v5 =	vshll.u32 v5, v1;
	[tilespmem:s24+$0x70] =	vst v13;
	v13 =	vmul.f32 v17, v12;
	v17 =	vld [tilespmem:s3+$0xF0]  }
0x218: {  	v9 =	vbroadcast v23, $0x0;
	v3 =	vadd.s32 v3, v5;
	v5 =	vld.idx.msk [tilespmem:v19+s18+$0x0], $0xffff  }
0x219: {  	v19 =	vld.idx.msk [tilespmem:v21+s18+$0x0], $0xffff;
	[tilespmem:s24+$0x80] =	vst v14;
	v14 =	vmul.f32 v18, v12;
	v3 =	vbroadcast v3, $0x0  }
0x21a: {  	v22 =	vbroadcast v24, $0x0;
	[tilespmem:s24+$0x90] =	vst v13;
	v13 =	vld [tilespmem:s3+$0xFFFFFF00]  }
0x21b: {  	[tilespmem:s24+$0xA0] =	vst v14;
	v14 =	vld [tilespmem:s3+$0xFFFFFF10]  }
0x21c: {  	v4 =	vld.idx.msk [tilespmem:v4+s18+$0x0], $0xffff  }
0x21d: {  	v7 =	vld.idx.msk [tilespmem:v7+s18+$0x0], $0xffff  }
0x21e: {  	v12 =	vmul.f32 v20, v12;
	v9 =	vld.idx.msk [tilespmem:v9+s18+$0x0], $0xffff  }
0x21f: {  	[tilespmem:s24+$0x50] =	vst v25;
	v6 =	vmul.f32 v6, v11;
	v3 =	vld.idx.msk [tilespmem:v3+s18+$0x0], $0xffff  }
0x220: {  	v8 =	vmul.f32 v8, v11;
	v16 =	vld.idx.msk [tilespmem:v22+s18+$0x0], $0xffff;
	[tilespmem:s24+$0xB0] =	vst v12  }
0x221: {  	v12 =	vld [tilespmem:s3+$0xFFFFFF20];
	[tilespmem:s24+$0xC0] =	vst v6;
	v6 =	vmul.f32 v10, v11  }
0x222: {  	v10 =	vld [tilespmem:s3+$0xFFFFFF30];
	[tilespmem:s24+$0xD0] =	vst v8  }
0x223: {  	v8 =	vld [tilespmem:s3+$0xFFFFFF40];
	[tilespmem:s24+$0xE0] =	vst v6;
	v6 =	vmul.f32 v13, v15  }
0x224: {  	[tilespmem:s24+$0x60] =	vst v27;
	v13 =	vld [tilespmem:s3+$0xFFFFFF50];
	v11 =	vmul.f32 v17, v3  }
0x225: {  	v14 =	vmul.f32 v14, v15;
	[tilespmem:s3+$0xFFFFFF00] =	vst v6;
	v17 =	vld [tilespmem:s3+$0xFFFFFF60]  }
0x226: {  	v6 =	vmul.f32 v12, v15;
	[tilespmem:s3+$0xF0] =	vst v11;
	v11 =	vld [tilespmem:s3+$0xFFFFFF70]  }
0x227: {  	v12 =	vld [tilespmem:s3+$0xFFFFFF80];
	[tilespmem:s3+$0xFFFFFF10] =	vst v14;
	v10 =	vmul.f32 v10, v15  }
0x228: {  	[tilespmem:s3+$0xFFFFFF20] =	vst v6;
	v6 =	vmul.f32 v8, v5;
	v8 =	vld [tilespmem:s3+$0xFFFFFF90]  }
0x229: {  	[tilespmem:s3+$0xFFFFFF30] =	vst v10;
	v10 =	vmul.f32 v13, v5;
	v13 =	vld [tilespmem:s3+$0xFFFFFFA0]  }
0x22a: {  	v14 =	vld [tilespmem:s3+$0xFFFFFFB0];
	[tilespmem:s3+$0xFFFFFF40] =	vst v6;
	v6 =	vmul.f32 v17, v5  }
0x22b: {  	[tilespmem:s3+$0xFFFFFF50] =	vst v10;
	v10 =	vld [tilespmem:s3+$0xFFFFFFC0];
	v5 =	vmul.f32 v11, v5  }
0x22c: {  	[tilespmem:s3+$0xFFFFFF60] =	vst v6;
	v6 =	vmul.f32 v12, v19;
	v11 =	vld [tilespmem:s3+$0xFFFFFFD0]  }
0x22d: {  	[tilespmem:s3+$0xFFFFFF70] =	vst v5;
	v5 =	vmul.f32 v8, v19;
	v8 =	vld [tilespmem:s3+$0xFFFFFFE0]  }
0x22e: {  	v12 =	vld [tilespmem:s3+$0xFFFFFFF0];
	[tilespmem:s3+$0xFFFFFF80] =	vst v6;
	v6 =	vmul.f32 v13, v19  }
0x22f: {  	v13 =	vld [tilespmem:s3+$0x0];
	[tilespmem:s3+$0xFFFFFF90] =	vst v5;
	v5 =	vmul.f32 v14, v19  }
0x230: {  	[tilespmem:s3+$0xFFFFFFA0] =	vst v6;
	v6 =	vmul.f32 v10, v4;
	v10 =	vld [tilespmem:s3+$0x10]  }
0x231: {  	[tilespmem:s3+$0xFFFFFFB0] =	vst v5;
	v5 =	vmul.f32 v11, v4;
	v11 =	vld [tilespmem:s3+$0x20]  }
0x232: {  	[tilespmem:s3+$0xFFFFFFC0] =	vst v6;
	v6 =	vmul.f32 v8, v4;
	v8 =	vld [tilespmem:s3+$0x30]  }
0x233: {  	v4 =	vmul.f32 v12, v4;
	[tilespmem:s3+$0xFFFFFFD0] =	vst v5;
	v5 =	vld [tilespmem:s3+$0x40]  }
0x234: {  	v12 =	vld [tilespmem:s3+$0x50];
	[tilespmem:s3+$0xFFFFFFE0] =	vst v6;
	v6 =	vmul.f32 v13, v7  }
0x235: {  	[tilespmem:s3+$0xFFFFFFF0] =	vst v4;
	v4 =	vmul.f32 v10, v7;
	v10 =	vld [tilespmem:s3+$0x60]  }
0x236: {  	[tilespmem:s3+$0x0] =	vst v6;
	v6 =	vmul.f32 v11, v7;
	v11 =	vld [tilespmem:s3+$0x70]  }
0x237: {  	[tilespmem:s3+$0x10] =	vst v4;
	v4 =	vmul.f32 v8, v7;
	v7 =	vld [tilespmem:s3+$0x80]  }
0x238: {  	[tilespmem:s3+$0x20] =	vst v6;
	v5 =	vmul.f32 v5, v9;
	v6 =	vld [tilespmem:s3+$0x90]  }
0x239: {  	v8 =	vld [tilespmem:s3+$0xA0];
	[tilespmem:s3+$0x30] =	vst v4;
	v4 =	vmul.f32 v12, v9  }
0x23a: {  	[tilespmem:s3+$0x40] =	vst v5;
	v5 =	vmul.f32 v10, v9;
	v10 =	vld [tilespmem:s3+$0xB0]  }
0x23b: {  	[tilespmem:s3+$0x50] =	vst v4;
	v4 =	vmul.f32 v11, v9;
	v9 =	vld [tilespmem:s3+$0xC0]  }
0x23c: {  	[tilespmem:s3+$0x60] =	vst v5;
	v5 =	vmul.f32 v7, v16;
	v7 =	vld [tilespmem:s3+$0xD0]  }
0x23d: {  	s26 =	simm.s32 $0x4;
	[tilespmem:s3+$0x70] =	vst v4;
	v4 =	vmul.f32 v6, v16;
	v6 =	vld [tilespmem:s3+$0xE0]  }
0x23e: {  	s24 =	simm.s32 $0x3;
	v14 =	vmov s26;
	[tilespmem:s3+$0x80] =	vst v5;
	v5 =	vmul.f32 v8, v16  }
0x23f: {  	v14 =	vshrl.u32 v14, $0x3;
	v13 =	vmov s24;
	[tilespmem:s3+$0x90] =	vst v4;
	v4 =	vmul.f32 v10, v16  }
0x240: {  	s15 =	sadd.s32 $0x13880, s20;
	s19 =	simm.s32 $0x1;
	s20 =	simm.s32 $0x2;
	v14 =	vshll.u32 v14, v1;
	v13 =	vshrl.u32 v13, $0x3;
	[tilespmem:s3+$0xA0] =	vst v5;
	v5 =	vmul.f32 v9, v3  }
0x241: {  	v12 =	vmov s20;
	v11 =	vmov s19;
	[tilespmem:s3+$0xB0] =	vst v4;
	v4 =	vmul.f32 v7, v3  }
0x242: {  	v12 =	vshrl.u32 v12, $0x3;
	v11 =	vshrl.u32 v11, $0x3;
	[tilespmem:s3+$0xC0] =	vst v5;
	v3 =	vmul.f32 v6, v3  }
0x243: {  	s16 =	simm.s32 $0x0;
	s28 =	simm.s32 $0x6;
	v13 =	vshll.u32 v13, v1;
	v12 =	vshll.u32 v12, v1;
	v11 =	vshll.u32 v11, v1;
	[tilespmem:s3+$0xD0] =	vst v4  }
0x244: {  	v8 =	vadd.s32 $0xF5, v2;
	v10 =	vmov s16;
	s16 =	simm.s32 $0x5;
	v16 =	vmov s28;
	[tilespmem:s3+$0xE0] =	vst v3  }
0x245: {  	v9 =	vadd.s32 $0xF6, v2;
	v10 =	vshrl.u32 v10, $0x3;
	v15 =	vmov s16;
	[spmem:s2] =	stream.indirect.scatter.add.f32 [tilespmem:s31], [sflag:$0x7], $0x40, s15, s4, $0xb8;
	[tilespmem:$0x1EDC0] =	vst v63  }
0x246: {  	v16 =	vshrl.u32 v16, $0x3;
	v10 =	vshll.u32 v10, v1;
	v3 =	vadd.s32 $0xF0, v2;
	s15 =	simm.s32 @!p0 $0x6  }
0x247: {  	v7 =	vadd.s32 $0xF4, v2;
	v4 =	vadd.s32 $0xF1, v2;
	v10 =	vadd.s32 v3, v10;
	_ =	swait.ge @!p0 [sflag:s15], $0x1400  }
0x248: {  	v5 =	vadd.s32 $0xF2, v2;
	s3 =	sadd.s32 @!p0 $0x13B50, s10;
	v11 =	vadd.s32 v4, v11;
	v10 =	vbroadcast v10, $0x0;
	[sflag:s15] =	ssyncset.done @!p0 $0x0  }
0x249: {  	v6 =	vadd.s32 $0xF3, v2;
	v12 =	vadd.s32 v5, v12;
	s10 =	simm.s32 @!p0 $0x50;
	v11 =	vbroadcast v11, $0x0;
	[sflag:s15] =	ssyncadd.s32 @!p0 $0xFFFFEC00;
	s15 =	simm.s32 @!p0 $0x15400  }
0x24a: {  	v15 =	vshrl.u32 v15, $0x3;
	v13 =	vadd.s32 v6, v13;
	v12 =	vbroadcast v12, $0x0;
	[tilespmem:s15], [sflag:$0x2] =	stream.indirect.gather @!p0 [spmem:s1], $0x40, s3, s10, $0xb8;
	[tilespmem:$0x1EDC0] =	vst v63  }
0x24b: {  	v15 =	vshll.u32 v15, v1;
	v14 =	vadd.s32 v7, v14;
	v13 =	vbroadcast v13, $0x0;
	s10 =	simm.s32 $0x7;
	_ =	swait.ge [sflag:s13], $0x1400  }
0x24c: {  	v15 =	vadd.s32 v8, v15;
	v14 =	vbroadcast v14, $0x0;
	v17 =	vmov s10;
	[sflag:s13] =	ssyncset.done $0x0  }
0x24d: {  	v16 =	vshll.u32 v16, v1;
	v15 =	vbroadcast v15, $0x0;
	v17 =	vshrl.u32 v17, $0x3;
	[sflag:s13] =	ssyncadd.s32 $0xFFFFEC00  }
0x24e: {  	v16 =	vadd.s32 v9, v16;
	v2 =	vadd.s32 $0xF7, v2;
	v17 =	vshll.u32 v17, v1;
	v18 =	vld.idx.msk [tilespmem:v10+s18+$0x0], $0xffff  }
0x24f: {  	v10 =	vbroadcast v16, $0x0;
	v16 =	vadd.s32 v2, v17;
	v17 =	vld.idx.msk [tilespmem:v11+s18+$0x0], $0xffff  }
0x250: {  	v19 =	vld.idx.msk [tilespmem:v12+s18+$0x0], $0xffff  }
0x251: {  	v13 =	vld.idx.msk [tilespmem:v13+s18+$0x0], $0xffff;
	v16 =	vbroadcast v16, $0x0  }
0x252: {  	v20 =	vld.idx.msk [tilespmem:v14+s18+$0x0], $0xffff  }
0x253: {  	s10 =	simm.s32 $0x17D00;
	v12 =	vld.idx.msk [tilespmem:v15+s18+$0x0], $0xffff  }
0x254: {  	v14 =	vld [tilespmem:s10+$0xF0]  }
0x255: {  	v15 =	vld [tilespmem:s10+$0xFFFFFF00]  }
0x256: {  	v11 =	vld.idx.msk [tilespmem:v10+s18+$0x0], $0xffff  }
0x257: {  	v10 =	vld.idx.msk [tilespmem:v16+s18+$0x0], $0xffff  }
0x258: {  	v16 =	vld [tilespmem:s10+$0xFFFFFF10]  }
0x259: {  	v21 =	vld [tilespmem:s10+$0xFFFFFF20]  }
0x25a: {  	v22 =	vld [tilespmem:s10+$0xFFFFFF30]  }
0x25b: {  	v23 =	vld [tilespmem:s10+$0xFFFFFF40];
	v15 =	vmul.f32 v15, v18  }
0x25c: {  	v24 =	vld [tilespmem:s10+$0xFFFFFF50];
	v14 =	vmul.f32 v14, v10  }
0x25d: {  	v25 =	vld [tilespmem:s10+$0xFFFFFF60];
	[tilespmem:s10+$0xFFFFFF00] =	vst v15;
	v16 =	vmul.f32 v16, v18  }
0x25e: {  	v15 =	vld [tilespmem:s10+$0xFFFFFF70];
	[tilespmem:s10+$0xF0] =	vst v14;
	v14 =	vmul.f32 v21, v18  }
0x25f: {  	[tilespmem:s10+$0xFFFFFF10] =	vst v16;
	v16 =	vmul.f32 v22, v18;
	v18 =	vld [tilespmem:s10+$0xFFFFFF80]  }
0x260: {  	v21 =	vld [tilespmem:s10+$0xFFFFFF90];
	[tilespmem:s10+$0xFFFFFF20] =	vst v14;
	v14 =	vmul.f32 v23, v17  }
0x261: {  	v22 =	vld [tilespmem:s10+$0xFFFFFFA0];
	[tilespmem:s10+$0xFFFFFF30] =	vst v16;
	v16 =	vmul.f32 v24, v17  }
0x262: {  	s26 =	simm.s32 $0xD;
	v23 =	vld [tilespmem:s10+$0xFFFFFFB0];
	[tilespmem:s10+$0xFFFFFF40] =	vst v14;
	v14 =	vmul.f32 v25, v17  }
0x263: {  	v28 =	vmov s26;
	s24 =	simm.s32 $0xC;
	s20 =	simm.s32 $0xB;
	v15 =	vmul.f32 v15, v17;
	[tilespmem:s10+$0xFFFFFF50] =	vst v16;
	v16 =	vld [tilespmem:s10+$0xFFFFFFC0]  }
0x264: {  	v27 =	vmov s24;
	v26 =	vmov s20;
	s28 =	simm.s32 $0xE;
	s15 =	simm.s32 $0x8;
	[tilespmem:s10+$0xFFFFFF60] =	vst v14;
	v14 =	vmul.f32 v18, v19;
	v18 =	vld [tilespmem:s10+$0xFFFFFFD0]  }
0x265: {  	v29 =	vmov s28;
	[tilespmem:s10+$0xFFFFFF70] =	vst v15;
	v24 =	vmov s15;
	v15 =	vmul.f32 v21, v19;
	v21 =	vld [tilespmem:s10+$0xFFFFFFE0]  }
0x266: {  	s16 =	simm.s32 $0x9;
	v62 =	vshrl.u32 v29, $0x3;
	v17 =	vshrl.u32 v24, $0x3;
	[tilespmem:s10+$0xFFFFFF80] =	vst v14;
	v14 =	vmul.f32 v22, v19;
	v22 =	vld [tilespmem:s10+$0xFFFFFFF0]  }
0x267: {  	s19 =	simm.s32 $0xA;
	v24 =	vmov s16;
	v17 =	vshll.u32 v17, v1;
	[tilespmem:s10+$0xFFFFFF90] =	vst v15;
	v15 =	vmul.f32 v23, v19;
	v19 =	vld [tilespmem:s10+$0x0]  }
0x268: {  	v25 =	vmov s19;
	v17 =	vadd.s32 v3, v17;
	[tilespmem:s10+$0xFFFFFFA0] =	vst v14;
	v14 =	vmul.f32 v16, v13;
	v16 =	vld [tilespmem:s10+$0x10]  }
0x269: {  	v23 =	vshrl.u32 v24, $0x3;
	v24 =	vshrl.u32 v25, $0x3;
	[tilespmem:s10+$0xFFFFFFB0] =	vst v15;
	v15 =	vmul.f32 v18, v13;
	v18 =	vld [tilespmem:s10+$0x20]  }
0x26a: {  	v25 =	vshrl.u32 v26, $0x3;
	v26 =	vshrl.u32 v27, $0x3;
	[tilespmem:s10+$0xFFFFFFC0] =	vst v14;
	v14 =	vmul.f32 v21, v13;
	v21 =	vld [tilespmem:s10+$0x30]  }
0x26b: {  	v27 =	vshrl.u32 v28, $0x3;
	v28 =	vshll.u32 v62, v1;
	[tilespmem:s10+$0xFFFFFFD0] =	vst v15;
	v13 =	vmul.f32 v22, v13;
	v22 =	vld [tilespmem:s10+$0x40]  }
0x26c: {  	v23 =	vshll.u32 v23, v1;
	v24 =	vshll.u32 v24, v1;
	v15 =	vmul.f32 v19, v20;
	v19 =	vld [tilespmem:s10+$0x50];
	[tilespmem:s10+$0xFFFFFFE0] =	vst v14  }
0x26d: {  	v63 =	vld [tilespmem:s10+$0x60];
	v25 =	vshll.u32 v25, v1;
	v26 =	vshll.u32 v26, v1;
	[tilespmem:s10+$0xFFFFFFF0] =	vst v13;
	v13 =	vmul.f32 v16, v20  }
0x26e: {  	v27 =	vshll.u32 v27, v1;
	v30 =	vadd.s32 v5, v24;
	[tilespmem:s10+$0x0] =	vst v15;
	v15 =	vld [tilespmem:s10+$0x70];
	v16 =	vmul.f32 v18, v20  }
0x26f: {  	v25 =	vadd.s32 v6, v25;
	v14 =	vbroadcast v17, $0x0;
	[tilespmem:s10+$0x10] =	vst v13;
	v20 =	vmul.f32 v21, v20;
	v13 =	vld [tilespmem:s10+$0x80]  }
0x270: {  	v17 =	vadd.s32 v4, v23;
	v21 =	vadd.s32 v7, v26;
	[tilespmem:s10+$0x20] =	vst v16;
	v26 =	vmul.f32 v22, v12;
	v16 =	vld [tilespmem:s10+$0x90]  }
0x271: {  	v23 =	vadd.s32 v8, v27;
	v18 =	vbroadcast v17, $0x0;
	v17 =	vld [tilespmem:s10+$0xA0];
	v24 =	vmul.f32 v19, v12;
	[tilespmem:s10+$0x30] =	vst v20  }
0x272: {  	s3 =	simm.s32 $0x10;
	s15 =	simm.s32 $0xF;
	v22 =	vadd.s32 v9, v28;
	v19 =	vld [tilespmem:s10+$0xB0];
	v20 =	vbroadcast v30, $0x0;
	[tilespmem:s10+$0x40] =	vst v26;
	v26 =	vmul.f32 v63, v12  }
.LBB2_15:
0x273: {  	p0 =	slt.u32 s3, $0x48;
	v25 =	vbroadcast v25, $0x0;
	v27 =	vmov s15;
	[tilespmem:s10+$0x50] =	vst v24;
	v12 =	vmul.f32 v15, v12;
	v15 =	vld [tilespmem:s10+$0xC0]  }
0x274: {  	v21 =	vbroadcast v21, $0x0;
	v24 =	vshrl.u32 v27, $0x3;
	[tilespmem:s10+$0x60] =	vst v26;
	v13 =	vmul.f32 v13, v11;
	v26 =	vld [tilespmem:s10+$0xD0]  }
0x275: {  	v23 =	vbroadcast v23, $0x0;
	v24 =	vshll.u32 v24, v1;
	[tilespmem:s10+$0x70] =	vst v12;
	v12 =	vmul.f32 v16, v11;
	v16 =	vld [tilespmem:s10+$0xE0]  }
0x276: {  	v22 =	vbroadcast v22, $0x0;
	v14 =	vld.idx.msk [tilespmem:v14+s18+$0x0], $0xffff;
	v24 =	vadd.s32 v2, v24;
	[tilespmem:s10+$0x80] =	vst v13;
	v13 =	vmul.f32 v17, v11  }
0x277: {  	v17 =	vld.idx.msk [tilespmem:v18+s18+$0x0], $0xffff;
	v18 =	vbroadcast v24, $0x0;
	[tilespmem:s10+$0x90] =	vst v12;
	v11 =	vmul.f32 v19, v11  }
0x278: {  	v19 =	vld.idx.msk [tilespmem:v20+s18+$0x0], $0xffff;
	[tilespmem:s10+$0xA0] =	vst v13;
	v12 =	vmul.f32 v15, v10  }
0x279: {  	v15 =	vld.idx.msk [tilespmem:v25+s18+$0x0], $0xffff;
	[tilespmem:s10+$0xB0] =	vst v11;
	v11 =	vmul.f32 v26, v10  }
0x27a: {  	v13 =	vld.idx.msk [tilespmem:v21+s18+$0x0], $0xffff;
	[tilespmem:s10+$0xC0] =	vst v12;
	v10 =	vmul.f32 v16, v10  }
0x27b: {  	v12 =	vld.idx.msk [tilespmem:v23+s18+$0x0], $0xffff;
	[tilespmem:s10+$0xD0] =	vst v11  }
0x27c: {  	v11 =	vld.idx.msk [tilespmem:v22+s18+$0x0], $0xffff;
	[tilespmem:s10+$0xE0] =	vst v10  }
0x27d: {  	s10 =	sadd.s32 $0x200, s10;
	v10 =	vld.idx.msk [tilespmem:v18+s18+$0x0], $0xffff  }
0x27e: {  	v16 =	vld [tilespmem:s10+$0xF0]  }
0x27f: {  	v18 =	vld [tilespmem:s10+$0xFFFFFF00]  }
0x280: {  	v20 =	vld [tilespmem:s10+$0xFFFFFF10]  }
0x281: {  	v21 =	vld [tilespmem:s10+$0xFFFFFF20]  }
0x282: {  	v22 =	vld [tilespmem:s10+$0xFFFFFF30]  }
0x283: {  	v23 =	vld [tilespmem:s10+$0xFFFFFF40];
	v16 =	vmul.f32 v16, v10  }
0x284: {  	v18 =	vmul.f32 v18, v14;
	v24 =	vld [tilespmem:s10+$0xFFFFFF50]  }
0x285: {  	v20 =	vmul.f32 v20, v14;
	v25 =	vld [tilespmem:s10+$0xFFFFFF60];
	[tilespmem:s10+$0xF0] =	vst v16  }
0x286: {  	[tilespmem:s10+$0xFFFFFF00] =	vst v18;
	v16 =	vmul.f32 v21, v14;
	v18 =	vld [tilespmem:s10+$0xFFFFFF70]  }
0x287: {  	[tilespmem:s10+$0xFFFFFF10] =	vst v20;
	v14 =	vmul.f32 v22, v14;
	v20 =	vld [tilespmem:s10+$0xFFFFFF80]  }
0x288: {  	[tilespmem:s10+$0xFFFFFF20] =	vst v16;
	v16 =	vmul.f32 v23, v17;
	v21 =	vld [tilespmem:s10+$0xFFFFFF90]  }
0x289: {  	[tilespmem:s10+$0xFFFFFF30] =	vst v14;
	v14 =	vmul.f32 v24, v17;
	v22 =	vld [tilespmem:s10+$0xFFFFFFA0]  }
0x28a: {  	[tilespmem:s10+$0xFFFFFF40] =	vst v16;
	v16 =	vmul.f32 v25, v17;
	v23 =	vld [tilespmem:s10+$0xFFFFFFB0]  }
0x28b: {  	s15 =	sadd.s32 $0x1, s3;
	v24 =	vmov s3;
	[tilespmem:s10+$0xFFFFFF50] =	vst v14;
	v14 =	vmul.f32 v18, v17;
	v17 =	vld [tilespmem:s10+$0xFFFFFFC0]  }
0x28c: {  	s16 =	sadd.s32 $0x3, s3;
	v18 =	vshrl.u32 v24, $0x3;
	v24 =	vmov s15;
	s15 =	sadd.s32 $0x2, s3;
	[tilespmem:s10+$0xFFFFFF60] =	vst v16;
	v16 =	vmul.f32 v20, v19;
	v20 =	vld [tilespmem:s10+$0xFFFFFFD0]  }
0x28d: {  	v26 =	vmov s16;
	s16 =	sadd.s32 $0x5, s3;
	v25 =	vmov s15;
	s15 =	sadd.s32 $0x4, s3;
	[tilespmem:s10+$0xFFFFFF70] =	vst v14;
	v14 =	vmul.f32 v21, v19;
	v21 =	vld [tilespmem:s10+$0xFFFFFFE0]  }
0x28e: {  	v28 =	vmov s16;
	v27 =	vmov s15;
	s15 =	sadd.s32 $0x6, s3;
	[tilespmem:s10+$0xFFFFFF80] =	vst v16;
	v16 =	vmul.f32 v22, v19;
	v22 =	vld [tilespmem:s10+$0xFFFFFFF0]  }
0x28f: {  	v18 =	vshll.u32 v18, v1;
	v29 =	vmov s15;
	[tilespmem:s10+$0xFFFFFF90] =	vst v14;
	v14 =	vmul.f32 v23, v19;
	v19 =	vld [tilespmem:s10+$0x0]  }
0x290: {  	v23 =	vshrl.u32 v24, $0x3;
	v24 =	vshrl.u32 v25, $0x3;
	[tilespmem:s10+$0xFFFFFFA0] =	vst v16;
	v16 =	vmul.f32 v17, v15;
	v17 =	vld [tilespmem:s10+$0x10]  }
0x291: {  	v25 =	vshrl.u32 v26, $0x3;
	v26 =	vshrl.u32 v27, $0x3;
	[tilespmem:s10+$0xFFFFFFB0] =	vst v14;
	v14 =	vmul.f32 v20, v15;
	v20 =	vld [tilespmem:s10+$0x20]  }
0x292: {  	v27 =	vshrl.u32 v28, $0x3;
	v28 =	vshrl.u32 v29, $0x3;
	[tilespmem:s10+$0xFFFFFFC0] =	vst v16;
	v16 =	vmul.f32 v21, v15;
	v21 =	vld [tilespmem:s10+$0x30]  }
0x293: {  	v18 =	vadd.s32 v3, v18;
	v23 =	vshll.u32 v23, v1;
	[tilespmem:s10+$0xFFFFFFD0] =	vst v14;
	v14 =	vmul.f32 v22, v15;
	v22 =	vld [tilespmem:s10+$0x40]  }
0x294: {  	v24 =	vshll.u32 v24, v1;
	v25 =	vshll.u32 v25, v1;
	[tilespmem:s10+$0xFFFFFFE0] =	vst v16;
	v15 =	vmul.f32 v19, v13;
	v19 =	vld [tilespmem:s10+$0x50]  }
0x295: {  	v16 =	vshll.u32 v26, v1;
	v26 =	vshll.u32 v27, v1;
	[tilespmem:s10+$0xFFFFFFF0] =	vst v14;
	v17 =	vmul.f32 v17, v13;
	v27 =	vld [tilespmem:s10+$0x60]  }
.Ltmp6:
0x296: {  	v28 =	vshll.u32 v28, v1;
	v14 =	vbroadcast v18, $0x0;
	[tilespmem:s10+$0x0] =	vst v15;
	v18 =	vmul.f32 v20, v13;
	v15 =	vld [tilespmem:s10+$0x70];
	(pc) =	sbr.rel @p0 .LBB2_15-.Ltmp6, $4  }
0x297: {  	v29 =	vadd.s32 v5, v24;
	v20 =	vadd.s32 v4, v23;
	[tilespmem:s10+$0x10] =	vst v17;
	v17 =	vmul.f32 v21, v13;
	v13 =	vld [tilespmem:s10+$0x80]  }
0x298: {  	v25 =	vadd.s32 v6, v25;
	v21 =	vadd.s32 v7, v16;
	[tilespmem:s10+$0x20] =	vst v18;
	v30 =	vmul.f32 v22, v12;
	v16 =	vld [tilespmem:s10+$0x90]  }
0x299: {  	v23 =	vadd.s32 v8, v26;
	v18 =	vbroadcast v20, $0x0;
	[tilespmem:s10+$0x30] =	vst v17;
	v24 =	vmul.f32 v19, v12;
	v17 =	vld [tilespmem:s10+$0xA0]  }
0x29a: {  	s15 =	sadd.s32 $0x7, s3;
	s3 =	sadd.s32 $0x8, s3;
	v20 =	vbroadcast v29, $0x0;
	v22 =	vadd.s32 v9, v28;
	[tilespmem:s10+$0x40] =	vst v30;
	v26 =	vmul.f32 v27, v12;
	v19 =	vld [tilespmem:s10+$0xB0]  }
0x29b: {  	_ = 	snop  }
0x29c: {  	v5 =	vld [tilespmem:s10+$0xC0]  }
0x29d: {  	v7 =	vld [tilespmem:s10+$0xD0]  }
0x29e: {  	v9 =	vld [tilespmem:s10+$0xE0]  }
0x29f: {  	v50 =	vld.idx.msk [tilespmem:v14+s18+$0x0], $0xffff  }
0x2a0: {  	v18 =	vld.idx.msk [tilespmem:v18+s18+$0x0], $0xffff  }
0x2a1: {  	s3 =	sadd.s32 $0x200, s10;
	v20 =	vld.idx.msk [tilespmem:v20+s18+$0x0], $0xffff  }
0x2a2: {  	v54 =	vld [tilespmem:s3+$0xF0]  }
0x2a3: {  	v56 =	vld [tilespmem:s3+$0xFFFFFF00]  }
0x2a4: {  	v57 =	vld [tilespmem:s3+$0xFFFFFF10]  }
0x2a5: {  	[tilespmem:s10+$0x50] =	vst v24;
	v12 =	vmul.f32 v15, v12;
	v58 =	vld [tilespmem:s3+$0xFFFFFF20]  }
0x2a6: {  	[tilespmem:s10+$0x60] =	vst v26;
	v13 =	vmul.f32 v13, v11;
	v60 =	vld [tilespmem:s3+$0xFFFFFF30]  }
0x2a7: {  	v61 =	vld [tilespmem:s3+$0xFFFFFF40];
	[tilespmem:s10+$0x70] =	vst v12;
	v52 =	vmul.f32 v16, v11  }
0x2a8: {  	v6 =	vbroadcast v21, $0x0;
	v21 =	vld [tilespmem:s3+$0xFFFFFF60];
	[tilespmem:s10+$0x80] =	vst v13;
	v53 =	vmul.f32 v17, v11  }
0x2a9: {  	v8 =	vbroadcast v23, $0x0;
	v23 =	vld [tilespmem:s3+$0xFFFFFF70];
	[tilespmem:s10+$0x90] =	vst v52;
	v55 =	vmul.f32 v19, v11  }
0x2aa: {  	v24 =	vld [tilespmem:s3+$0xFFFFFF80];
	[tilespmem:s10+$0xA0] =	vst v53;
	v5 =	vmul.f32 v5, v10  }
0x2ab: {  	v26 =	vld [tilespmem:s3+$0xFFFFFF90];
	v7 =	vmul.f32 v7, v10;
	[tilespmem:s10+$0xB0] =	vst v55  }
0x2ac: {  	v28 =	vld [tilespmem:s3+$0xFFFFFFA0];
	v59 =	vmul.f32 v9, v10;
	[tilespmem:s10+$0xC0] =	vst v5  }
0x2ad: {  	v4 =	vmov s15;
	v30 =	vld [tilespmem:s3+$0xFFFFFFB0];
	v63 =	vmul.f32 v56, v50;
	[tilespmem:s10+$0xD0] =	vst v7  }
0x2ae: {  	v3 =	vbroadcast v25, $0x0;
	v4 =	vshrl.u32 v4, $0x3;
	v32 =	vld [tilespmem:s3+$0xFFFFFFC0];
	v13 =	vmul.f32 v57, v50;
	[tilespmem:s10+$0xE0] =	vst v59  }
0x2af: {  	v51 =	vbroadcast v22, $0x0;
	v34 =	vld [tilespmem:s3+$0xFFFFFFD0];
	v4 =	vshll.u32 v4, v1;
	v22 =	vmul.f32 v58, v50;
	[tilespmem:s3+$0xFFFFFF00] =	vst v63  }
0x2b0: {  	v36 =	vld [tilespmem:s3+$0xFFFFFFE0];
	v2 =	vadd.s32 v2, v4;
	v4 =	vmul.f32 v60, v50;
	[tilespmem:s3+$0xFFFFFF10] =	vst v13  }
0x2b1: {  	v38 =	vld [tilespmem:s3+$0xFFFFFFF0];
	v25 =	vmul.f32 v61, v18;
	[tilespmem:s3+$0xFFFFFF20] =	vst v22  }
0x2b2: {  	v40 =	vld [tilespmem:s3+$0x0];
	v29 =	vmul.f32 v21, v18;
	[tilespmem:s3+$0xFFFFFF30] =	vst v4  }
0x2b3: {  	v19 =	vld [tilespmem:s3+$0xFFFFFF50];
	v31 =	vmul.f32 v23, v18;
	[tilespmem:s3+$0xFFFFFF40] =	vst v25  }
0x2b4: {  	v3 =	vld.idx.msk [tilespmem:v3+s18+$0x0], $0xffff;
	v33 =	vmul.f32 v24, v20;
	[tilespmem:s3+$0xFFFFFF60] =	vst v29  }
0x2b5: {  	v42 =	vld [tilespmem:s3+$0x10];
	v35 =	vmul.f32 v26, v20;
	[tilespmem:s3+$0xFFFFFF70] =	vst v31  }
0x2b6: {  	v44 =	vld [tilespmem:s3+$0x20];
	v37 =	vmul.f32 v28, v20;
	[tilespmem:s3+$0xFFFFFF80] =	vst v33  }
0x2b7: {  	v46 =	vld [tilespmem:s3+$0x30];
	v2 =	vbroadcast v2, $0x0;
	v39 =	vmul.f32 v30, v20;
	[tilespmem:s3+$0xFFFFFF90] =	vst v35  }
0x2b8: {  	v6 =	vld.idx.msk [tilespmem:v6+s18+$0x0], $0xffff;
	[tilespmem:s3+$0xFFFFFFA0] =	vst v37;
	v27 =	vmul.f32 v19, v18  }
0x2b9: {  	v47 =	vld [tilespmem:s3+$0x40];
	[tilespmem:s3+$0xFFFFFFB0] =	vst v39;
	v41 =	vmul.f32 v32, v3  }
0x2ba: {  	v49 =	vld [tilespmem:s3+$0x50];
	[tilespmem:s3+$0xFFFFFF50] =	vst v27;
	v43 =	vmul.f32 v34, v3  }
0x2bb: {  	v8 =	vld.idx.msk [tilespmem:v8+s18+$0x0], $0xffff;
	v45 =	vmul.f32 v36, v3;
	[tilespmem:s3+$0xFFFFFFC0] =	vst v41  }
0x2bc: {  	v50 =	vld [tilespmem:s3+$0x60];
	v3 =	vmul.f32 v38, v3;
	[tilespmem:s3+$0xFFFFFFD0] =	vst v43  }
0x2bd: {  	v2 =	vld.idx.msk [tilespmem:v2+s18+$0x0], $0xffff;
	v48 =	vmul.f32 v40, v6;
	[tilespmem:s3+$0xFFFFFFE0] =	vst v45  }
0x2be: {  	v14 =	vld.idx.msk [tilespmem:v51+s18+$0x0], $0xffff;
	v51 =	vmul.f32 v44, v6;
	[tilespmem:s3+$0xFFFFFFF0] =	vst v3  }
0x2bf: {  	v53 =	vld [tilespmem:s3+$0x80];
	v3 =	vmul.f32 v42, v6;
	[tilespmem:s3+$0x0] =	vst v48  }
0x2c0: {  	v52 =	vld [tilespmem:s3+$0x70];
	v4 =	vmul.f32 v47, v8;
	[tilespmem:s3+$0x20] =	vst v51  }
0x2c1: {  	[tilespmem:s3+$0x10] =	vst v3;
	v3 =	vmul.f32 v46, v6  }
0x2c2: {  	v56 =	vmul.f32 v50, v8;
	[tilespmem:s3+$0x40] =	vst v4;
	v62 =	vmul.f32 v54, v2;
	v54 =	vld [tilespmem:s3+$0x90]  }
0x2c3: {  	v58 =	vld [tilespmem:s3+$0xC0];
	[tilespmem:s3+$0x30] =	vst v3;
	v3 =	vmul.f32 v49, v8  }
0x2c4: {  	v57 =	vld [tilespmem:s3+$0xB0];
	v59 =	vmul.f32 v53, v14;
	[tilespmem:s3+$0x60] =	vst v56  }
0x2c5: {  	v55 =	vld [tilespmem:s3+$0xA0];
	[tilespmem:s3+$0x50] =	vst v3;
	v3 =	vmul.f32 v52, v8  }
0x2c6: {  	v60 =	vld [tilespmem:s3+$0xD0];
	[tilespmem:s3+$0x80] =	vst v59  }
0x2c7: {  	v61 =	vld [tilespmem:s3+$0xE0];
	[tilespmem:s3+$0x70] =	vst v3;
	v3 =	vmul.f32 v54, v14  }
0x2c8: {  	v63 =	vmul.f32 v58, v2;
	[tilespmem:s3+$0xF0] =	vst v62  }
0x2c9: {  	s9 =	sadd.s32 $0x1, s9;
	[tilespmem:s3+$0x90] =	vst v3;
	v3 =	vmul.f32 v57, v14  }
0x2ca: {  	p0 =	sne.s32 s9, $0x41;
	v62 =	vmul.f32 v55, v14;
	[tilespmem:s3+$0xC0] =	vst v63  }
.Ltmp7:
0x2cb: {  	[tilespmem:s3+$0xB0] =	vst v3;
	v3 =	vmul.f32 v60, v2;
	(pc) =	sbr.rel @p0 .LBB2_5-.Ltmp7, $4  }
0x2cc: {  	[tilespmem:s3+$0xA0] =	vst v62;
	v2 =	vmul.f32 v61, v2  }
0x2cd: {  	[tilespmem:s3+$0xD0] =	vst v3  }
0x2ce: {  	s28 =	sadd.s32 $0x13880, s22;
	[tilespmem:s3+$0xE0] =	vst v2  }
0x2cf: {  	[spmem:s2] =	stream.indirect.scatter.add.f32 [tilespmem:s8], [sflag:$0x8], $0x40, s28, s4, $0xb8;
	[tilespmem:$0x1EDC0] =	vst v63  }
0x2d0: {  	s3 =	simm.s32 $0x5  }
0x2d1: {  	_ =	swait.ge [sflag:s3], $0x1400  }
0x2d2: {  	[sflag:s3] =	ssyncset.done $0x0  }
0x2d3: {  	s15 =	simm.s32 $0x6;
	[sflag:s3] =	ssyncadd.s32 $0xFFFFEC00  }
0x2d4: {  	_ =	swait.ge [sflag:s15], $0x1400  }
0x2d5: {  	[sflag:s15] =	ssyncset.done $0x0  }
0x2d6: {  	[sflag:s15] =	ssyncadd.s32 $0xFFFFEC00  }
0x2d7: {  	_ =	swait.ge [sflag:s14], $0x1400  }
0x2d8: {  	[sflag:s14] =	ssyncset.done $0x0  }
0x2d9: {  	s16 =	simm.s32 $0x8;
	[sflag:s14] =	ssyncadd.s32 $0xFFFFEC00  }
0x2da: {  	_ =	swait.ge [sflag:s16], $0x1400  }
0x2db: {  	[sflag:s16] =	ssyncset.done $0x0  }
0x2dc: {  	[sflag:s16] =	ssyncadd.s32 $0xFFFFEC00  }
0x2dd: {  	[bflag:$0x0] =	sbarrier.arrive $0xFFFF  }
0x2de: {  	s9 =	simm.s32 $0x1CE80;
	s19 =	rddreg [dreg:$0x5]  }
0x2df: {  	[tilespmem:s9], [sflag:$0xB] =	stream.linear.gather [hbm4b:s19+s25], $0x1F40, $0x38;
	[tilespmem:$0x1EDC0] =	vst v63  }
0x2e0: {  	s20 =	rddreg [dreg:$0x6];
	s25 =	simm.s32 $0x19000  }
0x2e1: {  	[tilespmem:s25], [sflag:$0xC] =	stream.linear.gather [spmem:s20], $0x1F40, $0x38;
	[tilespmem:$0x1EDC0] =	vst v63  }
0x2e2: {  	s24 =	simm.s32 $0x1AF40;
	s22 =	rddreg [dreg:$0x7]  }
0x2e3: {  	[tilespmem:s24], [sflag:$0xD] =	stream.linear.gather [spmem:s22], $0x1F40, $0x38;
	[tilespmem:$0x1EDC0] =	vst v63  }
0x2e4: {  	_ =	swait.ge [sflag:s21], $0x1F40  }
0x2e5: {  	[sflag:s21] =	ssyncset.done $0x0  }
0x2e6: {  	[sflag:s21] =	ssyncadd.s32 $0xFFFFE0C0  }
0x2e7: {  	_ =	swait.ge [sflag:s23], $0x1F40  }
0x2e8: {  	[sflag:s23] =	ssyncset.done $0x0  }
0x2e9: {  	s26 =	simm.s32 $0xD;
	[sflag:s23] =	ssyncadd.s32 $0xFFFFE0C0  }
0x2ea: {  	_ =	swait.ge [sflag:s26], $0x1F40  }
0x2eb: {  	s28 =	rddreg [dreg:$0x1e]  }
0x2ec: {  	p0 =	seq.s32 s28, $0x2  }
.Ltmp8:
0x2ed: {  	_ = 	snop;
	(pc) =	sbr.rel @!p0 .LBB2_18-.Ltmp8, $3  }
0x2ee: {  	_ =	sdelay $0x1  }
0x2ef: {  	s10 =	simm.s32 $0x1AF80;
	[sflag:s26] =	ssyncset.done $0x0  }
0x2f0: {  	s3 =	simm.s32 $0x1CEC0;
	s9 =	simm.s32 $0x19040;
	[sflag:s26] =	ssyncadd.s32 $0xFFFFE0C0  }
0x2f1: {  	v2 =	vld [tilespmem:s3+$0x0]  }
0x2f2: {  	v3 =	vld [tilespmem:s9+$0x0];
	_ =	sdelay $0x1  }
0x2f3: {  	v4 =	vld [tilespmem:s10+$0x0];
	_ =	sdelay $0x1  }
0x2f4: {  	v5 =	vld [tilespmem:s9+$0xFFFFFFC0]  }
0x2f5: {  	v2 =	vadd.f32 v3, v2;
	v3 =	vld [tilespmem:s3+$0xFFFFFFC0];
	_ =	sdelay $0x1  }
0x2f6: {  	v2 =	vadd.f32 v4, v2;
	v4 =	vld [tilespmem:s10+$0xFFFFFFC0];
	_ =	sdelay $0x1  }
0x2f7: {  	v2 =	vmul.f32 $2.500000000e-01, v2  }
0x2f8: {  	v7 =	vld [tilespmem:s9+$0xFFFFFFE0];
	v3 =	vadd.f32 v5, v3  }
0x2f9: {  	[tilespmem:s9+$0x0] =	vst v2;
	v2 =	vld [tilespmem:s9+$0x10]  }
0x2fa: {  	v3 =	vadd.f32 v4, v3;
	v4 =	vld [tilespmem:s3+$0x10]  }
0x2fb: {  	v11 =	vld [tilespmem:s9+$0x20]  }
0x2fc: {  	s24 =	simm.s32 $0x1B000;
	v6 =	vld [tilespmem:s10+$0x10];
	v3 =	vmul.f32 $2.500000000e-01, v3  }
0x2fd: {  	v10 =	vld [tilespmem:s24+$0x0]  }
0x2fe: {  	v5 =	vld [tilespmem:s9+$0xFFFFFFD0];
	[tilespmem:s9+$0xFFFFFFC0] =	vst v3  }
0x2ff: {  	s22 =	simm.s32 $0x1CF40;
	v3 =	vld [tilespmem:s3+$0xFFFFFFD0];
	v2 =	vadd.f32 v2, v4  }
0x300: {  	s20 =	simm.s32 $0x190C0;
	v4 =	vld [tilespmem:s22+$0x0]  }
0x301: {  	v2 =	vadd.f32 v6, v2;
	v6 =	vld [tilespmem:s20+$0x0]  }
0x302: {  	v8 =	vld [tilespmem:s10+$0xFFFFFFD0]  }
0x303: {  	v12 =	vld [tilespmem:s20+$0xFFFFFFE0];
	v9 =	vmul.f32 $2.500000000e-01, v2  }
0x304: {  	v14 =	vld [tilespmem:s20+$0x20]  }
0x305: {  	v3 =	vadd.f32 v5, v3;
	[tilespmem:s9+$0x10] =	vst v9;
	v9 =	vld [tilespmem:s22+$0xFFFFFFC0]  }
0x306: {  	v5 =	vld [tilespmem:s3+$0x20];
	v4 =	vadd.f32 v6, v4  }
0x307: {  	v3 =	vadd.f32 v8, v3;
	v6 =	vld [tilespmem:s10+$0x20]  }
0x308: {  	s28 =	simm.s32 $0x1CFC0;
	v8 =	vld [tilespmem:s20+$0xFFFFFFC0];
	v4 =	vadd.f32 v10, v4  }
0x309: {  	v15 =	vld [tilespmem:s28+$0x0];
	v3 =	vmul.f32 $2.500000000e-01, v3  }
0x30a: {  	s15 =	simm.s32 $0x1B080;
	v10 =	vld [tilespmem:s24+$0xFFFFFFC0];
	v4 =	vmul.f32 $2.500000000e-01, v4  }
0x30b: {  	v17 =	vld [tilespmem:s15+$0x0];
	[tilespmem:s9+$0xFFFFFFD0] =	vst v3;
	v3 =	vadd.f32 v11, v5  }
0x30c: {  	[tilespmem:s20+$0x0] =	vst v4;
	v4 =	vld [tilespmem:s20+$0x10]  }
0x30d: {  	s26 =	simm.s32 $0x19140;
	v3 =	vadd.f32 v6, v3;
	v6 =	vadd.f32 v8, v9;
	v8 =	vld [tilespmem:s22+$0x10]  }
0x30e: {  	v18 =	vld [tilespmem:s26+$0xFFFFFFC0]  }
0x30f: {  	v3 =	vmul.f32 $2.500000000e-01, v3;
	v6 =	vadd.f32 v10, v6;
	v10 =	vld [tilespmem:s24+$0x10]  }
0x310: {  	v60 =	vld [tilespmem:s15+$0xFFFFFFC0]  }
0x311: {  	v61 =	vld [tilespmem:s26+$0xFFFFFFD0];
	[tilespmem:s9+$0x20] =	vst v3;
	v3 =	vmul.f32 $2.500000000e-01, v6  }
0x312: {  	v62 =	vld [tilespmem:s20+$0x30];
	v4 =	vadd.f32 v4, v8  }
0x313: {  	v5 =	vld [tilespmem:s20+$0xFFFFFFD0];
	[tilespmem:s20+$0xFFFFFFC0] =	vst v3  }
0x314: {  	v3 =	vld [tilespmem:s22+$0xFFFFFFD0];
	v4 =	vadd.f32 v10, v4  }
0x315: {  	v2 =	vld [tilespmem:s9+$0xFFFFFFF0]  }
0x316: {  	v10 =	vld [tilespmem:s24+$0xFFFFFFD0];
	v4 =	vmul.f32 $2.500000000e-01, v4  }
0x317: {  	v11 =	vld [tilespmem:s3+$0xFFFFFFE0]  }
0x318: {  	[tilespmem:s20+$0x10] =	vst v4;
	v4 =	vld [tilespmem:s26+$0x0]  }
0x319: {  	v16 =	vld [tilespmem:s22+$0x20];
	v5 =	vadd.f32 v5, v3  }
0x31a: {  	v9 =	vld [tilespmem:s9+$0x30]  }
0x31b: {  	v5 =	vadd.f32 v10, v5;
	v10 =	vld [tilespmem:s24+$0x20]  }
0x31c: {  	v13 =	vld [tilespmem:s3+$0x30]  }
0x31d: {  	v4 =	vadd.f32 v4, v15;
	v15 =	vld [tilespmem:s28+$0xFFFFFFC0]  }
0x31e: {  	v6 =	vld [tilespmem:s10+$0x30];
	v5 =	vmul.f32 $2.500000000e-01, v5;
	v14 =	vadd.f32 v14, v16  }
0x31f: {  	v8 =	vld [tilespmem:s10+$0xFFFFFFE0];
	v4 =	vadd.f32 v17, v4  }
0x320: {  	v3 =	vld [tilespmem:s20+$0xFFFFFFF0];
	[tilespmem:s20+$0xFFFFFFD0] =	vst v5;
	v10 =	vadd.f32 v10, v14  }
0x321: {  	v5 =	vld [tilespmem:s22+$0xFFFFFFE0];
	v14 =	vmul.f32 $2.500000000e-01, v4  }
0x322: {  	v4 =	vld [tilespmem:s26+$0xFFFFFFE0];
	v15 =	vadd.f32 v18, v15;
	v10 =	vmul.f32 $2.500000000e-01, v10  }
0x323: {  	[tilespmem:s26+$0x0] =	vst v14;
	v14 =	vld [tilespmem:s26+$0x10]  }
0x324: {  	v7 =	vadd.f32 v7, v11;
	v11 =	vadd.f32 v60, v15;
	v15 =	vld [tilespmem:s28+$0x10];
	[tilespmem:s20+$0x20] =	vst v10  }
0x325: {  	v10 =	vld [tilespmem:s22+$0x30]  }
0x326: {  	v7 =	vadd.f32 v8, v7;
	v8 =	vmul.f32 $2.500000000e-01, v11;
	v11 =	vld [tilespmem:s15+$0x10]  }
0x327: {  	v9 =	vadd.f32 v9, v13;
	v63 =	vld [tilespmem:s24+$0x30]  }
0x328: {  	v7 =	vmul.f32 $2.500000000e-01, v7;
	[tilespmem:s26+$0xFFFFFFC0] =	vst v8;
	v8 =	vld [tilespmem:s24+$0xFFFFFFE0]  }
0x329: {  	v13 =	vadd.f32 v14, v15;
	v14 =	vld [tilespmem:s28+$0xFFFFFFD0];
	v15 =	vadd.f32 v6, v9  }
0x32a: {  	[tilespmem:s9+$0xFFFFFFE0] =	vst v7;
	v9 =	vld [tilespmem:s15+$0xFFFFFFD0];
	v7 =	vadd.f32 v62, v10  }
0x32b: {  	v6 =	vld [tilespmem:s3+$0xFFFFFFF0];
	v10 =	vadd.f32 v11, v13;
	v11 =	vmul.f32 $2.500000000e-01, v15;
	v13 =	vadd.f32 v12, v5  }
0x32c: {  	v5 =	vld [tilespmem:s26+$0xFFFFFFF0];
	v15 =	vadd.f32 v63, v7  }
0x32d: {  	s16 =	simm.s32 $0x4;
	v7 =	vld [tilespmem:s10+$0xFFFFFFF0];
	v12 =	vmul.f32 $2.500000000e-01, v10;
	[tilespmem:s9+$0x30] =	vst v11;
	v11 =	vadd.f32 v8, v13  }
0x32e: {  	s19 =	simm.s32 $0x19140;
	s3 =	simm.s32 $0x1B080;
	s10 =	simm.s32 $0x1D040;
	v8 =	vld [tilespmem:s26+$0x20];
	v13 =	vadd.f32 v61, v14;
	v10 =	vmul.f32 $2.500000000e-01, v15  }
.LBB2_22:
0x32f: {  	v14 =	vld [tilespmem:s10+$0x0];
	[tilespmem:s26+$0x10] =	vst v12;
	s19 =	sadd.s32 $0x80, s19;
	v11 =	vmul.f32 $2.500000000e-01, v11  }
0x330: {  	v12 =	vld [tilespmem:s19+$0x0];
	v9 =	vadd.f32 v9, v13;
	[tilespmem:s20+$0x30] =	vst v10;
	v6 =	vadd.f32 v2, v6;
	v2 =	vmov v3  }
0x331: {  	s16 =	sadd.s32 $0x2, s16;
	s15 =	sadd.s32 $0x80, s15;
	v10 =	vld [tilespmem:s28+$0x20];
	[tilespmem:s20+$0xFFFFFFE0] =	vst v11;
	v3 =	vmov v5  }
0x332: {  	p1 =	slt.u32 s16, $0x7A;
	v5 =	vld [tilespmem:s15+$0x0];
	v9 =	vmul.f32 $2.500000000e-01, v9;
	v6 =	vadd.f32 v7, v6  }
0x333: {  	v7 =	vld [tilespmem:s3+$0x20]  }
0x334: {  	v11 =	vld [tilespmem:s19+$0xFFFFFFC0];
	[tilespmem:s26+$0xFFFFFFD0] =	vst v9;
	v6 =	vmul.f32 $2.500000000e-01, v6  }
0x335: {  	v9 =	vld [tilespmem:s10+$0xFFFFFFC0];
	v12 =	vadd.f32 v12, v14  }
0x336: {  	v13 =	vld [tilespmem:s15+$0xFFFFFFC0];
	v8 =	vadd.f32 v8, v10;
	[tilespmem:s9+$0xFFFFFFF0] =	vst v6;
	s9 =	smov.u32 s20;
	s20 =	smov.u32 s26;
	s26 =	smov.u32 s19  }
0x337: {  	v10 =	vld [tilespmem:s19+$0xFFFFFFD0];
	v5 =	vadd.f32 v5, v12  }
0x338: {  	v6 =	vld [tilespmem:s28+$0xFFFFFFE0];
	v7 =	vadd.f32 v7, v8  }
0x339: {  	v8 =	vld [tilespmem:s19+$0xFFFFFFE0];
	v5 =	vmul.f32 $2.500000000e-01, v5  }
0x33a: {  	v9 =	vadd.f32 v11, v9;
	v7 =	vmul.f32 $2.500000000e-01, v7;
	v11 =	vld [tilespmem:s20+$0x30]  }
0x33b: {  	[tilespmem:s19+$0x0] =	vst v5;
	v5 =	vld [tilespmem:s19+$0x10]  }
0x33c: {  	v9 =	vadd.f32 v13, v9;
	v12 =	vld [tilespmem:s10+$0x10];
	[tilespmem:s20+$0x20] =	vst v7  }
0x33d: {  	v7 =	vadd.f32 v4, v6;
	v6 =	vld [tilespmem:s28+$0x30]  }
0x33e: {  	v9 =	vmul.f32 $2.500000000e-01, v9;
	v13 =	vld [tilespmem:s15+$0x10];
	v4 =	vmov v8  }
0x33f: {  	v8 =	vld [tilespmem:s3+$0x30]  }
0x340: {  	[tilespmem:s19+$0xFFFFFFC0] =	vst v9;
	v14 =	vld [tilespmem:s3+$0xFFFFFFE0]  }
0x341: {  	v15 =	vld [tilespmem:s10+$0xFFFFFFD0];
	v5 =	vadd.f32 v5, v12  }
.Ltmp9:
0x342: {  	v9 =	vld [tilespmem:s15+$0xFFFFFFD0];
	v11 =	vadd.f32 v11, v6;
	(pc) =	sbr.rel @p1 .LBB2_22-.Ltmp9, $4  }
0x343: {  	v12 =	vadd.f32 v13, v5;
	v6 =	vld [tilespmem:s22+$0xFFFFFFF0];
	s22 =	smov.u32 s28;
	s28 =	smov.u32 s10  }
0x344: {  	v5 =	vld [tilespmem:s19+$0xFFFFFFF0];
	v16 =	vadd.f32 v8, v11  }
0x345: {  	v12 =	vmul.f32 $2.500000000e-01, v12;
	v11 =	vadd.f32 v14, v7;
	v7 =	vld [tilespmem:s24+$0xFFFFFFF0];
	s24 =	smov.u32 s3;
	s3 =	smov.u32 s15  }
0x346: {  	s10 =	sadd.s32 $0x80, s10;
	v13 =	vadd.f32 v10, v15;
	v8 =	vld [tilespmem:s19+$0x20];
	v10 =	vmul.f32 $2.500000000e-01, v16  }
0x347: {  	_ = 	snop  }
0x348: {  	v9 =	vadd.f32 v9, v13;
	_ =	sdelay $0x1  }
0x349: {  	v9 =	vmul.f32 $2.500000000e-01, v9  }
0x34a: {  	[tilespmem:s26+$0x10] =	vst v12  }
0x34b: {  	v12 =	vld [tilespmem:s28+$0x20];
	[tilespmem:s26+$0xFFFFFFD0] =	vst v9  }
0x34c: {  	v9 =	vld [tilespmem:s28+$0xFFFFFFE0]  }
0x34d: {  	v46 =	vld [tilespmem:s3+$0x20]  }
0x34e: {  	v47 =	vld [tilespmem:s3+$0xFFFFFFE0];
	_ =	sdelay $0x1  }
0x34f: {  	v8 =	vadd.f32 v8, v12  }
0x350: {  	v4 =	vadd.f32 v4, v9  }
0x351: {  	v11 =	vmul.f32 $2.500000000e-01, v11;
	v8 =	vadd.f32 v46, v8  }
0x352: {  	v4 =	vadd.f32 v47, v4  }
0x353: {  	v48 =	vld [tilespmem:s26+$0x30];
	[tilespmem:s20+$0xFFFFFFE0] =	vst v11;
	v8 =	vmul.f32 $2.500000000e-01, v8  }
0x354: {  	v50 =	vld [tilespmem:s22+$0xFFFFFFF0];
	v4 =	vmul.f32 $2.500000000e-01, v4  }
0x355: {  	v51 =	vld [tilespmem:s24+$0xFFFFFFF0];
	[tilespmem:s26+$0x20] =	vst v8  }
0x356: {  	v8 =	vld [tilespmem:s28+$0x30];
	[tilespmem:s26+$0xFFFFFFE0] =	vst v4  }
0x357: {  	v4 =	vld [tilespmem:s28+$0xFFFFFFF0]  }
0x358: {  	v2 =	vadd.f32 v2, v6;
	v49 =	vld [tilespmem:s3+$0x30]  }
0x359: {  	v52 =	vld [tilespmem:s3+$0xFFFFFFF0]  }
0x35a: {  	v2 =	vadd.f32 v7, v2;
	v3 =	vadd.f32 v3, v50  }
0x35b: {  	v8 =	vadd.f32 v48, v8  }
0x35c: {  	v2 =	vmul.f32 $2.500000000e-01, v2;
	v3 =	vadd.f32 v51, v3;
	v4 =	vadd.f32 v5, v4  }
0x35d: {  	v53 =	vadd.f32 v49, v8  }
0x35e: {  	[tilespmem:s9+$0xFFFFFFF0] =	vst v2;
	v2 =	vmul.f32 $2.500000000e-01, v3;
	v4 =	vadd.f32 v52, v4  }
0x35f: {  	[tilespmem:s20+$0x30] =	vst v10;
	v54 =	vmul.f32 $2.500000000e-01, v53  }
0x360: {  	[tilespmem:s20+$0xFFFFFFF0] =	vst v2;
	v3 =	vmul.f32 $2.500000000e-01, v4  }
0x361: {  	[tilespmem:s26+$0x30] =	vst v54  }
0x362: {  	[tilespmem:s26+$0xFFFFFFF0] =	vst v3  }
0x363: {  	v2 =	vld [tilespmem:$0x1ED80]  }
0x364: {  	v3 =	vld [tilespmem:$0x1AF00]  }
0x365: {  	v55 =	vld [tilespmem:$0x1CE40]  }
0x366: {  	v5 =	vld [tilespmem:$0x1ED90]  }
0x367: {  	v56 =	vld [tilespmem:$0x1AF10]  }
0x368: {  	v57 =	vld [tilespmem:$0x1CE50]  }
0x369: {  	v58 =	vld [tilespmem:$0x1EDA0]  }
0x36a: {  	v59 =	vld [tilespmem:$0x1AF20]  }
0x36b: {  	v10 =	vld [tilespmem:$0x1EDB0]  }
0x36c: {  	v60 =	vld [tilespmem:$0x1AF30]  }
0x36d: {  	v61 =	vld [tilespmem:$0x1CE60]  }
0x36e: {  	v2 =	vadd.f32 v3, v2;
	v3 =	vld [tilespmem:$0x1CE70]  }
0x36f: {  	v5 =	vadd.f32 v56, v5  }
0x370: {  	v62 =	vadd.f32 v59, v58;
	v2 =	vadd.f32 v55, v2  }
0x371: {  	v63 =	vadd.f32 v60, v10;
	v5 =	vadd.f32 v57, v5  }
0x372: {  	v4 =	vadd.f32 v61, v62;
	v2 =	vmul.f32 $2.500000000e-01, v2  }
0x373: {  	v5 =	vmul.f32 $2.500000000e-01, v5;
	v3 =	vadd.f32 v3, v63  }
0x374: {  	[tilespmem:$0x1AF00] =	vst v2;
	v2 =	vmul.f32 $2.500000000e-01, v4  }
0x375: {  	[tilespmem:$0x1AF10] =	vst v5;
	v3 =	vmul.f32 $2.500000000e-01, v3  }
.Ltmp10:
0x376: {  	[tilespmem:$0x1AF20] =	vst v2;
	(pc) =	sbr.rel .LBB2_24-.Ltmp10, $4  }
0x377: {  	s28 =	rddreg [dreg:$0x6];
	[tilespmem:$0x1AF30] =	vst v3  }
0x378: {  	[spmem:s28] =	stream.linear.scatter [tilespmem:s25], [sflag:$0xB], $0x1F40, $0x38;
	[tilespmem:$0x1EDC0] =	vst v63  }
0x379: {  	s10 =	simm.s32 $0x1AF40;
	s3 =	simm.s32 $0x0;
	s9 =	rddreg [dreg:$0xc]  }
0x37a: {  	[hbm4b:s9+s3] =	stream.linear.scatter [tilespmem:s25], [sflag:$0xC], $0x1F40, $0x38;
	[tilespmem:$0x1EDC0] =	vst v63  }
.LBB2_18:
0x37b: {  	v2 =	vld [tilespmem:s3+$0x0]  }
0x37c: {  	v3 =	vld [tilespmem:s9+$0x0];
	_ =	sdelay $0x1  }
0x37d: {  	v4 =	vld [tilespmem:s10+$0x0];
	_ =	sdelay $0x2  }
0x37e: {  	v5 =	vld [tilespmem:s9+$0xFFFFFFC0];
	v2 =	vadd.f32 v3, v2  }
0x37f: {  	v3 =	vld [tilespmem:s3+$0xFFFFFFC0]  }
0x380: {  	v2 =	vadd.f32 v4, v2  }
0x381: {  	v4 =	vld [tilespmem:s10+$0xFFFFFFC0]  }
0x382: {  	[tilespmem:s9+$0x0] =	vst v2  }
0x383: {  	[tilespmem:s10+$0x0] =	vst v0  }
0x384: {  	v2 =	vadd.f32 v5, v3;
	v3 =	vld [tilespmem:s3+$0x10]  }
0x385: {  	v5 =	vld [tilespmem:s9+$0x10]  }
0x386: {  	v2 =	vadd.f32 v4, v2  }
0x387: {  	v4 =	vld [tilespmem:s10+$0x10]  }
0x388: {  	[tilespmem:s9+$0xFFFFFFC0] =	vst v2  }
0x389: {  	[tilespmem:s10+$0xFFFFFFC0] =	vst v0  }
0x38a: {  	v3 =	vadd.f32 v5, v3;
	v5 =	vld [tilespmem:s3+$0xFFFFFFD0]  }
0x38b: {  	s22 =	simm.s32 $0x190C0;
	v6 =	vld [tilespmem:s9+$0xFFFFFFD0]  }
0x38c: {  	v7 =	vld [tilespmem:s22+$0x0];
	v3 =	vadd.f32 v4, v3  }
0x38d: {  	s20 =	simm.s32 $0x1B000;
	v2 =	vld [tilespmem:s10+$0xFFFFFFD0]  }
0x38e: {  	s15 =	simm.s32 $0x1CF40;
	v4 =	vld [tilespmem:s20+$0x0];
	[tilespmem:s9+$0x10] =	vst v3  }
0x38f: {  	v3 =	vld [tilespmem:s15+$0x0];
	[tilespmem:s10+$0x10] =	vst v0  }
0x390: {  	v5 =	vadd.f32 v6, v5;
	v8 =	vld [tilespmem:s3+$0x20]  }
0x391: {  	v6 =	vld [tilespmem:s9+$0x20]  }
0x392: {  	v9 =	vld [tilespmem:s22+$0xFFFFFFC0];
	v2 =	vadd.f32 v2, v5  }
0x393: {  	v5 =	vld [tilespmem:s10+$0x20]  }
0x394: {  	v10 =	vld [tilespmem:s15+$0xFFFFFFC0];
	v3 =	vadd.f32 v7, v3;
	[tilespmem:s9+$0xFFFFFFD0] =	vst v2  }
0x395: {  	v2 =	vld [tilespmem:s20+$0xFFFFFFC0];
	[tilespmem:s10+$0xFFFFFFD0] =	vst v0  }
0x396: {  	v3 =	vadd.f32 v4, v3;
	v4 =	vld [tilespmem:s3+$0xFFFFFFE0];
	v6 =	vadd.f32 v6, v8  }
0x397: {  	v7 =	vld [tilespmem:s9+$0xFFFFFFE0]  }
0x398: {  	v8 =	vld [tilespmem:s10+$0xFFFFFFE0];
	[tilespmem:s22+$0x0] =	vst v3;
	v3 =	vadd.f32 v5, v6  }
0x399: {  	v5 =	vadd.f32 v9, v10;
	[tilespmem:s20+$0x0] =	vst v0;
	v9 =	vld [tilespmem:s20+$0x10]  }
0x39a: {  	v10 =	vld [tilespmem:s15+$0x10];
	[tilespmem:s9+$0x20] =	vst v3  }
0x39b: {  	v2 =	vadd.f32 v2, v5;
	v5 =	vld [tilespmem:s22+$0x10];
	[tilespmem:s10+$0x20] =	vst v0  }
0x39c: {  	v4 =	vadd.f32 v7, v4;
	v7 =	vld [tilespmem:s3+$0x30]  }
0x39d: {  	v11 =	vld [tilespmem:s9+$0x30]  }
0x39e: {  	v12 =	vld [tilespmem:s10+$0x30];
	[tilespmem:s22+$0xFFFFFFC0] =	vst v2;
	v2 =	vadd.f32 v8, v4  }
0x39f: {  	[tilespmem:s20+$0xFFFFFFC0] =	vst v0;
	v3 =	vld [tilespmem:s20+$0xFFFFFFD0]  }
0x3a0: {  	v6 =	vld [tilespmem:s15+$0xFFFFFFD0];
	v4 =	vadd.f32 v5, v10;
	[tilespmem:s9+$0xFFFFFFE0] =	vst v2  }
0x3a1: {  	v8 =	vld [tilespmem:s22+$0xFFFFFFD0];
	[tilespmem:s10+$0xFFFFFFE0] =	vst v0  }
0x3a2: {  	v4 =	vadd.f32 v9, v4;
	v2 =	vld [tilespmem:s3+$0xFFFFFFF0];
	v7 =	vadd.f32 v11, v7  }
0x3a3: {  	s16 =	simm.s32 $0x2;
	v5 =	vld [tilespmem:s9+$0xFFFFFFF0]  }
0x3a4: {  	s19 =	simm.s32 $0x1B080;
	s24 =	simm.s32 $0x1CF40;
	s3 =	simm.s32 $0x190C0;
	[tilespmem:s22+$0x10] =	vst v4;
	v4 =	vld [tilespmem:s10+$0xFFFFFFF0];
	v7 =	vadd.f32 v12, v7  }
.LBB2_19:
0x3a5: {  	v9 =	vld [tilespmem:s19+$0x0];
	[tilespmem:s20+$0x10] =	vst v0;
	s15 =	sadd.s32 $0x80, s15  }
0x3a6: {  	s22 =	sadd.s32 $0x80, s22;
	v10 =	vld [tilespmem:s15+$0x0];
	v6 =	vadd.f32 v8, v6;
	[tilespmem:s9+$0x30] =	vst v7  }
0x3a7: {  	v7 =	vld [tilespmem:s22+$0x0];
	[tilespmem:s10+$0x30] =	vst v0  }
0x3a8: {  	v3 =	vadd.f32 v3, v6;
	v6 =	vld [tilespmem:s24+$0x20];
	v2 =	vadd.f32 v5, v2  }
0x3a9: {  	v5 =	vld [tilespmem:s3+$0x20]  }
0x3aa: {  	v8 =	vld [tilespmem:s22+$0xFFFFFFC0];
	[tilespmem:s3+$0xFFFFFFD0] =	vst v3;
	v2 =	vadd.f32 v4, v2  }
0x3ab: {  	[tilespmem:s20+$0xFFFFFFD0] =	vst v0;
	v3 =	vld [tilespmem:s20+$0x20]  }
0x3ac: {  	v4 =	vld [tilespmem:s15+$0xFFFFFFC0];
	v7 =	vadd.f32 v7, v10;
	[tilespmem:s9+$0xFFFFFFF0] =	vst v2;
	s9 =	smov.u32 s3;
	s3 =	smov.u32 s22  }
0x3ad: {  	v2 =	vld [tilespmem:s19+$0xFFFFFFC0];
	[tilespmem:s10+$0xFFFFFFF0] =	vst v0;
	s10 =	smov.u32 s20;
	s20 =	smov.u32 s19  }
0x3ae: {  	v7 =	vadd.f32 v9, v7;
	v9 =	vld [tilespmem:s24+$0xFFFFFFE0];
	v5 =	vadd.f32 v5, v6  }
0x3af: {  	v6 =	vld [tilespmem:s9+$0xFFFFFFE0]  }
0x3b0: {  	s16 =	sadd.s32 $0x2, s16;
	[tilespmem:s22+$0x0] =	vst v7;
	v7 =	vld [tilespmem:s10+$0xFFFFFFE0];
	v3 =	vadd.f32 v3, v5  }
0x3b1: {  	p1 =	slt.u32 s16, $0x7A;
	v4 =	vadd.f32 v8, v4;
	[tilespmem:s19+$0x0] =	vst v0;
	v5 =	vld [tilespmem:s19+$0x10]  }
0x3b2: {  	v8 =	vld [tilespmem:s15+$0x10];
	[tilespmem:s9+$0x20] =	vst v3  }
0x3b3: {  	v2 =	vadd.f32 v2, v4;
	v4 =	vld [tilespmem:s22+$0x10];
	[tilespmem:s10+$0x20] =	vst v0  }
0x3b4: {  	v6 =	vadd.f32 v6, v9;
	v9 =	vld [tilespmem:s24+$0x30]  }
0x3b5: {  	[tilespmem:s22+$0xFFFFFFC0] =	vst v2;
	v10 =	vld [tilespmem:s9+$0x30]  }
0x3b6: {  	[tilespmem:s19+$0xFFFFFFC0] =	vst v0;
	v3 =	vld [tilespmem:s19+$0xFFFFFFD0];
	v2 =	vadd.f32 v7, v6  }
0x3b7: {  	v7 =	vld [tilespmem:s10+$0x30]  }
.Ltmp11:
0x3b8: {  	v6 =	vld [tilespmem:s15+$0xFFFFFFD0];
	v4 =	vadd.f32 v4, v8;
	[tilespmem:s9+$0xFFFFFFE0] =	vst v2;
	(pc) =	sbr.rel @p1 .LBB2_19-.Ltmp11, $4  }
0x3b9: {  	v8 =	vld [tilespmem:s22+$0xFFFFFFD0];
	[tilespmem:s10+$0xFFFFFFE0] =	vst v0  }
0x3ba: {  	v4 =	vadd.f32 v5, v4;
	v2 =	vld [tilespmem:s24+$0xFFFFFFF0];
	v9 =	vadd.f32 v10, v9;
	s24 =	smov.u32 s15  }
0x3bb: {  	v5 =	vld [tilespmem:s9+$0xFFFFFFF0]  }
0x3bc: {  	s19 =	sadd.s32 $0x80, s19;
	[tilespmem:s22+$0x10] =	vst v4;
	v4 =	vld [tilespmem:s10+$0xFFFFFFF0];
	v7 =	vadd.f32 v7, v9  }
0x3bd: {  	_ = 	snop  }
0x3be: {  	v6 =	vadd.f32 v8, v6;
	_ =	sdelay $0x1  }
0x3bf: {  	[tilespmem:s20+$0x10] =	vst v0;
	v3 =	vadd.f32 v3, v6  }
0x3c0: {  	v45 =	vld [tilespmem:s24+$0x20]  }
0x3c1: {  	v46 =	vld [tilespmem:s3+$0x20];
	[tilespmem:s3+$0xFFFFFFD0] =	vst v3  }
0x3c2: {  	v3 =	vld [tilespmem:s20+$0x20];
	[tilespmem:s20+$0xFFFFFFD0] =	vst v0  }
0x3c3: {  	v9 =	vld [tilespmem:s24+$0xFFFFFFE0]  }
0x3c4: {  	v10 =	vld [tilespmem:s3+$0xFFFFFFE0];
	_ =	sdelay $0x1  }
0x3c5: {  	v6 =	vadd.f32 v46, v45;
	v47 =	vld [tilespmem:s20+$0xFFFFFFE0];
	_ =	sdelay $0x1  }
0x3c6: {  	v3 =	vadd.f32 v3, v6  }
0x3c7: {  	v48 =	vadd.f32 v10, v9  }
0x3c8: {  	[tilespmem:s3+$0x20] =	vst v3  }
0x3c9: {  	[tilespmem:s20+$0x20] =	vst v0;
	v3 =	vadd.f32 v47, v48  }
0x3ca: {  	v49 =	vld [tilespmem:s24+$0x30]  }
0x3cb: {  	v50 =	vld [tilespmem:s3+$0x30];
	[tilespmem:s3+$0xFFFFFFE0] =	vst v3  }
0x3cc: {  	v3 =	vld [tilespmem:s20+$0x30];
	[tilespmem:s20+$0xFFFFFFE0] =	vst v0  }
0x3cd: {  	v51 =	vld [tilespmem:s24+$0xFFFFFFF0]  }
0x3ce: {  	v52 =	vld [tilespmem:s3+$0xFFFFFFF0]  }
0x3cf: {  	v2 =	vadd.f32 v5, v2  }
0x3d0: {  	v53 =	vld [tilespmem:s20+$0xFFFFFFF0]  }
0x3d1: {  	[tilespmem:s9+$0x30] =	vst v7;
	v2 =	vadd.f32 v4, v2;
	v54 =	vadd.f32 v50, v49  }
0x3d2: {  	[tilespmem:s10+$0x30] =	vst v0  }
0x3d3: {  	[tilespmem:s9+$0xFFFFFFF0] =	vst v2;
	v2 =	vadd.f32 v3, v54;
	v3 =	vadd.f32 v52, v51  }
0x3d4: {  	[tilespmem:s10+$0xFFFFFFF0] =	vst v0  }
0x3d5: {  	[tilespmem:s3+$0x30] =	vst v2;
	v2 =	vadd.f32 v53, v3  }
0x3d6: {  	[tilespmem:s20+$0x30] =	vst v0  }
0x3d7: {  	[tilespmem:s3+$0xFFFFFFF0] =	vst v2  }
0x3d8: {  	[tilespmem:s20+$0xFFFFFFF0] =	vst v0  }
0x3d9: {  	v2 =	vld [tilespmem:$0x1ED80]  }
0x3da: {  	v3 =	vld [tilespmem:$0x1AF00]  }
0x3db: {  	v55 =	vld [tilespmem:$0x1CE40]  }
0x3dc: {  	v56 =	vld [tilespmem:$0x1ED90]  }
0x3dd: {  	v57 =	vld [tilespmem:$0x1AF10]  }
0x3de: {  	v7 =	vld [tilespmem:$0x1CE50]  }
0x3df: {  	v58 =	vld [tilespmem:$0x1EDA0]  }
0x3e0: {  	v59 =	vld [tilespmem:$0x1AF20]  }
0x3e1: {  	v60 =	vld [tilespmem:$0x1CE60]  }
0x3e2: {  	v11 =	vld [tilespmem:$0x1AF30];
	v2 =	vadd.f32 v3, v2  }
0x3e3: {  	v3 =	vld [tilespmem:$0x1EDB0]  }
0x3e4: {  	v61 =	vadd.f32 v57, v56;
	v2 =	vadd.f32 v55, v2  }
0x3e5: {  	v62 =	vld [tilespmem:$0x1CE70];
	[tilespmem:$0x1CE40] =	vst v0  }
0x3e6: {  	v63 =	vadd.f32 v59, v58;
	[tilespmem:$0x1AF00] =	vst v2;
	v2 =	vadd.f32 v7, v61  }
0x3e7: {  	[tilespmem:$0x1CE50] =	vst v0  }
0x3e8: {  	v3 =	vadd.f32 v11, v3;
	[tilespmem:$0x1AF10] =	vst v2;
	v2 =	vadd.f32 v60, v63  }
0x3e9: {  	[tilespmem:$0x1CE60] =	vst v0  }
0x3ea: {  	[tilespmem:$0x1AF20] =	vst v2;
	v2 =	vadd.f32 v62, v3  }
0x3eb: {  	[tilespmem:$0x1CE70] =	vst v0  }
0x3ec: {  	s3 =	rddreg [dreg:$0x6];
	[tilespmem:$0x1AF30] =	vst v2  }
0x3ed: {  	[spmem:s3] =	stream.linear.scatter [tilespmem:s25], [sflag:$0xB], $0x1F40, $0x38;
	[tilespmem:$0x1EDC0] =	vst v63  }
0x3ee: {  	s10 =	simm.s32 $0x1AF40;
	s28 =	rddreg [dreg:$0x7];
	s3 =	simm.s32 $0x0  }
0x3ef: {  	[spmem:s28] =	stream.linear.scatter [tilespmem:s10], [sflag:$0xC], $0x1F40, $0x38;
	[tilespmem:$0x1EDC0] =	vst v63  }
.LBB2_24:
0x3f0: {  	_ =	swait.ge [sflag:s21], $0x1F40  }
0x3f1: {  	[sflag:s21] =	ssyncset.done $0x0  }
0x3f2: {  	[sflag:s21] =	ssyncadd.s32 $0xFFFFE0C0  }
0x3f3: {  	_ =	swait.ge [sflag:s23], $0x1F40  }
0x3f4: {  	[sflag:s23] =	ssyncset.done $0x0  }
0x3f5: {  	s15 =	simm.s32 $0x1CE80;
	s9 =	rddreg [dreg:$0x8];
	[sflag:s23] =	ssyncadd.s32 $0xFFFFE0C0  }
0x3f6: {  	[tilespmem:s15], [sflag:$0xB] =	stream.linear.gather [hbm4b:s9+s3], $0x1F40, $0x38;
	[tilespmem:$0x1EDC0] =	vst v63  }
0x3f7: {  	s24 =	rddreg [dreg:$0x11]  }
0x3f8: {  	[tilespmem:s25], [sflag:$0xC] =	stream.linear.gather [spmem:s24], $0x1F40, $0x38;
	[tilespmem:$0x1EDC0] =	vst v63  }
0x3f9: {  	s26 =	rddreg [dreg:$0x12]  }
0x3fa: {  	[tilespmem:s10], [sflag:$0xD] =	stream.linear.gather [spmem:s26], $0x1F40, $0x38;
	[tilespmem:$0x1EDC0] =	vst v63  }
0x3fb: {  	_ =	swait.ge [sflag:s21], $0x1F40  }
0x3fc: {  	[sflag:s21] =	ssyncset.done $0x0  }
0x3fd: {  	[sflag:s21] =	ssyncadd.s32 $0xFFFFE0C0  }
0x3fe: {  	_ =	swait.ge [sflag:s23], $0x1F40  }
.Ltmp12:
0x3ff: {  	[sflag:s23] =	ssyncset.done $0x0;
	(pc) =	sbr.rel @!p0 .LBB2_25-.Ltmp12, $4  }
0x400: {  	s28 =	simm.s32 $0xD;
	[sflag:s23] =	ssyncadd.s32 $0xFFFFE0C0  }
0x401: {  	_ =	swait.ge [sflag:s28], $0x1F40  }
0x402: {  	s9 =	simm.s32 $0x19040;
	[sflag:s28] =	ssyncset.done $0x0  }
0x403: {  	s3 =	simm.s32 $0x1CEC0;
	s10 =	simm.s32 $0x1AF80;
	[sflag:s28] =	ssyncadd.s32 $0xFFFFE0C0  }
0x404: {  	v2 =	vld [tilespmem:s3+$0x0]  }
0x405: {  	v3 =	vld [tilespmem:s9+$0x0];
	_ =	sdelay $0x1  }
0x406: {  	v4 =	vld [tilespmem:s10+$0x0];
	_ =	sdelay $0x1  }
0x407: {  	v5 =	vld [tilespmem:s9+$0xFFFFFFC0]  }
0x408: {  	v2 =	vadd.f32 v3, v2;
	v3 =	vld [tilespmem:s3+$0xFFFFFFC0];
	_ =	sdelay $0x1  }
0x409: {  	v2 =	vadd.f32 v4, v2;
	v4 =	vld [tilespmem:s10+$0xFFFFFFC0];
	_ =	sdelay $0x1  }
0x40a: {  	v2 =	vmul.f32 $2.500000000e-01, v2  }
0x40b: {  	v7 =	vld [tilespmem:s9+$0xFFFFFFE0];
	v3 =	vadd.f32 v5, v3  }
0x40c: {  	[tilespmem:s9+$0x0] =	vst v2;
	v2 =	vld [tilespmem:s9+$0x10]  }
0x40d: {  	v3 =	vadd.f32 v4, v3;
	v4 =	vld [tilespmem:s3+$0x10]  }
0x40e: {  	v11 =	vld [tilespmem:s9+$0x20]  }
0x40f: {  	s24 =	simm.s32 $0x1B000;
	v6 =	vld [tilespmem:s10+$0x10];
	v3 =	vmul.f32 $2.500000000e-01, v3  }
0x410: {  	v10 =	vld [tilespmem:s24+$0x0]  }
0x411: {  	v5 =	vld [tilespmem:s9+$0xFFFFFFD0];
	[tilespmem:s9+$0xFFFFFFC0] =	vst v3  }
0x412: {  	s22 =	simm.s32 $0x1CF40;
	v3 =	vld [tilespmem:s3+$0xFFFFFFD0];
	v2 =	vadd.f32 v2, v4  }
0x413: {  	s20 =	simm.s32 $0x190C0;
	v4 =	vld [tilespmem:s22+$0x0]  }
0x414: {  	v2 =	vadd.f32 v6, v2;
	v6 =	vld [tilespmem:s20+$0x0]  }
0x415: {  	v8 =	vld [tilespmem:s10+$0xFFFFFFD0]  }
0x416: {  	v12 =	vld [tilespmem:s20+$0xFFFFFFE0];
	v9 =	vmul.f32 $2.500000000e-01, v2  }
0x417: {  	v14 =	vld [tilespmem:s20+$0x20]  }
0x418: {  	v3 =	vadd.f32 v5, v3;
	[tilespmem:s9+$0x10] =	vst v9;
	v9 =	vld [tilespmem:s22+$0xFFFFFFC0]  }
0x419: {  	v5 =	vld [tilespmem:s3+$0x20];
	v4 =	vadd.f32 v6, v4  }
0x41a: {  	v3 =	vadd.f32 v8, v3;
	v6 =	vld [tilespmem:s10+$0x20]  }
0x41b: {  	s28 =	simm.s32 $0x1CFC0;
	v8 =	vld [tilespmem:s20+$0xFFFFFFC0];
	v4 =	vadd.f32 v10, v4  }
0x41c: {  	v15 =	vld [tilespmem:s28+$0x0];
	v3 =	vmul.f32 $2.500000000e-01, v3  }
0x41d: {  	s15 =	simm.s32 $0x1B080;
	v10 =	vld [tilespmem:s24+$0xFFFFFFC0];
	v4 =	vmul.f32 $2.500000000e-01, v4  }
0x41e: {  	v17 =	vld [tilespmem:s15+$0x0];
	[tilespmem:s9+$0xFFFFFFD0] =	vst v3;
	v3 =	vadd.f32 v11, v5  }
0x41f: {  	[tilespmem:s20+$0x0] =	vst v4;
	v4 =	vld [tilespmem:s20+$0x10]  }
0x420: {  	s26 =	simm.s32 $0x19140;
	v3 =	vadd.f32 v6, v3;
	v6 =	vadd.f32 v8, v9;
	v8 =	vld [tilespmem:s22+$0x10]  }
0x421: {  	v18 =	vld [tilespmem:s26+$0xFFFFFFC0]  }
0x422: {  	v3 =	vmul.f32 $2.500000000e-01, v3;
	v6 =	vadd.f32 v10, v6;
	v10 =	vld [tilespmem:s24+$0x10]  }
0x423: {  	v60 =	vld [tilespmem:s15+$0xFFFFFFC0]  }
0x424: {  	v61 =	vld [tilespmem:s26+$0xFFFFFFD0];
	[tilespmem:s9+$0x20] =	vst v3;
	v3 =	vmul.f32 $2.500000000e-01, v6  }
0x425: {  	v62 =	vld [tilespmem:s20+$0x30];
	v4 =	vadd.f32 v4, v8  }
0x426: {  	v5 =	vld [tilespmem:s20+$0xFFFFFFD0];
	[tilespmem:s20+$0xFFFFFFC0] =	vst v3  }
0x427: {  	v3 =	vld [tilespmem:s22+$0xFFFFFFD0];
	v4 =	vadd.f32 v10, v4  }
0x428: {  	v2 =	vld [tilespmem:s9+$0xFFFFFFF0]  }
0x429: {  	v10 =	vld [tilespmem:s24+$0xFFFFFFD0];
	v4 =	vmul.f32 $2.500000000e-01, v4  }
0x42a: {  	v11 =	vld [tilespmem:s3+$0xFFFFFFE0]  }
0x42b: {  	[tilespmem:s20+$0x10] =	vst v4;
	v4 =	vld [tilespmem:s26+$0x0]  }
0x42c: {  	v16 =	vld [tilespmem:s22+$0x20];
	v5 =	vadd.f32 v5, v3  }
0x42d: {  	v9 =	vld [tilespmem:s9+$0x30]  }
0x42e: {  	v5 =	vadd.f32 v10, v5;
	v10 =	vld [tilespmem:s24+$0x20]  }
0x42f: {  	v13 =	vld [tilespmem:s3+$0x30]  }
0x430: {  	v4 =	vadd.f32 v4, v15;
	v15 =	vld [tilespmem:s28+$0xFFFFFFC0]  }
0x431: {  	v6 =	vld [tilespmem:s10+$0x30];
	v5 =	vmul.f32 $2.500000000e-01, v5;
	v14 =	vadd.f32 v14, v16  }
0x432: {  	v8 =	vld [tilespmem:s10+$0xFFFFFFE0];
	v4 =	vadd.f32 v17, v4  }
0x433: {  	v3 =	vld [tilespmem:s20+$0xFFFFFFF0];
	[tilespmem:s20+$0xFFFFFFD0] =	vst v5;
	v10 =	vadd.f32 v10, v14  }
0x434: {  	v5 =	vld [tilespmem:s22+$0xFFFFFFE0];
	v14 =	vmul.f32 $2.500000000e-01, v4  }
0x435: {  	v4 =	vld [tilespmem:s26+$0xFFFFFFE0];
	v15 =	vadd.f32 v18, v15;
	v10 =	vmul.f32 $2.500000000e-01, v10  }
0x436: {  	[tilespmem:s26+$0x0] =	vst v14;
	v14 =	vld [tilespmem:s26+$0x10]  }
0x437: {  	v7 =	vadd.f32 v7, v11;
	v11 =	vadd.f32 v60, v15;
	v15 =	vld [tilespmem:s28+$0x10];
	[tilespmem:s20+$0x20] =	vst v10  }
0x438: {  	v10 =	vld [tilespmem:s22+$0x30]  }
0x439: {  	v7 =	vadd.f32 v8, v7;
	v8 =	vmul.f32 $2.500000000e-01, v11;
	v11 =	vld [tilespmem:s15+$0x10]  }
0x43a: {  	v9 =	vadd.f32 v9, v13;
	v63 =	vld [tilespmem:s24+$0x30]  }
0x43b: {  	v7 =	vmul.f32 $2.500000000e-01, v7;
	[tilespmem:s26+$0xFFFFFFC0] =	vst v8;
	v8 =	vld [tilespmem:s24+$0xFFFFFFE0]  }
0x43c: {  	v13 =	vadd.f32 v14, v15;
	v14 =	vld [tilespmem:s28+$0xFFFFFFD0];
	v15 =	vadd.f32 v6, v9  }
0x43d: {  	[tilespmem:s9+$0xFFFFFFE0] =	vst v7;
	v9 =	vld [tilespmem:s15+$0xFFFFFFD0];
	v7 =	vadd.f32 v62, v10  }
0x43e: {  	v6 =	vld [tilespmem:s3+$0xFFFFFFF0];
	v10 =	vadd.f32 v11, v13;
	v11 =	vmul.f32 $2.500000000e-01, v15;
	v13 =	vadd.f32 v12, v5  }
0x43f: {  	v5 =	vld [tilespmem:s26+$0xFFFFFFF0];
	v15 =	vadd.f32 v63, v7  }
0x440: {  	s16 =	simm.s32 $0x4;
	v7 =	vld [tilespmem:s10+$0xFFFFFFF0];
	v12 =	vmul.f32 $2.500000000e-01, v10;
	[tilespmem:s9+$0x30] =	vst v11;
	v11 =	vadd.f32 v8, v13  }
0x441: {  	s19 =	simm.s32 $0x19140;
	s3 =	simm.s32 $0x1B080;
	s10 =	simm.s32 $0x1D040;
	v8 =	vld [tilespmem:s26+$0x20];
	v13 =	vadd.f32 v61, v14;
	v10 =	vmul.f32 $2.500000000e-01, v15  }
.LBB2_29:
0x442: {  	v14 =	vld [tilespmem:s10+$0x0];
	[tilespmem:s26+$0x10] =	vst v12;
	s19 =	sadd.s32 $0x80, s19;
	v11 =	vmul.f32 $2.500000000e-01, v11  }
0x443: {  	v12 =	vld [tilespmem:s19+$0x0];
	v9 =	vadd.f32 v9, v13;
	[tilespmem:s20+$0x30] =	vst v10;
	v6 =	vadd.f32 v2, v6;
	v2 =	vmov v3  }
0x444: {  	s16 =	sadd.s32 $0x2, s16;
	s15 =	sadd.s32 $0x80, s15;
	v10 =	vld [tilespmem:s28+$0x20];
	[tilespmem:s20+$0xFFFFFFE0] =	vst v11;
	v3 =	vmov v5  }
0x445: {  	p1 =	slt.u32 s16, $0x7A;
	v5 =	vld [tilespmem:s15+$0x0];
	v9 =	vmul.f32 $2.500000000e-01, v9;
	v6 =	vadd.f32 v7, v6  }
0x446: {  	v7 =	vld [tilespmem:s3+$0x20]  }
0x447: {  	v11 =	vld [tilespmem:s19+$0xFFFFFFC0];
	[tilespmem:s26+$0xFFFFFFD0] =	vst v9;
	v6 =	vmul.f32 $2.500000000e-01, v6  }
0x448: {  	v9 =	vld [tilespmem:s10+$0xFFFFFFC0];
	v12 =	vadd.f32 v12, v14  }
0x449: {  	v13 =	vld [tilespmem:s15+$0xFFFFFFC0];
	v8 =	vadd.f32 v8, v10;
	[tilespmem:s9+$0xFFFFFFF0] =	vst v6;
	s9 =	smov.u32 s20;
	s20 =	smov.u32 s26;
	s26 =	smov.u32 s19  }
0x44a: {  	v10 =	vld [tilespmem:s19+$0xFFFFFFD0];
	v5 =	vadd.f32 v5, v12  }
0x44b: {  	v6 =	vld [tilespmem:s28+$0xFFFFFFE0];
	v7 =	vadd.f32 v7, v8  }
0x44c: {  	v8 =	vld [tilespmem:s19+$0xFFFFFFE0];
	v5 =	vmul.f32 $2.500000000e-01, v5  }
0x44d: {  	v9 =	vadd.f32 v11, v9;
	v7 =	vmul.f32 $2.500000000e-01, v7;
	v11 =	vld [tilespmem:s20+$0x30]  }
0x44e: {  	[tilespmem:s19+$0x0] =	vst v5;
	v5 =	vld [tilespmem:s19+$0x10]  }
0x44f: {  	v9 =	vadd.f32 v13, v9;
	v12 =	vld [tilespmem:s10+$0x10];
	[tilespmem:s20+$0x20] =	vst v7  }
0x450: {  	v7 =	vadd.f32 v4, v6;
	v6 =	vld [tilespmem:s28+$0x30]  }
0x451: {  	v9 =	vmul.f32 $2.500000000e-01, v9;
	v13 =	vld [tilespmem:s15+$0x10];
	v4 =	vmov v8  }
0x452: {  	v8 =	vld [tilespmem:s3+$0x30]  }
0x453: {  	[tilespmem:s19+$0xFFFFFFC0] =	vst v9;
	v14 =	vld [tilespmem:s3+$0xFFFFFFE0]  }
0x454: {  	v15 =	vld [tilespmem:s10+$0xFFFFFFD0];
	v5 =	vadd.f32 v5, v12  }
.Ltmp13:
0x455: {  	v9 =	vld [tilespmem:s15+$0xFFFFFFD0];
	v11 =	vadd.f32 v11, v6;
	(pc) =	sbr.rel @p1 .LBB2_29-.Ltmp13, $4  }
0x456: {  	v12 =	vadd.f32 v13, v5;
	v6 =	vld [tilespmem:s22+$0xFFFFFFF0];
	s22 =	smov.u32 s28;
	s28 =	smov.u32 s10  }
0x457: {  	v5 =	vld [tilespmem:s19+$0xFFFFFFF0];
	v16 =	vadd.f32 v8, v11  }
0x458: {  	v12 =	vmul.f32 $2.500000000e-01, v12;
	v11 =	vadd.f32 v14, v7;
	v7 =	vld [tilespmem:s24+$0xFFFFFFF0];
	s24 =	smov.u32 s3;
	s3 =	smov.u32 s15  }
0x459: {  	s10 =	sadd.s32 $0x80, s10;
	v13 =	vadd.f32 v10, v15;
	v8 =	vld [tilespmem:s19+$0x20];
	v10 =	vmul.f32 $2.500000000e-01, v16  }
0x45a: {  	_ = 	snop  }
0x45b: {  	v9 =	vadd.f32 v9, v13;
	_ =	sdelay $0x1  }
0x45c: {  	v9 =	vmul.f32 $2.500000000e-01, v9  }
0x45d: {  	[tilespmem:s26+$0x10] =	vst v12  }
0x45e: {  	v12 =	vld [tilespmem:s28+$0x20];
	[tilespmem:s26+$0xFFFFFFD0] =	vst v9  }
0x45f: {  	v9 =	vld [tilespmem:s28+$0xFFFFFFE0]  }
0x460: {  	v46 =	vld [tilespmem:s3+$0x20]  }
0x461: {  	v47 =	vld [tilespmem:s3+$0xFFFFFFE0];
	_ =	sdelay $0x1  }
0x462: {  	v8 =	vadd.f32 v8, v12  }
0x463: {  	v4 =	vadd.f32 v4, v9  }
0x464: {  	v11 =	vmul.f32 $2.500000000e-01, v11;
	v8 =	vadd.f32 v46, v8  }
0x465: {  	v4 =	vadd.f32 v47, v4  }
0x466: {  	v48 =	vld [tilespmem:s26+$0x30];
	[tilespmem:s20+$0xFFFFFFE0] =	vst v11;
	v8 =	vmul.f32 $2.500000000e-01, v8  }
0x467: {  	v50 =	vld [tilespmem:s22+$0xFFFFFFF0];
	v4 =	vmul.f32 $2.500000000e-01, v4  }
0x468: {  	v51 =	vld [tilespmem:s24+$0xFFFFFFF0];
	[tilespmem:s26+$0x20] =	vst v8  }
0x469: {  	v8 =	vld [tilespmem:s28+$0x30];
	[tilespmem:s26+$0xFFFFFFE0] =	vst v4  }
0x46a: {  	v4 =	vld [tilespmem:s28+$0xFFFFFFF0]  }
0x46b: {  	v2 =	vadd.f32 v2, v6;
	v49 =	vld [tilespmem:s3+$0x30]  }
0x46c: {  	v52 =	vld [tilespmem:s3+$0xFFFFFFF0]  }
0x46d: {  	v2 =	vadd.f32 v7, v2;
	v3 =	vadd.f32 v3, v50  }
0x46e: {  	v8 =	vadd.f32 v48, v8  }
0x46f: {  	v2 =	vmul.f32 $2.500000000e-01, v2;
	v3 =	vadd.f32 v51, v3;
	v4 =	vadd.f32 v5, v4  }
0x470: {  	v53 =	vadd.f32 v49, v8  }
0x471: {  	[tilespmem:s9+$0xFFFFFFF0] =	vst v2;
	v2 =	vmul.f32 $2.500000000e-01, v3;
	v4 =	vadd.f32 v52, v4  }
0x472: {  	[tilespmem:s20+$0x30] =	vst v10;
	v54 =	vmul.f32 $2.500000000e-01, v53  }
0x473: {  	[tilespmem:s20+$0xFFFFFFF0] =	vst v2;
	v3 =	vmul.f32 $2.500000000e-01, v4  }
0x474: {  	[tilespmem:s26+$0x30] =	vst v54  }
0x475: {  	[tilespmem:s26+$0xFFFFFFF0] =	vst v3  }
0x476: {  	v2 =	vld [tilespmem:$0x1ED80]  }
0x477: {  	v3 =	vld [tilespmem:$0x1AF00]  }
0x478: {  	v55 =	vld [tilespmem:$0x1CE40]  }
0x479: {  	v5 =	vld [tilespmem:$0x1ED90]  }
0x47a: {  	v56 =	vld [tilespmem:$0x1AF10]  }
0x47b: {  	v57 =	vld [tilespmem:$0x1CE50]  }
0x47c: {  	v58 =	vld [tilespmem:$0x1EDA0]  }
0x47d: {  	v59 =	vld [tilespmem:$0x1AF20]  }
0x47e: {  	v10 =	vld [tilespmem:$0x1EDB0]  }
0x47f: {  	v60 =	vld [tilespmem:$0x1AF30]  }
0x480: {  	v61 =	vld [tilespmem:$0x1CE60]  }
0x481: {  	v2 =	vadd.f32 v3, v2;
	v3 =	vld [tilespmem:$0x1CE70]  }
0x482: {  	v5 =	vadd.f32 v56, v5  }
0x483: {  	v62 =	vadd.f32 v59, v58;
	v2 =	vadd.f32 v55, v2  }
0x484: {  	v63 =	vadd.f32 v60, v10;
	v5 =	vadd.f32 v57, v5  }
0x485: {  	v4 =	vadd.f32 v61, v62;
	v2 =	vmul.f32 $2.500000000e-01, v2  }
0x486: {  	v5 =	vmul.f32 $2.500000000e-01, v5;
	v3 =	vadd.f32 v3, v63  }
0x487: {  	[tilespmem:$0x1AF00] =	vst v2;
	v2 =	vmul.f32 $2.500000000e-01, v4  }
0x488: {  	[tilespmem:$0x1AF10] =	vst v5;
	v3 =	vmul.f32 $2.500000000e-01, v3  }
.Ltmp14:
0x489: {  	[tilespmem:$0x1AF20] =	vst v2;
	(pc) =	sbr.rel .LBB2_31-.Ltmp14, $4  }
0x48a: {  	s28 =	rddreg [dreg:$0x11];
	[tilespmem:$0x1AF30] =	vst v3  }
0x48b: {  	[spmem:s28] =	stream.linear.scatter [tilespmem:s25], [sflag:$0xB], $0x1F40, $0x38;
	[tilespmem:$0x1EDC0] =	vst v63  }
0x48c: {  	s10 =	simm.s32 $0x1AF40;
	s3 =	simm.s32 $0x0;
	s9 =	rddreg [dreg:$0xd]  }
0x48d: {  	[hbm4b:s9+s3] =	stream.linear.scatter [tilespmem:s25], [sflag:$0xC], $0x1F40, $0x38;
	[tilespmem:$0x1EDC0] =	vst v63  }
.LBB2_25:
0x48e: {  	v2 =	vld [tilespmem:s3+$0x0]  }
0x48f: {  	v3 =	vld [tilespmem:s9+$0x0];
	_ =	sdelay $0x1  }
0x490: {  	v4 =	vld [tilespmem:s10+$0x0];
	_ =	sdelay $0x2  }
0x491: {  	v5 =	vld [tilespmem:s9+$0xFFFFFFC0];
	v2 =	vadd.f32 v3, v2  }
0x492: {  	v3 =	vld [tilespmem:s3+$0xFFFFFFC0]  }
0x493: {  	v2 =	vadd.f32 v4, v2  }
0x494: {  	v4 =	vld [tilespmem:s10+$0xFFFFFFC0]  }
0x495: {  	[tilespmem:s9+$0x0] =	vst v2  }
0x496: {  	[tilespmem:s10+$0x0] =	vst v0  }
0x497: {  	v2 =	vadd.f32 v5, v3;
	v3 =	vld [tilespmem:s3+$0x10]  }
0x498: {  	v5 =	vld [tilespmem:s9+$0x10]  }
0x499: {  	v2 =	vadd.f32 v4, v2  }
0x49a: {  	v4 =	vld [tilespmem:s10+$0x10]  }
0x49b: {  	[tilespmem:s9+$0xFFFFFFC0] =	vst v2  }
0x49c: {  	[tilespmem:s10+$0xFFFFFFC0] =	vst v0  }
0x49d: {  	v3 =	vadd.f32 v5, v3;
	v5 =	vld [tilespmem:s3+$0xFFFFFFD0]  }
0x49e: {  	s22 =	simm.s32 $0x190C0;
	v6 =	vld [tilespmem:s9+$0xFFFFFFD0]  }
0x49f: {  	v7 =	vld [tilespmem:s22+$0x0];
	v3 =	vadd.f32 v4, v3  }
0x4a0: {  	s20 =	simm.s32 $0x1B000;
	v2 =	vld [tilespmem:s10+$0xFFFFFFD0]  }
0x4a1: {  	s15 =	simm.s32 $0x1CF40;
	v4 =	vld [tilespmem:s20+$0x0];
	[tilespmem:s9+$0x10] =	vst v3  }
0x4a2: {  	v3 =	vld [tilespmem:s15+$0x0];
	[tilespmem:s10+$0x10] =	vst v0  }
0x4a3: {  	v5 =	vadd.f32 v6, v5;
	v8 =	vld [tilespmem:s3+$0x20]  }
0x4a4: {  	v6 =	vld [tilespmem:s9+$0x20]  }
0x4a5: {  	v9 =	vld [tilespmem:s22+$0xFFFFFFC0];
	v2 =	vadd.f32 v2, v5  }
0x4a6: {  	v5 =	vld [tilespmem:s10+$0x20]  }
0x4a7: {  	v10 =	vld [tilespmem:s15+$0xFFFFFFC0];
	v3 =	vadd.f32 v7, v3;
	[tilespmem:s9+$0xFFFFFFD0] =	vst v2  }
0x4a8: {  	v2 =	vld [tilespmem:s20+$0xFFFFFFC0];
	[tilespmem:s10+$0xFFFFFFD0] =	vst v0  }
0x4a9: {  	v3 =	vadd.f32 v4, v3;
	v4 =	vld [tilespmem:s3+$0xFFFFFFE0];
	v6 =	vadd.f32 v6, v8  }
0x4aa: {  	v7 =	vld [tilespmem:s9+$0xFFFFFFE0]  }
0x4ab: {  	v8 =	vld [tilespmem:s10+$0xFFFFFFE0];
	[tilespmem:s22+$0x0] =	vst v3;
	v3 =	vadd.f32 v5, v6  }
0x4ac: {  	v5 =	vadd.f32 v9, v10;
	[tilespmem:s20+$0x0] =	vst v0;
	v9 =	vld [tilespmem:s20+$0x10]  }
0x4ad: {  	v10 =	vld [tilespmem:s15+$0x10];
	[tilespmem:s9+$0x20] =	vst v3  }
0x4ae: {  	v2 =	vadd.f32 v2, v5;
	v5 =	vld [tilespmem:s22+$0x10];
	[tilespmem:s10+$0x20] =	vst v0  }
0x4af: {  	v4 =	vadd.f32 v7, v4;
	v7 =	vld [tilespmem:s3+$0x30]  }
0x4b0: {  	v11 =	vld [tilespmem:s9+$0x30]  }
0x4b1: {  	v12 =	vld [tilespmem:s10+$0x30];
	[tilespmem:s22+$0xFFFFFFC0] =	vst v2;
	v2 =	vadd.f32 v8, v4  }
0x4b2: {  	[tilespmem:s20+$0xFFFFFFC0] =	vst v0;
	v3 =	vld [tilespmem:s20+$0xFFFFFFD0]  }
0x4b3: {  	v6 =	vld [tilespmem:s15+$0xFFFFFFD0];
	v4 =	vadd.f32 v5, v10;
	[tilespmem:s9+$0xFFFFFFE0] =	vst v2  }
0x4b4: {  	v8 =	vld [tilespmem:s22+$0xFFFFFFD0];
	[tilespmem:s10+$0xFFFFFFE0] =	vst v0  }
0x4b5: {  	v4 =	vadd.f32 v9, v4;
	v2 =	vld [tilespmem:s3+$0xFFFFFFF0];
	v7 =	vadd.f32 v11, v7  }
0x4b6: {  	s16 =	simm.s32 $0x2;
	v5 =	vld [tilespmem:s9+$0xFFFFFFF0]  }
0x4b7: {  	s19 =	simm.s32 $0x1B080;
	s24 =	simm.s32 $0x1CF40;
	s3 =	simm.s32 $0x190C0;
	[tilespmem:s22+$0x10] =	vst v4;
	v4 =	vld [tilespmem:s10+$0xFFFFFFF0];
	v7 =	vadd.f32 v12, v7  }
.LBB2_26:
0x4b8: {  	v9 =	vld [tilespmem:s19+$0x0];
	[tilespmem:s20+$0x10] =	vst v0;
	s15 =	sadd.s32 $0x80, s15  }
0x4b9: {  	s22 =	sadd.s32 $0x80, s22;
	v10 =	vld [tilespmem:s15+$0x0];
	v6 =	vadd.f32 v8, v6;
	[tilespmem:s9+$0x30] =	vst v7  }
0x4ba: {  	v7 =	vld [tilespmem:s22+$0x0];
	[tilespmem:s10+$0x30] =	vst v0  }
0x4bb: {  	v3 =	vadd.f32 v3, v6;
	v6 =	vld [tilespmem:s24+$0x20];
	v2 =	vadd.f32 v5, v2  }
0x4bc: {  	v5 =	vld [tilespmem:s3+$0x20]  }
0x4bd: {  	v8 =	vld [tilespmem:s22+$0xFFFFFFC0];
	[tilespmem:s3+$0xFFFFFFD0] =	vst v3;
	v2 =	vadd.f32 v4, v2  }
0x4be: {  	[tilespmem:s20+$0xFFFFFFD0] =	vst v0;
	v3 =	vld [tilespmem:s20+$0x20]  }
0x4bf: {  	v4 =	vld [tilespmem:s15+$0xFFFFFFC0];
	v7 =	vadd.f32 v7, v10;
	[tilespmem:s9+$0xFFFFFFF0] =	vst v2;
	s9 =	smov.u32 s3;
	s3 =	smov.u32 s22  }
0x4c0: {  	v2 =	vld [tilespmem:s19+$0xFFFFFFC0];
	[tilespmem:s10+$0xFFFFFFF0] =	vst v0;
	s10 =	smov.u32 s20;
	s20 =	smov.u32 s19  }
0x4c1: {  	v7 =	vadd.f32 v9, v7;
	v9 =	vld [tilespmem:s24+$0xFFFFFFE0];
	v5 =	vadd.f32 v5, v6  }
0x4c2: {  	v6 =	vld [tilespmem:s9+$0xFFFFFFE0]  }
0x4c3: {  	s16 =	sadd.s32 $0x2, s16;
	[tilespmem:s22+$0x0] =	vst v7;
	v7 =	vld [tilespmem:s10+$0xFFFFFFE0];
	v3 =	vadd.f32 v3, v5  }
0x4c4: {  	p1 =	slt.u32 s16, $0x7A;
	v4 =	vadd.f32 v8, v4;
	[tilespmem:s19+$0x0] =	vst v0;
	v5 =	vld [tilespmem:s19+$0x10]  }
0x4c5: {  	v8 =	vld [tilespmem:s15+$0x10];
	[tilespmem:s9+$0x20] =	vst v3  }
0x4c6: {  	v2 =	vadd.f32 v2, v4;
	v4 =	vld [tilespmem:s22+$0x10];
	[tilespmem:s10+$0x20] =	vst v0  }
0x4c7: {  	v6 =	vadd.f32 v6, v9;
	v9 =	vld [tilespmem:s24+$0x30]  }
0x4c8: {  	[tilespmem:s22+$0xFFFFFFC0] =	vst v2;
	v10 =	vld [tilespmem:s9+$0x30]  }
0x4c9: {  	[tilespmem:s19+$0xFFFFFFC0] =	vst v0;
	v3 =	vld [tilespmem:s19+$0xFFFFFFD0];
	v2 =	vadd.f32 v7, v6  }
0x4ca: {  	v7 =	vld [tilespmem:s10+$0x30]  }
.Ltmp15:
0x4cb: {  	v6 =	vld [tilespmem:s15+$0xFFFFFFD0];
	v4 =	vadd.f32 v4, v8;
	[tilespmem:s9+$0xFFFFFFE0] =	vst v2;
	(pc) =	sbr.rel @p1 .LBB2_26-.Ltmp15, $4  }
0x4cc: {  	v8 =	vld [tilespmem:s22+$0xFFFFFFD0];
	[tilespmem:s10+$0xFFFFFFE0] =	vst v0  }
0x4cd: {  	v4 =	vadd.f32 v5, v4;
	v2 =	vld [tilespmem:s24+$0xFFFFFFF0];
	v9 =	vadd.f32 v10, v9;
	s24 =	smov.u32 s15  }
0x4ce: {  	v5 =	vld [tilespmem:s9+$0xFFFFFFF0]  }
0x4cf: {  	s19 =	sadd.s32 $0x80, s19;
	[tilespmem:s22+$0x10] =	vst v4;
	v4 =	vld [tilespmem:s10+$0xFFFFFFF0];
	v7 =	vadd.f32 v7, v9  }
0x4d0: {  	_ = 	snop  }
0x4d1: {  	v6 =	vadd.f32 v8, v6;
	_ =	sdelay $0x1  }
0x4d2: {  	[tilespmem:s20+$0x10] =	vst v0;
	v3 =	vadd.f32 v3, v6  }
0x4d3: {  	v45 =	vld [tilespmem:s24+$0x20]  }
0x4d4: {  	v46 =	vld [tilespmem:s3+$0x20];
	[tilespmem:s3+$0xFFFFFFD0] =	vst v3  }
0x4d5: {  	v3 =	vld [tilespmem:s20+$0x20];
	[tilespmem:s20+$0xFFFFFFD0] =	vst v0  }
0x4d6: {  	v9 =	vld [tilespmem:s24+$0xFFFFFFE0]  }
0x4d7: {  	v10 =	vld [tilespmem:s3+$0xFFFFFFE0];
	_ =	sdelay $0x1  }
0x4d8: {  	v6 =	vadd.f32 v46, v45;
	v47 =	vld [tilespmem:s20+$0xFFFFFFE0];
	_ =	sdelay $0x1  }
0x4d9: {  	v3 =	vadd.f32 v3, v6  }
0x4da: {  	v48 =	vadd.f32 v10, v9  }
0x4db: {  	[tilespmem:s3+$0x20] =	vst v3  }
0x4dc: {  	[tilespmem:s20+$0x20] =	vst v0;
	v3 =	vadd.f32 v47, v48  }
0x4dd: {  	v49 =	vld [tilespmem:s24+$0x30]  }
0x4de: {  	v50 =	vld [tilespmem:s3+$0x30];
	[tilespmem:s3+$0xFFFFFFE0] =	vst v3  }
0x4df: {  	v3 =	vld [tilespmem:s20+$0x30];
	[tilespmem:s20+$0xFFFFFFE0] =	vst v0  }
0x4e0: {  	v51 =	vld [tilespmem:s24+$0xFFFFFFF0]  }
0x4e1: {  	v52 =	vld [tilespmem:s3+$0xFFFFFFF0]  }
0x4e2: {  	v2 =	vadd.f32 v5, v2  }
0x4e3: {  	v53 =	vld [tilespmem:s20+$0xFFFFFFF0]  }
0x4e4: {  	[tilespmem:s9+$0x30] =	vst v7;
	v2 =	vadd.f32 v4, v2;
	v54 =	vadd.f32 v50, v49  }
0x4e5: {  	[tilespmem:s10+$0x30] =	vst v0  }
0x4e6: {  	[tilespmem:s9+$0xFFFFFFF0] =	vst v2;
	v2 =	vadd.f32 v3, v54;
	v3 =	vadd.f32 v52, v51  }
0x4e7: {  	[tilespmem:s10+$0xFFFFFFF0] =	vst v0  }
0x4e8: {  	[tilespmem:s3+$0x30] =	vst v2;
	v2 =	vadd.f32 v53, v3  }
0x4e9: {  	[tilespmem:s20+$0x30] =	vst v0  }
0x4ea: {  	[tilespmem:s3+$0xFFFFFFF0] =	vst v2  }
0x4eb: {  	[tilespmem:s20+$0xFFFFFFF0] =	vst v0  }
0x4ec: {  	v2 =	vld [tilespmem:$0x1ED80]  }
0x4ed: {  	v3 =	vld [tilespmem:$0x1AF00]  }
0x4ee: {  	v55 =	vld [tilespmem:$0x1CE40]  }
0x4ef: {  	v56 =	vld [tilespmem:$0x1ED90]  }
0x4f0: {  	v57 =	vld [tilespmem:$0x1AF10]  }
0x4f1: {  	v7 =	vld [tilespmem:$0x1CE50]  }
0x4f2: {  	v58 =	vld [tilespmem:$0x1EDA0]  }
0x4f3: {  	v59 =	vld [tilespmem:$0x1AF20]  }
0x4f4: {  	v60 =	vld [tilespmem:$0x1CE60]  }
0x4f5: {  	v11 =	vld [tilespmem:$0x1AF30];
	v2 =	vadd.f32 v3, v2  }
0x4f6: {  	v3 =	vld [tilespmem:$0x1EDB0]  }
0x4f7: {  	v61 =	vadd.f32 v57, v56;
	v2 =	vadd.f32 v55, v2  }
0x4f8: {  	v62 =	vld [tilespmem:$0x1CE70];
	[tilespmem:$0x1CE40] =	vst v0  }
0x4f9: {  	v63 =	vadd.f32 v59, v58;
	[tilespmem:$0x1AF00] =	vst v2;
	v2 =	vadd.f32 v7, v61  }
0x4fa: {  	[tilespmem:$0x1CE50] =	vst v0  }
0x4fb: {  	v3 =	vadd.f32 v11, v3;
	[tilespmem:$0x1AF10] =	vst v2;
	v2 =	vadd.f32 v60, v63  }
0x4fc: {  	[tilespmem:$0x1CE60] =	vst v0  }
0x4fd: {  	[tilespmem:$0x1AF20] =	vst v2;
	v2 =	vadd.f32 v62, v3  }
0x4fe: {  	[tilespmem:$0x1CE70] =	vst v0  }
0x4ff: {  	s3 =	rddreg [dreg:$0x11];
	[tilespmem:$0x1AF30] =	vst v2  }
0x500: {  	[spmem:s3] =	stream.linear.scatter [tilespmem:s25], [sflag:$0xB], $0x1F40, $0x38;
	[tilespmem:$0x1EDC0] =	vst v63  }
0x501: {  	s10 =	simm.s32 $0x1AF40;
	s28 =	rddreg [dreg:$0x12];
	s3 =	simm.s32 $0x0  }
0x502: {  	[spmem:s28] =	stream.linear.scatter [tilespmem:s10], [sflag:$0xC], $0x1F40, $0x38;
	[tilespmem:$0x1EDC0] =	vst v63  }
.LBB2_31:
0x503: {  	_ =	swait.ge [sflag:s21], $0x1F40  }
0x504: {  	[sflag:s21] =	ssyncset.done $0x0  }
0x505: {  	[sflag:s21] =	ssyncadd.s32 $0xFFFFE0C0  }
0x506: {  	_ =	swait.ge [sflag:s23], $0x1F40  }
0x507: {  	[sflag:s23] =	ssyncset.done $0x0  }
0x508: {  	s15 =	simm.s32 $0x1CE80;
	s9 =	rddreg [dreg:$0x9];
	[sflag:s23] =	ssyncadd.s32 $0xFFFFE0C0  }
0x509: {  	[tilespmem:s15], [sflag:$0xB] =	stream.linear.gather [hbm4b:s9+s3], $0x1F40, $0x38;
	[tilespmem:$0x1EDC0] =	vst v63  }
0x50a: {  	s24 =	rddreg [dreg:$0x13]  }
0x50b: {  	[tilespmem:s25], [sflag:$0xC] =	stream.linear.gather [spmem:s24], $0x1F40, $0x38;
	[tilespmem:$0x1EDC0] =	vst v63  }
0x50c: {  	s26 =	rddreg [dreg:$0x14]  }
0x50d: {  	[tilespmem:s10], [sflag:$0xD] =	stream.linear.gather [spmem:s26], $0x1F40, $0x38;
	[tilespmem:$0x1EDC0] =	vst v63  }
0x50e: {  	_ =	swait.ge [sflag:s21], $0x1F40  }
0x50f: {  	[sflag:s21] =	ssyncset.done $0x0  }
0x510: {  	[sflag:s21] =	ssyncadd.s32 $0xFFFFE0C0  }
0x511: {  	_ =	swait.ge [sflag:s23], $0x1F40  }
.Ltmp16:
0x512: {  	[sflag:s23] =	ssyncset.done $0x0;
	(pc) =	sbr.rel @!p0 .LBB2_32-.Ltmp16, $4  }
0x513: {  	s28 =	simm.s32 $0xD;
	[sflag:s23] =	ssyncadd.s32 $0xFFFFE0C0  }
0x514: {  	_ =	swait.ge [sflag:s28], $0x1F40  }
0x515: {  	s9 =	simm.s32 $0x19040;
	[sflag:s28] =	ssyncset.done $0x0  }
0x516: {  	s3 =	simm.s32 $0x1CEC0;
	s10 =	simm.s32 $0x1AF80;
	[sflag:s28] =	ssyncadd.s32 $0xFFFFE0C0  }
0x517: {  	v2 =	vld [tilespmem:s3+$0x0]  }
0x518: {  	v3 =	vld [tilespmem:s9+$0x0];
	_ =	sdelay $0x1  }
0x519: {  	v4 =	vld [tilespmem:s10+$0x0];
	_ =	sdelay $0x1  }
0x51a: {  	v5 =	vld [tilespmem:s9+$0xFFFFFFC0]  }
0x51b: {  	v2 =	vadd.f32 v3, v2;
	v3 =	vld [tilespmem:s3+$0xFFFFFFC0];
	_ =	sdelay $0x1  }
0x51c: {  	v2 =	vadd.f32 v4, v2;
	v4 =	vld [tilespmem:s10+$0xFFFFFFC0];
	_ =	sdelay $0x1  }
0x51d: {  	v2 =	vmul.f32 $2.500000000e-01, v2  }
0x51e: {  	v7 =	vld [tilespmem:s9+$0xFFFFFFE0];
	v3 =	vadd.f32 v5, v3  }
0x51f: {  	[tilespmem:s9+$0x0] =	vst v2;
	v2 =	vld [tilespmem:s9+$0x10]  }
0x520: {  	v3 =	vadd.f32 v4, v3;
	v4 =	vld [tilespmem:s3+$0x10]  }
0x521: {  	v11 =	vld [tilespmem:s9+$0x20]  }
0x522: {  	s24 =	simm.s32 $0x1B000;
	v6 =	vld [tilespmem:s10+$0x10];
	v3 =	vmul.f32 $2.500000000e-01, v3  }
0x523: {  	v10 =	vld [tilespmem:s24+$0x0]  }
0x524: {  	v5 =	vld [tilespmem:s9+$0xFFFFFFD0];
	[tilespmem:s9+$0xFFFFFFC0] =	vst v3  }
0x525: {  	s22 =	simm.s32 $0x1CF40;
	v3 =	vld [tilespmem:s3+$0xFFFFFFD0];
	v2 =	vadd.f32 v2, v4  }
0x526: {  	s20 =	simm.s32 $0x190C0;
	v4 =	vld [tilespmem:s22+$0x0]  }
0x527: {  	v2 =	vadd.f32 v6, v2;
	v6 =	vld [tilespmem:s20+$0x0]  }
0x528: {  	v8 =	vld [tilespmem:s10+$0xFFFFFFD0]  }
0x529: {  	v12 =	vld [tilespmem:s20+$0xFFFFFFE0];
	v9 =	vmul.f32 $2.500000000e-01, v2  }
0x52a: {  	v14 =	vld [tilespmem:s20+$0x20]  }
0x52b: {  	v3 =	vadd.f32 v5, v3;
	[tilespmem:s9+$0x10] =	vst v9;
	v9 =	vld [tilespmem:s22+$0xFFFFFFC0]  }
0x52c: {  	v5 =	vld [tilespmem:s3+$0x20];
	v4 =	vadd.f32 v6, v4  }
0x52d: {  	v3 =	vadd.f32 v8, v3;
	v6 =	vld [tilespmem:s10+$0x20]  }
0x52e: {  	s28 =	simm.s32 $0x1CFC0;
	v8 =	vld [tilespmem:s20+$0xFFFFFFC0];
	v4 =	vadd.f32 v10, v4  }
0x52f: {  	v15 =	vld [tilespmem:s28+$0x0];
	v3 =	vmul.f32 $2.500000000e-01, v3  }
0x530: {  	s15 =	simm.s32 $0x1B080;
	v10 =	vld [tilespmem:s24+$0xFFFFFFC0];
	v4 =	vmul.f32 $2.500000000e-01, v4  }
0x531: {  	v17 =	vld [tilespmem:s15+$0x0];
	[tilespmem:s9+$0xFFFFFFD0] =	vst v3;
	v3 =	vadd.f32 v11, v5  }
0x532: {  	[tilespmem:s20+$0x0] =	vst v4;
	v4 =	vld [tilespmem:s20+$0x10]  }
0x533: {  	s26 =	simm.s32 $0x19140;
	v3 =	vadd.f32 v6, v3;
	v6 =	vadd.f32 v8, v9;
	v8 =	vld [tilespmem:s22+$0x10]  }
0x534: {  	v18 =	vld [tilespmem:s26+$0xFFFFFFC0]  }
0x535: {  	v3 =	vmul.f32 $2.500000000e-01, v3;
	v6 =	vadd.f32 v10, v6;
	v10 =	vld [tilespmem:s24+$0x10]  }
0x536: {  	v60 =	vld [tilespmem:s15+$0xFFFFFFC0]  }
0x537: {  	v61 =	vld [tilespmem:s26+$0xFFFFFFD0];
	[tilespmem:s9+$0x20] =	vst v3;
	v3 =	vmul.f32 $2.500000000e-01, v6  }
0x538: {  	v62 =	vld [tilespmem:s20+$0x30];
	v4 =	vadd.f32 v4, v8  }
0x539: {  	v5 =	vld [tilespmem:s20+$0xFFFFFFD0];
	[tilespmem:s20+$0xFFFFFFC0] =	vst v3  }
0x53a: {  	v3 =	vld [tilespmem:s22+$0xFFFFFFD0];
	v4 =	vadd.f32 v10, v4  }
0x53b: {  	v2 =	vld [tilespmem:s9+$0xFFFFFFF0]  }
0x53c: {  	v10 =	vld [tilespmem:s24+$0xFFFFFFD0];
	v4 =	vmul.f32 $2.500000000e-01, v4  }
0x53d: {  	v11 =	vld [tilespmem:s3+$0xFFFFFFE0]  }
0x53e: {  	[tilespmem:s20+$0x10] =	vst v4;
	v4 =	vld [tilespmem:s26+$0x0]  }
0x53f: {  	v16 =	vld [tilespmem:s22+$0x20];
	v5 =	vadd.f32 v5, v3  }
0x540: {  	v9 =	vld [tilespmem:s9+$0x30]  }
0x541: {  	v5 =	vadd.f32 v10, v5;
	v10 =	vld [tilespmem:s24+$0x20]  }
0x542: {  	v13 =	vld [tilespmem:s3+$0x30]  }
0x543: {  	v4 =	vadd.f32 v4, v15;
	v15 =	vld [tilespmem:s28+$0xFFFFFFC0]  }
0x544: {  	v6 =	vld [tilespmem:s10+$0x30];
	v5 =	vmul.f32 $2.500000000e-01, v5;
	v14 =	vadd.f32 v14, v16  }
0x545: {  	v8 =	vld [tilespmem:s10+$0xFFFFFFE0];
	v4 =	vadd.f32 v17, v4  }
0x546: {  	v3 =	vld [tilespmem:s20+$0xFFFFFFF0];
	[tilespmem:s20+$0xFFFFFFD0] =	vst v5;
	v10 =	vadd.f32 v10, v14  }
0x547: {  	v5 =	vld [tilespmem:s22+$0xFFFFFFE0];
	v14 =	vmul.f32 $2.500000000e-01, v4  }
0x548: {  	v4 =	vld [tilespmem:s26+$0xFFFFFFE0];
	v15 =	vadd.f32 v18, v15;
	v10 =	vmul.f32 $2.500000000e-01, v10  }
0x549: {  	[tilespmem:s26+$0x0] =	vst v14;
	v14 =	vld [tilespmem:s26+$0x10]  }
0x54a: {  	v7 =	vadd.f32 v7, v11;
	v11 =	vadd.f32 v60, v15;
	v15 =	vld [tilespmem:s28+$0x10];
	[tilespmem:s20+$0x20] =	vst v10  }
0x54b: {  	v10 =	vld [tilespmem:s22+$0x30]  }
0x54c: {  	v7 =	vadd.f32 v8, v7;
	v8 =	vmul.f32 $2.500000000e-01, v11;
	v11 =	vld [tilespmem:s15+$0x10]  }
0x54d: {  	v9 =	vadd.f32 v9, v13;
	v63 =	vld [tilespmem:s24+$0x30]  }
0x54e: {  	v7 =	vmul.f32 $2.500000000e-01, v7;
	[tilespmem:s26+$0xFFFFFFC0] =	vst v8;
	v8 =	vld [tilespmem:s24+$0xFFFFFFE0]  }
0x54f: {  	v13 =	vadd.f32 v14, v15;
	v14 =	vld [tilespmem:s28+$0xFFFFFFD0];
	v15 =	vadd.f32 v6, v9  }
0x550: {  	[tilespmem:s9+$0xFFFFFFE0] =	vst v7;
	v9 =	vld [tilespmem:s15+$0xFFFFFFD0];
	v7 =	vadd.f32 v62, v10  }
0x551: {  	v6 =	vld [tilespmem:s3+$0xFFFFFFF0];
	v10 =	vadd.f32 v11, v13;
	v11 =	vmul.f32 $2.500000000e-01, v15;
	v13 =	vadd.f32 v12, v5  }
0x552: {  	v5 =	vld [tilespmem:s26+$0xFFFFFFF0];
	v15 =	vadd.f32 v63, v7  }
0x553: {  	s16 =	simm.s32 $0x4;
	v7 =	vld [tilespmem:s10+$0xFFFFFFF0];
	v12 =	vmul.f32 $2.500000000e-01, v10;
	[tilespmem:s9+$0x30] =	vst v11;
	v11 =	vadd.f32 v8, v13  }
0x554: {  	s19 =	simm.s32 $0x19140;
	s3 =	simm.s32 $0x1B080;
	s10 =	simm.s32 $0x1D040;
	v8 =	vld [tilespmem:s26+$0x20];
	v13 =	vadd.f32 v61, v14;
	v10 =	vmul.f32 $2.500000000e-01, v15  }
.LBB2_36:
0x555: {  	v14 =	vld [tilespmem:s10+$0x0];
	[tilespmem:s26+$0x10] =	vst v12;
	s19 =	sadd.s32 $0x80, s19;
	v11 =	vmul.f32 $2.500000000e-01, v11  }
0x556: {  	v12 =	vld [tilespmem:s19+$0x0];
	v9 =	vadd.f32 v9, v13;
	[tilespmem:s20+$0x30] =	vst v10;
	v6 =	vadd.f32 v2, v6;
	v2 =	vmov v3  }
0x557: {  	s16 =	sadd.s32 $0x2, s16;
	s15 =	sadd.s32 $0x80, s15;
	v10 =	vld [tilespmem:s28+$0x20];
	[tilespmem:s20+$0xFFFFFFE0] =	vst v11;
	v3 =	vmov v5  }
0x558: {  	p1 =	slt.u32 s16, $0x7A;
	v5 =	vld [tilespmem:s15+$0x0];
	v9 =	vmul.f32 $2.500000000e-01, v9;
	v6 =	vadd.f32 v7, v6  }
0x559: {  	v7 =	vld [tilespmem:s3+$0x20]  }
0x55a: {  	v11 =	vld [tilespmem:s19+$0xFFFFFFC0];
	[tilespmem:s26+$0xFFFFFFD0] =	vst v9;
	v6 =	vmul.f32 $2.500000000e-01, v6  }
0x55b: {  	v9 =	vld [tilespmem:s10+$0xFFFFFFC0];
	v12 =	vadd.f32 v12, v14  }
0x55c: {  	v13 =	vld [tilespmem:s15+$0xFFFFFFC0];
	v8 =	vadd.f32 v8, v10;
	[tilespmem:s9+$0xFFFFFFF0] =	vst v6;
	s9 =	smov.u32 s20;
	s20 =	smov.u32 s26;
	s26 =	smov.u32 s19  }
0x55d: {  	v10 =	vld [tilespmem:s19+$0xFFFFFFD0];
	v5 =	vadd.f32 v5, v12  }
0x55e: {  	v6 =	vld [tilespmem:s28+$0xFFFFFFE0];
	v7 =	vadd.f32 v7, v8  }
0x55f: {  	v8 =	vld [tilespmem:s19+$0xFFFFFFE0];
	v5 =	vmul.f32 $2.500000000e-01, v5  }
0x560: {  	v9 =	vadd.f32 v11, v9;
	v7 =	vmul.f32 $2.500000000e-01, v7;
	v11 =	vld [tilespmem:s20+$0x30]  }
0x561: {  	[tilespmem:s19+$0x0] =	vst v5;
	v5 =	vld [tilespmem:s19+$0x10]  }
0x562: {  	v9 =	vadd.f32 v13, v9;
	v12 =	vld [tilespmem:s10+$0x10];
	[tilespmem:s20+$0x20] =	vst v7  }
0x563: {  	v7 =	vadd.f32 v4, v6;
	v6 =	vld [tilespmem:s28+$0x30]  }
0x564: {  	v9 =	vmul.f32 $2.500000000e-01, v9;
	v13 =	vld [tilespmem:s15+$0x10];
	v4 =	vmov v8  }
0x565: {  	v8 =	vld [tilespmem:s3+$0x30]  }
0x566: {  	[tilespmem:s19+$0xFFFFFFC0] =	vst v9;
	v14 =	vld [tilespmem:s3+$0xFFFFFFE0]  }
0x567: {  	v15 =	vld [tilespmem:s10+$0xFFFFFFD0];
	v5 =	vadd.f32 v5, v12  }
.Ltmp17:
0x568: {  	v9 =	vld [tilespmem:s15+$0xFFFFFFD0];
	v11 =	vadd.f32 v11, v6;
	(pc) =	sbr.rel @p1 .LBB2_36-.Ltmp17, $4  }
0x569: {  	v12 =	vadd.f32 v13, v5;
	v6 =	vld [tilespmem:s22+$0xFFFFFFF0];
	s22 =	smov.u32 s28;
	s28 =	smov.u32 s10  }
0x56a: {  	v5 =	vld [tilespmem:s19+$0xFFFFFFF0];
	v16 =	vadd.f32 v8, v11  }
0x56b: {  	v12 =	vmul.f32 $2.500000000e-01, v12;
	v11 =	vadd.f32 v14, v7;
	v7 =	vld [tilespmem:s24+$0xFFFFFFF0];
	s24 =	smov.u32 s3;
	s3 =	smov.u32 s15  }
0x56c: {  	s10 =	sadd.s32 $0x80, s10;
	v13 =	vadd.f32 v10, v15;
	v8 =	vld [tilespmem:s19+$0x20];
	v10 =	vmul.f32 $2.500000000e-01, v16  }
0x56d: {  	_ = 	snop  }
0x56e: {  	v9 =	vadd.f32 v9, v13;
	_ =	sdelay $0x1  }
0x56f: {  	v9 =	vmul.f32 $2.500000000e-01, v9  }
0x570: {  	[tilespmem:s26+$0x10] =	vst v12  }
0x571: {  	v12 =	vld [tilespmem:s28+$0x20];
	[tilespmem:s26+$0xFFFFFFD0] =	vst v9  }
0x572: {  	v9 =	vld [tilespmem:s28+$0xFFFFFFE0]  }
0x573: {  	v46 =	vld [tilespmem:s3+$0x20]  }
0x574: {  	v47 =	vld [tilespmem:s3+$0xFFFFFFE0];
	_ =	sdelay $0x1  }
0x575: {  	v8 =	vadd.f32 v8, v12  }
0x576: {  	v4 =	vadd.f32 v4, v9  }
0x577: {  	v11 =	vmul.f32 $2.500000000e-01, v11;
	v8 =	vadd.f32 v46, v8  }
0x578: {  	v4 =	vadd.f32 v47, v4  }
0x579: {  	v48 =	vld [tilespmem:s26+$0x30];
	[tilespmem:s20+$0xFFFFFFE0] =	vst v11;
	v8 =	vmul.f32 $2.500000000e-01, v8  }
0x57a: {  	v50 =	vld [tilespmem:s22+$0xFFFFFFF0];
	v4 =	vmul.f32 $2.500000000e-01, v4  }
0x57b: {  	v51 =	vld [tilespmem:s24+$0xFFFFFFF0];
	[tilespmem:s26+$0x20] =	vst v8  }
0x57c: {  	v8 =	vld [tilespmem:s28+$0x30];
	[tilespmem:s26+$0xFFFFFFE0] =	vst v4  }
0x57d: {  	v4 =	vld [tilespmem:s28+$0xFFFFFFF0]  }
0x57e: {  	v2 =	vadd.f32 v2, v6;
	v49 =	vld [tilespmem:s3+$0x30]  }
0x57f: {  	v52 =	vld [tilespmem:s3+$0xFFFFFFF0]  }
0x580: {  	v2 =	vadd.f32 v7, v2;
	v3 =	vadd.f32 v3, v50  }
0x581: {  	v8 =	vadd.f32 v48, v8  }
0x582: {  	v2 =	vmul.f32 $2.500000000e-01, v2;
	v3 =	vadd.f32 v51, v3;
	v4 =	vadd.f32 v5, v4  }
0x583: {  	v53 =	vadd.f32 v49, v8  }
0x584: {  	[tilespmem:s9+$0xFFFFFFF0] =	vst v2;
	v2 =	vmul.f32 $2.500000000e-01, v3;
	v4 =	vadd.f32 v52, v4  }
0x585: {  	[tilespmem:s20+$0x30] =	vst v10;
	v54 =	vmul.f32 $2.500000000e-01, v53  }
0x586: {  	[tilespmem:s20+$0xFFFFFFF0] =	vst v2;
	v3 =	vmul.f32 $2.500000000e-01, v4  }
0x587: {  	[tilespmem:s26+$0x30] =	vst v54  }
0x588: {  	[tilespmem:s26+$0xFFFFFFF0] =	vst v3  }
0x589: {  	v2 =	vld [tilespmem:$0x1ED80]  }
0x58a: {  	v3 =	vld [tilespmem:$0x1AF00]  }
0x58b: {  	v55 =	vld [tilespmem:$0x1CE40]  }
0x58c: {  	v5 =	vld [tilespmem:$0x1ED90]  }
0x58d: {  	v56 =	vld [tilespmem:$0x1AF10]  }
0x58e: {  	v57 =	vld [tilespmem:$0x1CE50]  }
0x58f: {  	v58 =	vld [tilespmem:$0x1EDA0]  }
0x590: {  	v59 =	vld [tilespmem:$0x1AF20]  }
0x591: {  	v10 =	vld [tilespmem:$0x1EDB0]  }
0x592: {  	v60 =	vld [tilespmem:$0x1AF30]  }
0x593: {  	v61 =	vld [tilespmem:$0x1CE60]  }
0x594: {  	v2 =	vadd.f32 v3, v2;
	v3 =	vld [tilespmem:$0x1CE70]  }
0x595: {  	v5 =	vadd.f32 v56, v5  }
0x596: {  	v62 =	vadd.f32 v59, v58;
	v2 =	vadd.f32 v55, v2  }
0x597: {  	v63 =	vadd.f32 v60, v10;
	v5 =	vadd.f32 v57, v5  }
0x598: {  	v4 =	vadd.f32 v61, v62;
	v2 =	vmul.f32 $2.500000000e-01, v2  }
0x599: {  	v5 =	vmul.f32 $2.500000000e-01, v5;
	v3 =	vadd.f32 v3, v63  }
0x59a: {  	[tilespmem:$0x1AF00] =	vst v2;
	v2 =	vmul.f32 $2.500000000e-01, v4  }
0x59b: {  	[tilespmem:$0x1AF10] =	vst v5;
	v3 =	vmul.f32 $2.500000000e-01, v3  }
.Ltmp18:
0x59c: {  	[tilespmem:$0x1AF20] =	vst v2;
	(pc) =	sbr.rel .LBB2_38-.Ltmp18, $4  }
0x59d: {  	s28 =	rddreg [dreg:$0x13];
	[tilespmem:$0x1AF30] =	vst v3  }
0x59e: {  	[spmem:s28] =	stream.linear.scatter [tilespmem:s25], [sflag:$0xB], $0x1F40, $0x38;
	[tilespmem:$0x1EDC0] =	vst v63  }
0x59f: {  	s10 =	simm.s32 $0x1AF40;
	s3 =	simm.s32 $0x0;
	s9 =	rddreg [dreg:$0xe]  }
0x5a0: {  	[hbm4b:s9+s3] =	stream.linear.scatter [tilespmem:s25], [sflag:$0xC], $0x1F40, $0x38;
	[tilespmem:$0x1EDC0] =	vst v63  }
.LBB2_32:
0x5a1: {  	v2 =	vld [tilespmem:s3+$0x0]  }
0x5a2: {  	v3 =	vld [tilespmem:s9+$0x0];
	_ =	sdelay $0x1  }
0x5a3: {  	v4 =	vld [tilespmem:s10+$0x0];
	_ =	sdelay $0x2  }
0x5a4: {  	v5 =	vld [tilespmem:s9+$0xFFFFFFC0];
	v2 =	vadd.f32 v3, v2  }
0x5a5: {  	v3 =	vld [tilespmem:s3+$0xFFFFFFC0]  }
0x5a6: {  	v2 =	vadd.f32 v4, v2  }
0x5a7: {  	v4 =	vld [tilespmem:s10+$0xFFFFFFC0]  }
0x5a8: {  	[tilespmem:s9+$0x0] =	vst v2  }
0x5a9: {  	[tilespmem:s10+$0x0] =	vst v0  }
0x5aa: {  	v2 =	vadd.f32 v5, v3;
	v3 =	vld [tilespmem:s3+$0x10]  }
0x5ab: {  	v5 =	vld [tilespmem:s9+$0x10]  }
0x5ac: {  	v2 =	vadd.f32 v4, v2  }
0x5ad: {  	v4 =	vld [tilespmem:s10+$0x10]  }
0x5ae: {  	[tilespmem:s9+$0xFFFFFFC0] =	vst v2  }
0x5af: {  	[tilespmem:s10+$0xFFFFFFC0] =	vst v0  }
0x5b0: {  	v3 =	vadd.f32 v5, v3;
	v5 =	vld [tilespmem:s3+$0xFFFFFFD0]  }
0x5b1: {  	s22 =	simm.s32 $0x190C0;
	v6 =	vld [tilespmem:s9+$0xFFFFFFD0]  }
0x5b2: {  	v7 =	vld [tilespmem:s22+$0x0];
	v3 =	vadd.f32 v4, v3  }
0x5b3: {  	s20 =	simm.s32 $0x1B000;
	v2 =	vld [tilespmem:s10+$0xFFFFFFD0]  }
0x5b4: {  	s15 =	simm.s32 $0x1CF40;
	v4 =	vld [tilespmem:s20+$0x0];
	[tilespmem:s9+$0x10] =	vst v3  }
0x5b5: {  	v3 =	vld [tilespmem:s15+$0x0];
	[tilespmem:s10+$0x10] =	vst v0  }
0x5b6: {  	v5 =	vadd.f32 v6, v5;
	v8 =	vld [tilespmem:s3+$0x20]  }
0x5b7: {  	v6 =	vld [tilespmem:s9+$0x20]  }
0x5b8: {  	v9 =	vld [tilespmem:s22+$0xFFFFFFC0];
	v2 =	vadd.f32 v2, v5  }
0x5b9: {  	v5 =	vld [tilespmem:s10+$0x20]  }
0x5ba: {  	v10 =	vld [tilespmem:s15+$0xFFFFFFC0];
	v3 =	vadd.f32 v7, v3;
	[tilespmem:s9+$0xFFFFFFD0] =	vst v2  }
0x5bb: {  	v2 =	vld [tilespmem:s20+$0xFFFFFFC0];
	[tilespmem:s10+$0xFFFFFFD0] =	vst v0  }
0x5bc: {  	v3 =	vadd.f32 v4, v3;
	v4 =	vld [tilespmem:s3+$0xFFFFFFE0];
	v6 =	vadd.f32 v6, v8  }
0x5bd: {  	v7 =	vld [tilespmem:s9+$0xFFFFFFE0]  }
0x5be: {  	v8 =	vld [tilespmem:s10+$0xFFFFFFE0];
	[tilespmem:s22+$0x0] =	vst v3;
	v3 =	vadd.f32 v5, v6  }
0x5bf: {  	v5 =	vadd.f32 v9, v10;
	[tilespmem:s20+$0x0] =	vst v0;
	v9 =	vld [tilespmem:s20+$0x10]  }
0x5c0: {  	v10 =	vld [tilespmem:s15+$0x10];
	[tilespmem:s9+$0x20] =	vst v3  }
0x5c1: {  	v2 =	vadd.f32 v2, v5;
	v5 =	vld [tilespmem:s22+$0x10];
	[tilespmem:s10+$0x20] =	vst v0  }
0x5c2: {  	v4 =	vadd.f32 v7, v4;
	v7 =	vld [tilespmem:s3+$0x30]  }
0x5c3: {  	v11 =	vld [tilespmem:s9+$0x30]  }
0x5c4: {  	v12 =	vld [tilespmem:s10+$0x30];
	[tilespmem:s22+$0xFFFFFFC0] =	vst v2;
	v2 =	vadd.f32 v8, v4  }
0x5c5: {  	[tilespmem:s20+$0xFFFFFFC0] =	vst v0;
	v3 =	vld [tilespmem:s20+$0xFFFFFFD0]  }
0x5c6: {  	v6 =	vld [tilespmem:s15+$0xFFFFFFD0];
	v4 =	vadd.f32 v5, v10;
	[tilespmem:s9+$0xFFFFFFE0] =	vst v2  }
0x5c7: {  	v8 =	vld [tilespmem:s22+$0xFFFFFFD0];
	[tilespmem:s10+$0xFFFFFFE0] =	vst v0  }
0x5c8: {  	v4 =	vadd.f32 v9, v4;
	v2 =	vld [tilespmem:s3+$0xFFFFFFF0];
	v7 =	vadd.f32 v11, v7  }
0x5c9: {  	s16 =	simm.s32 $0x2;
	v5 =	vld [tilespmem:s9+$0xFFFFFFF0]  }
0x5ca: {  	s19 =	simm.s32 $0x1B080;
	s24 =	simm.s32 $0x1CF40;
	s3 =	simm.s32 $0x190C0;
	[tilespmem:s22+$0x10] =	vst v4;
	v4 =	vld [tilespmem:s10+$0xFFFFFFF0];
	v7 =	vadd.f32 v12, v7  }
.LBB2_33:
0x5cb: {  	v9 =	vld [tilespmem:s19+$0x0];
	[tilespmem:s20+$0x10] =	vst v0;
	s15 =	sadd.s32 $0x80, s15  }
0x5cc: {  	s22 =	sadd.s32 $0x80, s22;
	v10 =	vld [tilespmem:s15+$0x0];
	v6 =	vadd.f32 v8, v6;
	[tilespmem:s9+$0x30] =	vst v7  }
0x5cd: {  	v7 =	vld [tilespmem:s22+$0x0];
	[tilespmem:s10+$0x30] =	vst v0  }
0x5ce: {  	v3 =	vadd.f32 v3, v6;
	v6 =	vld [tilespmem:s24+$0x20];
	v2 =	vadd.f32 v5, v2  }
0x5cf: {  	v5 =	vld [tilespmem:s3+$0x20]  }
0x5d0: {  	v8 =	vld [tilespmem:s22+$0xFFFFFFC0];
	[tilespmem:s3+$0xFFFFFFD0] =	vst v3;
	v2 =	vadd.f32 v4, v2  }
0x5d1: {  	[tilespmem:s20+$0xFFFFFFD0] =	vst v0;
	v3 =	vld [tilespmem:s20+$0x20]  }
0x5d2: {  	v4 =	vld [tilespmem:s15+$0xFFFFFFC0];
	v7 =	vadd.f32 v7, v10;
	[tilespmem:s9+$0xFFFFFFF0] =	vst v2;
	s9 =	smov.u32 s3;
	s3 =	smov.u32 s22  }
0x5d3: {  	v2 =	vld [tilespmem:s19+$0xFFFFFFC0];
	[tilespmem:s10+$0xFFFFFFF0] =	vst v0;
	s10 =	smov.u32 s20;
	s20 =	smov.u32 s19  }
0x5d4: {  	v7 =	vadd.f32 v9, v7;
	v9 =	vld [tilespmem:s24+$0xFFFFFFE0];
	v5 =	vadd.f32 v5, v6  }
0x5d5: {  	v6 =	vld [tilespmem:s9+$0xFFFFFFE0]  }
0x5d6: {  	s16 =	sadd.s32 $0x2, s16;
	[tilespmem:s22+$0x0] =	vst v7;
	v7 =	vld [tilespmem:s10+$0xFFFFFFE0];
	v3 =	vadd.f32 v3, v5  }
0x5d7: {  	p1 =	slt.u32 s16, $0x7A;
	v4 =	vadd.f32 v8, v4;
	[tilespmem:s19+$0x0] =	vst v0;
	v5 =	vld [tilespmem:s19+$0x10]  }
0x5d8: {  	v8 =	vld [tilespmem:s15+$0x10];
	[tilespmem:s9+$0x20] =	vst v3  }
0x5d9: {  	v2 =	vadd.f32 v2, v4;
	v4 =	vld [tilespmem:s22+$0x10];
	[tilespmem:s10+$0x20] =	vst v0  }
0x5da: {  	v6 =	vadd.f32 v6, v9;
	v9 =	vld [tilespmem:s24+$0x30]  }
0x5db: {  	[tilespmem:s22+$0xFFFFFFC0] =	vst v2;
	v10 =	vld [tilespmem:s9+$0x30]  }
0x5dc: {  	[tilespmem:s19+$0xFFFFFFC0] =	vst v0;
	v3 =	vld [tilespmem:s19+$0xFFFFFFD0];
	v2 =	vadd.f32 v7, v6  }
0x5dd: {  	v7 =	vld [tilespmem:s10+$0x30]  }
.Ltmp19:
0x5de: {  	v6 =	vld [tilespmem:s15+$0xFFFFFFD0];
	v4 =	vadd.f32 v4, v8;
	[tilespmem:s9+$0xFFFFFFE0] =	vst v2;
	(pc) =	sbr.rel @p1 .LBB2_33-.Ltmp19, $4  }
0x5df: {  	v8 =	vld [tilespmem:s22+$0xFFFFFFD0];
	[tilespmem:s10+$0xFFFFFFE0] =	vst v0  }
0x5e0: {  	v4 =	vadd.f32 v5, v4;
	v2 =	vld [tilespmem:s24+$0xFFFFFFF0];
	v9 =	vadd.f32 v10, v9;
	s24 =	smov.u32 s15  }
0x5e1: {  	v5 =	vld [tilespmem:s9+$0xFFFFFFF0]  }
0x5e2: {  	s19 =	sadd.s32 $0x80, s19;
	[tilespmem:s22+$0x10] =	vst v4;
	v4 =	vld [tilespmem:s10+$0xFFFFFFF0];
	v7 =	vadd.f32 v7, v9  }
0x5e3: {  	_ = 	snop  }
0x5e4: {  	v6 =	vadd.f32 v8, v6;
	_ =	sdelay $0x1  }
0x5e5: {  	[tilespmem:s20+$0x10] =	vst v0;
	v3 =	vadd.f32 v3, v6  }
0x5e6: {  	v45 =	vld [tilespmem:s24+$0x20]  }
0x5e7: {  	v46 =	vld [tilespmem:s3+$0x20];
	[tilespmem:s3+$0xFFFFFFD0] =	vst v3  }
0x5e8: {  	v3 =	vld [tilespmem:s20+$0x20];
	[tilespmem:s20+$0xFFFFFFD0] =	vst v0  }
0x5e9: {  	v9 =	vld [tilespmem:s24+$0xFFFFFFE0]  }
0x5ea: {  	v10 =	vld [tilespmem:s3+$0xFFFFFFE0];
	_ =	sdelay $0x1  }
0x5eb: {  	v6 =	vadd.f32 v46, v45;
	v47 =	vld [tilespmem:s20+$0xFFFFFFE0];
	_ =	sdelay $0x1  }
0x5ec: {  	v3 =	vadd.f32 v3, v6  }
0x5ed: {  	v48 =	vadd.f32 v10, v9  }
0x5ee: {  	[tilespmem:s3+$0x20] =	vst v3  }
0x5ef: {  	[tilespmem:s20+$0x20] =	vst v0;
	v3 =	vadd.f32 v47, v48  }
0x5f0: {  	v49 =	vld [tilespmem:s24+$0x30]  }
0x5f1: {  	v50 =	vld [tilespmem:s3+$0x30];
	[tilespmem:s3+$0xFFFFFFE0] =	vst v3  }
0x5f2: {  	v3 =	vld [tilespmem:s20+$0x30];
	[tilespmem:s20+$0xFFFFFFE0] =	vst v0  }
0x5f3: {  	v51 =	vld [tilespmem:s24+$0xFFFFFFF0]  }
0x5f4: {  	v52 =	vld [tilespmem:s3+$0xFFFFFFF0]  }
0x5f5: {  	v2 =	vadd.f32 v5, v2  }
0x5f6: {  	v53 =	vld [tilespmem:s20+$0xFFFFFFF0]  }
0x5f7: {  	[tilespmem:s9+$0x30] =	vst v7;
	v2 =	vadd.f32 v4, v2;
	v54 =	vadd.f32 v50, v49  }
0x5f8: {  	[tilespmem:s10+$0x30] =	vst v0  }
0x5f9: {  	[tilespmem:s9+$0xFFFFFFF0] =	vst v2;
	v2 =	vadd.f32 v3, v54;
	v3 =	vadd.f32 v52, v51  }
0x5fa: {  	[tilespmem:s10+$0xFFFFFFF0] =	vst v0  }
0x5fb: {  	[tilespmem:s3+$0x30] =	vst v2;
	v2 =	vadd.f32 v53, v3  }
0x5fc: {  	[tilespmem:s20+$0x30] =	vst v0  }
0x5fd: {  	[tilespmem:s3+$0xFFFFFFF0] =	vst v2  }
0x5fe: {  	[tilespmem:s20+$0xFFFFFFF0] =	vst v0  }
0x5ff: {  	v2 =	vld [tilespmem:$0x1ED80]  }
0x600: {  	v3 =	vld [tilespmem:$0x1AF00]  }
0x601: {  	v55 =	vld [tilespmem:$0x1CE40]  }
0x602: {  	v56 =	vld [tilespmem:$0x1ED90]  }
0x603: {  	v57 =	vld [tilespmem:$0x1AF10]  }
0x604: {  	v7 =	vld [tilespmem:$0x1CE50]  }
0x605: {  	v58 =	vld [tilespmem:$0x1EDA0]  }
0x606: {  	v59 =	vld [tilespmem:$0x1AF20]  }
0x607: {  	v60 =	vld [tilespmem:$0x1CE60]  }
0x608: {  	v11 =	vld [tilespmem:$0x1AF30];
	v2 =	vadd.f32 v3, v2  }
0x609: {  	v3 =	vld [tilespmem:$0x1EDB0]  }
0x60a: {  	v61 =	vadd.f32 v57, v56;
	v2 =	vadd.f32 v55, v2  }
0x60b: {  	v62 =	vld [tilespmem:$0x1CE70];
	[tilespmem:$0x1CE40] =	vst v0  }
0x60c: {  	v63 =	vadd.f32 v59, v58;
	[tilespmem:$0x1AF00] =	vst v2;
	v2 =	vadd.f32 v7, v61  }
0x60d: {  	[tilespmem:$0x1CE50] =	vst v0  }
0x60e: {  	v3 =	vadd.f32 v11, v3;
	[tilespmem:$0x1AF10] =	vst v2;
	v2 =	vadd.f32 v60, v63  }
0x60f: {  	[tilespmem:$0x1CE60] =	vst v0  }
0x610: {  	[tilespmem:$0x1AF20] =	vst v2;
	v2 =	vadd.f32 v62, v3  }
0x611: {  	[tilespmem:$0x1CE70] =	vst v0  }
0x612: {  	s3 =	rddreg [dreg:$0x13];
	[tilespmem:$0x1AF30] =	vst v2  }
0x613: {  	[spmem:s3] =	stream.linear.scatter [tilespmem:s25], [sflag:$0xB], $0x1F40, $0x38;
	[tilespmem:$0x1EDC0] =	vst v63  }
0x614: {  	s10 =	simm.s32 $0x1AF40;
	s28 =	rddreg [dreg:$0x14];
	s3 =	simm.s32 $0x0  }
0x615: {  	[spmem:s28] =	stream.linear.scatter [tilespmem:s10], [sflag:$0xC], $0x1F40, $0x38;
	[tilespmem:$0x1EDC0] =	vst v63  }
.LBB2_38:
0x616: {  	_ =	swait.ge [sflag:s21], $0x1F40  }
0x617: {  	[sflag:s21] =	ssyncset.done $0x0  }
0x618: {  	[sflag:s21] =	ssyncadd.s32 $0xFFFFE0C0  }
0x619: {  	_ =	swait.ge [sflag:s23], $0x1F40  }
0x61a: {  	[sflag:s23] =	ssyncset.done $0x0  }
0x61b: {  	s15 =	simm.s32 $0x1CE80;
	s9 =	rddreg [dreg:$0xa];
	[sflag:s23] =	ssyncadd.s32 $0xFFFFE0C0  }
0x61c: {  	[tilespmem:s15], [sflag:$0xB] =	stream.linear.gather [hbm4b:s9+s3], $0x1F40, $0x38;
	[tilespmem:$0x1EDC0] =	vst v63  }
0x61d: {  	s24 =	rddreg [dreg:$0x15]  }
0x61e: {  	[tilespmem:s25], [sflag:$0xC] =	stream.linear.gather [spmem:s24], $0x1F40, $0x38;
	[tilespmem:$0x1EDC0] =	vst v63  }
0x61f: {  	s26 =	rddreg [dreg:$0x16]  }
0x620: {  	[tilespmem:s10], [sflag:$0xD] =	stream.linear.gather [spmem:s26], $0x1F40, $0x38;
	[tilespmem:$0x1EDC0] =	vst v63  }
0x621: {  	_ =	swait.ge [sflag:s21], $0x1F40  }
0x622: {  	[sflag:s21] =	ssyncset.done $0x0  }
0x623: {  	[sflag:s21] =	ssyncadd.s32 $0xFFFFE0C0  }
0x624: {  	_ =	swait.ge [sflag:s23], $0x1F40  }
.Ltmp20:
0x625: {  	[sflag:s23] =	ssyncset.done $0x0;
	(pc) =	sbr.rel @!p0 .LBB2_39-.Ltmp20, $4  }
0x626: {  	s28 =	simm.s32 $0xD;
	[sflag:s23] =	ssyncadd.s32 $0xFFFFE0C0  }
0x627: {  	_ =	swait.ge [sflag:s28], $0x1F40  }
0x628: {  	s9 =	simm.s32 $0x19040;
	[sflag:s28] =	ssyncset.done $0x0  }
0x629: {  	s3 =	simm.s32 $0x1CEC0;
	s10 =	simm.s32 $0x1AF80;
	[sflag:s28] =	ssyncadd.s32 $0xFFFFE0C0  }
0x62a: {  	v2 =	vld [tilespmem:s3+$0x0]  }
0x62b: {  	v3 =	vld [tilespmem:s9+$0x0];
	_ =	sdelay $0x1  }
0x62c: {  	v4 =	vld [tilespmem:s10+$0x0];
	_ =	sdelay $0x1  }
0x62d: {  	v5 =	vld [tilespmem:s9+$0xFFFFFFC0]  }
0x62e: {  	v2 =	vadd.f32 v3, v2;
	v3 =	vld [tilespmem:s3+$0xFFFFFFC0];
	_ =	sdelay $0x1  }
0x62f: {  	v2 =	vadd.f32 v4, v2;
	v4 =	vld [tilespmem:s10+$0xFFFFFFC0];
	_ =	sdelay $0x1  }
0x630: {  	v2 =	vmul.f32 $2.500000000e-01, v2  }
0x631: {  	v7 =	vld [tilespmem:s9+$0xFFFFFFE0];
	v3 =	vadd.f32 v5, v3  }
0x632: {  	[tilespmem:s9+$0x0] =	vst v2;
	v2 =	vld [tilespmem:s9+$0x10]  }
0x633: {  	v3 =	vadd.f32 v4, v3;
	v4 =	vld [tilespmem:s3+$0x10]  }
0x634: {  	v11 =	vld [tilespmem:s9+$0x20]  }
0x635: {  	s24 =	simm.s32 $0x1B000;
	v6 =	vld [tilespmem:s10+$0x10];
	v3 =	vmul.f32 $2.500000000e-01, v3  }
0x636: {  	v10 =	vld [tilespmem:s24+$0x0]  }
0x637: {  	v5 =	vld [tilespmem:s9+$0xFFFFFFD0];
	[tilespmem:s9+$0xFFFFFFC0] =	vst v3  }
0x638: {  	s22 =	simm.s32 $0x1CF40;
	v3 =	vld [tilespmem:s3+$0xFFFFFFD0];
	v2 =	vadd.f32 v2, v4  }
0x639: {  	s20 =	simm.s32 $0x190C0;
	v4 =	vld [tilespmem:s22+$0x0]  }
0x63a: {  	v2 =	vadd.f32 v6, v2;
	v6 =	vld [tilespmem:s20+$0x0]  }
0x63b: {  	v8 =	vld [tilespmem:s10+$0xFFFFFFD0]  }
0x63c: {  	v12 =	vld [tilespmem:s20+$0xFFFFFFE0];
	v9 =	vmul.f32 $2.500000000e-01, v2  }
0x63d: {  	v14 =	vld [tilespmem:s20+$0x20]  }
0x63e: {  	v3 =	vadd.f32 v5, v3;
	[tilespmem:s9+$0x10] =	vst v9;
	v9 =	vld [tilespmem:s22+$0xFFFFFFC0]  }
0x63f: {  	v5 =	vld [tilespmem:s3+$0x20];
	v4 =	vadd.f32 v6, v4  }
0x640: {  	v3 =	vadd.f32 v8, v3;
	v6 =	vld [tilespmem:s10+$0x20]  }
0x641: {  	s28 =	simm.s32 $0x1CFC0;
	v8 =	vld [tilespmem:s20+$0xFFFFFFC0];
	v4 =	vadd.f32 v10, v4  }
0x642: {  	v15 =	vld [tilespmem:s28+$0x0];
	v3 =	vmul.f32 $2.500000000e-01, v3  }
0x643: {  	s15 =	simm.s32 $0x1B080;
	v10 =	vld [tilespmem:s24+$0xFFFFFFC0];
	v4 =	vmul.f32 $2.500000000e-01, v4  }
0x644: {  	v17 =	vld [tilespmem:s15+$0x0];
	[tilespmem:s9+$0xFFFFFFD0] =	vst v3;
	v3 =	vadd.f32 v11, v5  }
0x645: {  	[tilespmem:s20+$0x0] =	vst v4;
	v4 =	vld [tilespmem:s20+$0x10]  }
0x646: {  	s26 =	simm.s32 $0x19140;
	v3 =	vadd.f32 v6, v3;
	v6 =	vadd.f32 v8, v9;
	v8 =	vld [tilespmem:s22+$0x10]  }
0x647: {  	v18 =	vld [tilespmem:s26+$0xFFFFFFC0]  }
0x648: {  	v3 =	vmul.f32 $2.500000000e-01, v3;
	v6 =	vadd.f32 v10, v6;
	v10 =	vld [tilespmem:s24+$0x10]  }
0x649: {  	v60 =	vld [tilespmem:s15+$0xFFFFFFC0]  }
0x64a: {  	v61 =	vld [tilespmem:s26+$0xFFFFFFD0];
	[tilespmem:s9+$0x20] =	vst v3;
	v3 =	vmul.f32 $2.500000000e-01, v6  }
0x64b: {  	v62 =	vld [tilespmem:s20+$0x30];
	v4 =	vadd.f32 v4, v8  }
0x64c: {  	v5 =	vld [tilespmem:s20+$0xFFFFFFD0];
	[tilespmem:s20+$0xFFFFFFC0] =	vst v3  }
0x64d: {  	v3 =	vld [tilespmem:s22+$0xFFFFFFD0];
	v4 =	vadd.f32 v10, v4  }
0x64e: {  	v2 =	vld [tilespmem:s9+$0xFFFFFFF0]  }
0x64f: {  	v10 =	vld [tilespmem:s24+$0xFFFFFFD0];
	v4 =	vmul.f32 $2.500000000e-01, v4  }
0x650: {  	v11 =	vld [tilespmem:s3+$0xFFFFFFE0]  }
0x651: {  	[tilespmem:s20+$0x10] =	vst v4;
	v4 =	vld [tilespmem:s26+$0x0]  }
0x652: {  	v16 =	vld [tilespmem:s22+$0x20];
	v5 =	vadd.f32 v5, v3  }
0x653: {  	v9 =	vld [tilespmem:s9+$0x30]  }
0x654: {  	v5 =	vadd.f32 v10, v5;
	v10 =	vld [tilespmem:s24+$0x20]  }
0x655: {  	v13 =	vld [tilespmem:s3+$0x30]  }
0x656: {  	v4 =	vadd.f32 v4, v15;
	v15 =	vld [tilespmem:s28+$0xFFFFFFC0]  }
0x657: {  	v6 =	vld [tilespmem:s10+$0x30];
	v5 =	vmul.f32 $2.500000000e-01, v5;
	v14 =	vadd.f32 v14, v16  }
0x658: {  	v8 =	vld [tilespmem:s10+$0xFFFFFFE0];
	v4 =	vadd.f32 v17, v4  }
0x659: {  	v3 =	vld [tilespmem:s20+$0xFFFFFFF0];
	[tilespmem:s20+$0xFFFFFFD0] =	vst v5;
	v10 =	vadd.f32 v10, v14  }
0x65a: {  	v5 =	vld [tilespmem:s22+$0xFFFFFFE0];
	v14 =	vmul.f32 $2.500000000e-01, v4  }
0x65b: {  	v4 =	vld [tilespmem:s26+$0xFFFFFFE0];
	v15 =	vadd.f32 v18, v15;
	v10 =	vmul.f32 $2.500000000e-01, v10  }
0x65c: {  	[tilespmem:s26+$0x0] =	vst v14;
	v14 =	vld [tilespmem:s26+$0x10]  }
0x65d: {  	v7 =	vadd.f32 v7, v11;
	v11 =	vadd.f32 v60, v15;
	v15 =	vld [tilespmem:s28+$0x10];
	[tilespmem:s20+$0x20] =	vst v10  }
0x65e: {  	v10 =	vld [tilespmem:s22+$0x30]  }
0x65f: {  	v7 =	vadd.f32 v8, v7;
	v8 =	vmul.f32 $2.500000000e-01, v11;
	v11 =	vld [tilespmem:s15+$0x10]  }
0x660: {  	v9 =	vadd.f32 v9, v13;
	v63 =	vld [tilespmem:s24+$0x30]  }
0x661: {  	v7 =	vmul.f32 $2.500000000e-01, v7;
	[tilespmem:s26+$0xFFFFFFC0] =	vst v8;
	v8 =	vld [tilespmem:s24+$0xFFFFFFE0]  }
0x662: {  	v13 =	vadd.f32 v14, v15;
	v14 =	vld [tilespmem:s28+$0xFFFFFFD0];
	v15 =	vadd.f32 v6, v9  }
0x663: {  	[tilespmem:s9+$0xFFFFFFE0] =	vst v7;
	v9 =	vld [tilespmem:s15+$0xFFFFFFD0];
	v7 =	vadd.f32 v62, v10  }
0x664: {  	v6 =	vld [tilespmem:s3+$0xFFFFFFF0];
	v10 =	vadd.f32 v11, v13;
	v11 =	vmul.f32 $2.500000000e-01, v15;
	v13 =	vadd.f32 v12, v5  }
0x665: {  	v5 =	vld [tilespmem:s26+$0xFFFFFFF0];
	v15 =	vadd.f32 v63, v7  }
0x666: {  	s16 =	simm.s32 $0x4;
	v7 =	vld [tilespmem:s10+$0xFFFFFFF0];
	v12 =	vmul.f32 $2.500000000e-01, v10;
	[tilespmem:s9+$0x30] =	vst v11;
	v11 =	vadd.f32 v8, v13  }
0x667: {  	s19 =	simm.s32 $0x19140;
	s3 =	simm.s32 $0x1B080;
	s10 =	simm.s32 $0x1D040;
	v8 =	vld [tilespmem:s26+$0x20];
	v13 =	vadd.f32 v61, v14;
	v10 =	vmul.f32 $2.500000000e-01, v15  }
.LBB2_43:
0x668: {  	v14 =	vld [tilespmem:s10+$0x0];
	[tilespmem:s26+$0x10] =	vst v12;
	s19 =	sadd.s32 $0x80, s19;
	v11 =	vmul.f32 $2.500000000e-01, v11  }
0x669: {  	v12 =	vld [tilespmem:s19+$0x0];
	v9 =	vadd.f32 v9, v13;
	[tilespmem:s20+$0x30] =	vst v10;
	v6 =	vadd.f32 v2, v6;
	v2 =	vmov v3  }
0x66a: {  	s16 =	sadd.s32 $0x2, s16;
	s15 =	sadd.s32 $0x80, s15;
	v10 =	vld [tilespmem:s28+$0x20];
	[tilespmem:s20+$0xFFFFFFE0] =	vst v11;
	v3 =	vmov v5  }
0x66b: {  	p1 =	slt.u32 s16, $0x7A;
	v5 =	vld [tilespmem:s15+$0x0];
	v9 =	vmul.f32 $2.500000000e-01, v9;
	v6 =	vadd.f32 v7, v6  }
0x66c: {  	v7 =	vld [tilespmem:s3+$0x20]  }
0x66d: {  	v11 =	vld [tilespmem:s19+$0xFFFFFFC0];
	[tilespmem:s26+$0xFFFFFFD0] =	vst v9;
	v6 =	vmul.f32 $2.500000000e-01, v6  }
0x66e: {  	v9 =	vld [tilespmem:s10+$0xFFFFFFC0];
	v12 =	vadd.f32 v12, v14  }
0x66f: {  	v13 =	vld [tilespmem:s15+$0xFFFFFFC0];
	v8 =	vadd.f32 v8, v10;
	[tilespmem:s9+$0xFFFFFFF0] =	vst v6;
	s9 =	smov.u32 s20;
	s20 =	smov.u32 s26;
	s26 =	smov.u32 s19  }
0x670: {  	v10 =	vld [tilespmem:s19+$0xFFFFFFD0];
	v5 =	vadd.f32 v5, v12  }
0x671: {  	v6 =	vld [tilespmem:s28+$0xFFFFFFE0];
	v7 =	vadd.f32 v7, v8  }
0x672: {  	v8 =	vld [tilespmem:s19+$0xFFFFFFE0];
	v5 =	vmul.f32 $2.500000000e-01, v5  }
0x673: {  	v9 =	vadd.f32 v11, v9;
	v7 =	vmul.f32 $2.500000000e-01, v7;
	v11 =	vld [tilespmem:s20+$0x30]  }
0x674: {  	[tilespmem:s19+$0x0] =	vst v5;
	v5 =	vld [tilespmem:s19+$0x10]  }
0x675: {  	v9 =	vadd.f32 v13, v9;
	v12 =	vld [tilespmem:s10+$0x10];
	[tilespmem:s20+$0x20] =	vst v7  }
0x676: {  	v7 =	vadd.f32 v4, v6;
	v6 =	vld [tilespmem:s28+$0x30]  }
0x677: {  	v9 =	vmul.f32 $2.500000000e-01, v9;
	v13 =	vld [tilespmem:s15+$0x10];
	v4 =	vmov v8  }
0x678: {  	v8 =	vld [tilespmem:s3+$0x30]  }
0x679: {  	[tilespmem:s19+$0xFFFFFFC0] =	vst v9;
	v14 =	vld [tilespmem:s3+$0xFFFFFFE0]  }
0x67a: {  	v15 =	vld [tilespmem:s10+$0xFFFFFFD0];
	v5 =	vadd.f32 v5, v12  }
.Ltmp21:
0x67b: {  	v9 =	vld [tilespmem:s15+$0xFFFFFFD0];
	v11 =	vadd.f32 v11, v6;
	(pc) =	sbr.rel @p1 .LBB2_43-.Ltmp21, $4  }
0x67c: {  	v12 =	vadd.f32 v13, v5;
	v6 =	vld [tilespmem:s22+$0xFFFFFFF0];
	s22 =	smov.u32 s28;
	s28 =	smov.u32 s10  }
0x67d: {  	v5 =	vld [tilespmem:s19+$0xFFFFFFF0];
	v16 =	vadd.f32 v8, v11  }
0x67e: {  	v12 =	vmul.f32 $2.500000000e-01, v12;
	v11 =	vadd.f32 v14, v7;
	v7 =	vld [tilespmem:s24+$0xFFFFFFF0];
	s24 =	smov.u32 s3;
	s3 =	smov.u32 s15  }
0x67f: {  	s10 =	sadd.s32 $0x80, s10;
	v13 =	vadd.f32 v10, v15;
	v8 =	vld [tilespmem:s19+$0x20];
	v10 =	vmul.f32 $2.500000000e-01, v16  }
0x680: {  	_ = 	snop  }
0x681: {  	v9 =	vadd.f32 v9, v13;
	_ =	sdelay $0x1  }
0x682: {  	v9 =	vmul.f32 $2.500000000e-01, v9  }
0x683: {  	[tilespmem:s26+$0x10] =	vst v12  }
0x684: {  	v12 =	vld [tilespmem:s28+$0x20];
	[tilespmem:s26+$0xFFFFFFD0] =	vst v9  }
0x685: {  	v9 =	vld [tilespmem:s28+$0xFFFFFFE0]  }
0x686: {  	v46 =	vld [tilespmem:s3+$0x20]  }
0x687: {  	v47 =	vld [tilespmem:s3+$0xFFFFFFE0];
	_ =	sdelay $0x1  }
0x688: {  	v8 =	vadd.f32 v8, v12  }
0x689: {  	v4 =	vadd.f32 v4, v9  }
0x68a: {  	v11 =	vmul.f32 $2.500000000e-01, v11;
	v8 =	vadd.f32 v46, v8  }
0x68b: {  	v4 =	vadd.f32 v47, v4  }
0x68c: {  	v48 =	vld [tilespmem:s26+$0x30];
	[tilespmem:s20+$0xFFFFFFE0] =	vst v11;
	v8 =	vmul.f32 $2.500000000e-01, v8  }
0x68d: {  	v50 =	vld [tilespmem:s22+$0xFFFFFFF0];
	v4 =	vmul.f32 $2.500000000e-01, v4  }
0x68e: {  	v51 =	vld [tilespmem:s24+$0xFFFFFFF0];
	[tilespmem:s26+$0x20] =	vst v8  }
0x68f: {  	v8 =	vld [tilespmem:s28+$0x30];
	[tilespmem:s26+$0xFFFFFFE0] =	vst v4  }
0x690: {  	v4 =	vld [tilespmem:s28+$0xFFFFFFF0]  }
0x691: {  	v2 =	vadd.f32 v2, v6;
	v49 =	vld [tilespmem:s3+$0x30]  }
0x692: {  	v52 =	vld [tilespmem:s3+$0xFFFFFFF0]  }
0x693: {  	v2 =	vadd.f32 v7, v2;
	v3 =	vadd.f32 v3, v50  }
0x694: {  	v8 =	vadd.f32 v48, v8  }
0x695: {  	v2 =	vmul.f32 $2.500000000e-01, v2;
	v3 =	vadd.f32 v51, v3;
	v4 =	vadd.f32 v5, v4  }
0x696: {  	v53 =	vadd.f32 v49, v8  }
0x697: {  	[tilespmem:s9+$0xFFFFFFF0] =	vst v2;
	v2 =	vmul.f32 $2.500000000e-01, v3;
	v4 =	vadd.f32 v52, v4  }
0x698: {  	[tilespmem:s20+$0x30] =	vst v10;
	v54 =	vmul.f32 $2.500000000e-01, v53  }
0x699: {  	[tilespmem:s20+$0xFFFFFFF0] =	vst v2;
	v3 =	vmul.f32 $2.500000000e-01, v4  }
0x69a: {  	[tilespmem:s26+$0x30] =	vst v54  }
0x69b: {  	[tilespmem:s26+$0xFFFFFFF0] =	vst v3  }
0x69c: {  	v2 =	vld [tilespmem:$0x1ED80]  }
0x69d: {  	v3 =	vld [tilespmem:$0x1AF00]  }
0x69e: {  	v55 =	vld [tilespmem:$0x1CE40]  }
0x69f: {  	v5 =	vld [tilespmem:$0x1ED90]  }
0x6a0: {  	v56 =	vld [tilespmem:$0x1AF10]  }
0x6a1: {  	v57 =	vld [tilespmem:$0x1CE50]  }
0x6a2: {  	v58 =	vld [tilespmem:$0x1EDA0]  }
0x6a3: {  	v59 =	vld [tilespmem:$0x1AF20]  }
0x6a4: {  	v10 =	vld [tilespmem:$0x1EDB0]  }
0x6a5: {  	v60 =	vld [tilespmem:$0x1AF30]  }
0x6a6: {  	v61 =	vld [tilespmem:$0x1CE60]  }
0x6a7: {  	v2 =	vadd.f32 v3, v2;
	v3 =	vld [tilespmem:$0x1CE70]  }
0x6a8: {  	v5 =	vadd.f32 v56, v5  }
0x6a9: {  	v62 =	vadd.f32 v59, v58;
	v2 =	vadd.f32 v55, v2  }
0x6aa: {  	v63 =	vadd.f32 v60, v10;
	v5 =	vadd.f32 v57, v5  }
0x6ab: {  	v4 =	vadd.f32 v61, v62;
	v2 =	vmul.f32 $2.500000000e-01, v2  }
0x6ac: {  	v5 =	vmul.f32 $2.500000000e-01, v5;
	v3 =	vadd.f32 v3, v63  }
0x6ad: {  	[tilespmem:$0x1AF00] =	vst v2;
	v2 =	vmul.f32 $2.500000000e-01, v4  }
0x6ae: {  	[tilespmem:$0x1AF10] =	vst v5;
	v3 =	vmul.f32 $2.500000000e-01, v3  }
.Ltmp22:
0x6af: {  	[tilespmem:$0x1AF20] =	vst v2;
	(pc) =	sbr.rel .LBB2_45-.Ltmp22, $4  }
0x6b0: {  	s10 =	simm.s32 $0x19000;
	s28 =	rddreg [dreg:$0x15];
	[tilespmem:$0x1AF30] =	vst v3  }
0x6b1: {  	[spmem:s28] =	stream.linear.scatter [tilespmem:s25], [sflag:$0xB], $0x1F40, $0x38;
	[tilespmem:$0x1EDC0] =	vst v63  }
0x6b2: {  	s15 =	simm.s32 $0x1AF40;
	s3 =	simm.s32 $0x0;
	s9 =	rddreg [dreg:$0xf]  }
0x6b3: {  	[hbm4b:s9+s3] =	stream.linear.scatter [tilespmem:s25], [sflag:$0xC], $0x1F40, $0x38;
	[tilespmem:$0x1EDC0] =	vst v63  }
.LBB2_39:
0x6b4: {  	v2 =	vld [tilespmem:s3+$0x0]  }
0x6b5: {  	v3 =	vld [tilespmem:s9+$0x0];
	_ =	sdelay $0x1  }
0x6b6: {  	v4 =	vld [tilespmem:s10+$0x0];
	_ =	sdelay $0x2  }
0x6b7: {  	v5 =	vld [tilespmem:s9+$0xFFFFFFC0];
	v2 =	vadd.f32 v3, v2  }
0x6b8: {  	v3 =	vld [tilespmem:s3+$0xFFFFFFC0]  }
0x6b9: {  	v2 =	vadd.f32 v4, v2  }
0x6ba: {  	v4 =	vld [tilespmem:s10+$0xFFFFFFC0]  }
0x6bb: {  	[tilespmem:s9+$0x0] =	vst v2  }
0x6bc: {  	[tilespmem:s10+$0x0] =	vst v0  }
0x6bd: {  	v2 =	vadd.f32 v5, v3;
	v3 =	vld [tilespmem:s3+$0x10]  }
0x6be: {  	v5 =	vld [tilespmem:s9+$0x10]  }
0x6bf: {  	v2 =	vadd.f32 v4, v2  }
0x6c0: {  	v4 =	vld [tilespmem:s10+$0x10]  }
0x6c1: {  	[tilespmem:s9+$0xFFFFFFC0] =	vst v2  }
0x6c2: {  	[tilespmem:s10+$0xFFFFFFC0] =	vst v0  }
0x6c3: {  	v3 =	vadd.f32 v5, v3;
	v5 =	vld [tilespmem:s3+$0xFFFFFFD0]  }
0x6c4: {  	s22 =	simm.s32 $0x190C0;
	v6 =	vld [tilespmem:s9+$0xFFFFFFD0]  }
0x6c5: {  	v7 =	vld [tilespmem:s22+$0x0];
	v3 =	vadd.f32 v4, v3  }
0x6c6: {  	s20 =	simm.s32 $0x1B000;
	v2 =	vld [tilespmem:s10+$0xFFFFFFD0]  }
0x6c7: {  	s15 =	simm.s32 $0x1CF40;
	v4 =	vld [tilespmem:s20+$0x0];
	[tilespmem:s9+$0x10] =	vst v3  }
0x6c8: {  	v3 =	vld [tilespmem:s15+$0x0];
	[tilespmem:s10+$0x10] =	vst v0  }
0x6c9: {  	v5 =	vadd.f32 v6, v5;
	v8 =	vld [tilespmem:s3+$0x20]  }
0x6ca: {  	v6 =	vld [tilespmem:s9+$0x20]  }
0x6cb: {  	v9 =	vld [tilespmem:s22+$0xFFFFFFC0];
	v2 =	vadd.f32 v2, v5  }
0x6cc: {  	v5 =	vld [tilespmem:s10+$0x20]  }
0x6cd: {  	v10 =	vld [tilespmem:s15+$0xFFFFFFC0];
	v3 =	vadd.f32 v7, v3;
	[tilespmem:s9+$0xFFFFFFD0] =	vst v2  }
0x6ce: {  	v2 =	vld [tilespmem:s20+$0xFFFFFFC0];
	[tilespmem:s10+$0xFFFFFFD0] =	vst v0  }
0x6cf: {  	v3 =	vadd.f32 v4, v3;
	v4 =	vld [tilespmem:s3+$0xFFFFFFE0];
	v6 =	vadd.f32 v6, v8  }
0x6d0: {  	v7 =	vld [tilespmem:s9+$0xFFFFFFE0]  }
0x6d1: {  	v8 =	vld [tilespmem:s10+$0xFFFFFFE0];
	[tilespmem:s22+$0x0] =	vst v3;
	v3 =	vadd.f32 v5, v6  }
0x6d2: {  	v5 =	vadd.f32 v9, v10;
	[tilespmem:s20+$0x0] =	vst v0;
	v9 =	vld [tilespmem:s20+$0x10]  }
0x6d3: {  	v10 =	vld [tilespmem:s15+$0x10];
	[tilespmem:s9+$0x20] =	vst v3  }
0x6d4: {  	v2 =	vadd.f32 v2, v5;
	v5 =	vld [tilespmem:s22+$0x10];
	[tilespmem:s10+$0x20] =	vst v0  }
0x6d5: {  	v4 =	vadd.f32 v7, v4;
	v7 =	vld [tilespmem:s3+$0x30]  }
0x6d6: {  	v11 =	vld [tilespmem:s9+$0x30]  }
0x6d7: {  	v12 =	vld [tilespmem:s10+$0x30];
	[tilespmem:s22+$0xFFFFFFC0] =	vst v2;
	v2 =	vadd.f32 v8, v4  }
0x6d8: {  	[tilespmem:s20+$0xFFFFFFC0] =	vst v0;
	v3 =	vld [tilespmem:s20+$0xFFFFFFD0]  }
0x6d9: {  	v6 =	vld [tilespmem:s15+$0xFFFFFFD0];
	v4 =	vadd.f32 v5, v10;
	[tilespmem:s9+$0xFFFFFFE0] =	vst v2  }
0x6da: {  	v8 =	vld [tilespmem:s22+$0xFFFFFFD0];
	[tilespmem:s10+$0xFFFFFFE0] =	vst v0  }
0x6db: {  	v4 =	vadd.f32 v9, v4;
	v2 =	vld [tilespmem:s3+$0xFFFFFFF0];
	v7 =	vadd.f32 v11, v7  }
0x6dc: {  	s16 =	simm.s32 $0x2;
	v5 =	vld [tilespmem:s9+$0xFFFFFFF0]  }
0x6dd: {  	s19 =	simm.s32 $0x1B080;
	s24 =	simm.s32 $0x1CF40;
	s3 =	simm.s32 $0x190C0;
	[tilespmem:s22+$0x10] =	vst v4;
	v4 =	vld [tilespmem:s10+$0xFFFFFFF0];
	v7 =	vadd.f32 v12, v7  }
.LBB2_40:
0x6de: {  	v9 =	vld [tilespmem:s19+$0x0];
	[tilespmem:s20+$0x10] =	vst v0;
	s15 =	sadd.s32 $0x80, s15  }
0x6df: {  	s22 =	sadd.s32 $0x80, s22;
	v10 =	vld [tilespmem:s15+$0x0];
	v6 =	vadd.f32 v8, v6;
	[tilespmem:s9+$0x30] =	vst v7  }
0x6e0: {  	v7 =	vld [tilespmem:s22+$0x0];
	[tilespmem:s10+$0x30] =	vst v0  }
0x6e1: {  	v3 =	vadd.f32 v3, v6;
	v6 =	vld [tilespmem:s24+$0x20];
	v2 =	vadd.f32 v5, v2  }
0x6e2: {  	v5 =	vld [tilespmem:s3+$0x20]  }
0x6e3: {  	v8 =	vld [tilespmem:s22+$0xFFFFFFC0];
	[tilespmem:s3+$0xFFFFFFD0] =	vst v3;
	v2 =	vadd.f32 v4, v2  }
0x6e4: {  	[tilespmem:s20+$0xFFFFFFD0] =	vst v0;
	v3 =	vld [tilespmem:s20+$0x20]  }
0x6e5: {  	v4 =	vld [tilespmem:s15+$0xFFFFFFC0];
	v7 =	vadd.f32 v7, v10;
	[tilespmem:s9+$0xFFFFFFF0] =	vst v2;
	s9 =	smov.u32 s3;
	s3 =	smov.u32 s22  }
0x6e6: {  	v2 =	vld [tilespmem:s19+$0xFFFFFFC0];
	[tilespmem:s10+$0xFFFFFFF0] =	vst v0;
	s10 =	smov.u32 s20;
	s20 =	smov.u32 s19  }
0x6e7: {  	v7 =	vadd.f32 v9, v7;
	v9 =	vld [tilespmem:s24+$0xFFFFFFE0];
	v5 =	vadd.f32 v5, v6  }
0x6e8: {  	v6 =	vld [tilespmem:s9+$0xFFFFFFE0]  }
0x6e9: {  	s16 =	sadd.s32 $0x2, s16;
	[tilespmem:s22+$0x0] =	vst v7;
	v7 =	vld [tilespmem:s10+$0xFFFFFFE0];
	v3 =	vadd.f32 v3, v5  }
0x6ea: {  	p1 =	slt.u32 s16, $0x7A;
	v4 =	vadd.f32 v8, v4;
	[tilespmem:s19+$0x0] =	vst v0;
	v5 =	vld [tilespmem:s19+$0x10]  }
0x6eb: {  	v8 =	vld [tilespmem:s15+$0x10];
	[tilespmem:s9+$0x20] =	vst v3  }
0x6ec: {  	v2 =	vadd.f32 v2, v4;
	v4 =	vld [tilespmem:s22+$0x10];
	[tilespmem:s10+$0x20] =	vst v0  }
0x6ed: {  	v6 =	vadd.f32 v6, v9;
	v9 =	vld [tilespmem:s24+$0x30]  }
0x6ee: {  	[tilespmem:s22+$0xFFFFFFC0] =	vst v2;
	v10 =	vld [tilespmem:s9+$0x30]  }
0x6ef: {  	[tilespmem:s19+$0xFFFFFFC0] =	vst v0;
	v3 =	vld [tilespmem:s19+$0xFFFFFFD0];
	v2 =	vadd.f32 v7, v6  }
0x6f0: {  	v7 =	vld [tilespmem:s10+$0x30]  }
.Ltmp23:
0x6f1: {  	v6 =	vld [tilespmem:s15+$0xFFFFFFD0];
	v4 =	vadd.f32 v4, v8;
	[tilespmem:s9+$0xFFFFFFE0] =	vst v2;
	(pc) =	sbr.rel @p1 .LBB2_40-.Ltmp23, $4  }
0x6f2: {  	v8 =	vld [tilespmem:s22+$0xFFFFFFD0];
	[tilespmem:s10+$0xFFFFFFE0] =	vst v0  }
0x6f3: {  	v4 =	vadd.f32 v5, v4;
	v2 =	vld [tilespmem:s24+$0xFFFFFFF0];
	v9 =	vadd.f32 v10, v9;
	s24 =	smov.u32 s15  }
0x6f4: {  	v5 =	vld [tilespmem:s9+$0xFFFFFFF0]  }
0x6f5: {  	s19 =	sadd.s32 $0x80, s19;
	[tilespmem:s22+$0x10] =	vst v4;
	v4 =	vld [tilespmem:s10+$0xFFFFFFF0];
	v7 =	vadd.f32 v7, v9  }
0x6f6: {  	_ = 	snop  }
0x6f7: {  	v6 =	vadd.f32 v8, v6;
	_ =	sdelay $0x1  }
0x6f8: {  	[tilespmem:s20+$0x10] =	vst v0;
	v3 =	vadd.f32 v3, v6  }
0x6f9: {  	v45 =	vld [tilespmem:s24+$0x20]  }
0x6fa: {  	v46 =	vld [tilespmem:s3+$0x20];
	[tilespmem:s3+$0xFFFFFFD0] =	vst v3  }
0x6fb: {  	v3 =	vld [tilespmem:s20+$0x20];
	[tilespmem:s20+$0xFFFFFFD0] =	vst v0  }
0x6fc: {  	v9 =	vld [tilespmem:s24+$0xFFFFFFE0]  }
0x6fd: {  	v10 =	vld [tilespmem:s3+$0xFFFFFFE0];
	_ =	sdelay $0x1  }
0x6fe: {  	v6 =	vadd.f32 v46, v45;
	v47 =	vld [tilespmem:s20+$0xFFFFFFE0];
	_ =	sdelay $0x1  }
0x6ff: {  	v3 =	vadd.f32 v3, v6  }
0x700: {  	v48 =	vadd.f32 v10, v9  }
0x701: {  	[tilespmem:s3+$0x20] =	vst v3  }
0x702: {  	[tilespmem:s20+$0x20] =	vst v0;
	v3 =	vadd.f32 v47, v48  }
0x703: {  	v49 =	vld [tilespmem:s24+$0x30]  }
0x704: {  	v50 =	vld [tilespmem:s3+$0x30];
	[tilespmem:s3+$0xFFFFFFE0] =	vst v3  }
0x705: {  	v3 =	vld [tilespmem:s20+$0x30];
	[tilespmem:s20+$0xFFFFFFE0] =	vst v0  }
0x706: {  	v51 =	vld [tilespmem:s24+$0xFFFFFFF0]  }
0x707: {  	v52 =	vld [tilespmem:s3+$0xFFFFFFF0]  }
0x708: {  	v2 =	vadd.f32 v5, v2  }
0x709: {  	v53 =	vld [tilespmem:s20+$0xFFFFFFF0]  }
0x70a: {  	[tilespmem:s9+$0x30] =	vst v7;
	v2 =	vadd.f32 v4, v2;
	v54 =	vadd.f32 v50, v49  }
0x70b: {  	[tilespmem:s10+$0x30] =	vst v0  }
0x70c: {  	[tilespmem:s9+$0xFFFFFFF0] =	vst v2;
	v2 =	vadd.f32 v3, v54;
	v3 =	vadd.f32 v52, v51  }
0x70d: {  	[tilespmem:s10+$0xFFFFFFF0] =	vst v0  }
0x70e: {  	[tilespmem:s3+$0x30] =	vst v2;
	v2 =	vadd.f32 v53, v3  }
0x70f: {  	[tilespmem:s20+$0x30] =	vst v0  }
0x710: {  	[tilespmem:s3+$0xFFFFFFF0] =	vst v2  }
0x711: {  	[tilespmem:s20+$0xFFFFFFF0] =	vst v0  }
0x712: {  	v2 =	vld [tilespmem:$0x1ED80]  }
0x713: {  	v3 =	vld [tilespmem:$0x1AF00]  }
0x714: {  	v55 =	vld [tilespmem:$0x1CE40]  }
0x715: {  	v56 =	vld [tilespmem:$0x1ED90]  }
0x716: {  	v57 =	vld [tilespmem:$0x1AF10]  }
0x717: {  	v7 =	vld [tilespmem:$0x1CE50]  }
0x718: {  	v58 =	vld [tilespmem:$0x1EDA0]  }
0x719: {  	v59 =	vld [tilespmem:$0x1AF20]  }
0x71a: {  	v60 =	vld [tilespmem:$0x1CE60]  }
0x71b: {  	v11 =	vld [tilespmem:$0x1AF30];
	v2 =	vadd.f32 v3, v2  }
0x71c: {  	v3 =	vld [tilespmem:$0x1EDB0]  }
0x71d: {  	v61 =	vadd.f32 v57, v56;
	v2 =	vadd.f32 v55, v2  }
0x71e: {  	v62 =	vld [tilespmem:$0x1CE70];
	[tilespmem:$0x1CE40] =	vst v0  }
0x71f: {  	v63 =	vadd.f32 v59, v58;
	[tilespmem:$0x1AF00] =	vst v2;
	v2 =	vadd.f32 v7, v61  }
0x720: {  	[tilespmem:$0x1CE50] =	vst v0  }
0x721: {  	v3 =	vadd.f32 v11, v3;
	[tilespmem:$0x1AF10] =	vst v2;
	v2 =	vadd.f32 v60, v63  }
0x722: {  	[tilespmem:$0x1CE60] =	vst v0  }
0x723: {  	[tilespmem:$0x1AF20] =	vst v2;
	v2 =	vadd.f32 v62, v3  }
0x724: {  	[tilespmem:$0x1CE70] =	vst v0  }
0x725: {  	s15 =	simm.s32 $0x1AF40;
	s3 =	rddreg [dreg:$0x15];
	[tilespmem:$0x1AF30] =	vst v2  }
0x726: {  	[spmem:s3] =	stream.linear.scatter [tilespmem:s25], [sflag:$0xB], $0x1F40, $0x38;
	[tilespmem:$0x1EDC0] =	vst v63  }
0x727: {  	s10 =	simm.s32 $0x19000;
	s28 =	rddreg [dreg:$0x16];
	s3 =	simm.s32 $0x0  }
0x728: {  	[spmem:s28] =	stream.linear.scatter [tilespmem:s15], [sflag:$0xC], $0x1F40, $0x38;
	[tilespmem:$0x1EDC0] =	vst v63  }
.LBB2_45:
0x729: {  	_ =	swait.ge [sflag:s21], $0x1F40  }
0x72a: {  	[sflag:s21] =	ssyncset.done $0x0  }
0x72b: {  	[sflag:s21] =	ssyncadd.s32 $0xFFFFE0C0  }
0x72c: {  	_ =	swait.ge [sflag:s23], $0x1F40  }
0x72d: {  	[sflag:s23] =	ssyncset.done $0x0  }
0x72e: {  	s16 =	simm.s32 $0x1CE80;
	s9 =	rddreg [dreg:$0xb];
	[sflag:s23] =	ssyncadd.s32 $0xFFFFE0C0  }
0x72f: {  	[tilespmem:s16], [sflag:$0xB] =	stream.linear.gather [hbm4b:s9+s3], $0x1F40, $0x38;
	[tilespmem:$0x1EDC0] =	vst v63  }
0x730: {  	s22 =	rddreg [dreg:$0x17]  }
0x731: {  	[tilespmem:s10], [sflag:$0xC] =	stream.linear.gather [spmem:s22], $0x1F40, $0x38;
	[tilespmem:$0x1EDC0] =	vst v63  }
0x732: {  	s24 =	rddreg [dreg:$0x18]  }
0x733: {  	[tilespmem:s15], [sflag:$0xD] =	stream.linear.gather [spmem:s24], $0x1F40, $0x38;
	[tilespmem:$0x1EDC0] =	vst v63  }
0x734: {  	_ =	swait.ge [sflag:s21], $0x1F40  }
0x735: {  	[sflag:s21] =	ssyncset.done $0x0  }
0x736: {  	[sflag:s21] =	ssyncadd.s32 $0xFFFFE0C0  }
0x737: {  	_ =	swait.ge [sflag:s23], $0x1F40  }
.Ltmp24:
0x738: {  	[sflag:s23] =	ssyncset.done $0x0;
	(pc) =	sbr.rel @p0 .LBB2_49-.Ltmp24, $4  }
0x739: {  	s28 =	simm.s32 $0xD;
	[sflag:s23] =	ssyncadd.s32 $0xFFFFE0C0  }
0x73a: {  	s25 =	simm.s32 $0x0;
	_ =	swait.ge [sflag:s28], $0x1F40  }
0x73b: {  	s26 =	simm.s32 $0x19000;
	s9 =	simm.s32 $0x19040;
	[sflag:s28] =	ssyncset.done $0x0  }
0x73c: {  	s3 =	simm.s32 $0x1CEC0;
	s10 =	simm.s32 $0x1AF80;
	[sflag:s28] =	ssyncadd.s32 $0xFFFFE0C0  }
0x73d: {  	v2 =	vld [tilespmem:s3+$0x0]  }
0x73e: {  	v3 =	vld [tilespmem:s9+$0x0];
	_ =	sdelay $0x1  }
0x73f: {  	v4 =	vld [tilespmem:s10+$0x0];
	_ =	sdelay $0x2  }
0x740: {  	v5 =	vld [tilespmem:s9+$0xFFFFFFC0];
	v2 =	vadd.f32 v3, v2  }
0x741: {  	v3 =	vld [tilespmem:s3+$0xFFFFFFC0]  }
0x742: {  	v2 =	vadd.f32 v4, v2  }
0x743: {  	v4 =	vld [tilespmem:s10+$0xFFFFFFC0]  }
0x744: {  	[tilespmem:s9+$0x0] =	vst v2  }
0x745: {  	[tilespmem:s10+$0x0] =	vst v0  }
0x746: {  	v2 =	vadd.f32 v5, v3;
	v3 =	vld [tilespmem:s3+$0x10]  }
0x747: {  	v5 =	vld [tilespmem:s9+$0x10]  }
0x748: {  	v2 =	vadd.f32 v4, v2  }
0x749: {  	v4 =	vld [tilespmem:s10+$0x10]  }
0x74a: {  	[tilespmem:s9+$0xFFFFFFC0] =	vst v2  }
0x74b: {  	[tilespmem:s10+$0xFFFFFFC0] =	vst v0  }
0x74c: {  	v3 =	vadd.f32 v5, v3;
	v5 =	vld [tilespmem:s3+$0xFFFFFFD0]  }
0x74d: {  	s22 =	simm.s32 $0x190C0;
	v6 =	vld [tilespmem:s9+$0xFFFFFFD0]  }
0x74e: {  	v7 =	vld [tilespmem:s22+$0x0];
	v3 =	vadd.f32 v4, v3  }
0x74f: {  	s20 =	simm.s32 $0x1B000;
	v2 =	vld [tilespmem:s10+$0xFFFFFFD0]  }
0x750: {  	s15 =	simm.s32 $0x1CF40;
	v4 =	vld [tilespmem:s20+$0x0];
	[tilespmem:s9+$0x10] =	vst v3  }
0x751: {  	v3 =	vld [tilespmem:s15+$0x0];
	[tilespmem:s10+$0x10] =	vst v0  }
0x752: {  	v5 =	vadd.f32 v6, v5;
	v8 =	vld [tilespmem:s3+$0x20]  }
0x753: {  	v6 =	vld [tilespmem:s9+$0x20]  }
0x754: {  	v9 =	vld [tilespmem:s22+$0xFFFFFFC0];
	v2 =	vadd.f32 v2, v5  }
0x755: {  	v5 =	vld [tilespmem:s10+$0x20]  }
0x756: {  	v10 =	vld [tilespmem:s15+$0xFFFFFFC0];
	v3 =	vadd.f32 v7, v3;
	[tilespmem:s9+$0xFFFFFFD0] =	vst v2  }
0x757: {  	v2 =	vld [tilespmem:s20+$0xFFFFFFC0];
	[tilespmem:s10+$0xFFFFFFD0] =	vst v0  }
0x758: {  	v3 =	vadd.f32 v4, v3;
	v4 =	vld [tilespmem:s3+$0xFFFFFFE0];
	v6 =	vadd.f32 v6, v8  }
0x759: {  	v7 =	vld [tilespmem:s9+$0xFFFFFFE0]  }
0x75a: {  	v8 =	vld [tilespmem:s10+$0xFFFFFFE0];
	[tilespmem:s22+$0x0] =	vst v3;
	v3 =	vadd.f32 v5, v6  }
0x75b: {  	v5 =	vadd.f32 v9, v10;
	[tilespmem:s20+$0x0] =	vst v0;
	v9 =	vld [tilespmem:s20+$0x10]  }
0x75c: {  	v10 =	vld [tilespmem:s15+$0x10];
	[tilespmem:s9+$0x20] =	vst v3  }
0x75d: {  	v2 =	vadd.f32 v2, v5;
	v5 =	vld [tilespmem:s22+$0x10];
	[tilespmem:s10+$0x20] =	vst v0  }
0x75e: {  	v4 =	vadd.f32 v7, v4;
	v7 =	vld [tilespmem:s3+$0x30]  }
0x75f: {  	v11 =	vld [tilespmem:s9+$0x30]  }
0x760: {  	v12 =	vld [tilespmem:s10+$0x30];
	[tilespmem:s22+$0xFFFFFFC0] =	vst v2;
	v2 =	vadd.f32 v8, v4  }
0x761: {  	[tilespmem:s20+$0xFFFFFFC0] =	vst v0;
	v3 =	vld [tilespmem:s20+$0xFFFFFFD0]  }
0x762: {  	v6 =	vld [tilespmem:s15+$0xFFFFFFD0];
	v4 =	vadd.f32 v5, v10;
	[tilespmem:s9+$0xFFFFFFE0] =	vst v2  }
0x763: {  	v8 =	vld [tilespmem:s22+$0xFFFFFFD0];
	[tilespmem:s10+$0xFFFFFFE0] =	vst v0  }
0x764: {  	v4 =	vadd.f32 v9, v4;
	v2 =	vld [tilespmem:s3+$0xFFFFFFF0];
	v7 =	vadd.f32 v11, v7  }
0x765: {  	s16 =	simm.s32 $0x2;
	v5 =	vld [tilespmem:s9+$0xFFFFFFF0]  }
0x766: {  	s19 =	simm.s32 $0x1B080;
	s24 =	simm.s32 $0x1CF40;
	s3 =	simm.s32 $0x190C0;
	[tilespmem:s22+$0x10] =	vst v4;
	v4 =	vld [tilespmem:s10+$0xFFFFFFF0];
	v7 =	vadd.f32 v12, v7  }
.LBB2_47:
0x767: {  	v9 =	vld [tilespmem:s19+$0x0];
	[tilespmem:s20+$0x10] =	vst v0;
	s15 =	sadd.s32 $0x80, s15  }
0x768: {  	s22 =	sadd.s32 $0x80, s22;
	v10 =	vld [tilespmem:s15+$0x0];
	v6 =	vadd.f32 v8, v6;
	[tilespmem:s9+$0x30] =	vst v7  }
0x769: {  	v7 =	vld [tilespmem:s22+$0x0];
	[tilespmem:s10+$0x30] =	vst v0  }
0x76a: {  	v3 =	vadd.f32 v3, v6;
	v6 =	vld [tilespmem:s24+$0x20];
	v2 =	vadd.f32 v5, v2  }
0x76b: {  	v5 =	vld [tilespmem:s3+$0x20]  }
0x76c: {  	v8 =	vld [tilespmem:s22+$0xFFFFFFC0];
	[tilespmem:s3+$0xFFFFFFD0] =	vst v3;
	v2 =	vadd.f32 v4, v2  }
0x76d: {  	[tilespmem:s20+$0xFFFFFFD0] =	vst v0;
	v3 =	vld [tilespmem:s20+$0x20]  }
0x76e: {  	v4 =	vld [tilespmem:s15+$0xFFFFFFC0];
	v7 =	vadd.f32 v7, v10;
	[tilespmem:s9+$0xFFFFFFF0] =	vst v2;
	s9 =	smov.u32 s3;
	s3 =	smov.u32 s22  }
0x76f: {  	v2 =	vld [tilespmem:s19+$0xFFFFFFC0];
	[tilespmem:s10+$0xFFFFFFF0] =	vst v0;
	s10 =	smov.u32 s20;
	s20 =	smov.u32 s19  }
0x770: {  	v7 =	vadd.f32 v9, v7;
	v9 =	vld [tilespmem:s24+$0xFFFFFFE0];
	v5 =	vadd.f32 v5, v6  }
0x771: {  	v6 =	vld [tilespmem:s9+$0xFFFFFFE0]  }
0x772: {  	s16 =	sadd.s32 $0x2, s16;
	[tilespmem:s22+$0x0] =	vst v7;
	v7 =	vld [tilespmem:s10+$0xFFFFFFE0];
	v3 =	vadd.f32 v3, v5  }
0x773: {  	p0 =	slt.u32 s16, $0x7A;
	v4 =	vadd.f32 v8, v4;
	[tilespmem:s19+$0x0] =	vst v0;
	v5 =	vld [tilespmem:s19+$0x10]  }
0x774: {  	v8 =	vld [tilespmem:s15+$0x10];
	[tilespmem:s9+$0x20] =	vst v3  }
0x775: {  	v2 =	vadd.f32 v2, v4;
	v4 =	vld [tilespmem:s22+$0x10];
	[tilespmem:s10+$0x20] =	vst v0  }
0x776: {  	v6 =	vadd.f32 v6, v9;
	v9 =	vld [tilespmem:s24+$0x30]  }
0x777: {  	[tilespmem:s22+$0xFFFFFFC0] =	vst v2;
	v10 =	vld [tilespmem:s9+$0x30]  }
0x778: {  	[tilespmem:s19+$0xFFFFFFC0] =	vst v0;
	v3 =	vld [tilespmem:s19+$0xFFFFFFD0];
	v2 =	vadd.f32 v7, v6  }
0x779: {  	v7 =	vld [tilespmem:s10+$0x30]  }
.Ltmp25:
0x77a: {  	v6 =	vld [tilespmem:s15+$0xFFFFFFD0];
	v4 =	vadd.f32 v4, v8;
	[tilespmem:s9+$0xFFFFFFE0] =	vst v2;
	(pc) =	sbr.rel @p0 .LBB2_47-.Ltmp25, $4  }
0x77b: {  	v8 =	vld [tilespmem:s22+$0xFFFFFFD0];
	[tilespmem:s10+$0xFFFFFFE0] =	vst v0  }
0x77c: {  	v4 =	vadd.f32 v5, v4;
	v2 =	vld [tilespmem:s24+$0xFFFFFFF0];
	v9 =	vadd.f32 v10, v9;
	s24 =	smov.u32 s15  }
0x77d: {  	v5 =	vld [tilespmem:s9+$0xFFFFFFF0]  }
0x77e: {  	s19 =	sadd.s32 $0x80, s19;
	[tilespmem:s22+$0x10] =	vst v4;
	v4 =	vld [tilespmem:s10+$0xFFFFFFF0];
	v7 =	vadd.f32 v7, v9  }
0x77f: {  	_ = 	snop  }
0x780: {  	v6 =	vadd.f32 v8, v6;
	_ =	sdelay $0x1  }
0x781: {  	[tilespmem:s20+$0x10] =	vst v0;
	v3 =	vadd.f32 v3, v6  }
0x782: {  	v45 =	vld [tilespmem:s24+$0x20]  }
0x783: {  	v46 =	vld [tilespmem:s3+$0x20];
	[tilespmem:s3+$0xFFFFFFD0] =	vst v3  }
0x784: {  	v3 =	vld [tilespmem:s20+$0x20];
	[tilespmem:s20+$0xFFFFFFD0] =	vst v0  }
0x785: {  	v9 =	vld [tilespmem:s24+$0xFFFFFFE0]  }
0x786: {  	v10 =	vld [tilespmem:s3+$0xFFFFFFE0];
	_ =	sdelay $0x1  }
0x787: {  	v6 =	vadd.f32 v46, v45;
	v47 =	vld [tilespmem:s20+$0xFFFFFFE0];
	_ =	sdelay $0x1  }
0x788: {  	v3 =	vadd.f32 v3, v6  }
0x789: {  	v48 =	vadd.f32 v10, v9  }
0x78a: {  	[tilespmem:s3+$0x20] =	vst v3  }
0x78b: {  	[tilespmem:s20+$0x20] =	vst v0;
	v3 =	vadd.f32 v47, v48  }
0x78c: {  	v49 =	vld [tilespmem:s24+$0x30]  }
0x78d: {  	v50 =	vld [tilespmem:s3+$0x30];
	[tilespmem:s3+$0xFFFFFFE0] =	vst v3  }
0x78e: {  	v3 =	vld [tilespmem:s20+$0x30];
	[tilespmem:s20+$0xFFFFFFE0] =	vst v0  }
0x78f: {  	v51 =	vld [tilespmem:s24+$0xFFFFFFF0]  }
0x790: {  	v52 =	vld [tilespmem:s3+$0xFFFFFFF0]  }
0x791: {  	v2 =	vadd.f32 v5, v2  }
0x792: {  	v53 =	vld [tilespmem:s20+$0xFFFFFFF0]  }
0x793: {  	[tilespmem:s9+$0x30] =	vst v7;
	v2 =	vadd.f32 v4, v2;
	v54 =	vadd.f32 v50, v49  }
0x794: {  	[tilespmem:s10+$0x30] =	vst v0  }
0x795: {  	[tilespmem:s9+$0xFFFFFFF0] =	vst v2;
	v2 =	vadd.f32 v3, v54;
	v3 =	vadd.f32 v52, v51  }
0x796: {  	[tilespmem:s10+$0xFFFFFFF0] =	vst v0  }
0x797: {  	[tilespmem:s3+$0x30] =	vst v2;
	v2 =	vadd.f32 v53, v3  }
0x798: {  	[tilespmem:s20+$0x30] =	vst v0  }
0x799: {  	[tilespmem:s3+$0xFFFFFFF0] =	vst v2  }
0x79a: {  	[tilespmem:s20+$0xFFFFFFF0] =	vst v0  }
0x79b: {  	v2 =	vld [tilespmem:$0x1ED80]  }
0x79c: {  	v3 =	vld [tilespmem:$0x1AF00]  }
0x79d: {  	v55 =	vld [tilespmem:$0x1CE40]  }
0x79e: {  	v56 =	vld [tilespmem:$0x1ED90]  }
0x79f: {  	v7 =	vld [tilespmem:$0x1EDA0]  }
0x7a0: {  	v58 =	vld [tilespmem:$0x1AF20]  }
0x7a1: {  	v57 =	vld [tilespmem:$0x1AF10]  }
0x7a2: {  	v60 =	vld [tilespmem:$0x1CE60]  }
0x7a3: {  	v61 =	vld [tilespmem:$0x1AF30];
	v2 =	vadd.f32 v3, v2  }
0x7a4: {  	v3 =	vld [tilespmem:$0x1EDB0]  }
0x7a5: {  	v59 =	vld [tilespmem:$0x1CE50];
	v62 =	vadd.f32 v58, v7;
	v2 =	vadd.f32 v55, v2  }
0x7a6: {  	v63 =	vld [tilespmem:$0x1CE70];
	[tilespmem:$0x1CE40] =	vst v0  }
0x7a7: {  	[tilespmem:$0x1AF00] =	vst v2;
	v2 =	vadd.f32 v60, v62  }
0x7a8: {  	[tilespmem:$0x1CE50] =	vst v0;
	v5 =	vadd.f32 v57, v56  }
0x7a9: {  	[tilespmem:$0x1AF20] =	vst v2;
	v2 =	vadd.f32 v61, v3  }
0x7aa: {  	[tilespmem:$0x1CE60] =	vst v0;
	v5 =	vadd.f32 v59, v5  }
0x7ab: {  	[tilespmem:$0x1CE70] =	vst v0;
	v2 =	vadd.f32 v63, v2  }
0x7ac: {  	[tilespmem:$0x1AF10] =	vst v5  }
0x7ad: {  	s3 =	rddreg [dreg:$0x17];
	[tilespmem:$0x1AF30] =	vst v2  }
0x7ae: {  	[spmem:s3] =	stream.linear.scatter [tilespmem:s26], [sflag:$0xB], $0x1F40, $0x38;
	[tilespmem:$0x1EDC0] =	vst v63  }
0x7af: {  	s24 =	rddreg [dreg:$0x18];
	s26 =	simm.s32 $0x1AF40  }
0x7b0: {  	[spmem:s24] =	stream.linear.scatter [tilespmem:s26], [sflag:$0xC], $0x1F40, $0x38;
	[tilespmem:$0x1EDC0] =	vst v63  }
0x7b1: {  	_ =	swait.ge [sflag:s21], $0x1F40  }
0x7b2: {  	[sflag:s21] =	ssyncset.done $0x0  }
0x7b3: {  	[sflag:s21] =	ssyncadd.s32 $0xFFFFE0C0  }
0x7b4: {  	_ =	swait.ge [sflag:s23], $0x1F40  }
0x7b5: {  	[sflag:s23] =	ssyncset.done $0x0  }
.Ltmp26:
0x7b6: {  	[sflag:s23] =	ssyncadd.s32 $0xFFFFE0C0;
	(pc) =	sbr.rel .LBB2_4-.Ltmp26, $4  }
0x7b7: {  	[bflag:$0x0] =	sbarrier.arrive $0xFFFF  }
0x7b8: {  	s28 =	rddreg [dreg:$0x1e]  }
0x7b9: {  	s3 =	sadd.s32 $0x1, s28  }
0x7ba: {  	[dreg:$0x1e] =	wrdreg s3  }
.LBB2_49:
0x7bb: {  	v2 =	vld [tilespmem:s3+$0x0]  }
0x7bc: {  	v3 =	vld [tilespmem:s9+$0x0];
	_ =	sdelay $0x1  }
0x7bd: {  	v4 =	vld [tilespmem:s10+$0x0];
	_ =	sdelay $0x1  }
0x7be: {  	v5 =	vld [tilespmem:s9+$0xFFFFFFC0]  }
0x7bf: {  	v2 =	vadd.f32 v3, v2;
	v3 =	vld [tilespmem:s3+$0xFFFFFFC0];
	_ =	sdelay $0x1  }
0x7c0: {  	v2 =	vadd.f32 v4, v2;
	v4 =	vld [tilespmem:s10+$0xFFFFFFC0];
	_ =	sdelay $0x1  }
0x7c1: {  	v2 =	vmul.f32 $2.500000000e-01, v2  }
0x7c2: {  	v7 =	vld [tilespmem:s9+$0xFFFFFFE0];
	v3 =	vadd.f32 v5, v3  }
0x7c3: {  	[tilespmem:s9+$0x0] =	vst v2;
	v2 =	vld [tilespmem:s9+$0x10]  }
0x7c4: {  	v3 =	vadd.f32 v4, v3;
	v4 =	vld [tilespmem:s3+$0x10]  }
0x7c5: {  	v11 =	vld [tilespmem:s9+$0x20]  }
0x7c6: {  	s24 =	simm.s32 $0x1B000;
	v6 =	vld [tilespmem:s10+$0x10];
	v3 =	vmul.f32 $2.500000000e-01, v3  }
0x7c7: {  	v10 =	vld [tilespmem:s24+$0x0]  }
0x7c8: {  	v5 =	vld [tilespmem:s9+$0xFFFFFFD0];
	[tilespmem:s9+$0xFFFFFFC0] =	vst v3  }
0x7c9: {  	s22 =	simm.s32 $0x1CF40;
	v3 =	vld [tilespmem:s3+$0xFFFFFFD0];
	v2 =	vadd.f32 v2, v4  }
0x7ca: {  	s20 =	simm.s32 $0x190C0;
	v4 =	vld [tilespmem:s22+$0x0]  }
0x7cb: {  	v2 =	vadd.f32 v6, v2;
	v6 =	vld [tilespmem:s20+$0x0]  }
0x7cc: {  	v8 =	vld [tilespmem:s10+$0xFFFFFFD0]  }
0x7cd: {  	v12 =	vld [tilespmem:s20+$0xFFFFFFE0];
	v9 =	vmul.f32 $2.500000000e-01, v2  }
0x7ce: {  	v14 =	vld [tilespmem:s20+$0x20]  }
0x7cf: {  	v3 =	vadd.f32 v5, v3;
	[tilespmem:s9+$0x10] =	vst v9;
	v9 =	vld [tilespmem:s22+$0xFFFFFFC0]  }
0x7d0: {  	v5 =	vld [tilespmem:s3+$0x20];
	v4 =	vadd.f32 v6, v4  }
0x7d1: {  	v3 =	vadd.f32 v8, v3;
	v6 =	vld [tilespmem:s10+$0x20]  }
0x7d2: {  	s28 =	simm.s32 $0x1CFC0;
	v8 =	vld [tilespmem:s20+$0xFFFFFFC0];
	v4 =	vadd.f32 v10, v4  }
0x7d3: {  	v15 =	vld [tilespmem:s28+$0x0];
	v3 =	vmul.f32 $2.500000000e-01, v3  }
0x7d4: {  	s15 =	simm.s32 $0x1B080;
	v10 =	vld [tilespmem:s24+$0xFFFFFFC0];
	v4 =	vmul.f32 $2.500000000e-01, v4  }
0x7d5: {  	v17 =	vld [tilespmem:s15+$0x0];
	[tilespmem:s9+$0xFFFFFFD0] =	vst v3;
	v3 =	vadd.f32 v11, v5  }
0x7d6: {  	[tilespmem:s20+$0x0] =	vst v4;
	v4 =	vld [tilespmem:s20+$0x10]  }
0x7d7: {  	s26 =	simm.s32 $0x19140;
	v3 =	vadd.f32 v6, v3;
	v6 =	vadd.f32 v8, v9;
	v8 =	vld [tilespmem:s22+$0x10]  }
0x7d8: {  	v18 =	vld [tilespmem:s26+$0xFFFFFFC0]  }
0x7d9: {  	v3 =	vmul.f32 $2.500000000e-01, v3;
	v6 =	vadd.f32 v10, v6;
	v10 =	vld [tilespmem:s24+$0x10]  }
0x7da: {  	v60 =	vld [tilespmem:s15+$0xFFFFFFC0]  }
0x7db: {  	v61 =	vld [tilespmem:s26+$0xFFFFFFD0];
	[tilespmem:s9+$0x20] =	vst v3;
	v3 =	vmul.f32 $2.500000000e-01, v6  }
0x7dc: {  	v62 =	vld [tilespmem:s20+$0x30];
	v4 =	vadd.f32 v4, v8  }
0x7dd: {  	v5 =	vld [tilespmem:s20+$0xFFFFFFD0];
	[tilespmem:s20+$0xFFFFFFC0] =	vst v3  }
0x7de: {  	v3 =	vld [tilespmem:s22+$0xFFFFFFD0];
	v4 =	vadd.f32 v10, v4  }
0x7df: {  	v2 =	vld [tilespmem:s9+$0xFFFFFFF0]  }
0x7e0: {  	v10 =	vld [tilespmem:s24+$0xFFFFFFD0];
	v4 =	vmul.f32 $2.500000000e-01, v4  }
0x7e1: {  	v11 =	vld [tilespmem:s3+$0xFFFFFFE0]  }
0x7e2: {  	[tilespmem:s20+$0x10] =	vst v4;
	v4 =	vld [tilespmem:s26+$0x0]  }
0x7e3: {  	v16 =	vld [tilespmem:s22+$0x20];
	v5 =	vadd.f32 v5, v3  }
0x7e4: {  	v9 =	vld [tilespmem:s9+$0x30]  }
0x7e5: {  	v5 =	vadd.f32 v10, v5;
	v10 =	vld [tilespmem:s24+$0x20]  }
0x7e6: {  	v13 =	vld [tilespmem:s3+$0x30]  }
0x7e7: {  	v4 =	vadd.f32 v4, v15;
	v15 =	vld [tilespmem:s28+$0xFFFFFFC0]  }
0x7e8: {  	v6 =	vld [tilespmem:s10+$0x30];
	v5 =	vmul.f32 $2.500000000e-01, v5;
	v14 =	vadd.f32 v14, v16  }
0x7e9: {  	v8 =	vld [tilespmem:s10+$0xFFFFFFE0];
	v4 =	vadd.f32 v17, v4  }
0x7ea: {  	v3 =	vld [tilespmem:s20+$0xFFFFFFF0];
	[tilespmem:s20+$0xFFFFFFD0] =	vst v5;
	v10 =	vadd.f32 v10, v14  }
0x7eb: {  	v5 =	vld [tilespmem:s22+$0xFFFFFFE0];
	v14 =	vmul.f32 $2.500000000e-01, v4  }
0x7ec: {  	v4 =	vld [tilespmem:s26+$0xFFFFFFE0];
	v15 =	vadd.f32 v18, v15;
	v10 =	vmul.f32 $2.500000000e-01, v10  }
0x7ed: {  	[tilespmem:s26+$0x0] =	vst v14;
	v14 =	vld [tilespmem:s26+$0x10]  }
0x7ee: {  	v7 =	vadd.f32 v7, v11;
	v11 =	vadd.f32 v60, v15;
	v15 =	vld [tilespmem:s28+$0x10];
	[tilespmem:s20+$0x20] =	vst v10  }
0x7ef: {  	v10 =	vld [tilespmem:s22+$0x30]  }
0x7f0: {  	v7 =	vadd.f32 v8, v7;
	v8 =	vmul.f32 $2.500000000e-01, v11;
	v11 =	vld [tilespmem:s15+$0x10]  }
0x7f1: {  	v9 =	vadd.f32 v9, v13;
	v63 =	vld [tilespmem:s24+$0x30]  }
0x7f2: {  	v7 =	vmul.f32 $2.500000000e-01, v7;
	[tilespmem:s26+$0xFFFFFFC0] =	vst v8;
	v8 =	vld [tilespmem:s24+$0xFFFFFFE0]  }
0x7f3: {  	v13 =	vadd.f32 v14, v15;
	v14 =	vld [tilespmem:s28+$0xFFFFFFD0];
	v15 =	vadd.f32 v6, v9  }
0x7f4: {  	[tilespmem:s9+$0xFFFFFFE0] =	vst v7;
	v9 =	vld [tilespmem:s15+$0xFFFFFFD0];
	v7 =	vadd.f32 v62, v10  }
0x7f5: {  	v6 =	vld [tilespmem:s3+$0xFFFFFFF0];
	v10 =	vadd.f32 v11, v13;
	v11 =	vmul.f32 $2.500000000e-01, v15;
	v13 =	vadd.f32 v12, v5  }
0x7f6: {  	v5 =	vld [tilespmem:s26+$0xFFFFFFF0];
	v15 =	vadd.f32 v63, v7  }
0x7f7: {  	s16 =	simm.s32 $0x4;
	v7 =	vld [tilespmem:s10+$0xFFFFFFF0];
	v12 =	vmul.f32 $2.500000000e-01, v10;
	[tilespmem:s9+$0x30] =	vst v11;
	v11 =	vadd.f32 v8, v13  }
0x7f8: {  	s19 =	simm.s32 $0x19140;
	s3 =	simm.s32 $0x1B080;
	s10 =	simm.s32 $0x1D040;
	v8 =	vld [tilespmem:s26+$0x20];
	v13 =	vadd.f32 v61, v14;
	v10 =	vmul.f32 $2.500000000e-01, v15  }
.LBB2_50:
0x7f9: {  	v14 =	vld [tilespmem:s10+$0x0];
	[tilespmem:s26+$0x10] =	vst v12;
	s19 =	sadd.s32 $0x80, s19;
	v11 =	vmul.f32 $2.500000000e-01, v11  }
0x7fa: {  	v12 =	vld [tilespmem:s19+$0x0];
	v9 =	vadd.f32 v9, v13;
	[tilespmem:s20+$0x30] =	vst v10;
	v6 =	vadd.f32 v2, v6;
	v2 =	vmov v3  }
0x7fb: {  	s16 =	sadd.s32 $0x2, s16;
	s15 =	sadd.s32 $0x80, s15;
	v10 =	vld [tilespmem:s28+$0x20];
	[tilespmem:s20+$0xFFFFFFE0] =	vst v11;
	v3 =	vmov v5  }
0x7fc: {  	p0 =	slt.u32 s16, $0x7A;
	v5 =	vld [tilespmem:s15+$0x0];
	v9 =	vmul.f32 $2.500000000e-01, v9;
	v6 =	vadd.f32 v7, v6  }
0x7fd: {  	v7 =	vld [tilespmem:s3+$0x20]  }
0x7fe: {  	v11 =	vld [tilespmem:s19+$0xFFFFFFC0];
	[tilespmem:s26+$0xFFFFFFD0] =	vst v9;
	v6 =	vmul.f32 $2.500000000e-01, v6  }
0x7ff: {  	v9 =	vld [tilespmem:s10+$0xFFFFFFC0];
	v12 =	vadd.f32 v12, v14  }
0x800: {  	v13 =	vld [tilespmem:s15+$0xFFFFFFC0];
	v8 =	vadd.f32 v8, v10;
	[tilespmem:s9+$0xFFFFFFF0] =	vst v6;
	s9 =	smov.u32 s20;
	s20 =	smov.u32 s26;
	s26 =	smov.u32 s19  }
0x801: {  	v10 =	vld [tilespmem:s19+$0xFFFFFFD0];
	v5 =	vadd.f32 v5, v12  }
0x802: {  	v6 =	vld [tilespmem:s28+$0xFFFFFFE0];
	v7 =	vadd.f32 v7, v8  }
0x803: {  	v8 =	vld [tilespmem:s19+$0xFFFFFFE0];
	v5 =	vmul.f32 $2.500000000e-01, v5  }
0x804: {  	v9 =	vadd.f32 v11, v9;
	v7 =	vmul.f32 $2.500000000e-01, v7;
	v11 =	vld [tilespmem:s20+$0x30]  }
0x805: {  	[tilespmem:s19+$0x0] =	vst v5;
	v5 =	vld [tilespmem:s19+$0x10]  }
0x806: {  	v9 =	vadd.f32 v13, v9;
	v12 =	vld [tilespmem:s10+$0x10];
	[tilespmem:s20+$0x20] =	vst v7  }
0x807: {  	v7 =	vadd.f32 v4, v6;
	v6 =	vld [tilespmem:s28+$0x30]  }
0x808: {  	v9 =	vmul.f32 $2.500000000e-01, v9;
	v13 =	vld [tilespmem:s15+$0x10];
	v4 =	vmov v8  }
0x809: {  	v8 =	vld [tilespmem:s3+$0x30]  }
0x80a: {  	[tilespmem:s19+$0xFFFFFFC0] =	vst v9;
	v14 =	vld [tilespmem:s3+$0xFFFFFFE0]  }
0x80b: {  	v15 =	vld [tilespmem:s10+$0xFFFFFFD0];
	v5 =	vadd.f32 v5, v12  }
.Ltmp27:
0x80c: {  	v9 =	vld [tilespmem:s15+$0xFFFFFFD0];
	v11 =	vadd.f32 v11, v6;
	(pc) =	sbr.rel @p0 .LBB2_50-.Ltmp27, $4  }
0x80d: {  	v12 =	vadd.f32 v13, v5;
	v6 =	vld [tilespmem:s22+$0xFFFFFFF0];
	s22 =	smov.u32 s28;
	s28 =	smov.u32 s10  }
0x80e: {  	v5 =	vld [tilespmem:s19+$0xFFFFFFF0];
	v16 =	vadd.f32 v8, v11  }
0x80f: {  	v12 =	vmul.f32 $2.500000000e-01, v12;
	v11 =	vadd.f32 v14, v7;
	v7 =	vld [tilespmem:s24+$0xFFFFFFF0];
	s24 =	smov.u32 s3;
	s3 =	smov.u32 s15  }
0x810: {  	s10 =	sadd.s32 $0x80, s10;
	v13 =	vadd.f32 v10, v15;
	v8 =	vld [tilespmem:s19+$0x20];
	v10 =	vmul.f32 $2.500000000e-01, v16  }
0x811: {  	_ = 	snop  }
0x812: {  	v9 =	vadd.f32 v9, v13;
	_ =	sdelay $0x1  }
0x813: {  	v9 =	vmul.f32 $2.500000000e-01, v9  }
0x814: {  	[tilespmem:s26+$0x10] =	vst v12  }
0x815: {  	v12 =	vld [tilespmem:s28+$0x20];
	[tilespmem:s26+$0xFFFFFFD0] =	vst v9  }
0x816: {  	v9 =	vld [tilespmem:s28+$0xFFFFFFE0]  }
0x817: {  	v46 =	vld [tilespmem:s3+$0x20]  }
0x818: {  	v47 =	vld [tilespmem:s3+$0xFFFFFFE0];
	_ =	sdelay $0x1  }
0x819: {  	v8 =	vadd.f32 v8, v12  }
0x81a: {  	v4 =	vadd.f32 v4, v9  }
0x81b: {  	v11 =	vmul.f32 $2.500000000e-01, v11;
	v8 =	vadd.f32 v46, v8  }
0x81c: {  	v4 =	vadd.f32 v47, v4  }
0x81d: {  	v48 =	vld [tilespmem:s26+$0x30];
	[tilespmem:s20+$0xFFFFFFE0] =	vst v11;
	v8 =	vmul.f32 $2.500000000e-01, v8  }
0x81e: {  	v50 =	vld [tilespmem:s22+$0xFFFFFFF0];
	v4 =	vmul.f32 $2.500000000e-01, v4  }
0x81f: {  	v51 =	vld [tilespmem:s24+$0xFFFFFFF0];
	[tilespmem:s26+$0x20] =	vst v8  }
0x820: {  	v8 =	vld [tilespmem:s28+$0x30];
	[tilespmem:s26+$0xFFFFFFE0] =	vst v4  }
0x821: {  	v4 =	vld [tilespmem:s28+$0xFFFFFFF0]  }
0x822: {  	v2 =	vadd.f32 v2, v6;
	v49 =	vld [tilespmem:s3+$0x30]  }
0x823: {  	v52 =	vld [tilespmem:s3+$0xFFFFFFF0]  }
0x824: {  	v2 =	vadd.f32 v7, v2;
	v3 =	vadd.f32 v3, v50  }
0x825: {  	v8 =	vadd.f32 v48, v8  }
0x826: {  	v2 =	vmul.f32 $2.500000000e-01, v2;
	v3 =	vadd.f32 v51, v3;
	v4 =	vadd.f32 v5, v4  }
0x827: {  	v53 =	vadd.f32 v49, v8  }
0x828: {  	[tilespmem:s9+$0xFFFFFFF0] =	vst v2;
	v2 =	vmul.f32 $2.500000000e-01, v3;
	v4 =	vadd.f32 v52, v4  }
0x829: {  	[tilespmem:s20+$0x30] =	vst v10;
	v54 =	vmul.f32 $2.500000000e-01, v53  }
0x82a: {  	[tilespmem:s20+$0xFFFFFFF0] =	vst v2;
	v3 =	vmul.f32 $2.500000000e-01, v4  }
0x82b: {  	[tilespmem:s26+$0x30] =	vst v54  }
0x82c: {  	[tilespmem:s26+$0xFFFFFFF0] =	vst v3  }
0x82d: {  	v2 =	vld [tilespmem:$0x1ED80]  }
0x82e: {  	v3 =	vld [tilespmem:$0x1AF00]  }
0x82f: {  	v55 =	vld [tilespmem:$0x1CE40]  }
0x830: {  	v5 =	vld [tilespmem:$0x1ED90]  }
0x831: {  	v56 =	vld [tilespmem:$0x1AF10]  }
0x832: {  	v57 =	vld [tilespmem:$0x1CE50]  }
0x833: {  	v58 =	vld [tilespmem:$0x1EDA0]  }
0x834: {  	v59 =	vld [tilespmem:$0x1AF20]  }
0x835: {  	v10 =	vld [tilespmem:$0x1EDB0]  }
0x836: {  	v60 =	vld [tilespmem:$0x1AF30]  }
0x837: {  	v61 =	vld [tilespmem:$0x1CE60]  }
0x838: {  	v2 =	vadd.f32 v3, v2;
	v3 =	vld [tilespmem:$0x1CE70]  }
0x839: {  	v5 =	vadd.f32 v56, v5  }
0x83a: {  	v62 =	vadd.f32 v59, v58;
	v2 =	vadd.f32 v55, v2  }
0x83b: {  	v63 =	vadd.f32 v60, v10;
	v5 =	vadd.f32 v57, v5  }
0x83c: {  	v4 =	vadd.f32 v61, v62;
	v2 =	vmul.f32 $2.500000000e-01, v2  }
0x83d: {  	v5 =	vmul.f32 $2.500000000e-01, v5;
	v3 =	vadd.f32 v3, v63  }
0x83e: {  	[tilespmem:$0x1AF00] =	vst v2;
	v2 =	vmul.f32 $2.500000000e-01, v4  }
0x83f: {  	[tilespmem:$0x1AF10] =	vst v5;
	v3 =	vmul.f32 $2.500000000e-01, v3  }
0x840: {  	[tilespmem:$0x1AF20] =	vst v2  }
0x841: {  	s10 =	simm.s32 $0x19000;
	s25 =	rddreg [dreg:$0x17];
	[tilespmem:$0x1AF30] =	vst v3  }
0x842: {  	[spmem:s25] =	stream.linear.scatter [tilespmem:s10], [sflag:$0xB], $0x1F40, $0x38;
	[tilespmem:$0x1EDC0] =	vst v63  }
0x843: {  	s26 =	simm.s32 $0x0;
	s9 =	rddreg [dreg:$0x10]  }
0x844: {  	[hbm4b:s9+s26] =	stream.linear.scatter [tilespmem:s10], [sflag:$0xC], $0x1F40, $0x38;
	[tilespmem:$0x1EDC0] =	vst v63  }
0x845: {  	s16 =	rddreg [dreg:$0x1d];
	_ =	swait.ge [sflag:s21], $0x1F40  }
0x846: {  	[sflag:s21] =	ssyncset.done $0x0  }
0x847: {  	[sflag:s21] =	ssyncadd.s32 $0xFFFFE0C0  }
0x848: {  	_ =	swait.ge [sflag:s23], $0x1F40  }
0x849: {  	s16 =	sadd.s32 $0x1, s16;
	s28 =	rddreg [dreg:$0x1c]  }
0x84a: {  	p0 =	sne.s32 s16, s28  }
.Ltmp28:
0x84b: {  	_ = 	snop;
	(pc) =	sbr.rel @p0 .LBB2_1-.Ltmp28, $4  }
0x84c: {  	[sflag:s23] =	ssyncset.done $0x0  }
0x84d: {  	[sflag:s23] =	ssyncadd.s32 $0xFFFFE0C0  }
0x84e: {  	[bflag:$0x0] =	sbarrier.arrive $0xFFFF  }
0x84f: {  	s15 =	simm.s32 $0x1AF40  }
0x850: {  	_ =	sfence.sel $0x180000  }
0x851: {  	[bflag:$0x0] =	sbarrier.arrive $0xFFFF  }
0x852: {  	_ =	strace $0x90000047  }
0x853: {  	s0 =	stileid.u32;
	[bflag:$0x2] =	sbarrier.arrive $0xFFFF  }
0x854: {  	p0 =	sne.s32 s0, $0x0;
	s0 =	rddreg [dreg:$0x4]  }
0x855: {  	s0 =	sadd.s32 @!p0 $0x100000, s0  }
0x856: {  	[sflag:s0] =	ssyncadd.tile.s32 @!p0 $0x1;
	_ =	shalt  }
.Lfunc_end2:
_tile_overlayer_lowered:
.L_overlay_start_2:
0x857: {  	(tag) =	ssettag $0x2  }
0x858: {  	s0 =	rddreg [dreg:$0x0];
	s2 =	stileid.u32  }
0x859: {  	s1 =	rddreg [dreg:$0x1];
	p0 =	sne.s32 s2, $0x0  }
0x85a: {  	s3 =	rddreg [dreg:$0x2];
	[bflag:$0x3] =	sbarrier.arrive $0xFFFF;
	s2 =	simm.s32 @!p0 $0x1C0E  }
0x85b: {  	[timem:s3], [sflag:s2] =	dma.local @!p0 [hbm:s0], s1  }
0x85c: {  	s0 =	simm.s32 @!p0 $0xE  }
0x85d: {  	_ =	swait.ge @!p0 [sflag:s0], s1  }
0x85e: {  	s1 =	ssub.s32 @!p0 $0x0, s1;
	[sflag:s0] =	ssyncset.done @!p0 $0x0  }
0x85f: {  	[sflag:s0] =	ssyncadd.s32 @!p0 s1  }
0x860: {  	[bflag:$0x3] =	sbarrier.arrive $0xFFFF  }
0x861: {  	_ =	shalt  }

</sc_bundles>
